<compile_context>
chip_gen: v7x
topology: tpu7x:2x2x1
jax: 0.10.2.dev20260603
libtpu: 0.0.44.dev20260713+nightly
codegen_flags: <defaults>
</compile_context>

<pallas_src>
import functools

import jax
import jax.numpy as jnp
from jax import lax
from jax.experimental import pallas as pl
from jax.experimental.pallas import tpu as pltpu
from jax.experimental.pallas import tpu_sc as plsc

B = 8
N = 20000
K = 512
NCLS = 5
NITEMS = B * NCLS

R = 4000
NCHUNK = N // R
VPC = R // 16
TOTAL_VREGS = N // 16

ROIS_BUF = 4 * (K + 16)
SCORE_BUF = K + 16


def _sc_call(proposals):
    info = plsc.get_sparse_core_info()
    nc, ns = info.num_cores, info.num_subcores
    nw = nc * ns
    mesh = plsc.VectorSubcoreMesh(core_axis_name="c", subcore_axis_name="s")
    f32 = jnp.float32
    out_type = tuple(
        [jax.ShapeDtypeStruct((B * 4 * K,), f32) for _ in range(NCLS)]
        + [jax.ShapeDtypeStruct((B * K,), f32) for _ in range(NCLS)]
    )

    @functools.partial(
        pl.kernel,
        out_type=out_type,
        mesh=mesh,
        compiler_params=pltpu.CompilerParams(
            needs_layout_passes=False, use_tc_tiling_on_sc=False),
        scratch_types=[
            pltpu.VMEM((R, 6), f32),
            pltpu.VMEM((ROIS_BUF,), f32),
            pltpu.VMEM((SCORE_BUF,), f32),
        ],
    )
    def k(prop_hbm, r1, r2, r3, r4, r5, s1, s2, s3, s4, s5,
          chunk_v, rois_v, score_v):
        rois_outs = (r1, r2, r3, r4, r5)
        score_outs = (s1, s2, s3, s4, s5)
        wid = lax.axis_index("s") * nc + lax.axis_index("c")
        iota16 = lax.iota(jnp.int32, 16)
        col0 = jnp.zeros((16,), jnp.int32)
        col1 = jnp.full((16,), 1, jnp.int32)
        colq = [jnp.full((16,), 2 + q, jnp.int32) for q in range(4)]
        zero16 = jnp.zeros((16,), f32)

        def process(item):
            b = item // NCLS
            ccls = item % NCLS + 1
            c_f = jnp.broadcast_to(ccls.astype(f32), (16,))

            for j in range(ROIS_BUF // 16):
                rois_v[pl.ds(16 * j, 16)] = zero16
            for j in range(SCORE_BUF // 16):
                score_v[pl.ds(16 * j, 16)] = zero16

            def body(g, ptr):
                lrow = g * 16 + iota16
                cls = plsc.load_gather(chunk_v, [lrow, col0])
                m = cls == c_f
                mi = jnp.where(m, 1, 0)
                pos = plsc.cumsum(mi)
                tgt = ptr + pos - 1
                ms = m & (tgt < K)
                sv = plsc.load_gather(chunk_v, [lrow, col1])
                plsc.store_scatter(score_v, [tgt], sv, mask=ms)
                for q in range(4):
                    v = plsc.load_gather(chunk_v, [colq[q][0]]) if False else plsc.load_gather(chunk_v, [lrow, colq[q]])
                    plsc.store_scatter(rois_v, [4 * tgt + q], v, mask=ms)
                return ptr + jnp.sum(mi)

            def scan_chunk(ch, ptr):
                pltpu.sync_copy(prop_hbm.at[b, pl.ds(ch * R, R)], chunk_v)
                return lax.fori_loop(0, VPC, body, ptr)

            ptr = jnp.int32(0)
            for ch in range(NCHUNK):
                ptr = lax.cond(ptr < K,
                               lambda p, ch=ch: scan_chunk(ch, p),
                               lambda p: p, ptr)

            for cc in range(NCLS):
                def _write(ro=rois_outs[cc], so=score_outs[cc]):
                    pltpu.sync_copy(rois_v.at[pl.ds(0, 4 * K)],
                                    ro.at[pl.ds(b * 4 * K, 4 * K)])
                    pltpu.sync_copy(score_v.at[pl.ds(0, K)],
                                    so.at[pl.ds(b * K, K)])
                pl.when(ccls == cc + 1)(_write)

        process(wid)
        if NITEMS > nw:
            process(jnp.where(wid + nw < NITEMS, wid + nw, wid))

    return k(proposals)


def kernel(proposals):
    outs = _sc_call(proposals)
    rois = tuple(o.reshape(B, K, 4) for o in outs[:NCLS])
    return rois + tuple(o.reshape(B, K) for o in outs[NCLS:])

# --- scband reference (transcript-rebuilt; emitter-appended) ---
"""Pipeline reference for scband-roi-split-score-55405078119275 (READ-ONLY COPY).

The authoritative reference and input builder live on the scoring server;
editing this copy changes nothing except your own understanding.
"""

import jax, jax.numpy as jnp
import numpy as np

B = 8
N = 20000
K = 512  # TRAIN_SUB_ROIS_PER_IMAGE


def setup_inputs(seed: int = 0) -> dict:
    key = jax.random.key(seed)
    k1, k2, k3 = jax.random.split(key, 3)
    # channel 0: class ids in [0,6) so classes 1..5 all occur
    class_ids = jax.random.randint(k1, (B, N), 0, 6).astype(jnp.float32)
    scores = jax.random.uniform(k2, (B, N), dtype=jnp.float32)
    boxes = jax.random.uniform(k3, (B, N, 4), dtype=jnp.float32)
    proposals = jnp.concatenate([class_ids[..., None], scores[..., None], boxes], axis=-1)
    return {"proposals": proposals}


def _rois_split_score(rois_all):
    # rois_all: [N, 6] = (class_id, score, xmin, ymin, xmax, ymax)
    class_ids = rois_all[:, 0]
    scores = rois_all[:, 1]
    rois = rois_all[:, 2:]
    n = rois_all.shape[0]
    rois_out = []
    score_out = []
    for c in range(1, 6):
        mask = (class_ids >= c) & (class_ids <= c)
        # first min(count, K) matching indices, padded with sentinel n
        idx = jnp.where(mask, size=K, fill_value=n)[0]
        valid = (idx < n)
        safe_idx = jnp.where(valid, idx, 0)
        r = jnp.take(rois, safe_idx, axis=0) * valid[:, None].astype(rois.dtype)
        s = jnp.take(scores, safe_idx, axis=0) * valid.astype(scores.dtype)
        rois_out.append(r)
        score_out.append(s)
    return tuple(rois_out) + tuple(score_out)


def reference(proposals):
    # batch_slice equivalent: vmap over batch
    outs = jax.vmap(_rois_split_score)(proposals)
    # returns (rois1..rois5 each [B,K,4], score1..score5 each [B,K])
    return outs

if __name__ == "__main__":
    import jax
    _d = setup_inputs()
    print(jax.jit(kernel)(*tuple(_d.values())))

</pallas_src>

<mosaic_0001>
#map = affine_map<(d0, d1) -> (0, 0, 0)>
#map1 = affine_map<(d0, d1) -> (0)>
module attributes {stable_mosaic.version = 14 : i64} {
  func.func @k(%arg0: i32, %arg1: i32, %arg2: memref<8x20000x6xf32, #tpu.memory_space<hbm>>, %arg3: memref<16384xf32, #tpu.memory_space<hbm>>, %arg4: memref<16384xf32, #tpu.memory_space<hbm>>, %arg5: memref<16384xf32, #tpu.memory_space<hbm>>, %arg6: memref<16384xf32, #tpu.memory_space<hbm>>, %arg7: memref<16384xf32, #tpu.memory_space<hbm>>, %arg8: memref<4096xf32, #tpu.memory_space<hbm>>, %arg9: memref<4096xf32, #tpu.memory_space<hbm>>, %arg10: memref<4096xf32, #tpu.memory_space<hbm>>, %arg11: memref<4096xf32, #tpu.memory_space<hbm>>, %arg12: memref<4096xf32, #tpu.memory_space<hbm>>, %arg13: memref<4000x6xf32, #tpu.memory_space<vmem>>, %arg14: memref<2112xf32, #tpu.memory_space<vmem>>, %arg15: memref<528xf32, #tpu.memory_space<vmem>>) attributes {dimension_semantics = [#tpu.dimension_semantics<core_parallel>, #tpu.dimension_semantics<subcore_parallel>], iteration_bounds = array<i64: 2, 16>, scalar_prefetch = 0 : i64, scratch_operands = 3 : i64, tpu.core_type = #tpu.core_type<sc_vector_subcore>, window_params = [{transform_indices = #map}, {transform_indices = #map1}, {transform_indices = #map1}, {transform_indices = #map1}, {transform_indices = #map1}, {transform_indices = #map1}, {transform_indices = #map1}, {transform_indices = #map1}, {transform_indices = #map1}, {transform_indices = #map1}, {transform_indices = #map1}]} {
    %mul3A = arith.constant 2 : i32
    %mul3A_0 = arith.muli %arg1, %mul3A : i32
    %add3A = arith.addi %mul3A_0, %arg0 : i32
    %iota3A = tpu.iota {dimensions = array<i32: 0>} : vector<16xi32>
    %broadcast_in_dim3A = arith.constant 0 : i32
    %broadcast_in_dim3A_1 = vector.broadcast %broadcast_in_dim3A : i32 to vector<16xi32>
    %broadcast_in_dim3A_2 = arith.constant 1 : i32
    %broadcast_in_dim3A_3 = vector.broadcast %broadcast_in_dim3A_2 : i32 to vector<16xi32>
    %broadcast_in_dim3A_4 = arith.constant 2 : i32
    %broadcast_in_dim3A_5 = vector.broadcast %broadcast_in_dim3A_4 : i32 to vector<16xi32>
    %broadcast_in_dim3A_6 = arith.constant 3 : i32
    %broadcast_in_dim3A_7 = vector.broadcast %broadcast_in_dim3A_6 : i32 to vector<16xi32>
    %broadcast_in_dim3A_8 = arith.constant 4 : i32
    %broadcast_in_dim3A_9 = vector.broadcast %broadcast_in_dim3A_8 : i32 to vector<16xi32>
    %broadcast_in_dim3A_10 = arith.constant 5 : i32
    %broadcast_in_dim3A_11 = vector.broadcast %broadcast_in_dim3A_10 : i32 to vector<16xi32>
    %broadcast_in_dim3A_12 = arith.constant 0.000000e+00 : f32
    %broadcast_in_dim3A_13 = vector.broadcast %broadcast_in_dim3A_12 : f32 to vector<16xf32>
    %jit3A = arith.constant 5 : i32
    %div3A = arith.divsi %add3A, %jit3A : i32
    %sign3A = arith.constant 0 : i32
    %sign3A_14 = arith.cmpi sgt, %add3A, %sign3A : i32
    %sign3A_15 = arith.extui %sign3A_14 : i1 to i32
    %sign3A_16 = arith.constant 0 : i32
    %sign3A_17 = arith.cmpi slt, %add3A, %sign3A_16 : i32
    %sign3A_18 = arith.extui %sign3A_17 : i1 to i32
    %sign3A_19 = arith.subi %sign3A_15, %sign3A_18 : i32
    %sign3A_20 = arith.constant 0 : i32
    %sign3A_21 = arith.cmpi sgt, %jit3A, %sign3A_20 : i32
    %sign3A_22 = arith.extui %sign3A_21 : i1 to i32
    %sign3A_23 = arith.constant 0 : i32
    %sign3A_24 = arith.cmpi slt, %jit3A, %sign3A_23 : i32
    %sign3A_25 = arith.extui %sign3A_24 : i1 to i32
    %sign3A_26 = arith.subi %sign3A_22, %sign3A_25 : i32
    %ne3A = arith.cmpi ne, %sign3A_19, %sign3A_26 : i32
    %rem3A = arith.remsi %add3A, %jit3A : i32
    %ne3A_27 = arith.constant 0 : i32
    %ne3A_28 = arith.cmpi ne, %rem3A, %ne3A_27 : i32
    %and3A = arith.andi %ne3A, %ne3A_28 : i1
    %sub3A = arith.constant 1 : i32
    %sub3A_29 = arith.subi %div3A, %sub3A : i32
    %select_n3A = arith.select %and3A, %sub3A_29, %div3A : i32
    %jit3A_30 = arith.constant 5 : i32
    %eq3A = arith.constant 0 : i32
    %eq3A_31 = arith.cmpi eq, %jit3A_30, %eq3A : i32
    %jit3A_32 = arith.constant 1 : i32
    %select_n3A_33 = arith.select %eq3A_31, %jit3A_32, %jit3A_30 : i32
    %rem3A_34 = arith.remsi %add3A, %select_n3A_33 : i32
    %ne3A_35 = arith.constant 0 : i32
    %ne3A_36 = arith.cmpi ne, %rem3A_34, %ne3A_35 : i32
    %lt3A = arith.constant 0 : i32
    %lt3A_37 = arith.cmpi slt, %rem3A_34, %lt3A : i32
    %lt3A_38 = arith.constant 0 : i32
    %lt3A_39 = arith.cmpi slt, %select_n3A_33, %lt3A_38 : i32
    %ne3A_40 = arith.xori %lt3A_37, %lt3A_39 : i1
    %and3A_41 = arith.andi %ne3A_40, %ne3A_36 : i1
    %add3A_42 = arith.addi %rem3A_34, %select_n3A_33 : i32
    %select_n3A_43 = arith.select %and3A_41, %add3A_42, %rem3A_34 : i32
    %add3A_44 = arith.constant 1 : i32
    %add3A_45 = arith.addi %select_n3A_43, %add3A_44 : i32
    %convert_element_type3A = arith.sitofp %add3A_45 : i32 to f32
    %broadcast_in_dim3A_46 = vector.broadcast %convert_element_type3A : f32 to vector<16xf32>
    %swap3A = arith.constant 0 : index
    %swap3A_47 = tpu.vector_load %arg14[%swap3A] {strides = array<i32>} : memref<2112xf32, #tpu.memory_space<vmem>>, vector<16xf32>,
    tpu.vector_store %arg14[%swap3A], %broadcast_in_dim3A_13 {strides = array<i32>} : memref<2112xf32, #tpu.memory_space<vmem>>, vector<16xf32>,
    %swap3A_48 = arith.constant 16 : index
    %swap3A_49 = tpu.vector_load %arg14[%swap3A_48] {strides = array<i32>} : memref<2112xf32, #tpu.memory_space<vmem>>, vector<16xf32>,
    tpu.vector_store %arg14[%swap3A_48], %broadcast_in_dim3A_13 {strides = array<i32>} : memref<2112xf32, #tpu.memory_space<vmem>>, vector<16xf32>,
    %swap3A_50 = arith.constant 32 : index
    %swap3A_51 = tpu.vector_load %arg14[%swap3A_50] {strides = array<i32>} : memref<2112xf32, #tpu.memory_space<vmem>>, vector<16xf32>,
    tpu.vector_store %arg14[%swap3A_50], %broadcast_in_dim3A_13 {strides = array<i32>} : memref<2112xf32, #tpu.memory_space<vmem>>, vector<16xf32>,
    %swap3A_52 = arith.constant 48 : index
    %swap3A_53 = tpu.vector_load %arg14[%swap3A_52] {strides = array<i32>} : memref<2112xf32, #tpu.memory_space<vmem>>, vector<16xf32>,
    tpu.vector_store %arg14[%swap3A_52], %broadcast_in_dim3A_13 {strides = array<i32>} : memref<2112xf32, #tpu.memory_space<vmem>>, vector<16xf32>,
    %swap3A_54 = arith.constant 64 : index
    %swap3A_55 = tpu.vector_load %arg14[%swap3A_54] {strides = array<i32>} : memref<2112xf32, #tpu.memory_space<vmem>>, vector<16xf32>,
    tpu.vector_store %arg14[%swap3A_54], %broadcast_in_dim3A_13 {strides = array<i32>} : memref<2112xf32, #tpu.memory_space<vmem>>, vector<16xf32>,
    %swap3A_56 = arith.constant 80 : index
    %swap3A_57 = tpu.vector_load %arg14[%swap3A_56] {strides = array<i32>} : memref<2112xf32, #tpu.memory_space<vmem>>, vector<16xf32>,
    tpu.vector_store %arg14[%swap3A_56], %broadcast_in_dim3A_13 {strides = array<i32>} : memref<2112xf32, #tpu.memory_space<vmem>>, vector<16xf32>,
    %swap3A_58 = arith.constant 96 : index
    %swap3A_59 = tpu.vector_load %arg14[%swap3A_58] {strides = array<i32>} : memref<2112xf32, #tpu.memory_space<vmem>>, vector<16xf32>,
    tpu.vector_store %arg14[%swap3A_58], %broadcast_in_dim3A_13 {strides = array<i32>} : memref<2112xf32, #tpu.memory_space<vmem>>, vector<16xf32>,
    %swap3A_60 = arith.constant 112 : index
    %swap3A_61 = tpu.vector_load %arg14[%swap3A_60] {strides = array<i32>} : memref<2112xf32, #tpu.memory_space<vmem>>, vector<16xf32>,
    tpu.vector_store %arg14[%swap3A_60], %broadcast_in_dim3A_13 {strides = array<i32>} : memref<2112xf32, #tpu.memory_space<vmem>>, vector<16xf32>,
    %swap3A_62 = arith.constant 128 : index
    %swap3A_63 = tpu.vector_load %arg14[%swap3A_62] {strides = array<i32>} : memref<2112xf32, #tpu.memory_space<vmem>>, vector<16xf32>,
    tpu.vector_store %arg14[%swap3A_62], %broadcast_in_dim3A_13 {strides = array<i32>} : memref<2112xf32, #tpu.memory_space<vmem>>, vector<16xf32>,
    %swap3A_64 = arith.constant 144 : index
    %swap3A_65 = tpu.vector_load %arg14[%swap3A_64] {strides = array<i32>} : memref<2112xf32, #tpu.memory_space<vmem>>, vector<16xf32>,
    tpu.vector_store %arg14[%swap3A_64], %broadcast_in_dim3A_13 {strides = array<i32>} : memref<2112xf32, #tpu.memory_space<vmem>>, vector<16xf32>,
    %swap3A_66 = arith.constant 160 : index
    %swap3A_67 = tpu.vector_load %arg14[%swap3A_66] {strides = array<i32>} : memref<2112xf32, #tpu.memory_space<vmem>>, vector<16xf32>,
    tpu.vector_store %arg14[%swap3A_66], %broadcast_in_dim3A_13 {strides = array<i32>} : memref<2112xf32, #tpu.memory_space<vmem>>, vector<16xf32>,
    %swap3A_68 = arith.constant 176 : index
    %swap3A_69 = tpu.vector_load %arg14[%swap3A_68] {strides = array<i32>} : memref<2112xf32, #tpu.memory_space<vmem>>, vector<16xf32>,
    tpu.vector_store %arg14[%swap3A_68], %broadcast_in_dim3A_13 {strides = array<i32>} : memref<2112xf32, #tpu.memory_space<vmem>>, vector<16xf32>,
    %swap3A_70 = arith.constant 192 : index
    %swap3A_71 = tpu.vector_load %arg14[%swap3A_70] {strides = array<i32>} : memref<2112xf32, #tpu.memory_space<vmem>>, vector<16xf32>,
    tpu.vector_store %arg14[%swap3A_70], %broadcast_in_dim3A_13 {strides = array<i32>} : memref<2112xf32, #tpu.memory_space<vmem>>, vector<16xf32>,
    %swap3A_72 = arith.constant 208 : index
    %swap3A_73 = tpu.vector_load %arg14[%swap3A_72] {strides = array<i32>} : memref<2112xf32, #tpu.memory_space<vmem>>, vector<16xf32>,
    tpu.vector_store %arg14[%swap3A_72], %broadcast_in_dim3A_13 {strides = array<i32>} : memref<2112xf32, #tpu.memory_space<vmem>>, vector<16xf32>,
    %swap3A_74 = arith.constant 224 : index
    %swap3A_75 = tpu.vector_load %arg14[%swap3A_74] {strides = array<i32>} : memref<2112xf32, #tpu.memory_space<vmem>>, vector<16xf32>,
    tpu.vector_store %arg14[%swap3A_74], %broadcast_in_dim3A_13 {strides = array<i32>} : memref<2112xf32, #tpu.memory_space<vmem>>, vector<16xf32>,
    %swap3A_76 = arith.constant 240 : index
    %swap3A_77 = tpu.vector_load %arg14[%swap3A_76] {strides = array<i32>} : memref<2112xf32, #tpu.memory_space<vmem>>, vector<16xf32>,
    tpu.vector_store %arg14[%swap3A_76], %broadcast_in_dim3A_13 {strides = array<i32>} : memref<2112xf32, #tpu.memory_space<vmem>>, vector<16xf32>,
    %swap3A_78 = arith.constant 256 : index
    %swap3A_79 = tpu.vector_load %arg14[%swap3A_78] {strides = array<i32>} : memref<2112xf32, #tpu.memory_space<vmem>>, vector<16xf32>,
    tpu.vector_store %arg14[%swap3A_78], %broadcast_in_dim3A_13 {strides = array<i32>} : memref<2112xf32, #tpu.memory_space<vmem>>, vector<16xf32>,
    %swap3A_80 = arith.constant 272 : index
    %swap3A_81 = tpu.vector_load %arg14[%swap3A_80] {strides = array<i32>} : memref<2112xf32, #tpu.memory_space<vmem>>, vector<16xf32>,
    tpu.vector_store %arg14[%swap3A_80], %broadcast_in_dim3A_13 {strides = array<i32>} : memref<2112xf32, #tpu.memory_space<vmem>>, vector<16xf32>,
    %swap3A_82 = arith.constant 288 : index
    %swap3A_83 = tpu.vector_load %arg14[%swap3A_82] {strides = array<i32>} : memref<2112xf32, #tpu.memory_space<vmem>>, vector<16xf32>,
    tpu.vector_store %arg14[%swap3A_82], %broadcast_in_dim3A_13 {strides = array<i32>} : memref<2112xf32, #tpu.memory_space<vmem>>, vector<16xf32>,
    %swap3A_84 = arith.constant 304 : index
    %swap3A_85 = tpu.vector_load %arg14[%swap3A_84] {strides = array<i32>} : memref<2112xf32, #tpu.memory_space<vmem>>, vector<16xf32>,
    tpu.vector_store %arg14[%swap3A_84], %broadcast_in_dim3A_13 {strides = array<i32>} : memref<2112xf32, #tpu.memory_space<vmem>>, vector<16xf32>,
    %swap3A_86 = arith.constant 320 : index
    %swap3A_87 = tpu.vector_load %arg14[%swap3A_86] {strides = array<i32>} : memref<2112xf32, #tpu.memory_space<vmem>>, vector<16xf32>,
    tpu.vector_store %arg14[%swap3A_86], %broadcast_in_dim3A_13 {strides = array<i32>} : memref<2112xf32, #tpu.memory_space<vmem>>, vector<16xf32>,
    %swap3A_88 = arith.constant 336 : index
    %swap3A_89 = tpu.vector_load %arg14[%swap3A_88] {strides = array<i32>} : memref<2112xf32, #tpu.memory_space<vmem>>, vector<16xf32>,
    tpu.vector_store %arg14[%swap3A_88], %broadcast_in_dim3A_13 {strides = array<i32>} : memref<2112xf32, #tpu.memory_space<vmem>>, vector<16xf32>,
    %swap3A_90 = arith.constant 352 : index
    %swap3A_91 = tpu.vector_load %arg14[%swap3A_90] {strides = array<i32>} : memref<2112xf32, #tpu.memory_space<vmem>>, vector<16xf32>,
    tpu.vector_store %arg14[%swap3A_90], %broadcast_in_dim3A_13 {strides = array<i32>} : memref<2112xf32, #tpu.memory_space<vmem>>, vector<16xf32>,
    %swap3A_92 = arith.constant 368 : index
    %swap3A_93 = tpu.vector_load %arg14[%swap3A_92] {strides = array<i32>} : memref<2112xf32, #tpu.memory_space<vmem>>, vector<16xf32>,
    tpu.vector_store %arg14[%swap3A_92], %broadcast_in_dim3A_13 {strides = array<i32>} : memref<2112xf32, #tpu.memory_space<vmem>>, vector<16xf32>,
    %swap3A_94 = arith.constant 384 : index
    %swap3A_95 = tpu.vector_load %arg14[%swap3A_94] {strides = array<i32>} : memref<2112xf32, #tpu.memory_space<vmem>>, vector<16xf32>,
    tpu.vector_store %arg14[%swap3A_94], %broadcast_in_dim3A_13 {strides = array<i32>} : memref<2112xf32, #tpu.memory_space<vmem>>, vector<16xf32>,
    %swap3A_96 = arith.constant 400 : index
    %swap3A_97 = tpu.vector_load %arg14[%swap3A_96] {strides = array<i32>} : memref<2112xf32, #tpu.memory_space<vmem>>, vector<16xf32>,
    tpu.vector_store %arg14[%swap3A_96], %broadcast_in_dim3A_13 {strides = array<i32>} : memref<2112xf32, #tpu.memory_space<vmem>>, vector<16xf32>,
    %swap3A_98 = arith.constant 416 : index
    %swap3A_99 = tpu.vector_load %arg14[%swap3A_98] {strides = array<i32>} : memref<2112xf32, #tpu.memory_space<vmem>>, vector<16xf32>,
    tpu.vector_store %arg14[%swap3A_98], %broadcast_in_dim3A_13 {strides = array<i32>} : memref<2112xf32, #tpu.memory_space<vmem>>, vector<16xf32>,
    %swap3A_100 = arith.constant 432 : index
    %swap3A_101 = tpu.vector_load %arg14[%swap3A_100] {strides = array<i32>} : memref<2112xf32, #tpu.memory_space<vmem>>, vector<16xf32>,
    tpu.vector_store %arg14[%swap3A_100], %broadcast_in_dim3A_13 {strides = array<i32>} : memref<2112xf32, #tpu.memory_space<vmem>>, vector<16xf32>,
    %swap3A_102 = arith.constant 448 : index
    %swap3A_103 = tpu.vector_load %arg14[%swap3A_102] {strides = array<i32>} : memref<2112xf32, #tpu.memory_space<vmem>>, vector<16xf32>,
    tpu.vector_store %arg14[%swap3A_102], %broadcast_in_dim3A_13 {strides = array<i32>} : memref<2112xf32, #tpu.memory_space<vmem>>, vector<16xf32>,
    %swap3A_104 = arith.constant 464 : index
    %swap3A_105 = tpu.vector_load %arg14[%swap3A_104] {strides = array<i32>} : memref<2112xf32, #tpu.memory_space<vmem>>, vector<16xf32>,
    tpu.vector_store %arg14[%swap3A_104], %broadcast_in_dim3A_13 {strides = array<i32>} : memref<2112xf32, #tpu.memory_space<vmem>>, vector<16xf32>,
    %swap3A_106 = arith.constant 480 : index
    %swap3A_107 = tpu.vector_load %arg14[%swap3A_106] {strides = array<i32>} : memref<2112xf32, #tpu.memory_space<vmem>>, vector<16xf32>,
    tpu.vector_store %arg14[%swap3A_106], %broadcast_in_dim3A_13 {strides = array<i32>} : memref<2112xf32, #tpu.memory_space<vmem>>, vector<16xf32>,
    %swap3A_108 = arith.constant 496 : index
    %swap3A_109 = tpu.vector_load %arg14[%swap3A_108] {strides = array<i32>} : memref<2112xf32, #tpu.memory_space<vmem>>, vector<16xf32>,
    tpu.vector_store %arg14[%swap3A_108], %broadcast_in_dim3A_13 {strides = array<i32>} : memref<2112xf32, #tpu.memory_space<vmem>>, vector<16xf32>,
    %swap3A_110 = arith.constant 512 : index
    %swap3A_111 = tpu.vector_load %arg14[%swap3A_110] {strides = array<i32>} : memref<2112xf32, #tpu.memory_space<vmem>>, vector<16xf32>,
    tpu.vector_store %arg14[%swap3A_110], %broadcast_in_dim3A_13 {strides = array<i32>} : memref<2112xf32, #tpu.memory_space<vmem>>, vector<16xf32>,
    %swap3A_112 = arith.constant 528 : index
    %swap3A_113 = tpu.vector_load %arg14[%swap3A_112] {strides = array<i32>} : memref<2112xf32, #tpu.memory_space<vmem>>, vector<16xf32>,
    tpu.vector_store %arg14[%swap3A_112], %broadcast_in_dim3A_13 {strides = array<i32>} : memref<2112xf32, #tpu.memory_space<vmem>>, vector<16xf32>,
    %swap3A_114 = arith.constant 544 : index
    %swap3A_115 = tpu.vector_load %arg14[%swap3A_114] {strides = array<i32>} : memref<2112xf32, #tpu.memory_space<vmem>>, vector<16xf32>,
    tpu.vector_store %arg14[%swap3A_114], %broadcast_in_dim3A_13 {strides = array<i32>} : memref<2112xf32, #tpu.memory_space<vmem>>, vector<16xf32>,
    %swap3A_116 = arith.constant 560 : index
    %swap3A_117 = tpu.vector_load %arg14[%swap3A_116] {strides = array<i32>} : memref<2112xf32, #tpu.memory_space<vmem>>, vector<16xf32>,
    tpu.vector_store %arg14[%swap3A_116], %broadcast_in_dim3A_13 {strides = array<i32>} : memref<2112xf32, #tpu.memory_space<vmem>>, vector<16xf32>,
    %swap3A_118 = arith.constant 576 : index
    %swap3A_119 = tpu.vector_load %arg14[%swap3A_118] {strides = array<i32>} : memref<2112xf32, #tpu.memory_space<vmem>>, vector<16xf32>,
    tpu.vector_store %arg14[%swap3A_118], %broadcast_in_dim3A_13 {strides = array<i32>} : memref<2112xf32, #tpu.memory_space<vmem>>, vector<16xf32>,
    %swap3A_120 = arith.constant 592 : index
    %swap3A_121 = tpu.vector_load %arg14[%swap3A_120] {strides = array<i32>} : memref<2112xf32, #tpu.memory_space<vmem>>, vector<16xf32>,
    tpu.vector_store %arg14[%swap3A_120], %broadcast_in_dim3A_13 {strides = array<i32>} : memref<2112xf32, #tpu.memory_space<vmem>>, vector<16xf32>,
    %swap3A_122 = arith.constant 608 : index
    %swap3A_123 = tpu.vector_load %arg14[%swap3A_122] {strides = array<i32>} : memref<2112xf32, #tpu.memory_space<vmem>>, vector<16xf32>,
    tpu.vector_store %arg14[%swap3A_122], %broadcast_in_dim3A_13 {strides = array<i32>} : memref<2112xf32, #tpu.memory_space<vmem>>, vector<16xf32>,
    %swap3A_124 = arith.constant 624 : index
    %swap3A_125 = tpu.vector_load %arg14[%swap3A_124] {strides = array<i32>} : memref<2112xf32, #tpu.memory_space<vmem>>, vector<16xf32>,
    tpu.vector_store %arg14[%swap3A_124], %broadcast_in_dim3A_13 {strides = array<i32>} : memref<2112xf32, #tpu.memory_space<vmem>>, vector<16xf32>,
    %swap3A_126 = arith.constant 640 : index
    %swap3A_127 = tpu.vector_load %arg14[%swap3A_126] {strides = array<i32>} : memref<2112xf32, #tpu.memory_space<vmem>>, vector<16xf32>,
    tpu.vector_store %arg14[%swap3A_126], %broadcast_in_dim3A_13 {strides = array<i32>} : memref<2112xf32, #tpu.memory_space<vmem>>, vector<16xf32>,
    %swap3A_128 = arith.constant 656 : index
    %swap3A_129 = tpu.vector_load %arg14[%swap3A_128] {strides = array<i32>} : memref<2112xf32, #tpu.memory_space<vmem>>, vector<16xf32>,
    tpu.vector_store %arg14[%swap3A_128], %broadcast_in_dim3A_13 {strides = array<i32>} : memref<2112xf32, #tpu.memory_space<vmem>>, vector<16xf32>,
    %swap3A_130 = arith.constant 672 : index
    %swap3A_131 = tpu.vector_load %arg14[%swap3A_130] {strides = array<i32>} : memref<2112xf32, #tpu.memory_space<vmem>>, vector<16xf32>,
    tpu.vector_store %arg14[%swap3A_130], %broadcast_in_dim3A_13 {strides = array<i32>} : memref<2112xf32, #tpu.memory_space<vmem>>, vector<16xf32>,
    %swap3A_132 = arith.constant 688 : index
    %swap3A_133 = tpu.vector_load %arg14[%swap3A_132] {strides = array<i32>} : memref<2112xf32, #tpu.memory_space<vmem>>, vector<16xf32>,
    tpu.vector_store %arg14[%swap3A_132], %broadcast_in_dim3A_13 {strides = array<i32>} : memref<2112xf32, #tpu.memory_space<vmem>>, vector<16xf32>,
    %swap3A_134 = arith.constant 704 : index
    %swap3A_135 = tpu.vector_load %arg14[%swap3A_134] {strides = array<i32>} : memref<2112xf32, #tpu.memory_space<vmem>>, vector<16xf32>,
    tpu.vector_store %arg14[%swap3A_134], %broadcast_in_dim3A_13 {strides = array<i32>} : memref<2112xf32, #tpu.memory_space<vmem>>, vector<16xf32>,
    %swap3A_136 = arith.constant 720 : index
    %swap3A_137 = tpu.vector_load %arg14[%swap3A_136] {strides = array<i32>} : memref<2112xf32, #tpu.memory_space<vmem>>, vector<16xf32>,
    tpu.vector_store %arg14[%swap3A_136], %broadcast_in_dim3A_13 {strides = array<i32>} : memref<2112xf32, #tpu.memory_space<vmem>>, vector<16xf32>,
    %swap3A_138 = arith.constant 736 : index
    %swap3A_139 = tpu.vector_load %arg14[%swap3A_138] {strides = array<i32>} : memref<2112xf32, #tpu.memory_space<vmem>>, vector<16xf32>,
    tpu.vector_store %arg14[%swap3A_138], %broadcast_in_dim3A_13 {strides = array<i32>} : memref<2112xf32, #tpu.memory_space<vmem>>, vector<16xf32>,
    %swap3A_140 = arith.constant 752 : index
    %swap3A_141 = tpu.vector_load %arg14[%swap3A_140] {strides = array<i32>} : memref<2112xf32, #tpu.memory_space<vmem>>, vector<16xf32>,
    tpu.vector_store %arg14[%swap3A_140], %broadcast_in_dim3A_13 {strides = array<i32>} : memref<2112xf32, #tpu.memory_space<vmem>>, vector<16xf32>,
    %swap3A_142 = arith.constant 768 : index
    %swap3A_143 = tpu.vector_load %arg14[%swap3A_142] {strides = array<i32>} : memref<2112xf32, #tpu.memory_space<vmem>>, vector<16xf32>,
    tpu.vector_store %arg14[%swap3A_142], %broadcast_in_dim3A_13 {strides = array<i32>} : memref<2112xf32, #tpu.memory_space<vmem>>, vector<16xf32>,
    %swap3A_144 = arith.constant 784 : index
    %swap3A_145 = tpu.vector_load %arg14[%swap3A_144] {strides = array<i32>} : memref<2112xf32, #tpu.memory_space<vmem>>, vector<16xf32>,
    tpu.vector_store %arg14[%swap3A_144], %broadcast_in_dim3A_13 {strides = array<i32>} : memref<2112xf32, #tpu.memory_space<vmem>>, vector<16xf32>,
    %swap3A_146 = arith.constant 800 : index
    %swap3A_147 = tpu.vector_load %arg14[%swap3A_146] {strides = array<i32>} : memref<2112xf32, #tpu.memory_space<vmem>>, vector<16xf32>,
    tpu.vector_store %arg14[%swap3A_146], %broadcast_in_dim3A_13 {strides = array<i32>} : memref<2112xf32, #tpu.memory_space<vmem>>, vector<16xf32>,
    %swap3A_148 = arith.constant 816 : index
    %swap3A_149 = tpu.vector_load %arg14[%swap3A_148] {strides = array<i32>} : memref<2112xf32, #tpu.memory_space<vmem>>, vector<16xf32>,
    tpu.vector_store %arg14[%swap3A_148], %broadcast_in_dim3A_13 {strides = array<i32>} : memref<2112xf32, #tpu.memory_space<vmem>>, vector<16xf32>,
    %swap3A_150 = arith.constant 832 : index
    %swap3A_151 = tpu.vector_load %arg14[%swap3A_150] {strides = array<i32>} : memref<2112xf32, #tpu.memory_space<vmem>>, vector<16xf32>,
    tpu.vector_store %arg14[%swap3A_150], %broadcast_in_dim3A_13 {strides = array<i32>} : memref<2112xf32, #tpu.memory_space<vmem>>, vector<16xf32>,
    %swap3A_152 = arith.constant 848 : index
    %swap3A_153 = tpu.vector_load %arg14[%swap3A_152] {strides = array<i32>} : memref<2112xf32, #tpu.memory_space<vmem>>, vector<16xf32>,
    tpu.vector_store %arg14[%swap3A_152], %broadcast_in_dim3A_13 {strides = array<i32>} : memref<2112xf32, #tpu.memory_space<vmem>>, vector<16xf32>,
    %swap3A_154 = arith.constant 864 : index
    %swap3A_155 = tpu.vector_load %arg14[%swap3A_154] {strides = array<i32>} : memref<2112xf32, #tpu.memory_space<vmem>>, vector<16xf32>,
    tpu.vector_store %arg14[%swap3A_154], %broadcast_in_dim3A_13 {strides = array<i32>} : memref<2112xf32, #tpu.memory_space<vmem>>, vector<16xf32>,
    %swap3A_156 = arith.constant 880 : index
    %swap3A_157 = tpu.vector_load %arg14[%swap3A_156] {strides = array<i32>} : memref<2112xf32, #tpu.memory_space<vmem>>, vector<16xf32>,
    tpu.vector_store %arg14[%swap3A_156], %broadcast_in_dim3A_13 {strides = array<i32>} : memref<2112xf32, #tpu.memory_space<vmem>>, vector<16xf32>,
    %swap3A_158 = arith.constant 896 : index
    %swap3A_159 = tpu.vector_load %arg14[%swap3A_158] {strides = array<i32>} : memref<2112xf32, #tpu.memory_space<vmem>>, vector<16xf32>,
    tpu.vector_store %arg14[%swap3A_158], %broadcast_in_dim3A_13 {strides = array<i32>} : memref<2112xf32, #tpu.memory_space<vmem>>, vector<16xf32>,
    %swap3A_160 = arith.constant 912 : index
    %swap3A_161 = tpu.vector_load %arg14[%swap3A_160] {strides = array<i32>} : memref<2112xf32, #tpu.memory_space<vmem>>, vector<16xf32>,
    tpu.vector_store %arg14[%swap3A_160], %broadcast_in_dim3A_13 {strides = array<i32>} : memref<2112xf32, #tpu.memory_space<vmem>>, vector<16xf32>,
    %swap3A_162 = arith.constant 928 : index
    %swap3A_163 = tpu.vector_load %arg14[%swap3A_162] {strides = array<i32>} : memref<2112xf32, #tpu.memory_space<vmem>>, vector<16xf32>,
    tpu.vector_store %arg14[%swap3A_162], %broadcast_in_dim3A_13 {strides = array<i32>} : memref<2112xf32, #tpu.memory_space<vmem>>, vector<16xf32>,
    %swap3A_164 = arith.constant 944 : index
    %swap3A_165 = tpu.vector_load %arg14[%swap3A_164] {strides = array<i32>} : memref<2112xf32, #tpu.memory_space<vmem>>, vector<16xf32>,
    tpu.vector_store %arg14[%swap3A_164], %broadcast_in_dim3A_13 {strides = array<i32>} : memref<2112xf32, #tpu.memory_space<vmem>>, vector<16xf32>,
    %swap3A_166 = arith.constant 960 : index
    %swap3A_167 = tpu.vector_load %arg14[%swap3A_166] {strides = array<i32>} : memref<2112xf32, #tpu.memory_space<vmem>>, vector<16xf32>,
    tpu.vector_store %arg14[%swap3A_166], %broadcast_in_dim3A_13 {strides = array<i32>} : memref<2112xf32, #tpu.memory_space<vmem>>, vector<16xf32>,
    %swap3A_168 = arith.constant 976 : index
    %swap3A_169 = tpu.vector_load %arg14[%swap3A_168] {strides = array<i32>} : memref<2112xf32, #tpu.memory_space<vmem>>, vector<16xf32>,
    tpu.vector_store %arg14[%swap3A_168], %broadcast_in_dim3A_13 {strides = array<i32>} : memref<2112xf32, #tpu.memory_space<vmem>>, vector<16xf32>,
    %swap3A_170 = arith.constant 992 : index
    %swap3A_171 = tpu.vector_load %arg14[%swap3A_170] {strides = array<i32>} : memref<2112xf32, #tpu.memory_space<vmem>>, vector<16xf32>,
    tpu.vector_store %arg14[%swap3A_170], %broadcast_in_dim3A_13 {strides = array<i32>} : memref<2112xf32, #tpu.memory_space<vmem>>, vector<16xf32>,
    %swap3A_172 = arith.constant 1008 : index
    %swap3A_173 = tpu.vector_load %arg14[%swap3A_172] {strides = array<i32>} : memref<2112xf32, #tpu.memory_space<vmem>>, vector<16xf32>,
    tpu.vector_store %arg14[%swap3A_172], %broadcast_in_dim3A_13 {strides = array<i32>} : memref<2112xf32, #tpu.memory_space<vmem>>, vector<16xf32>,
    %swap3A_174 = arith.constant 1024 : index
    %swap3A_175 = tpu.vector_load %arg14[%swap3A_174] {strides = array<i32>} : memref<2112xf32, #tpu.memory_space<vmem>>, vector<16xf32>,
    tpu.vector_store %arg14[%swap3A_174], %broadcast_in_dim3A_13 {strides = array<i32>} : memref<2112xf32, #tpu.memory_space<vmem>>, vector<16xf32>,
    %swap3A_176 = arith.constant 1040 : index
    %swap3A_177 = tpu.vector_load %arg14[%swap3A_176] {strides = array<i32>} : memref<2112xf32, #tpu.memory_space<vmem>>, vector<16xf32>,
    tpu.vector_store %arg14[%swap3A_176], %broadcast_in_dim3A_13 {strides = array<i32>} : memref<2112xf32, #tpu.memory_space<vmem>>, vector<16xf32>,
    %swap3A_178 = arith.constant 1056 : index
    %swap3A_179 = tpu.vector_load %arg14[%swap3A_178] {strides = array<i32>} : memref<2112xf32, #tpu.memory_space<vmem>>, vector<16xf32>,
    tpu.vector_store %arg14[%swap3A_178], %broadcast_in_dim3A_13 {strides = array<i32>} : memref<2112xf32, #tpu.memory_space<vmem>>, vector<16xf32>,
    %swap3A_180 = arith.constant 1072 : index
    %swap3A_181 = tpu.vector_load %arg14[%swap3A_180] {strides = array<i32>} : memref<2112xf32, #tpu.memory_space<vmem>>, vector<16xf32>,
    tpu.vector_store %arg14[%swap3A_180], %broadcast_in_dim3A_13 {strides = array<i32>} : memref<2112xf32, #tpu.memory_space<vmem>>, vector<16xf32>,
    %swap3A_182 = arith.constant 1088 : index
    %swap3A_183 = tpu.vector_load %arg14[%swap3A_182] {strides = array<i32>} : memref<2112xf32, #tpu.memory_space<vmem>>, vector<16xf32>,
    tpu.vector_store %arg14[%swap3A_182], %broadcast_in_dim3A_13 {strides = array<i32>} : memref<2112xf32, #tpu.memory_space<vmem>>, vector<16xf32>,
    %swap3A_184 = arith.constant 1104 : index
    %swap3A_185 = tpu.vector_load %arg14[%swap3A_184] {strides = array<i32>} : memref<2112xf32, #tpu.memory_space<vmem>>, vector<16xf32>,
    tpu.vector_store %arg14[%swap3A_184], %broadcast_in_dim3A_13 {strides = array<i32>} : memref<2112xf32, #tpu.memory_space<vmem>>, vector<16xf32>,
    %swap3A_186 = arith.constant 1120 : index
    %swap3A_187 = tpu.vector_load %arg14[%swap3A_186] {strides = array<i32>} : memref<2112xf32, #tpu.memory_space<vmem>>, vector<16xf32>,
    tpu.vector_store %arg14[%swap3A_186], %broadcast_in_dim3A_13 {strides = array<i32>} : memref<2112xf32, #tpu.memory_space<vmem>>, vector<16xf32>,
    %swap3A_188 = arith.constant 1136 : index
    %swap3A_189 = tpu.vector_load %arg14[%swap3A_188] {strides = array<i32>} : memref<2112xf32, #tpu.memory_space<vmem>>, vector<16xf32>,
    tpu.vector_store %arg14[%swap3A_188], %broadcast_in_dim3A_13 {strides = array<i32>} : memref<2112xf32, #tpu.memory_space<vmem>>, vector<16xf32>,
    %swap3A_190 = arith.constant 1152 : index
    %swap3A_191 = tpu.vector_load %arg14[%swap3A_190] {strides = array<i32>} : memref<2112xf32, #tpu.memory_space<vmem>>, vector<16xf32>,
    tpu.vector_store %arg14[%swap3A_190], %broadcast_in_dim3A_13 {strides = array<i32>} : memref<2112xf32, #tpu.memory_space<vmem>>, vector<16xf32>,
    %swap3A_192 = arith.constant 1168 : index
    %swap3A_193 = tpu.vector_load %arg14[%swap3A_192] {strides = array<i32>} : memref<2112xf32, #tpu.memory_space<vmem>>, vector<16xf32>,
    tpu.vector_store %arg14[%swap3A_192], %broadcast_in_dim3A_13 {strides = array<i32>} : memref<2112xf32, #tpu.memory_space<vmem>>, vector<16xf32>,
    %swap3A_194 = arith.constant 1184 : index
    %swap3A_195 = tpu.vector_load %arg14[%swap3A_194] {strides = array<i32>} : memref<2112xf32, #tpu.memory_space<vmem>>, vector<16xf32>,
    tpu.vector_store %arg14[%swap3A_194], %broadcast_in_dim3A_13 {strides = array<i32>} : memref<2112xf32, #tpu.memory_space<vmem>>, vector<16xf32>,
    %swap3A_196 = arith.constant 1200 : index
    %swap3A_197 = tpu.vector_load %arg14[%swap3A_196] {strides = array<i32>} : memref<2112xf32, #tpu.memory_space<vmem>>, vector<16xf32>,
    tpu.vector_store %arg14[%swap3A_196], %broadcast_in_dim3A_13 {strides = array<i32>} : memref<2112xf32, #tpu.memory_space<vmem>>, vector<16xf32>,
    %swap3A_198 = arith.constant 1216 : index
    %swap3A_199 = tpu.vector_load %arg14[%swap3A_198] {strides = array<i32>} : memref<2112xf32, #tpu.memory_space<vmem>>, vector<16xf32>,
    tpu.vector_store %arg14[%swap3A_198], %broadcast_in_dim3A_13 {strides = array<i32>} : memref<2112xf32, #tpu.memory_space<vmem>>, vector<16xf32>,
    %swap3A_200 = arith.constant 1232 : index
    %swap3A_201 = tpu.vector_load %arg14[%swap3A_200] {strides = array<i32>} : memref<2112xf32, #tpu.memory_space<vmem>>, vector<16xf32>,
    tpu.vector_store %arg14[%swap3A_200], %broadcast_in_dim3A_13 {strides = array<i32>} : memref<2112xf32, #tpu.memory_space<vmem>>, vector<16xf32>,
    %swap3A_202 = arith.constant 1248 : index
    %swap3A_203 = tpu.vector_load %arg14[%swap3A_202] {strides = array<i32>} : memref<2112xf32, #tpu.memory_space<vmem>>, vector<16xf32>,
    tpu.vector_store %arg14[%swap3A_202], %broadcast_in_dim3A_13 {strides = array<i32>} : memref<2112xf32, #tpu.memory_space<vmem>>, vector<16xf32>,
    %swap3A_204 = arith.constant 1264 : index
    %swap3A_205 = tpu.vector_load %arg14[%swap3A_204] {strides = array<i32>} : memref<2112xf32, #tpu.memory_space<vmem>>, vector<16xf32>,
    tpu.vector_store %arg14[%swap3A_204], %broadcast_in_dim3A_13 {strides = array<i32>} : memref<2112xf32, #tpu.memory_space<vmem>>, vector<16xf32>,
    %swap3A_206 = arith.constant 1280 : index
    %swap3A_207 = tpu.vector_load %arg14[%swap3A_206] {strides = array<i32>} : memref<2112xf32, #tpu.memory_space<vmem>>, vector<16xf32>,
    tpu.vector_store %arg14[%swap3A_206], %broadcast_in_dim3A_13 {strides = array<i32>} : memref<2112xf32, #tpu.memory_space<vmem>>, vector<16xf32>,
    %swap3A_208 = arith.constant 1296 : index
    %swap3A_209 = tpu.vector_load %arg14[%swap3A_208] {strides = array<i32>} : memref<2112xf32, #tpu.memory_space<vmem>>, vector<16xf32>,
    tpu.vector_store %arg14[%swap3A_208], %broadcast_in_dim3A_13 {strides = array<i32>} : memref<2112xf32, #tpu.memory_space<vmem>>, vector<16xf32>,
    %swap3A_210 = arith.constant 1312 : index
    %swap3A_211 = tpu.vector_load %arg14[%swap3A_210] {strides = array<i32>} : memref<2112xf32, #tpu.memory_space<vmem>>, vector<16xf32>,
    tpu.vector_store %arg14[%swap3A_210], %broadcast_in_dim3A_13 {strides = array<i32>} : memref<2112xf32, #tpu.memory_space<vmem>>, vector<16xf32>,
    %swap3A_212 = arith.constant 1328 : index
    %swap3A_213 = tpu.vector_load %arg14[%swap3A_212] {strides = array<i32>} : memref<2112xf32, #tpu.memory_space<vmem>>, vector<16xf32>,
    tpu.vector_store %arg14[%swap3A_212], %broadcast_in_dim3A_13 {strides = array<i32>} : memref<2112xf32, #tpu.memory_space<vmem>>, vector<16xf32>,
    %swap3A_214 = arith.constant 1344 : index
    %swap3A_215 = tpu.vector_load %arg14[%swap3A_214] {strides = array<i32>} : memref<2112xf32, #tpu.memory_space<vmem>>, vector<16xf32>,
    tpu.vector_store %arg14[%swap3A_214], %broadcast_in_dim3A_13 {strides = array<i32>} : memref<2112xf32, #tpu.memory_space<vmem>>, vector<16xf32>,
    %swap3A_216 = arith.constant 1360 : index
    %swap3A_217 = tpu.vector_load %arg14[%swap3A_216] {strides = array<i32>} : memref<2112xf32, #tpu.memory_space<vmem>>, vector<16xf32>,
    tpu.vector_store %arg14[%swap3A_216], %broadcast_in_dim3A_13 {strides = array<i32>} : memref<2112xf32, #tpu.memory_space<vmem>>, vector<16xf32>,
    %swap3A_218 = arith.constant 1376 : index
    %swap3A_219 = tpu.vector_load %arg14[%swap3A_218] {strides = array<i32>} : memref<2112xf32, #tpu.memory_space<vmem>>, vector<16xf32>,
    tpu.vector_store %arg14[%swap3A_218], %broadcast_in_dim3A_13 {strides = array<i32>} : memref<2112xf32, #tpu.memory_space<vmem>>, vector<16xf32>,
    %swap3A_220 = arith.constant 1392 : index
    %swap3A_221 = tpu.vector_load %arg14[%swap3A_220] {strides = array<i32>} : memref<2112xf32, #tpu.memory_space<vmem>>, vector<16xf32>,
    tpu.vector_store %arg14[%swap3A_220], %broadcast_in_dim3A_13 {strides = array<i32>} : memref<2112xf32, #tpu.memory_space<vmem>>, vector<16xf32>,
    %swap3A_222 = arith.constant 1408 : index
    %swap3A_223 = tpu.vector_load %arg14[%swap3A_222] {strides = array<i32>} : memref<2112xf32, #tpu.memory_space<vmem>>, vector<16xf32>,
    tpu.vector_store %arg14[%swap3A_222], %broadcast_in_dim3A_13 {strides = array<i32>} : memref<2112xf32, #tpu.memory_space<vmem>>, vector<16xf32>,
    %swap3A_224 = arith.constant 1424 : index
    %swap3A_225 = tpu.vector_load %arg14[%swap3A_224] {strides = array<i32>} : memref<2112xf32, #tpu.memory_space<vmem>>, vector<16xf32>,
    tpu.vector_store %arg14[%swap3A_224], %broadcast_in_dim3A_13 {strides = array<i32>} : memref<2112xf32, #tpu.memory_space<vmem>>, vector<16xf32>,
    %swap3A_226 = arith.constant 1440 : index
    %swap3A_227 = tpu.vector_load %arg14[%swap3A_226] {strides = array<i32>} : memref<2112xf32, #tpu.memory_space<vmem>>, vector<16xf32>,
    tpu.vector_store %arg14[%swap3A_226], %broadcast_in_dim3A_13 {strides = array<i32>} : memref<2112xf32, #tpu.memory_space<vmem>>, vector<16xf32>,
    %swap3A_228 = arith.constant 1456 : index
    %swap3A_229 = tpu.vector_load %arg14[%swap3A_228] {strides = array<i32>} : memref<2112xf32, #tpu.memory_space<vmem>>, vector<16xf32>,
    tpu.vector_store %arg14[%swap3A_228], %broadcast_in_dim3A_13 {strides = array<i32>} : memref<2112xf32, #tpu.memory_space<vmem>>, vector<16xf32>,
    %swap3A_230 = arith.constant 1472 : index
    %swap3A_231 = tpu.vector_load %arg14[%swap3A_230] {strides = array<i32>} : memref<2112xf32, #tpu.memory_space<vmem>>, vector<16xf32>,
    tpu.vector_store %arg14[%swap3A_230], %broadcast_in_dim3A_13 {strides = array<i32>} : memref<2112xf32, #tpu.memory_space<vmem>>, vector<16xf32>,
    %swap3A_232 = arith.constant 1488 : index
    %swap3A_233 = tpu.vector_load %arg14[%swap3A_232] {strides = array<i32>} : memref<2112xf32, #tpu.memory_space<vmem>>, vector<16xf32>,
    tpu.vector_store %arg14[%swap3A_232], %broadcast_in_dim3A_13 {strides = array<i32>} : memref<2112xf32, #tpu.memory_space<vmem>>, vector<16xf32>,
    %swap3A_234 = arith.constant 1504 : index
    %swap3A_235 = tpu.vector_load %arg14[%swap3A_234] {strides = array<i32>} : memref<2112xf32, #tpu.memory_space<vmem>>, vector<16xf32>,
    tpu.vector_store %arg14[%swap3A_234], %broadcast_in_dim3A_13 {strides = array<i32>} : memref<2112xf32, #tpu.memory_space<vmem>>, vector<16xf32>,
    %swap3A_236 = arith.constant 1520 : index
    %swap3A_237 = tpu.vector_load %arg14[%swap3A_236] {strides = array<i32>} : memref<2112xf32, #tpu.memory_space<vmem>>, vector<16xf32>,
    tpu.vector_store %arg14[%swap3A_236], %broadcast_in_dim3A_13 {strides = array<i32>} : memref<2112xf32, #tpu.memory_space<vmem>>, vector<16xf32>,
    %swap3A_238 = arith.constant 1536 : index
    %swap3A_239 = tpu.vector_load %arg14[%swap3A_238] {strides = array<i32>} : memref<2112xf32, #tpu.memory_space<vmem>>, vector<16xf32>,
    tpu.vector_store %arg14[%swap3A_238], %broadcast_in_dim3A_13 {strides = array<i32>} : memref<2112xf32, #tpu.memory_space<vmem>>, vector<16xf32>,
    %swap3A_240 = arith.constant 1552 : index
    %swap3A_241 = tpu.vector_load %arg14[%swap3A_240] {strides = array<i32>} : memref<2112xf32, #tpu.memory_space<vmem>>, vector<16xf32>,
    tpu.vector_store %arg14[%swap3A_240], %broadcast_in_dim3A_13 {strides = array<i32>} : memref<2112xf32, #tpu.memory_space<vmem>>, vector<16xf32>,
    %swap3A_242 = arith.constant 1568 : index
    %swap3A_243 = tpu.vector_load %arg14[%swap3A_242] {strides = array<i32>} : memref<2112xf32, #tpu.memory_space<vmem>>, vector<16xf32>,
    tpu.vector_store %arg14[%swap3A_242], %broadcast_in_dim3A_13 {strides = array<i32>} : memref<2112xf32, #tpu.memory_space<vmem>>, vector<16xf32>,
    %swap3A_244 = arith.constant 1584 : index
    %swap3A_245 = tpu.vector_load %arg14[%swap3A_244] {strides = array<i32>} : memref<2112xf32, #tpu.memory_space<vmem>>, vector<16xf32>,
    tpu.vector_store %arg14[%swap3A_244], %broadcast_in_dim3A_13 {strides = array<i32>} : memref<2112xf32, #tpu.memory_space<vmem>>, vector<16xf32>,
    %swap3A_246 = arith.constant 1600 : index
    %swap3A_247 = tpu.vector_load %arg14[%swap3A_246] {strides = array<i32>} : memref<2112xf32, #tpu.memory_space<vmem>>, vector<16xf32>,
    tpu.vector_store %arg14[%swap3A_246], %broadcast_in_dim3A_13 {strides = array<i32>} : memref<2112xf32, #tpu.memory_space<vmem>>, vector<16xf32>,
    %swap3A_248 = arith.constant 1616 : index
    %swap3A_249 = tpu.vector_load %arg14[%swap3A_248] {strides = array<i32>} : memref<2112xf32, #tpu.memory_space<vmem>>, vector<16xf32>,
    tpu.vector_store %arg14[%swap3A_248], %broadcast_in_dim3A_13 {strides = array<i32>} : memref<2112xf32, #tpu.memory_space<vmem>>, vector<16xf32>,
    %swap3A_250 = arith.constant 1632 : index
    %swap3A_251 = tpu.vector_load %arg14[%swap3A_250] {strides = array<i32>} : memref<2112xf32, #tpu.memory_space<vmem>>, vector<16xf32>,
    tpu.vector_store %arg14[%swap3A_250], %broadcast_in_dim3A_13 {strides = array<i32>} : memref<2112xf32, #tpu.memory_space<vmem>>, vector<16xf32>,
    %swap3A_252 = arith.constant 1648 : index
    %swap3A_253 = tpu.vector_load %arg14[%swap3A_252] {strides = array<i32>} : memref<2112xf32, #tpu.memory_space<vmem>>, vector<16xf32>,
    tpu.vector_store %arg14[%swap3A_252], %broadcast_in_dim3A_13 {strides = array<i32>} : memref<2112xf32, #tpu.memory_space<vmem>>, vector<16xf32>,
    %swap3A_254 = arith.constant 1664 : index
    %swap3A_255 = tpu.vector_load %arg14[%swap3A_254] {strides = array<i32>} : memref<2112xf32, #tpu.memory_space<vmem>>, vector<16xf32>,
    tpu.vector_store %arg14[%swap3A_254], %broadcast_in_dim3A_13 {strides = array<i32>} : memref<2112xf32, #tpu.memory_space<vmem>>, vector<16xf32>,
    %swap3A_256 = arith.constant 1680 : index
    %swap3A_257 = tpu.vector_load %arg14[%swap3A_256] {strides = array<i32>} : memref<2112xf32, #tpu.memory_space<vmem>>, vector<16xf32>,
    tpu.vector_store %arg14[%swap3A_256], %broadcast_in_dim3A_13 {strides = array<i32>} : memref<2112xf32, #tpu.memory_space<vmem>>, vector<16xf32>,
    %swap3A_258 = arith.constant 1696 : index
    %swap3A_259 = tpu.vector_load %arg14[%swap3A_258] {strides = array<i32>} : memref<2112xf32, #tpu.memory_space<vmem>>, vector<16xf32>,
    tpu.vector_store %arg14[%swap3A_258], %broadcast_in_dim3A_13 {strides = array<i32>} : memref<2112xf32, #tpu.memory_space<vmem>>, vector<16xf32>,
    %swap3A_260 = arith.constant 1712 : index
    %swap3A_261 = tpu.vector_load %arg14[%swap3A_260] {strides = array<i32>} : memref<2112xf32, #tpu.memory_space<vmem>>, vector<16xf32>,
    tpu.vector_store %arg14[%swap3A_260], %broadcast_in_dim3A_13 {strides = array<i32>} : memref<2112xf32, #tpu.memory_space<vmem>>, vector<16xf32>,
    %swap3A_262 = arith.constant 1728 : index
    %swap3A_263 = tpu.vector_load %arg14[%swap3A_262] {strides = array<i32>} : memref<2112xf32, #tpu.memory_space<vmem>>, vector<16xf32>,
    tpu.vector_store %arg14[%swap3A_262], %broadcast_in_dim3A_13 {strides = array<i32>} : memref<2112xf32, #tpu.memory_space<vmem>>, vector<16xf32>,
    %swap3A_264 = arith.constant 1744 : index
    %swap3A_265 = tpu.vector_load %arg14[%swap3A_264] {strides = array<i32>} : memref<2112xf32, #tpu.memory_space<vmem>>, vector<16xf32>,
    tpu.vector_store %arg14[%swap3A_264], %broadcast_in_dim3A_13 {strides = array<i32>} : memref<2112xf32, #tpu.memory_space<vmem>>, vector<16xf32>,
    %swap3A_266 = arith.constant 1760 : index
    %swap3A_267 = tpu.vector_load %arg14[%swap3A_266] {strides = array<i32>} : memref<2112xf32, #tpu.memory_space<vmem>>, vector<16xf32>,
    tpu.vector_store %arg14[%swap3A_266], %broadcast_in_dim3A_13 {strides = array<i32>} : memref<2112xf32, #tpu.memory_space<vmem>>, vector<16xf32>,
    %swap3A_268 = arith.constant 1776 : index
    %swap3A_269 = tpu.vector_load %arg14[%swap3A_268] {strides = array<i32>} : memref<2112xf32, #tpu.memory_space<vmem>>, vector<16xf32>,
    tpu.vector_store %arg14[%swap3A_268], %broadcast_in_dim3A_13 {strides = array<i32>} : memref<2112xf32, #tpu.memory_space<vmem>>, vector<16xf32>,
    %swap3A_270 = arith.constant 1792 : index
    %swap3A_271 = tpu.vector_load %arg14[%swap3A_270] {strides = array<i32>} : memref<2112xf32, #tpu.memory_space<vmem>>, vector<16xf32>,
    tpu.vector_store %arg14[%swap3A_270], %broadcast_in_dim3A_13 {strides = array<i32>} : memref<2112xf32, #tpu.memory_space<vmem>>, vector<16xf32>,
    %swap3A_272 = arith.constant 1808 : index
    %swap3A_273 = tpu.vector_load %arg14[%swap3A_272] {strides = array<i32>} : memref<2112xf32, #tpu.memory_space<vmem>>, vector<16xf32>,
    tpu.vector_store %arg14[%swap3A_272], %broadcast_in_dim3A_13 {strides = array<i32>} : memref<2112xf32, #tpu.memory_space<vmem>>, vector<16xf32>,
    %swap3A_274 = arith.constant 1824 : index
    %swap3A_275 = tpu.vector_load %arg14[%swap3A_274] {strides = array<i32>} : memref<2112xf32, #tpu.memory_space<vmem>>, vector<16xf32>,
    tpu.vector_store %arg14[%swap3A_274], %broadcast_in_dim3A_13 {strides = array<i32>} : memref<2112xf32, #tpu.memory_space<vmem>>, vector<16xf32>,
    %swap3A_276 = arith.constant 1840 : index
    %swap3A_277 = tpu.vector_load %arg14[%swap3A_276] {strides = array<i32>} : memref<2112xf32, #tpu.memory_space<vmem>>, vector<16xf32>,
    tpu.vector_store %arg14[%swap3A_276], %broadcast_in_dim3A_13 {strides = array<i32>} : memref<2112xf32, #tpu.memory_space<vmem>>, vector<16xf32>,
    %swap3A_278 = arith.constant 1856 : index
    %swap3A_279 = tpu.vector_load %arg14[%swap3A_278] {strides = array<i32>} : memref<2112xf32, #tpu.memory_space<vmem>>, vector<16xf32>,
    tpu.vector_store %arg14[%swap3A_278], %broadcast_in_dim3A_13 {strides = array<i32>} : memref<2112xf32, #tpu.memory_space<vmem>>, vector<16xf32>,
    %swap3A_280 = arith.constant 1872 : index
    %swap3A_281 = tpu.vector_load %arg14[%swap3A_280] {strides = array<i32>} : memref<2112xf32, #tpu.memory_space<vmem>>, vector<16xf32>,
    tpu.vector_store %arg14[%swap3A_280], %broadcast_in_dim3A_13 {strides = array<i32>} : memref<2112xf32, #tpu.memory_space<vmem>>, vector<16xf32>,
    %swap3A_282 = arith.constant 1888 : index
    %swap3A_283 = tpu.vector_load %arg14[%swap3A_282] {strides = array<i32>} : memref<2112xf32, #tpu.memory_space<vmem>>, vector<16xf32>,
    tpu.vector_store %arg14[%swap3A_282], %broadcast_in_dim3A_13 {strides = array<i32>} : memref<2112xf32, #tpu.memory_space<vmem>>, vector<16xf32>,
    %swap3A_284 = arith.constant 1904 : index
    %swap3A_285 = tpu.vector_load %arg14[%swap3A_284] {strides = array<i32>} : memref<2112xf32, #tpu.memory_space<vmem>>, vector<16xf32>,
    tpu.vector_store %arg14[%swap3A_284], %broadcast_in_dim3A_13 {strides = array<i32>} : memref<2112xf32, #tpu.memory_space<vmem>>, vector<16xf32>,
    %swap3A_286 = arith.constant 1920 : index
    %swap3A_287 = tpu.vector_load %arg14[%swap3A_286] {strides = array<i32>} : memref<2112xf32, #tpu.memory_space<vmem>>, vector<16xf32>,
    tpu.vector_store %arg14[%swap3A_286], %broadcast_in_dim3A_13 {strides = array<i32>} : memref<2112xf32, #tpu.memory_space<vmem>>, vector<16xf32>,
    %swap3A_288 = arith.constant 1936 : index
    %swap3A_289 = tpu.vector_load %arg14[%swap3A_288] {strides = array<i32>} : memref<2112xf32, #tpu.memory_space<vmem>>, vector<16xf32>,
    tpu.vector_store %arg14[%swap3A_288], %broadcast_in_dim3A_13 {strides = array<i32>} : memref<2112xf32, #tpu.memory_space<vmem>>, vector<16xf32>,
    %swap3A_290 = arith.constant 1952 : index
    %swap3A_291 = tpu.vector_load %arg14[%swap3A_290] {strides = array<i32>} : memref<2112xf32, #tpu.memory_space<vmem>>, vector<16xf32>,
    tpu.vector_store %arg14[%swap3A_290], %broadcast_in_dim3A_13 {strides = array<i32>} : memref<2112xf32, #tpu.memory_space<vmem>>, vector<16xf32>,
    %swap3A_292 = arith.constant 1968 : index
    %swap3A_293 = tpu.vector_load %arg14[%swap3A_292] {strides = array<i32>} : memref<2112xf32, #tpu.memory_space<vmem>>, vector<16xf32>,
    tpu.vector_store %arg14[%swap3A_292], %broadcast_in_dim3A_13 {strides = array<i32>} : memref<2112xf32, #tpu.memory_space<vmem>>, vector<16xf32>,
    %swap3A_294 = arith.constant 1984 : index
    %swap3A_295 = tpu.vector_load %arg14[%swap3A_294] {strides = array<i32>} : memref<2112xf32, #tpu.memory_space<vmem>>, vector<16xf32>,
    tpu.vector_store %arg14[%swap3A_294], %broadcast_in_dim3A_13 {strides = array<i32>} : memref<2112xf32, #tpu.memory_space<vmem>>, vector<16xf32>,
    %swap3A_296 = arith.constant 2000 : index
    %swap3A_297 = tpu.vector_load %arg14[%swap3A_296] {strides = array<i32>} : memref<2112xf32, #tpu.memory_space<vmem>>, vector<16xf32>,
    tpu.vector_store %arg14[%swap3A_296], %broadcast_in_dim3A_13 {strides = array<i32>} : memref<2112xf32, #tpu.memory_space<vmem>>, vector<16xf32>,
    %swap3A_298 = arith.constant 2016 : index
    %swap3A_299 = tpu.vector_load %arg14[%swap3A_298] {strides = array<i32>} : memref<2112xf32, #tpu.memory_space<vmem>>, vector<16xf32>,
    tpu.vector_store %arg14[%swap3A_298], %broadcast_in_dim3A_13 {strides = array<i32>} : memref<2112xf32, #tpu.memory_space<vmem>>, vector<16xf32>,
    %swap3A_300 = arith.constant 2032 : index
    %swap3A_301 = tpu.vector_load %arg14[%swap3A_300] {strides = array<i32>} : memref<2112xf32, #tpu.memory_space<vmem>>, vector<16xf32>,
    tpu.vector_store %arg14[%swap3A_300], %broadcast_in_dim3A_13 {strides = array<i32>} : memref<2112xf32, #tpu.memory_space<vmem>>, vector<16xf32>,
    %swap3A_302 = arith.constant 2048 : index
    %swap3A_303 = tpu.vector_load %arg14[%swap3A_302] {strides = array<i32>} : memref<2112xf32, #tpu.memory_space<vmem>>, vector<16xf32>,
    tpu.vector_store %arg14[%swap3A_302], %broadcast_in_dim3A_13 {strides = array<i32>} : memref<2112xf32, #tpu.memory_space<vmem>>, vector<16xf32>,
    %swap3A_304 = arith.constant 2064 : index
    %swap3A_305 = tpu.vector_load %arg14[%swap3A_304] {strides = array<i32>} : memref<2112xf32, #tpu.memory_space<vmem>>, vector<16xf32>,
    tpu.vector_store %arg14[%swap3A_304], %broadcast_in_dim3A_13 {strides = array<i32>} : memref<2112xf32, #tpu.memory_space<vmem>>, vector<16xf32>,
    %swap3A_306 = arith.constant 2080 : index
    %swap3A_307 = tpu.vector_load %arg14[%swap3A_306] {strides = array<i32>} : memref<2112xf32, #tpu.memory_space<vmem>>, vector<16xf32>,
    tpu.vector_store %arg14[%swap3A_306], %broadcast_in_dim3A_13 {strides = array<i32>} : memref<2112xf32, #tpu.memory_space<vmem>>, vector<16xf32>,
    %swap3A_308 = arith.constant 2096 : index
    %swap3A_309 = tpu.vector_load %arg14[%swap3A_308] {strides = array<i32>} : memref<2112xf32, #tpu.memory_space<vmem>>, vector<16xf32>,
    tpu.vector_store %arg14[%swap3A_308], %broadcast_in_dim3A_13 {strides = array<i32>} : memref<2112xf32, #tpu.memory_space<vmem>>, vector<16xf32>,
    %swap3A_310 = arith.constant 0 : index
    %swap3A_311 = tpu.vector_load %arg15[%swap3A_310] {strides = array<i32>} : memref<528xf32, #tpu.memory_space<vmem>>, vector<16xf32>,
    tpu.vector_store %arg15[%swap3A_310], %broadcast_in_dim3A_13 {strides = array<i32>} : memref<528xf32, #tpu.memory_space<vmem>>, vector<16xf32>,
    %swap3A_312 = arith.constant 16 : index
    %swap3A_313 = tpu.vector_load %arg15[%swap3A_312] {strides = array<i32>} : memref<528xf32, #tpu.memory_space<vmem>>, vector<16xf32>,
    tpu.vector_store %arg15[%swap3A_312], %broadcast_in_dim3A_13 {strides = array<i32>} : memref<528xf32, #tpu.memory_space<vmem>>, vector<16xf32>,
    %swap3A_314 = arith.constant 32 : index
    %swap3A_315 = tpu.vector_load %arg15[%swap3A_314] {strides = array<i32>} : memref<528xf32, #tpu.memory_space<vmem>>, vector<16xf32>,
    tpu.vector_store %arg15[%swap3A_314], %broadcast_in_dim3A_13 {strides = array<i32>} : memref<528xf32, #tpu.memory_space<vmem>>, vector<16xf32>,
    %swap3A_316 = arith.constant 48 : index
    %swap3A_317 = tpu.vector_load %arg15[%swap3A_316] {strides = array<i32>} : memref<528xf32, #tpu.memory_space<vmem>>, vector<16xf32>,
    tpu.vector_store %arg15[%swap3A_316], %broadcast_in_dim3A_13 {strides = array<i32>} : memref<528xf32, #tpu.memory_space<vmem>>, vector<16xf32>,
    %swap3A_318 = arith.constant 64 : index
    %swap3A_319 = tpu.vector_load %arg15[%swap3A_318] {strides = array<i32>} : memref<528xf32, #tpu.memory_space<vmem>>, vector<16xf32>,
    tpu.vector_store %arg15[%swap3A_318], %broadcast_in_dim3A_13 {strides = array<i32>} : memref<528xf32, #tpu.memory_space<vmem>>, vector<16xf32>,
    %swap3A_320 = arith.constant 80 : index
    %swap3A_321 = tpu.vector_load %arg15[%swap3A_320] {strides = array<i32>} : memref<528xf32, #tpu.memory_space<vmem>>, vector<16xf32>,
    tpu.vector_store %arg15[%swap3A_320], %broadcast_in_dim3A_13 {strides = array<i32>} : memref<528xf32, #tpu.memory_space<vmem>>, vector<16xf32>,
    %swap3A_322 = arith.constant 96 : index
    %swap3A_323 = tpu.vector_load %arg15[%swap3A_322] {strides = array<i32>} : memref<528xf32, #tpu.memory_space<vmem>>, vector<16xf32>,
    tpu.vector_store %arg15[%swap3A_322], %broadcast_in_dim3A_13 {strides = array<i32>} : memref<528xf32, #tpu.memory_space<vmem>>, vector<16xf32>,
    %swap3A_324 = arith.constant 112 : index
    %swap3A_325 = tpu.vector_load %arg15[%swap3A_324] {strides = array<i32>} : memref<528xf32, #tpu.memory_space<vmem>>, vector<16xf32>,
    tpu.vector_store %arg15[%swap3A_324], %broadcast_in_dim3A_13 {strides = array<i32>} : memref<528xf32, #tpu.memory_space<vmem>>, vector<16xf32>,
    %swap3A_326 = arith.constant 128 : index
    %swap3A_327 = tpu.vector_load %arg15[%swap3A_326] {strides = array<i32>} : memref<528xf32, #tpu.memory_space<vmem>>, vector<16xf32>,
    tpu.vector_store %arg15[%swap3A_326], %broadcast_in_dim3A_13 {strides = array<i32>} : memref<528xf32, #tpu.memory_space<vmem>>, vector<16xf32>,
    %swap3A_328 = arith.constant 144 : index
    %swap3A_329 = tpu.vector_load %arg15[%swap3A_328] {strides = array<i32>} : memref<528xf32, #tpu.memory_space<vmem>>, vector<16xf32>,
    tpu.vector_store %arg15[%swap3A_328], %broadcast_in_dim3A_13 {strides = array<i32>} : memref<528xf32, #tpu.memory_space<vmem>>, vector<16xf32>,
    %swap3A_330 = arith.constant 160 : index
    %swap3A_331 = tpu.vector_load %arg15[%swap3A_330] {strides = array<i32>} : memref<528xf32, #tpu.memory_space<vmem>>, vector<16xf32>,
    tpu.vector_store %arg15[%swap3A_330], %broadcast_in_dim3A_13 {strides = array<i32>} : memref<528xf32, #tpu.memory_space<vmem>>, vector<16xf32>,
    %swap3A_332 = arith.constant 176 : index
    %swap3A_333 = tpu.vector_load %arg15[%swap3A_332] {strides = array<i32>} : memref<528xf32, #tpu.memory_space<vmem>>, vector<16xf32>,
    tpu.vector_store %arg15[%swap3A_332], %broadcast_in_dim3A_13 {strides = array<i32>} : memref<528xf32, #tpu.memory_space<vmem>>, vector<16xf32>,
    %swap3A_334 = arith.constant 192 : index
    %swap3A_335 = tpu.vector_load %arg15[%swap3A_334] {strides = array<i32>} : memref<528xf32, #tpu.memory_space<vmem>>, vector<16xf32>,
    tpu.vector_store %arg15[%swap3A_334], %broadcast_in_dim3A_13 {strides = array<i32>} : memref<528xf32, #tpu.memory_space<vmem>>, vector<16xf32>,
    %swap3A_336 = arith.constant 208 : index
    %swap3A_337 = tpu.vector_load %arg15[%swap3A_336] {strides = array<i32>} : memref<528xf32, #tpu.memory_space<vmem>>, vector<16xf32>,
    tpu.vector_store %arg15[%swap3A_336], %broadcast_in_dim3A_13 {strides = array<i32>} : memref<528xf32, #tpu.memory_space<vmem>>, vector<16xf32>,
    %swap3A_338 = arith.constant 224 : index
    %swap3A_339 = tpu.vector_load %arg15[%swap3A_338] {strides = array<i32>} : memref<528xf32, #tpu.memory_space<vmem>>, vector<16xf32>,
    tpu.vector_store %arg15[%swap3A_338], %broadcast_in_dim3A_13 {strides = array<i32>} : memref<528xf32, #tpu.memory_space<vmem>>, vector<16xf32>,
    %swap3A_340 = arith.constant 240 : index
    %swap3A_341 = tpu.vector_load %arg15[%swap3A_340] {strides = array<i32>} : memref<528xf32, #tpu.memory_space<vmem>>, vector<16xf32>,
    tpu.vector_store %arg15[%swap3A_340], %broadcast_in_dim3A_13 {strides = array<i32>} : memref<528xf32, #tpu.memory_space<vmem>>, vector<16xf32>,
    %swap3A_342 = arith.constant 256 : index
    %swap3A_343 = tpu.vector_load %arg15[%swap3A_342] {strides = array<i32>} : memref<528xf32, #tpu.memory_space<vmem>>, vector<16xf32>,
    tpu.vector_store %arg15[%swap3A_342], %broadcast_in_dim3A_13 {strides = array<i32>} : memref<528xf32, #tpu.memory_space<vmem>>, vector<16xf32>,
    %swap3A_344 = arith.constant 272 : index
    %swap3A_345 = tpu.vector_load %arg15[%swap3A_344] {strides = array<i32>} : memref<528xf32, #tpu.memory_space<vmem>>, vector<16xf32>,
    tpu.vector_store %arg15[%swap3A_344], %broadcast_in_dim3A_13 {strides = array<i32>} : memref<528xf32, #tpu.memory_space<vmem>>, vector<16xf32>,
    %swap3A_346 = arith.constant 288 : index
    %swap3A_347 = tpu.vector_load %arg15[%swap3A_346] {strides = array<i32>} : memref<528xf32, #tpu.memory_space<vmem>>, vector<16xf32>,
    tpu.vector_store %arg15[%swap3A_346], %broadcast_in_dim3A_13 {strides = array<i32>} : memref<528xf32, #tpu.memory_space<vmem>>, vector<16xf32>,
    %swap3A_348 = arith.constant 304 : index
    %swap3A_349 = tpu.vector_load %arg15[%swap3A_348] {strides = array<i32>} : memref<528xf32, #tpu.memory_space<vmem>>, vector<16xf32>,
    tpu.vector_store %arg15[%swap3A_348], %broadcast_in_dim3A_13 {strides = array<i32>} : memref<528xf32, #tpu.memory_space<vmem>>, vector<16xf32>,
    %swap3A_350 = arith.constant 320 : index
    %swap3A_351 = tpu.vector_load %arg15[%swap3A_350] {strides = array<i32>} : memref<528xf32, #tpu.memory_space<vmem>>, vector<16xf32>,
    tpu.vector_store %arg15[%swap3A_350], %broadcast_in_dim3A_13 {strides = array<i32>} : memref<528xf32, #tpu.memory_space<vmem>>, vector<16xf32>,
    %swap3A_352 = arith.constant 336 : index
    %swap3A_353 = tpu.vector_load %arg15[%swap3A_352] {strides = array<i32>} : memref<528xf32, #tpu.memory_space<vmem>>, vector<16xf32>,
    tpu.vector_store %arg15[%swap3A_352], %broadcast_in_dim3A_13 {strides = array<i32>} : memref<528xf32, #tpu.memory_space<vmem>>, vector<16xf32>,
    %swap3A_354 = arith.constant 352 : index
    %swap3A_355 = tpu.vector_load %arg15[%swap3A_354] {strides = array<i32>} : memref<528xf32, #tpu.memory_space<vmem>>, vector<16xf32>,
    tpu.vector_store %arg15[%swap3A_354], %broadcast_in_dim3A_13 {strides = array<i32>} : memref<528xf32, #tpu.memory_space<vmem>>, vector<16xf32>,
    %swap3A_356 = arith.constant 368 : index
    %swap3A_357 = tpu.vector_load %arg15[%swap3A_356] {strides = array<i32>} : memref<528xf32, #tpu.memory_space<vmem>>, vector<16xf32>,
    tpu.vector_store %arg15[%swap3A_356], %broadcast_in_dim3A_13 {strides = array<i32>} : memref<528xf32, #tpu.memory_space<vmem>>, vector<16xf32>,
    %swap3A_358 = arith.constant 384 : index
    %swap3A_359 = tpu.vector_load %arg15[%swap3A_358] {strides = array<i32>} : memref<528xf32, #tpu.memory_space<vmem>>, vector<16xf32>,
    tpu.vector_store %arg15[%swap3A_358], %broadcast_in_dim3A_13 {strides = array<i32>} : memref<528xf32, #tpu.memory_space<vmem>>, vector<16xf32>,
    %swap3A_360 = arith.constant 400 : index
    %swap3A_361 = tpu.vector_load %arg15[%swap3A_360] {strides = array<i32>} : memref<528xf32, #tpu.memory_space<vmem>>, vector<16xf32>,
    tpu.vector_store %arg15[%swap3A_360], %broadcast_in_dim3A_13 {strides = array<i32>} : memref<528xf32, #tpu.memory_space<vmem>>, vector<16xf32>,
    %swap3A_362 = arith.constant 416 : index
    %swap3A_363 = tpu.vector_load %arg15[%swap3A_362] {strides = array<i32>} : memref<528xf32, #tpu.memory_space<vmem>>, vector<16xf32>,
    tpu.vector_store %arg15[%swap3A_362], %broadcast_in_dim3A_13 {strides = array<i32>} : memref<528xf32, #tpu.memory_space<vmem>>, vector<16xf32>,
    %swap3A_364 = arith.constant 432 : index
    %swap3A_365 = tpu.vector_load %arg15[%swap3A_364] {strides = array<i32>} : memref<528xf32, #tpu.memory_space<vmem>>, vector<16xf32>,
    tpu.vector_store %arg15[%swap3A_364], %broadcast_in_dim3A_13 {strides = array<i32>} : memref<528xf32, #tpu.memory_space<vmem>>, vector<16xf32>,
    %swap3A_366 = arith.constant 448 : index
    %swap3A_367 = tpu.vector_load %arg15[%swap3A_366] {strides = array<i32>} : memref<528xf32, #tpu.memory_space<vmem>>, vector<16xf32>,
    tpu.vector_store %arg15[%swap3A_366], %broadcast_in_dim3A_13 {strides = array<i32>} : memref<528xf32, #tpu.memory_space<vmem>>, vector<16xf32>,
    %swap3A_368 = arith.constant 464 : index
    %swap3A_369 = tpu.vector_load %arg15[%swap3A_368] {strides = array<i32>} : memref<528xf32, #tpu.memory_space<vmem>>, vector<16xf32>,
    tpu.vector_store %arg15[%swap3A_368], %broadcast_in_dim3A_13 {strides = array<i32>} : memref<528xf32, #tpu.memory_space<vmem>>, vector<16xf32>,
    %swap3A_370 = arith.constant 480 : index
    %swap3A_371 = tpu.vector_load %arg15[%swap3A_370] {strides = array<i32>} : memref<528xf32, #tpu.memory_space<vmem>>, vector<16xf32>,
    tpu.vector_store %arg15[%swap3A_370], %broadcast_in_dim3A_13 {strides = array<i32>} : memref<528xf32, #tpu.memory_space<vmem>>, vector<16xf32>,
    %swap3A_372 = arith.constant 496 : index
    %swap3A_373 = tpu.vector_load %arg15[%swap3A_372] {strides = array<i32>} : memref<528xf32, #tpu.memory_space<vmem>>, vector<16xf32>,
    tpu.vector_store %arg15[%swap3A_372], %broadcast_in_dim3A_13 {strides = array<i32>} : memref<528xf32, #tpu.memory_space<vmem>>, vector<16xf32>,
    %swap3A_374 = arith.constant 512 : index
    %swap3A_375 = tpu.vector_load %arg15[%swap3A_374] {strides = array<i32>} : memref<528xf32, #tpu.memory_space<vmem>>, vector<16xf32>,
    tpu.vector_store %arg15[%swap3A_374], %broadcast_in_dim3A_13 {strides = array<i32>} : memref<528xf32, #tpu.memory_space<vmem>>, vector<16xf32>,
    %lt3A_376 = arith.constant 0 : i32
    %lt3A_377 = arith.constant 512 : i32
    %lt3A_378 = arith.cmpi slt, %lt3A_376, %lt3A_377 : i32
    %convert_element_type3A_379 = arith.extui %lt3A_378 : i1 to i32
    %cond3A = arith.constant 0 : i32
    %cond3A_380 = arith.constant 0 : i32
    %cond3A_381 = arith.cmpi ne, %convert_element_type3A_379, %cond3A_380 : i32
    %cond3A_382 = scf.if %cond3A_381 -> (i32) {
      "tpu.region"() ({
        %run_scoped3A = tpu.sem_alloc : memref<!tpu.dma_semaphore, #tpu.memory_space<semaphore_mem>>
        %dma_start3A = arith.constant 0 : i32
        %dma_start3A_875 = arith.constant 0 : i32
        %dma_start3A_876 = tpu.memref_slice %arg2[%select_n3A, %dma_start3A, %dma_start3A_875] : memref<8x20000x6xf32, #tpu.memory_space<hbm>> -> memref<1x4000x6xf32, #tpu.memory_space<hbm>>
        %dma_start3A_877 = tpu.memref_squeeze %dma_start3A_876 : memref<1x4000x6xf32, #tpu.memory_space<hbm>> -> memref<4000x6xf32, #tpu.memory_space<hbm>>
        %dma_start3A_878 = arith.constant 0 : i32
        %dma_start3A_879 = arith.constant 0 : i32
        %dma_start3A_880 = tpu.memref_slice %arg2[%select_n3A, %dma_start3A_878, %dma_start3A_879] : memref<8x20000x6xf32, #tpu.memory_space<hbm>> -> memref<1x4000x6xf32, #tpu.memory_space<hbm>>
        %dma_start3A_881 = tpu.memref_squeeze %dma_start3A_880 : memref<1x4000x6xf32, #tpu.memory_space<hbm>> -> memref<4000x6xf32, #tpu.memory_space<hbm>>
        tpu.enqueue_dma source(%dma_start3A_881 : memref<4000x6xf32, #tpu.memory_space<hbm>>) target(%arg13 : memref<4000x6xf32, #tpu.memory_space<vmem>>) target_semaphore(%run_scoped3A : memref<!tpu.dma_semaphore, #tpu.memory_space<semaphore_mem>>)
        %dma_wait3A = arith.constant 0 : i32
        %dma_wait3A_882 = arith.constant 0 : i32
        %dma_wait3A_883 = tpu.memref_slice %arg2[%select_n3A, %dma_wait3A, %dma_wait3A_882] : memref<8x20000x6xf32, #tpu.memory_space<hbm>> -> memref<1x4000x6xf32, #tpu.memory_space<hbm>>
        %dma_wait3A_884 = tpu.memref_squeeze %dma_wait3A_883 : memref<1x4000x6xf32, #tpu.memory_space<hbm>> -> memref<4000x6xf32, #tpu.memory_space<hbm>>
        %dma_wait3A_885 = arith.constant 0 : i32
        %dma_wait3A_886 = arith.constant 0 : i32
        %dma_wait3A_887 = tpu.memref_slice %arg2[%select_n3A, %dma_wait3A_885, %dma_wait3A_886] : memref<8x20000x6xf32, #tpu.memory_space<hbm>> -> memref<1x4000x6xf32, #tpu.memory_space<hbm>>
        %dma_wait3A_888 = tpu.memref_squeeze %dma_wait3A_887 : memref<1x4000x6xf32, #tpu.memory_space<hbm>> -> memref<4000x6xf32, #tpu.memory_space<hbm>>
        tpu.wait_dma2 semaphore(%run_scoped3A : memref<!tpu.dma_semaphore, #tpu.memory_space<semaphore_mem>>) src(%dma_wait3A_888 : memref<4000x6xf32, #tpu.memory_space<hbm>>) dst(%arg13 : memref<4000x6xf32, #tpu.memory_space<vmem>>)
        tpu.yield
      }) : () -> ()
      %scan3A = arith.constant 0 : i32
      %scan3A_870 = arith.constant 250 : i32
      %scan3A_871 = arith.addi %scan3A, %scan3A_870 : i32
      %scan3A_872 = arith.constant 1 : i32
      %scan3A_873 = scf.for %scan3A_875 = %scan3A to %scan3A_871 step %scan3A_872 iter_args(%scan3A_876 = %cond3A) -> (i32)  : i32 {
        %mul3A_877 = arith.constant 16 : i32
        %mul3A_878 = arith.muli %scan3A_875, %mul3A_877 : i32
        %add3A_879 = vector.broadcast %mul3A_878 : i32 to vector<16xi32>
        %add3A_880 = arith.addi %add3A_879, %iota3A : vector<16xi32>
        %gather3A = tpu.vector_load_idx %arg13[%add3A_880, %broadcast_in_dim3A_1] : memref<4000x6xf32, #tpu.memory_space<vmem>>[vector<16xi32>, vector<16xi32>], vector<16xf32>,
        %eq3A_881 = arith.cmpf oeq, %gather3A, %broadcast_in_dim3A_46 : vector<16xf32>
        %jit3A_882 = arith.constant 1 : i32
        %jit3A_883 = arith.constant 0 : i32
        %broadcast_in_dim3A_884 = vector.broadcast %jit3A_882 : i32 to vector<16xi32>
        %broadcast_in_dim3A_885 = vector.broadcast %jit3A_883 : i32 to vector<16xi32>
        %select_n3A_886 = arith.select %eq3A_881, %broadcast_in_dim3A_884, %broadcast_in_dim3A_885 : vector<16xi1>, vector<16xi32>
        %broadcast_in_dim3A_887 = arith.constant true
        %broadcast_in_dim3A_888 = vector.broadcast %broadcast_in_dim3A_887 : i1 to vector<16xi1>
        %masked_cumsum3A = tpu.scan <sum>, %select_n3A_886 masked %broadcast_in_dim3A_888 : vector<16xi32>, vector<16xi1> -> vector<16xi32>
        %add3A_889 = vector.broadcast %scan3A_876 : i32 to vector<16xi32>
        %add3A_890 = arith.addi %add3A_889, %masked_cumsum3A : vector<16xi32>
        %sub3A_891 = arith.constant 1 : i32
        %sub3A_892 = vector.broadcast %sub3A_891 : i32 to vector<16xi32>
        %sub3A_893 = arith.subi %add3A_890, %sub3A_892 : vector<16xi32>
        %lt3A_894 = arith.constant 512 : i32
        %lt3A_895 = vector.broadcast %lt3A_894 : i32 to vector<16xi32>
        %lt3A_896 = arith.cmpi slt, %sub3A_893, %lt3A_895 : vector<16xi32>
        %and3A_897 = arith.andi %eq3A_881, %lt3A_896 : vector<16xi1>
        %gather3A_898 = tpu.vector_load_idx %arg13[%add3A_880, %broadcast_in_dim3A_3] : memref<4000x6xf32, #tpu.memory_space<vmem>>[vector<16xi32>, vector<16xi32>], vector<16xf32>,
        tpu.vector_store_idx %arg15[%sub3A_893], %gather3A_898 masked %and3A_897 : memref<528xf32, #tpu.memory_space<vmem>>[vector<16xi32>], vector<16xf32>, vector<16xi1>
        %gather3A_899 = tpu.vector_load_idx %arg13[%add3A_880, %broadcast_in_dim3A_5] : memref<4000x6xf32, #tpu.memory_space<vmem>>[vector<16xi32>, vector<16xi32>], vector<16xf32>,
        %mul3A_900 = arith.constant 4 : i32
        %mul3A_901 = vector.broadcast %mul3A_900 : i32 to vector<16xi32>
        %mul3A_902 = arith.muli %mul3A_901, %sub3A_893 : vector<16xi32>
        %add3A_903 = arith.constant 0 : i32
        %add3A_904 = vector.broadcast %add3A_903 : i32 to vector<16xi32>
        %add3A_905 = arith.addi %mul3A_902, %add3A_904 : vector<16xi32>
        tpu.vector_store_idx %arg14[%add3A_905], %gather3A_899 masked %and3A_897 : memref<2112xf32, #tpu.memory_space<vmem>>[vector<16xi32>], vector<16xf32>, vector<16xi1>
        %gather3A_906 = tpu.vector_load_idx %arg13[%add3A_880, %broadcast_in_dim3A_7] : memref<4000x6xf32, #tpu.memory_space<vmem>>[vector<16xi32>, vector<16xi32>], vector<16xf32>,
        %mul3A_907 = arith.constant 4 : i32
        %mul3A_908 = vector.broadcast %mul3A_907 : i32 to vector<16xi32>
        %mul3A_909 = arith.muli %mul3A_908, %sub3A_893 : vector<16xi32>
        %add3A_910 = arith.constant 1 : i32
        %add3A_911 = vector.broadcast %add3A_910 : i32 to vector<16xi32>
        %add3A_912 = arith.addi %mul3A_909, %add3A_911 : vector<16xi32>
        tpu.vector_store_idx %arg14[%add3A_912], %gather3A_906 masked %and3A_897 : memref<2112xf32, #tpu.memory_space<vmem>>[vector<16xi32>], vector<16xf32>, vector<16xi1>
        %gather3A_913 = tpu.vector_load_idx %arg13[%add3A_880, %broadcast_in_dim3A_9] : memref<4000x6xf32, #tpu.memory_space<vmem>>[vector<16xi32>, vector<16xi32>], vector<16xf32>,
        %mul3A_914 = arith.constant 4 : i32
        %mul3A_915 = vector.broadcast %mul3A_914 : i32 to vector<16xi32>
        %mul3A_916 = arith.muli %mul3A_915, %sub3A_893 : vector<16xi32>
        %add3A_917 = arith.constant 2 : i32
        %add3A_918 = vector.broadcast %add3A_917 : i32 to vector<16xi32>
        %add3A_919 = arith.addi %mul3A_916, %add3A_918 : vector<16xi32>
        tpu.vector_store_idx %arg14[%add3A_919], %gather3A_913 masked %and3A_897 : memref<2112xf32, #tpu.memory_space<vmem>>[vector<16xi32>], vector<16xf32>, vector<16xi1>
        %gather3A_920 = tpu.vector_load_idx %arg13[%add3A_880, %broadcast_in_dim3A_11] : memref<4000x6xf32, #tpu.memory_space<vmem>>[vector<16xi32>, vector<16xi32>], vector<16xf32>,
        %mul3A_921 = arith.constant 4 : i32
        %mul3A_922 = vector.broadcast %mul3A_921 : i32 to vector<16xi32>
        %mul3A_923 = arith.muli %mul3A_922, %sub3A_893 : vector<16xi32>
        %add3A_924 = arith.constant 3 : i32
        %add3A_925 = vector.broadcast %add3A_924 : i32 to vector<16xi32>
        %add3A_926 = arith.addi %mul3A_923, %add3A_925 : vector<16xi32>
        tpu.vector_store_idx %arg14[%add3A_926], %gather3A_920 masked %and3A_897 : memref<2112xf32, #tpu.memory_space<vmem>>[vector<16xi32>], vector<16xf32>, vector<16xi1>
        %reduce_sum3A = arith.constant true
        %reduce_sum3A_927 = vector.broadcast %reduce_sum3A : i1 to vector<16xi1>
        %reduce_sum3A_928 = tpu.scan <sum>, %select_n3A_886 masked %reduce_sum3A_927 : vector<16xi32>, vector<16xi1> -> vector<16xi32>
        %reduce_sum3A_929 = vector.extract %reduce_sum3A_928[15] : i32 from vector<16xi32>
        %add3A_930 = arith.addi %scan3A_876, %reduce_sum3A_929 : i32
        scf.yield %add3A_930 : i32
      }
      %scan3A_874 = arith.constant 250 : i32
      scf.yield %scan3A_873 : i32
    } else {
      scf.yield %cond3A : i32
    }
    %lt3A_383 = arith.constant 512 : i32
    %lt3A_384 = arith.cmpi slt, %cond3A_382, %lt3A_383 : i32
    %convert_element_type3A_385 = arith.extui %lt3A_384 : i1 to i32
    %cond3A_386 = arith.constant 0 : i32
    %cond3A_387 = arith.cmpi ne, %convert_element_type3A_385, %cond3A_386 : i32
    %cond3A_388 = scf.if %cond3A_387 -> (i32) {
      "tpu.region"() ({
        %run_scoped3A = tpu.sem_alloc : memref<!tpu.dma_semaphore, #tpu.memory_space<semaphore_mem>>
        %dma_start3A = arith.constant 4000 : i32
        %dma_start3A_875 = arith.constant 0 : i32
        %dma_start3A_876 = tpu.memref_slice %arg2[%select_n3A, %dma_start3A, %dma_start3A_875] : memref<8x20000x6xf32, #tpu.memory_space<hbm>> -> memref<1x4000x6xf32, #tpu.memory_space<hbm>>
        %dma_start3A_877 = tpu.memref_squeeze %dma_start3A_876 : memref<1x4000x6xf32, #tpu.memory_space<hbm>> -> memref<4000x6xf32, #tpu.memory_space<hbm>>
        %dma_start3A_878 = arith.constant 4000 : i32
        %dma_start3A_879 = arith.constant 0 : i32
        %dma_start3A_880 = tpu.memref_slice %arg2[%select_n3A, %dma_start3A_878, %dma_start3A_879] : memref<8x20000x6xf32, #tpu.memory_space<hbm>> -> memref<1x4000x6xf32, #tpu.memory_space<hbm>>
        %dma_start3A_881 = tpu.memref_squeeze %dma_start3A_880 : memref<1x4000x6xf32, #tpu.memory_space<hbm>> -> memref<4000x6xf32, #tpu.memory_space<hbm>>
        tpu.enqueue_dma source(%dma_start3A_881 : memref<4000x6xf32, #tpu.memory_space<hbm>>) target(%arg13 : memref<4000x6xf32, #tpu.memory_space<vmem>>) target_semaphore(%run_scoped3A : memref<!tpu.dma_semaphore, #tpu.memory_space<semaphore_mem>>)
        %dma_wait3A = arith.constant 4000 : i32
        %dma_wait3A_882 = arith.constant 0 : i32
        %dma_wait3A_883 = tpu.memref_slice %arg2[%select_n3A, %dma_wait3A, %dma_wait3A_882] : memref<8x20000x6xf32, #tpu.memory_space<hbm>> -> memref<1x4000x6xf32, #tpu.memory_space<hbm>>
        %dma_wait3A_884 = tpu.memref_squeeze %dma_wait3A_883 : memref<1x4000x6xf32, #tpu.memory_space<hbm>> -> memref<4000x6xf32, #tpu.memory_space<hbm>>
        %dma_wait3A_885 = arith.constant 4000 : i32
        %dma_wait3A_886 = arith.constant 0 : i32
        %dma_wait3A_887 = tpu.memref_slice %arg2[%select_n3A, %dma_wait3A_885, %dma_wait3A_886] : memref<8x20000x6xf32, #tpu.memory_space<hbm>> -> memref<1x4000x6xf32, #tpu.memory_space<hbm>>
        %dma_wait3A_888 = tpu.memref_squeeze %dma_wait3A_887 : memref<1x4000x6xf32, #tpu.memory_space<hbm>> -> memref<4000x6xf32, #tpu.memory_space<hbm>>
        tpu.wait_dma2 semaphore(%run_scoped3A : memref<!tpu.dma_semaphore, #tpu.memory_space<semaphore_mem>>) src(%dma_wait3A_888 : memref<4000x6xf32, #tpu.memory_space<hbm>>) dst(%arg13 : memref<4000x6xf32, #tpu.memory_space<vmem>>)
        tpu.yield
      }) : () -> ()
      %scan3A = arith.constant 0 : i32
      %scan3A_870 = arith.constant 250 : i32
      %scan3A_871 = arith.addi %scan3A, %scan3A_870 : i32
      %scan3A_872 = arith.constant 1 : i32
      %scan3A_873 = scf.for %scan3A_875 = %scan3A to %scan3A_871 step %scan3A_872 iter_args(%scan3A_876 = %cond3A_382) -> (i32)  : i32 {
        %mul3A_877 = arith.constant 16 : i32
        %mul3A_878 = arith.muli %scan3A_875, %mul3A_877 : i32
        %add3A_879 = vector.broadcast %mul3A_878 : i32 to vector<16xi32>
        %add3A_880 = arith.addi %add3A_879, %iota3A : vector<16xi32>
        %gather3A = tpu.vector_load_idx %arg13[%add3A_880, %broadcast_in_dim3A_1] : memref<4000x6xf32, #tpu.memory_space<vmem>>[vector<16xi32>, vector<16xi32>], vector<16xf32>,
        %eq3A_881 = arith.cmpf oeq, %gather3A, %broadcast_in_dim3A_46 : vector<16xf32>
        %jit3A_882 = arith.constant 1 : i32
        %jit3A_883 = arith.constant 0 : i32
        %broadcast_in_dim3A_884 = vector.broadcast %jit3A_882 : i32 to vector<16xi32>
        %broadcast_in_dim3A_885 = vector.broadcast %jit3A_883 : i32 to vector<16xi32>
        %select_n3A_886 = arith.select %eq3A_881, %broadcast_in_dim3A_884, %broadcast_in_dim3A_885 : vector<16xi1>, vector<16xi32>
        %broadcast_in_dim3A_887 = arith.constant true
        %broadcast_in_dim3A_888 = vector.broadcast %broadcast_in_dim3A_887 : i1 to vector<16xi1>
        %masked_cumsum3A = tpu.scan <sum>, %select_n3A_886 masked %broadcast_in_dim3A_888 : vector<16xi32>, vector<16xi1> -> vector<16xi32>
        %add3A_889 = vector.broadcast %scan3A_876 : i32 to vector<16xi32>
        %add3A_890 = arith.addi %add3A_889, %masked_cumsum3A : vector<16xi32>
        %sub3A_891 = arith.constant 1 : i32
        %sub3A_892 = vector.broadcast %sub3A_891 : i32 to vector<16xi32>
        %sub3A_893 = arith.subi %add3A_890, %sub3A_892 : vector<16xi32>
        %lt3A_894 = arith.constant 512 : i32
        %lt3A_895 = vector.broadcast %lt3A_894 : i32 to vector<16xi32>
        %lt3A_896 = arith.cmpi slt, %sub3A_893, %lt3A_895 : vector<16xi32>
        %and3A_897 = arith.andi %eq3A_881, %lt3A_896 : vector<16xi1>
        %gather3A_898 = tpu.vector_load_idx %arg13[%add3A_880, %broadcast_in_dim3A_3] : memref<4000x6xf32, #tpu.memory_space<vmem>>[vector<16xi32>, vector<16xi32>], vector<16xf32>,
        tpu.vector_store_idx %arg15[%sub3A_893], %gather3A_898 masked %and3A_897 : memref<528xf32, #tpu.memory_space<vmem>>[vector<16xi32>], vector<16xf32>, vector<16xi1>
        %gather3A_899 = tpu.vector_load_idx %arg13[%add3A_880, %broadcast_in_dim3A_5] : memref<4000x6xf32, #tpu.memory_space<vmem>>[vector<16xi32>, vector<16xi32>], vector<16xf32>,
        %mul3A_900 = arith.constant 4 : i32
        %mul3A_901 = vector.broadcast %mul3A_900 : i32 to vector<16xi32>
        %mul3A_902 = arith.muli %mul3A_901, %sub3A_893 : vector<16xi32>
        %add3A_903 = arith.constant 0 : i32
        %add3A_904 = vector.broadcast %add3A_903 : i32 to vector<16xi32>
        %add3A_905 = arith.addi %mul3A_902, %add3A_904 : vector<16xi32>
        tpu.vector_store_idx %arg14[%add3A_905], %gather3A_899 masked %and3A_897 : memref<2112xf32, #tpu.memory_space<vmem>>[vector<16xi32>], vector<16xf32>, vector<16xi1>
        %gather3A_906 = tpu.vector_load_idx %arg13[%add3A_880, %broadcast_in_dim3A_7] : memref<4000x6xf32, #tpu.memory_space<vmem>>[vector<16xi32>, vector<16xi32>], vector<16xf32>,
        %mul3A_907 = arith.constant 4 : i32
        %mul3A_908 = vector.broadcast %mul3A_907 : i32 to vector<16xi32>
        %mul3A_909 = arith.muli %mul3A_908, %sub3A_893 : vector<16xi32>
        %add3A_910 = arith.constant 1 : i32
        %add3A_911 = vector.broadcast %add3A_910 : i32 to vector<16xi32>
        %add3A_912 = arith.addi %mul3A_909, %add3A_911 : vector<16xi32>
        tpu.vector_store_idx %arg14[%add3A_912], %gather3A_906 masked %and3A_897 : memref<2112xf32, #tpu.memory_space<vmem>>[vector<16xi32>], vector<16xf32>, vector<16xi1>
        %gather3A_913 = tpu.vector_load_idx %arg13[%add3A_880, %broadcast_in_dim3A_9] : memref<4000x6xf32, #tpu.memory_space<vmem>>[vector<16xi32>, vector<16xi32>], vector<16xf32>,
        %mul3A_914 = arith.constant 4 : i32
        %mul3A_915 = vector.broadcast %mul3A_914 : i32 to vector<16xi32>
        %mul3A_916 = arith.muli %mul3A_915, %sub3A_893 : vector<16xi32>
        %add3A_917 = arith.constant 2 : i32
        %add3A_918 = vector.broadcast %add3A_917 : i32 to vector<16xi32>
        %add3A_919 = arith.addi %mul3A_916, %add3A_918 : vector<16xi32>
        tpu.vector_store_idx %arg14[%add3A_919], %gather3A_913 masked %and3A_897 : memref<2112xf32, #tpu.memory_space<vmem>>[vector<16xi32>], vector<16xf32>, vector<16xi1>
        %gather3A_920 = tpu.vector_load_idx %arg13[%add3A_880, %broadcast_in_dim3A_11] : memref<4000x6xf32, #tpu.memory_space<vmem>>[vector<16xi32>, vector<16xi32>], vector<16xf32>,
        %mul3A_921 = arith.constant 4 : i32
        %mul3A_922 = vector.broadcast %mul3A_921 : i32 to vector<16xi32>
        %mul3A_923 = arith.muli %mul3A_922, %sub3A_893 : vector<16xi32>
        %add3A_924 = arith.constant 3 : i32
        %add3A_925 = vector.broadcast %add3A_924 : i32 to vector<16xi32>
        %add3A_926 = arith.addi %mul3A_923, %add3A_925 : vector<16xi32>
        tpu.vector_store_idx %arg14[%add3A_926], %gather3A_920 masked %and3A_897 : memref<2112xf32, #tpu.memory_space<vmem>>[vector<16xi32>], vector<16xf32>, vector<16xi1>
        %reduce_sum3A = arith.constant true
        %reduce_sum3A_927 = vector.broadcast %reduce_sum3A : i1 to vector<16xi1>
        %reduce_sum3A_928 = tpu.scan <sum>, %select_n3A_886 masked %reduce_sum3A_927 : vector<16xi32>, vector<16xi1> -> vector<16xi32>
        %reduce_sum3A_929 = vector.extract %reduce_sum3A_928[15] : i32 from vector<16xi32>
        %add3A_930 = arith.addi %scan3A_876, %reduce_sum3A_929 : i32
        scf.yield %add3A_930 : i32
      }
      %scan3A_874 = arith.constant 250 : i32
      scf.yield %scan3A_873 : i32
    } else {
      scf.yield %cond3A_382 : i32
    }
    %lt3A_389 = arith.constant 512 : i32
    %lt3A_390 = arith.cmpi slt, %cond3A_388, %lt3A_389 : i32
    %convert_element_type3A_391 = arith.extui %lt3A_390 : i1 to i32
    %cond3A_392 = arith.constant 0 : i32
    %cond3A_393 = arith.cmpi ne, %convert_element_type3A_391, %cond3A_392 : i32
    %cond3A_394 = scf.if %cond3A_393 -> (i32) {
      "tpu.region"() ({
        %run_scoped3A = tpu.sem_alloc : memref<!tpu.dma_semaphore, #tpu.memory_space<semaphore_mem>>
        %dma_start3A = arith.constant 8000 : i32
        %dma_start3A_875 = arith.constant 0 : i32
        %dma_start3A_876 = tpu.memref_slice %arg2[%select_n3A, %dma_start3A, %dma_start3A_875] : memref<8x20000x6xf32, #tpu.memory_space<hbm>> -> memref<1x4000x6xf32, #tpu.memory_space<hbm>>
        %dma_start3A_877 = tpu.memref_squeeze %dma_start3A_876 : memref<1x4000x6xf32, #tpu.memory_space<hbm>> -> memref<4000x6xf32, #tpu.memory_space<hbm>>
        %dma_start3A_878 = arith.constant 8000 : i32
        %dma_start3A_879 = arith.constant 0 : i32
        %dma_start3A_880 = tpu.memref_slice %arg2[%select_n3A, %dma_start3A_878, %dma_start3A_879] : memref<8x20000x6xf32, #tpu.memory_space<hbm>> -> memref<1x4000x6xf32, #tpu.memory_space<hbm>>
        %dma_start3A_881 = tpu.memref_squeeze %dma_start3A_880 : memref<1x4000x6xf32, #tpu.memory_space<hbm>> -> memref<4000x6xf32, #tpu.memory_space<hbm>>
        tpu.enqueue_dma source(%dma_start3A_881 : memref<4000x6xf32, #tpu.memory_space<hbm>>) target(%arg13 : memref<4000x6xf32, #tpu.memory_space<vmem>>) target_semaphore(%run_scoped3A : memref<!tpu.dma_semaphore, #tpu.memory_space<semaphore_mem>>)
        %dma_wait3A = arith.constant 8000 : i32
        %dma_wait3A_882 = arith.constant 0 : i32
        %dma_wait3A_883 = tpu.memref_slice %arg2[%select_n3A, %dma_wait3A, %dma_wait3A_882] : memref<8x20000x6xf32, #tpu.memory_space<hbm>> -> memref<1x4000x6xf32, #tpu.memory_space<hbm>>
        %dma_wait3A_884 = tpu.memref_squeeze %dma_wait3A_883 : memref<1x4000x6xf32, #tpu.memory_space<hbm>> -> memref<4000x6xf32, #tpu.memory_space<hbm>>
        %dma_wait3A_885 = arith.constant 8000 : i32
        %dma_wait3A_886 = arith.constant 0 : i32
        %dma_wait3A_887 = tpu.memref_slice %arg2[%select_n3A, %dma_wait3A_885, %dma_wait3A_886] : memref<8x20000x6xf32, #tpu.memory_space<hbm>> -> memref<1x4000x6xf32, #tpu.memory_space<hbm>>
        %dma_wait3A_888 = tpu.memref_squeeze %dma_wait3A_887 : memref<1x4000x6xf32, #tpu.memory_space<hbm>> -> memref<4000x6xf32, #tpu.memory_space<hbm>>
        tpu.wait_dma2 semaphore(%run_scoped3A : memref<!tpu.dma_semaphore, #tpu.memory_space<semaphore_mem>>) src(%dma_wait3A_888 : memref<4000x6xf32, #tpu.memory_space<hbm>>) dst(%arg13 : memref<4000x6xf32, #tpu.memory_space<vmem>>)
        tpu.yield
      }) : () -> ()
      %scan3A = arith.constant 0 : i32
      %scan3A_870 = arith.constant 250 : i32
      %scan3A_871 = arith.addi %scan3A, %scan3A_870 : i32
      %scan3A_872 = arith.constant 1 : i32
      %scan3A_873 = scf.for %scan3A_875 = %scan3A to %scan3A_871 step %scan3A_872 iter_args(%scan3A_876 = %cond3A_388) -> (i32)  : i32 {
        %mul3A_877 = arith.constant 16 : i32
        %mul3A_878 = arith.muli %scan3A_875, %mul3A_877 : i32
        %add3A_879 = vector.broadcast %mul3A_878 : i32 to vector<16xi32>
        %add3A_880 = arith.addi %add3A_879, %iota3A : vector<16xi32>
        %gather3A = tpu.vector_load_idx %arg13[%add3A_880, %broadcast_in_dim3A_1] : memref<4000x6xf32, #tpu.memory_space<vmem>>[vector<16xi32>, vector<16xi32>], vector<16xf32>,
        %eq3A_881 = arith.cmpf oeq, %gather3A, %broadcast_in_dim3A_46 : vector<16xf32>
        %jit3A_882 = arith.constant 1 : i32
        %jit3A_883 = arith.constant 0 : i32
        %broadcast_in_dim3A_884 = vector.broadcast %jit3A_882 : i32 to vector<16xi32>
        %broadcast_in_dim3A_885 = vector.broadcast %jit3A_883 : i32 to vector<16xi32>
        %select_n3A_886 = arith.select %eq3A_881, %broadcast_in_dim3A_884, %broadcast_in_dim3A_885 : vector<16xi1>, vector<16xi32>
        %broadcast_in_dim3A_887 = arith.constant true
        %broadcast_in_dim3A_888 = vector.broadcast %broadcast_in_dim3A_887 : i1 to vector<16xi1>
        %masked_cumsum3A = tpu.scan <sum>, %select_n3A_886 masked %broadcast_in_dim3A_888 : vector<16xi32>, vector<16xi1> -> vector<16xi32>
        %add3A_889 = vector.broadcast %scan3A_876 : i32 to vector<16xi32>
        %add3A_890 = arith.addi %add3A_889, %masked_cumsum3A : vector<16xi32>
        %sub3A_891 = arith.constant 1 : i32
        %sub3A_892 = vector.broadcast %sub3A_891 : i32 to vector<16xi32>
        %sub3A_893 = arith.subi %add3A_890, %sub3A_892 : vector<16xi32>
        %lt3A_894 = arith.constant 512 : i32
        %lt3A_895 = vector.broadcast %lt3A_894 : i32 to vector<16xi32>
        %lt3A_896 = arith.cmpi slt, %sub3A_893, %lt3A_895 : vector<16xi32>
        %and3A_897 = arith.andi %eq3A_881, %lt3A_896 : vector<16xi1>
        %gather3A_898 = tpu.vector_load_idx %arg13[%add3A_880, %broadcast_in_dim3A_3] : memref<4000x6xf32, #tpu.memory_space<vmem>>[vector<16xi32>, vector<16xi32>], vector<16xf32>,
        tpu.vector_store_idx %arg15[%sub3A_893], %gather3A_898 masked %and3A_897 : memref<528xf32, #tpu.memory_space<vmem>>[vector<16xi32>], vector<16xf32>, vector<16xi1>
        %gather3A_899 = tpu.vector_load_idx %arg13[%add3A_880, %broadcast_in_dim3A_5] : memref<4000x6xf32, #tpu.memory_space<vmem>>[vector<16xi32>, vector<16xi32>], vector<16xf32>,
        %mul3A_900 = arith.constant 4 : i32
        %mul3A_901 = vector.broadcast %mul3A_900 : i32 to vector<16xi32>
        %mul3A_902 = arith.muli %mul3A_901, %sub3A_893 : vector<16xi32>
        %add3A_903 = arith.constant 0 : i32
        %add3A_904 = vector.broadcast %add3A_903 : i32 to vector<16xi32>
        %add3A_905 = arith.addi %mul3A_902, %add3A_904 : vector<16xi32>
        tpu.vector_store_idx %arg14[%add3A_905], %gather3A_899 masked %and3A_897 : memref<2112xf32, #tpu.memory_space<vmem>>[vector<16xi32>], vector<16xf32>, vector<16xi1>
        %gather3A_906 = tpu.vector_load_idx %arg13[%add3A_880, %broadcast_in_dim3A_7] : memref<4000x6xf32, #tpu.memory_space<vmem>>[vector<16xi32>, vector<16xi32>], vector<16xf32>,
        %mul3A_907 = arith.constant 4 : i32
        %mul3A_908 = vector.broadcast %mul3A_907 : i32 to vector<16xi32>
        %mul3A_909 = arith.muli %mul3A_908, %sub3A_893 : vector<16xi32>
        %add3A_910 = arith.constant 1 : i32
        %add3A_911 = vector.broadcast %add3A_910 : i32 to vector<16xi32>
        %add3A_912 = arith.addi %mul3A_909, %add3A_911 : vector<16xi32>
        tpu.vector_store_idx %arg14[%add3A_912], %gather3A_906 masked %and3A_897 : memref<2112xf32, #tpu.memory_space<vmem>>[vector<16xi32>], vector<16xf32>, vector<16xi1>
        %gather3A_913 = tpu.vector_load_idx %arg13[%add3A_880, %broadcast_in_dim3A_9] : memref<4000x6xf32, #tpu.memory_space<vmem>>[vector<16xi32>, vector<16xi32>], vector<16xf32>,
        %mul3A_914 = arith.constant 4 : i32
        %mul3A_915 = vector.broadcast %mul3A_914 : i32 to vector<16xi32>
        %mul3A_916 = arith.muli %mul3A_915, %sub3A_893 : vector<16xi32>
        %add3A_917 = arith.constant 2 : i32
        %add3A_918 = vector.broadcast %add3A_917 : i32 to vector<16xi32>
        %add3A_919 = arith.addi %mul3A_916, %add3A_918 : vector<16xi32>
        tpu.vector_store_idx %arg14[%add3A_919], %gather3A_913 masked %and3A_897 : memref<2112xf32, #tpu.memory_space<vmem>>[vector<16xi32>], vector<16xf32>, vector<16xi1>
        %gather3A_920 = tpu.vector_load_idx %arg13[%add3A_880, %broadcast_in_dim3A_11] : memref<4000x6xf32, #tpu.memory_space<vmem>>[vector<16xi32>, vector<16xi32>], vector<16xf32>,
        %mul3A_921 = arith.constant 4 : i32
        %mul3A_922 = vector.broadcast %mul3A_921 : i32 to vector<16xi32>
        %mul3A_923 = arith.muli %mul3A_922, %sub3A_893 : vector<16xi32>
        %add3A_924 = arith.constant 3 : i32
        %add3A_925 = vector.broadcast %add3A_924 : i32 to vector<16xi32>
        %add3A_926 = arith.addi %mul3A_923, %add3A_925 : vector<16xi32>
        tpu.vector_store_idx %arg14[%add3A_926], %gather3A_920 masked %and3A_897 : memref<2112xf32, #tpu.memory_space<vmem>>[vector<16xi32>], vector<16xf32>, vector<16xi1>
        %reduce_sum3A = arith.constant true
        %reduce_sum3A_927 = vector.broadcast %reduce_sum3A : i1 to vector<16xi1>
        %reduce_sum3A_928 = tpu.scan <sum>, %select_n3A_886 masked %reduce_sum3A_927 : vector<16xi32>, vector<16xi1> -> vector<16xi32>
        %reduce_sum3A_929 = vector.extract %reduce_sum3A_928[15] : i32 from vector<16xi32>
        %add3A_930 = arith.addi %scan3A_876, %reduce_sum3A_929 : i32
        scf.yield %add3A_930 : i32
      }
      %scan3A_874 = arith.constant 250 : i32
      scf.yield %scan3A_873 : i32
    } else {
      scf.yield %cond3A_388 : i32
    }
    %lt3A_395 = arith.constant 512 : i32
    %lt3A_396 = arith.cmpi slt, %cond3A_394, %lt3A_395 : i32
    %convert_element_type3A_397 = arith.extui %lt3A_396 : i1 to i32
    %cond3A_398 = arith.constant 0 : i32
    %cond3A_399 = arith.cmpi ne, %convert_element_type3A_397, %cond3A_398 : i32
    %cond3A_400 = scf.if %cond3A_399 -> (i32) {
      "tpu.region"() ({
        %run_scoped3A = tpu.sem_alloc : memref<!tpu.dma_semaphore, #tpu.memory_space<semaphore_mem>>
        %dma_start3A = arith.constant 12000 : i32
        %dma_start3A_875 = arith.constant 0 : i32
        %dma_start3A_876 = tpu.memref_slice %arg2[%select_n3A, %dma_start3A, %dma_start3A_875] : memref<8x20000x6xf32, #tpu.memory_space<hbm>> -> memref<1x4000x6xf32, #tpu.memory_space<hbm>>
        %dma_start3A_877 = tpu.memref_squeeze %dma_start3A_876 : memref<1x4000x6xf32, #tpu.memory_space<hbm>> -> memref<4000x6xf32, #tpu.memory_space<hbm>>
        %dma_start3A_878 = arith.constant 12000 : i32
        %dma_start3A_879 = arith.constant 0 : i32
        %dma_start3A_880 = tpu.memref_slice %arg2[%select_n3A, %dma_start3A_878, %dma_start3A_879] : memref<8x20000x6xf32, #tpu.memory_space<hbm>> -> memref<1x4000x6xf32, #tpu.memory_space<hbm>>
        %dma_start3A_881 = tpu.memref_squeeze %dma_start3A_880 : memref<1x4000x6xf32, #tpu.memory_space<hbm>> -> memref<4000x6xf32, #tpu.memory_space<hbm>>
        tpu.enqueue_dma source(%dma_start3A_881 : memref<4000x6xf32, #tpu.memory_space<hbm>>) target(%arg13 : memref<4000x6xf32, #tpu.memory_space<vmem>>) target_semaphore(%run_scoped3A : memref<!tpu.dma_semaphore, #tpu.memory_space<semaphore_mem>>)
        %dma_wait3A = arith.constant 12000 : i32
        %dma_wait3A_882 = arith.constant 0 : i32
        %dma_wait3A_883 = tpu.memref_slice %arg2[%select_n3A, %dma_wait3A, %dma_wait3A_882] : memref<8x20000x6xf32, #tpu.memory_space<hbm>> -> memref<1x4000x6xf32, #tpu.memory_space<hbm>>
        %dma_wait3A_884 = tpu.memref_squeeze %dma_wait3A_883 : memref<1x4000x6xf32, #tpu.memory_space<hbm>> -> memref<4000x6xf32, #tpu.memory_space<hbm>>
        %dma_wait3A_885 = arith.constant 12000 : i32
        %dma_wait3A_886 = arith.constant 0 : i32
        %dma_wait3A_887 = tpu.memref_slice %arg2[%select_n3A, %dma_wait3A_885, %dma_wait3A_886] : memref<8x20000x6xf32, #tpu.memory_space<hbm>> -> memref<1x4000x6xf32, #tpu.memory_space<hbm>>
        %dma_wait3A_888 = tpu.memref_squeeze %dma_wait3A_887 : memref<1x4000x6xf32, #tpu.memory_space<hbm>> -> memref<4000x6xf32, #tpu.memory_space<hbm>>
        tpu.wait_dma2 semaphore(%run_scoped3A : memref<!tpu.dma_semaphore, #tpu.memory_space<semaphore_mem>>) src(%dma_wait3A_888 : memref<4000x6xf32, #tpu.memory_space<hbm>>) dst(%arg13 : memref<4000x6xf32, #tpu.memory_space<vmem>>)
        tpu.yield
      }) : () -> ()
      %scan3A = arith.constant 0 : i32
      %scan3A_870 = arith.constant 250 : i32
      %scan3A_871 = arith.addi %scan3A, %scan3A_870 : i32
      %scan3A_872 = arith.constant 1 : i32
      %scan3A_873 = scf.for %scan3A_875 = %scan3A to %scan3A_871 step %scan3A_872 iter_args(%scan3A_876 = %cond3A_394) -> (i32)  : i32 {
        %mul3A_877 = arith.constant 16 : i32
        %mul3A_878 = arith.muli %scan3A_875, %mul3A_877 : i32
        %add3A_879 = vector.broadcast %mul3A_878 : i32 to vector<16xi32>
        %add3A_880 = arith.addi %add3A_879, %iota3A : vector<16xi32>
        %gather3A = tpu.vector_load_idx %arg13[%add3A_880, %broadcast_in_dim3A_1] : memref<4000x6xf32, #tpu.memory_space<vmem>>[vector<16xi32>, vector<16xi32>], vector<16xf32>,
        %eq3A_881 = arith.cmpf oeq, %gather3A, %broadcast_in_dim3A_46 : vector<16xf32>
        %jit3A_882 = arith.constant 1 : i32
        %jit3A_883 = arith.constant 0 : i32
        %broadcast_in_dim3A_884 = vector.broadcast %jit3A_882 : i32 to vector<16xi32>
        %broadcast_in_dim3A_885 = vector.broadcast %jit3A_883 : i32 to vector<16xi32>
        %select_n3A_886 = arith.select %eq3A_881, %broadcast_in_dim3A_884, %broadcast_in_dim3A_885 : vector<16xi1>, vector<16xi32>
        %broadcast_in_dim3A_887 = arith.constant true
        %broadcast_in_dim3A_888 = vector.broadcast %broadcast_in_dim3A_887 : i1 to vector<16xi1>
        %masked_cumsum3A = tpu.scan <sum>, %select_n3A_886 masked %broadcast_in_dim3A_888 : vector<16xi32>, vector<16xi1> -> vector<16xi32>
        %add3A_889 = vector.broadcast %scan3A_876 : i32 to vector<16xi32>
        %add3A_890 = arith.addi %add3A_889, %masked_cumsum3A : vector<16xi32>
        %sub3A_891 = arith.constant 1 : i32
        %sub3A_892 = vector.broadcast %sub3A_891 : i32 to vector<16xi32>
        %sub3A_893 = arith.subi %add3A_890, %sub3A_892 : vector<16xi32>
        %lt3A_894 = arith.constant 512 : i32
        %lt3A_895 = vector.broadcast %lt3A_894 : i32 to vector<16xi32>
        %lt3A_896 = arith.cmpi slt, %sub3A_893, %lt3A_895 : vector<16xi32>
        %and3A_897 = arith.andi %eq3A_881, %lt3A_896 : vector<16xi1>
        %gather3A_898 = tpu.vector_load_idx %arg13[%add3A_880, %broadcast_in_dim3A_3] : memref<4000x6xf32, #tpu.memory_space<vmem>>[vector<16xi32>, vector<16xi32>], vector<16xf32>,
        tpu.vector_store_idx %arg15[%sub3A_893], %gather3A_898 masked %and3A_897 : memref<528xf32, #tpu.memory_space<vmem>>[vector<16xi32>], vector<16xf32>, vector<16xi1>
        %gather3A_899 = tpu.vector_load_idx %arg13[%add3A_880, %broadcast_in_dim3A_5] : memref<4000x6xf32, #tpu.memory_space<vmem>>[vector<16xi32>, vector<16xi32>], vector<16xf32>,
        %mul3A_900 = arith.constant 4 : i32
        %mul3A_901 = vector.broadcast %mul3A_900 : i32 to vector<16xi32>
        %mul3A_902 = arith.muli %mul3A_901, %sub3A_893 : vector<16xi32>
        %add3A_903 = arith.constant 0 : i32
        %add3A_904 = vector.broadcast %add3A_903 : i32 to vector<16xi32>
        %add3A_905 = arith.addi %mul3A_902, %add3A_904 : vector<16xi32>
        tpu.vector_store_idx %arg14[%add3A_905], %gather3A_899 masked %and3A_897 : memref<2112xf32, #tpu.memory_space<vmem>>[vector<16xi32>], vector<16xf32>, vector<16xi1>
        %gather3A_906 = tpu.vector_load_idx %arg13[%add3A_880, %broadcast_in_dim3A_7] : memref<4000x6xf32, #tpu.memory_space<vmem>>[vector<16xi32>, vector<16xi32>], vector<16xf32>,
        %mul3A_907 = arith.constant 4 : i32
        %mul3A_908 = vector.broadcast %mul3A_907 : i32 to vector<16xi32>
        %mul3A_909 = arith.muli %mul3A_908, %sub3A_893 : vector<16xi32>
        %add3A_910 = arith.constant 1 : i32
        %add3A_911 = vector.broadcast %add3A_910 : i32 to vector<16xi32>
        %add3A_912 = arith.addi %mul3A_909, %add3A_911 : vector<16xi32>
        tpu.vector_store_idx %arg14[%add3A_912], %gather3A_906 masked %and3A_897 : memref<2112xf32, #tpu.memory_space<vmem>>[vector<16xi32>], vector<16xf32>, vector<16xi1>
        %gather3A_913 = tpu.vector_load_idx %arg13[%add3A_880, %broadcast_in_dim3A_9] : memref<4000x6xf32, #tpu.memory_space<vmem>>[vector<16xi32>, vector<16xi32>], vector<16xf32>,
        %mul3A_914 = arith.constant 4 : i32
        %mul3A_915 = vector.broadcast %mul3A_914 : i32 to vector<16xi32>
        %mul3A_916 = arith.muli %mul3A_915, %sub3A_893 : vector<16xi32>
        %add3A_917 = arith.constant 2 : i32
        %add3A_918 = vector.broadcast %add3A_917 : i32 to vector<16xi32>
        %add3A_919 = arith.addi %mul3A_916, %add3A_918 : vector<16xi32>
        tpu.vector_store_idx %arg14[%add3A_919], %gather3A_913 masked %and3A_897 : memref<2112xf32, #tpu.memory_space<vmem>>[vector<16xi32>], vector<16xf32>, vector<16xi1>
        %gather3A_920 = tpu.vector_load_idx %arg13[%add3A_880, %broadcast_in_dim3A_11] : memref<4000x6xf32, #tpu.memory_space<vmem>>[vector<16xi32>, vector<16xi32>], vector<16xf32>,
        %mul3A_921 = arith.constant 4 : i32
        %mul3A_922 = vector.broadcast %mul3A_921 : i32 to vector<16xi32>
        %mul3A_923 = arith.muli %mul3A_922, %sub3A_893 : vector<16xi32>
        %add3A_924 = arith.constant 3 : i32
        %add3A_925 = vector.broadcast %add3A_924 : i32 to vector<16xi32>
        %add3A_926 = arith.addi %mul3A_923, %add3A_925 : vector<16xi32>
        tpu.vector_store_idx %arg14[%add3A_926], %gather3A_920 masked %and3A_897 : memref<2112xf32, #tpu.memory_space<vmem>>[vector<16xi32>], vector<16xf32>, vector<16xi1>
        %reduce_sum3A = arith.constant true
        %reduce_sum3A_927 = vector.broadcast %reduce_sum3A : i1 to vector<16xi1>
        %reduce_sum3A_928 = tpu.scan <sum>, %select_n3A_886 masked %reduce_sum3A_927 : vector<16xi32>, vector<16xi1> -> vector<16xi32>
        %reduce_sum3A_929 = vector.extract %reduce_sum3A_928[15] : i32 from vector<16xi32>
        %add3A_930 = arith.addi %scan3A_876, %reduce_sum3A_929 : i32
        scf.yield %add3A_930 : i32
      }
      %scan3A_874 = arith.constant 250 : i32
      scf.yield %scan3A_873 : i32
    } else {
      scf.yield %cond3A_394 : i32
    }
    %lt3A_401 = arith.constant 512 : i32
    %lt3A_402 = arith.cmpi slt, %cond3A_400, %lt3A_401 : i32
    %convert_element_type3A_403 = arith.extui %lt3A_402 : i1 to i32
    %cond3A_404 = arith.constant 0 : i32
    %cond3A_405 = arith.cmpi ne, %convert_element_type3A_403, %cond3A_404 : i32
    %cond3A_406 = scf.if %cond3A_405 -> (i32) {
      "tpu.region"() ({
        %run_scoped3A = tpu.sem_alloc : memref<!tpu.dma_semaphore, #tpu.memory_space<semaphore_mem>>
        %dma_start3A = arith.constant 16000 : i32
        %dma_start3A_875 = arith.constant 0 : i32
        %dma_start3A_876 = tpu.memref_slice %arg2[%select_n3A, %dma_start3A, %dma_start3A_875] : memref<8x20000x6xf32, #tpu.memory_space<hbm>> -> memref<1x4000x6xf32, #tpu.memory_space<hbm>>
        %dma_start3A_877 = tpu.memref_squeeze %dma_start3A_876 : memref<1x4000x6xf32, #tpu.memory_space<hbm>> -> memref<4000x6xf32, #tpu.memory_space<hbm>>
        %dma_start3A_878 = arith.constant 16000 : i32
        %dma_start3A_879 = arith.constant 0 : i32
        %dma_start3A_880 = tpu.memref_slice %arg2[%select_n3A, %dma_start3A_878, %dma_start3A_879] : memref<8x20000x6xf32, #tpu.memory_space<hbm>> -> memref<1x4000x6xf32, #tpu.memory_space<hbm>>
        %dma_start3A_881 = tpu.memref_squeeze %dma_start3A_880 : memref<1x4000x6xf32, #tpu.memory_space<hbm>> -> memref<4000x6xf32, #tpu.memory_space<hbm>>
        tpu.enqueue_dma source(%dma_start3A_881 : memref<4000x6xf32, #tpu.memory_space<hbm>>) target(%arg13 : memref<4000x6xf32, #tpu.memory_space<vmem>>) target_semaphore(%run_scoped3A : memref<!tpu.dma_semaphore, #tpu.memory_space<semaphore_mem>>)
        %dma_wait3A = arith.constant 16000 : i32
        %dma_wait3A_882 = arith.constant 0 : i32
        %dma_wait3A_883 = tpu.memref_slice %arg2[%select_n3A, %dma_wait3A, %dma_wait3A_882] : memref<8x20000x6xf32, #tpu.memory_space<hbm>> -> memref<1x4000x6xf32, #tpu.memory_space<hbm>>
        %dma_wait3A_884 = tpu.memref_squeeze %dma_wait3A_883 : memref<1x4000x6xf32, #tpu.memory_space<hbm>> -> memref<4000x6xf32, #tpu.memory_space<hbm>>
        %dma_wait3A_885 = arith.constant 16000 : i32
        %dma_wait3A_886 = arith.constant 0 : i32
        %dma_wait3A_887 = tpu.memref_slice %arg2[%select_n3A, %dma_wait3A_885, %dma_wait3A_886] : memref<8x20000x6xf32, #tpu.memory_space<hbm>> -> memref<1x4000x6xf32, #tpu.memory_space<hbm>>
        %dma_wait3A_888 = tpu.memref_squeeze %dma_wait3A_887 : memref<1x4000x6xf32, #tpu.memory_space<hbm>> -> memref<4000x6xf32, #tpu.memory_space<hbm>>
        tpu.wait_dma2 semaphore(%run_scoped3A : memref<!tpu.dma_semaphore, #tpu.memory_space<semaphore_mem>>) src(%dma_wait3A_888 : memref<4000x6xf32, #tpu.memory_space<hbm>>) dst(%arg13 : memref<4000x6xf32, #tpu.memory_space<vmem>>)
        tpu.yield
      }) : () -> ()
      %scan3A = arith.constant 0 : i32
      %scan3A_870 = arith.constant 250 : i32
      %scan3A_871 = arith.addi %scan3A, %scan3A_870 : i32
      %scan3A_872 = arith.constant 1 : i32
      %scan3A_873 = scf.for %scan3A_875 = %scan3A to %scan3A_871 step %scan3A_872 iter_args(%scan3A_876 = %cond3A_400) -> (i32)  : i32 {
        %mul3A_877 = arith.constant 16 : i32
        %mul3A_878 = arith.muli %scan3A_875, %mul3A_877 : i32
        %add3A_879 = vector.broadcast %mul3A_878 : i32 to vector<16xi32>
        %add3A_880 = arith.addi %add3A_879, %iota3A : vector<16xi32>
        %gather3A = tpu.vector_load_idx %arg13[%add3A_880, %broadcast_in_dim3A_1] : memref<4000x6xf32, #tpu.memory_space<vmem>>[vector<16xi32>, vector<16xi32>], vector<16xf32>,
        %eq3A_881 = arith.cmpf oeq, %gather3A, %broadcast_in_dim3A_46 : vector<16xf32>
        %jit3A_882 = arith.constant 1 : i32
        %jit3A_883 = arith.constant 0 : i32
        %broadcast_in_dim3A_884 = vector.broadcast %jit3A_882 : i32 to vector<16xi32>
        %broadcast_in_dim3A_885 = vector.broadcast %jit3A_883 : i32 to vector<16xi32>
        %select_n3A_886 = arith.select %eq3A_881, %broadcast_in_dim3A_884, %broadcast_in_dim3A_885 : vector<16xi1>, vector<16xi32>
        %broadcast_in_dim3A_887 = arith.constant true
        %broadcast_in_dim3A_888 = vector.broadcast %broadcast_in_dim3A_887 : i1 to vector<16xi1>
        %masked_cumsum3A = tpu.scan <sum>, %select_n3A_886 masked %broadcast_in_dim3A_888 : vector<16xi32>, vector<16xi1> -> vector<16xi32>
        %add3A_889 = vector.broadcast %scan3A_876 : i32 to vector<16xi32>
        %add3A_890 = arith.addi %add3A_889, %masked_cumsum3A : vector<16xi32>
        %sub3A_891 = arith.constant 1 : i32
        %sub3A_892 = vector.broadcast %sub3A_891 : i32 to vector<16xi32>
        %sub3A_893 = arith.subi %add3A_890, %sub3A_892 : vector<16xi32>
        %lt3A_894 = arith.constant 512 : i32
        %lt3A_895 = vector.broadcast %lt3A_894 : i32 to vector<16xi32>
        %lt3A_896 = arith.cmpi slt, %sub3A_893, %lt3A_895 : vector<16xi32>
        %and3A_897 = arith.andi %eq3A_881, %lt3A_896 : vector<16xi1>
        %gather3A_898 = tpu.vector_load_idx %arg13[%add3A_880, %broadcast_in_dim3A_3] : memref<4000x6xf32, #tpu.memory_space<vmem>>[vector<16xi32>, vector<16xi32>], vector<16xf32>,
        tpu.vector_store_idx %arg15[%sub3A_893], %gather3A_898 masked %and3A_897 : memref<528xf32, #tpu.memory_space<vmem>>[vector<16xi32>], vector<16xf32>, vector<16xi1>
        %gather3A_899 = tpu.vector_load_idx %arg13[%add3A_880, %broadcast_in_dim3A_5] : memref<4000x6xf32, #tpu.memory_space<vmem>>[vector<16xi32>, vector<16xi32>], vector<16xf32>,
        %mul3A_900 = arith.constant 4 : i32
        %mul3A_901 = vector.broadcast %mul3A_900 : i32 to vector<16xi32>
        %mul3A_902 = arith.muli %mul3A_901, %sub3A_893 : vector<16xi32>
        %add3A_903 = arith.constant 0 : i32
        %add3A_904 = vector.broadcast %add3A_903 : i32 to vector<16xi32>
        %add3A_905 = arith.addi %mul3A_902, %add3A_904 : vector<16xi32>
        tpu.vector_store_idx %arg14[%add3A_905], %gather3A_899 masked %and3A_897 : memref<2112xf32, #tpu.memory_space<vmem>>[vector<16xi32>], vector<16xf32>, vector<16xi1>
        %gather3A_906 = tpu.vector_load_idx %arg13[%add3A_880, %broadcast_in_dim3A_7] : memref<4000x6xf32, #tpu.memory_space<vmem>>[vector<16xi32>, vector<16xi32>], vector<16xf32>,
        %mul3A_907 = arith.constant 4 : i32
        %mul3A_908 = vector.broadcast %mul3A_907 : i32 to vector<16xi32>
        %mul3A_909 = arith.muli %mul3A_908, %sub3A_893 : vector<16xi32>
        %add3A_910 = arith.constant 1 : i32
        %add3A_911 = vector.broadcast %add3A_910 : i32 to vector<16xi32>
        %add3A_912 = arith.addi %mul3A_909, %add3A_911 : vector<16xi32>
        tpu.vector_store_idx %arg14[%add3A_912], %gather3A_906 masked %and3A_897 : memref<2112xf32, #tpu.memory_space<vmem>>[vector<16xi32>], vector<16xf32>, vector<16xi1>
        %gather3A_913 = tpu.vector_load_idx %arg13[%add3A_880, %broadcast_in_dim3A_9] : memref<4000x6xf32, #tpu.memory_space<vmem>>[vector<16xi32>, vector<16xi32>], vector<16xf32>,
        %mul3A_914 = arith.constant 4 : i32
        %mul3A_915 = vector.broadcast %mul3A_914 : i32 to vector<16xi32>
        %mul3A_916 = arith.muli %mul3A_915, %sub3A_893 : vector<16xi32>
        %add3A_917 = arith.constant 2 : i32
        %add3A_918 = vector.broadcast %add3A_917 : i32 to vector<16xi32>
        %add3A_919 = arith.addi %mul3A_916, %add3A_918 : vector<16xi32>
        tpu.vector_store_idx %arg14[%add3A_919], %gather3A_913 masked %and3A_897 : memref<2112xf32, #tpu.memory_space<vmem>>[vector<16xi32>], vector<16xf32>, vector<16xi1>
        %gather3A_920 = tpu.vector_load_idx %arg13[%add3A_880, %broadcast_in_dim3A_11] : memref<4000x6xf32, #tpu.memory_space<vmem>>[vector<16xi32>, vector<16xi32>], vector<16xf32>,
        %mul3A_921 = arith.constant 4 : i32
        %mul3A_922 = vector.broadcast %mul3A_921 : i32 to vector<16xi32>
        %mul3A_923 = arith.muli %mul3A_922, %sub3A_893 : vector<16xi32>
        %add3A_924 = arith.constant 3 : i32
        %add3A_925 = vector.broadcast %add3A_924 : i32 to vector<16xi32>
        %add3A_926 = arith.addi %mul3A_923, %add3A_925 : vector<16xi32>
        tpu.vector_store_idx %arg14[%add3A_926], %gather3A_920 masked %and3A_897 : memref<2112xf32, #tpu.memory_space<vmem>>[vector<16xi32>], vector<16xf32>, vector<16xi1>
        %reduce_sum3A = arith.constant true
        %reduce_sum3A_927 = vector.broadcast %reduce_sum3A : i1 to vector<16xi1>
        %reduce_sum3A_928 = tpu.scan <sum>, %select_n3A_886 masked %reduce_sum3A_927 : vector<16xi32>, vector<16xi1> -> vector<16xi32>
        %reduce_sum3A_929 = vector.extract %reduce_sum3A_928[15] : i32 from vector<16xi32>
        %add3A_930 = arith.addi %scan3A_876, %reduce_sum3A_929 : i32
        scf.yield %add3A_930 : i32
      }
      %scan3A_874 = arith.constant 250 : i32
      scf.yield %scan3A_873 : i32
    } else {
      scf.yield %cond3A_400 : i32
    }
    %eq3A_407 = arith.constant 1 : i32
    %eq3A_408 = arith.cmpi eq, %add3A_45, %eq3A_407 : i32
    %convert_element_type3A_409 = arith.extui %eq3A_408 : i1 to i32
    %cond3A_410 = arith.constant 0 : i32
    %cond3A_411 = arith.cmpi ne, %convert_element_type3A_409, %cond3A_410 : i32
    scf.if %cond3A_411 {
      %mul3A_870 = arith.constant 4 : i32
      %mul3A_871 = arith.muli %select_n3A, %mul3A_870 : i32
      %mul3A_872 = arith.constant 512 : i32
      %mul3A_873 = arith.muli %mul3A_871, %mul3A_872 : i32
      "tpu.region"() ({
        %run_scoped3A = tpu.sem_alloc : memref<!tpu.dma_semaphore, #tpu.memory_space<semaphore_mem>>
        %dma_start3A = arith.constant 0 : i32
        %dma_start3A_876 = tpu.memref_slice %arg14[%dma_start3A] : memref<2112xf32, #tpu.memory_space<vmem>> -> memref<2048xf32, #tpu.memory_space<vmem>>
        %dma_start3A_877 = tpu.memref_slice %arg3[%mul3A_873] : memref<16384xf32, #tpu.memory_space<hbm>> -> memref<2048xf32, #tpu.memory_space<hbm>>
        %dma_start3A_878 = tpu.memref_slice %arg3[%mul3A_873] : memref<16384xf32, #tpu.memory_space<hbm>> -> memref<2048xf32, #tpu.memory_space<hbm>>
        %dma_start3A_879 = arith.constant 0 : i32
        %dma_start3A_880 = tpu.memref_slice %arg14[%dma_start3A_879] : memref<2112xf32, #tpu.memory_space<vmem>> -> memref<2048xf32, #tpu.memory_space<vmem>>
        tpu.enqueue_dma source(%dma_start3A_880 : memref<2048xf32, #tpu.memory_space<vmem>>) target(%dma_start3A_878 : memref<2048xf32, #tpu.memory_space<hbm>>) target_semaphore(%run_scoped3A : memref<!tpu.dma_semaphore, #tpu.memory_space<semaphore_mem>>)
        %dma_wait3A = arith.constant 0 : i32
        %dma_wait3A_881 = tpu.memref_slice %arg14[%dma_wait3A] : memref<2112xf32, #tpu.memory_space<vmem>> -> memref<2048xf32, #tpu.memory_space<vmem>>
        %dma_wait3A_882 = tpu.memref_slice %arg3[%mul3A_873] : memref<16384xf32, #tpu.memory_space<hbm>> -> memref<2048xf32, #tpu.memory_space<hbm>>
        %dma_wait3A_883 = tpu.memref_slice %arg3[%mul3A_873] : memref<16384xf32, #tpu.memory_space<hbm>> -> memref<2048xf32, #tpu.memory_space<hbm>>
        %dma_wait3A_884 = arith.constant 0 : i32
        %dma_wait3A_885 = tpu.memref_slice %arg14[%dma_wait3A_884] : memref<2112xf32, #tpu.memory_space<vmem>> -> memref<2048xf32, #tpu.memory_space<vmem>>
        tpu.wait_dma2 semaphore(%run_scoped3A : memref<!tpu.dma_semaphore, #tpu.memory_space<semaphore_mem>>) src(%dma_wait3A_885 : memref<2048xf32, #tpu.memory_space<vmem>>) dst(%dma_wait3A_883 : memref<2048xf32, #tpu.memory_space<hbm>>)
        tpu.yield
      }) : () -> ()
      %mul3A_874 = arith.constant 512 : i32
      %mul3A_875 = arith.muli %select_n3A, %mul3A_874 : i32
      "tpu.region"() ({
        %run_scoped3A = tpu.sem_alloc : memref<!tpu.dma_semaphore, #tpu.memory_space<semaphore_mem>>
        %dma_start3A = arith.constant 0 : i32
        %dma_start3A_876 = tpu.memref_slice %arg15[%dma_start3A] : memref<528xf32, #tpu.memory_space<vmem>> -> memref<512xf32, #tpu.memory_space<vmem>>
        %dma_start3A_877 = tpu.memref_slice %arg8[%mul3A_875] : memref<4096xf32, #tpu.memory_space<hbm>> -> memref<512xf32, #tpu.memory_space<hbm>>
        %dma_start3A_878 = tpu.memref_slice %arg8[%mul3A_875] : memref<4096xf32, #tpu.memory_space<hbm>> -> memref<512xf32, #tpu.memory_space<hbm>>
        %dma_start3A_879 = arith.constant 0 : i32
        %dma_start3A_880 = tpu.memref_slice %arg15[%dma_start3A_879] : memref<528xf32, #tpu.memory_space<vmem>> -> memref<512xf32, #tpu.memory_space<vmem>>
        tpu.enqueue_dma source(%dma_start3A_880 : memref<512xf32, #tpu.memory_space<vmem>>) target(%dma_start3A_878 : memref<512xf32, #tpu.memory_space<hbm>>) target_semaphore(%run_scoped3A : memref<!tpu.dma_semaphore, #tpu.memory_space<semaphore_mem>>)
        %dma_wait3A = arith.constant 0 : i32
        %dma_wait3A_881 = tpu.memref_slice %arg15[%dma_wait3A] : memref<528xf32, #tpu.memory_space<vmem>> -> memref<512xf32, #tpu.memory_space<vmem>>
        %dma_wait3A_882 = tpu.memref_slice %arg8[%mul3A_875] : memref<4096xf32, #tpu.memory_space<hbm>> -> memref<512xf32, #tpu.memory_space<hbm>>
        %dma_wait3A_883 = tpu.memref_slice %arg8[%mul3A_875] : memref<4096xf32, #tpu.memory_space<hbm>> -> memref<512xf32, #tpu.memory_space<hbm>>
        %dma_wait3A_884 = arith.constant 0 : i32
        %dma_wait3A_885 = tpu.memref_slice %arg15[%dma_wait3A_884] : memref<528xf32, #tpu.memory_space<vmem>> -> memref<512xf32, #tpu.memory_space<vmem>>
        tpu.wait_dma2 semaphore(%run_scoped3A : memref<!tpu.dma_semaphore, #tpu.memory_space<semaphore_mem>>) src(%dma_wait3A_885 : memref<512xf32, #tpu.memory_space<vmem>>) dst(%dma_wait3A_883 : memref<512xf32, #tpu.memory_space<hbm>>)
        tpu.yield
      }) : () -> ()
    } else {
    }
    %eq3A_412 = arith.constant 2 : i32
    %eq3A_413 = arith.cmpi eq, %add3A_45, %eq3A_412 : i32
    %convert_element_type3A_414 = arith.extui %eq3A_413 : i1 to i32
    %cond3A_415 = arith.constant 0 : i32
    %cond3A_416 = arith.cmpi ne, %convert_element_type3A_414, %cond3A_415 : i32
    scf.if %cond3A_416 {
      %mul3A_870 = arith.constant 4 : i32
      %mul3A_871 = arith.muli %select_n3A, %mul3A_870 : i32
      %mul3A_872 = arith.constant 512 : i32
      %mul3A_873 = arith.muli %mul3A_871, %mul3A_872 : i32
      "tpu.region"() ({
        %run_scoped3A = tpu.sem_alloc : memref<!tpu.dma_semaphore, #tpu.memory_space<semaphore_mem>>
        %dma_start3A = arith.constant 0 : i32
        %dma_start3A_876 = tpu.memref_slice %arg14[%dma_start3A] : memref<2112xf32, #tpu.memory_space<vmem>> -> memref<2048xf32, #tpu.memory_space<vmem>>
        %dma_start3A_877 = tpu.memref_slice %arg4[%mul3A_873] : memref<16384xf32, #tpu.memory_space<hbm>> -> memref<2048xf32, #tpu.memory_space<hbm>>
        %dma_start3A_878 = tpu.memref_slice %arg4[%mul3A_873] : memref<16384xf32, #tpu.memory_space<hbm>> -> memref<2048xf32, #tpu.memory_space<hbm>>
        %dma_start3A_879 = arith.constant 0 : i32
        %dma_start3A_880 = tpu.memref_slice %arg14[%dma_start3A_879] : memref<2112xf32, #tpu.memory_space<vmem>> -> memref<2048xf32, #tpu.memory_space<vmem>>
        tpu.enqueue_dma source(%dma_start3A_880 : memref<2048xf32, #tpu.memory_space<vmem>>) target(%dma_start3A_878 : memref<2048xf32, #tpu.memory_space<hbm>>) target_semaphore(%run_scoped3A : memref<!tpu.dma_semaphore, #tpu.memory_space<semaphore_mem>>)
        %dma_wait3A = arith.constant 0 : i32
        %dma_wait3A_881 = tpu.memref_slice %arg14[%dma_wait3A] : memref<2112xf32, #tpu.memory_space<vmem>> -> memref<2048xf32, #tpu.memory_space<vmem>>
        %dma_wait3A_882 = tpu.memref_slice %arg4[%mul3A_873] : memref<16384xf32, #tpu.memory_space<hbm>> -> memref<2048xf32, #tpu.memory_space<hbm>>
        %dma_wait3A_883 = tpu.memref_slice %arg4[%mul3A_873] : memref<16384xf32, #tpu.memory_space<hbm>> -> memref<2048xf32, #tpu.memory_space<hbm>>
        %dma_wait3A_884 = arith.constant 0 : i32
        %dma_wait3A_885 = tpu.memref_slice %arg14[%dma_wait3A_884] : memref<2112xf32, #tpu.memory_space<vmem>> -> memref<2048xf32, #tpu.memory_space<vmem>>
        tpu.wait_dma2 semaphore(%run_scoped3A : memref<!tpu.dma_semaphore, #tpu.memory_space<semaphore_mem>>) src(%dma_wait3A_885 : memref<2048xf32, #tpu.memory_space<vmem>>) dst(%dma_wait3A_883 : memref<2048xf32, #tpu.memory_space<hbm>>)
        tpu.yield
      }) : () -> ()
      %mul3A_874 = arith.constant 512 : i32
      %mul3A_875 = arith.muli %select_n3A, %mul3A_874 : i32
      "tpu.region"() ({
        %run_scoped3A = tpu.sem_alloc : memref<!tpu.dma_semaphore, #tpu.memory_space<semaphore_mem>>
        %dma_start3A = arith.constant 0 : i32
        %dma_start3A_876 = tpu.memref_slice %arg15[%dma_start3A] : memref<528xf32, #tpu.memory_space<vmem>> -> memref<512xf32, #tpu.memory_space<vmem>>
        %dma_start3A_877 = tpu.memref_slice %arg9[%mul3A_875] : memref<4096xf32, #tpu.memory_space<hbm>> -> memref<512xf32, #tpu.memory_space<hbm>>
        %dma_start3A_878 = tpu.memref_slice %arg9[%mul3A_875] : memref<4096xf32, #tpu.memory_space<hbm>> -> memref<512xf32, #tpu.memory_space<hbm>>
        %dma_start3A_879 = arith.constant 0 : i32
        %dma_start3A_880 = tpu.memref_slice %arg15[%dma_start3A_879] : memref<528xf32, #tpu.memory_space<vmem>> -> memref<512xf32, #tpu.memory_space<vmem>>
        tpu.enqueue_dma source(%dma_start3A_880 : memref<512xf32, #tpu.memory_space<vmem>>) target(%dma_start3A_878 : memref<512xf32, #tpu.memory_space<hbm>>) target_semaphore(%run_scoped3A : memref<!tpu.dma_semaphore, #tpu.memory_space<semaphore_mem>>)
        %dma_wait3A = arith.constant 0 : i32
        %dma_wait3A_881 = tpu.memref_slice %arg15[%dma_wait3A] : memref<528xf32, #tpu.memory_space<vmem>> -> memref<512xf32, #tpu.memory_space<vmem>>
        %dma_wait3A_882 = tpu.memref_slice %arg9[%mul3A_875] : memref<4096xf32, #tpu.memory_space<hbm>> -> memref<512xf32, #tpu.memory_space<hbm>>
        %dma_wait3A_883 = tpu.memref_slice %arg9[%mul3A_875] : memref<4096xf32, #tpu.memory_space<hbm>> -> memref<512xf32, #tpu.memory_space<hbm>>
        %dma_wait3A_884 = arith.constant 0 : i32
        %dma_wait3A_885 = tpu.memref_slice %arg15[%dma_wait3A_884] : memref<528xf32, #tpu.memory_space<vmem>> -> memref<512xf32, #tpu.memory_space<vmem>>
        tpu.wait_dma2 semaphore(%run_scoped3A : memref<!tpu.dma_semaphore, #tpu.memory_space<semaphore_mem>>) src(%dma_wait3A_885 : memref<512xf32, #tpu.memory_space<vmem>>) dst(%dma_wait3A_883 : memref<512xf32, #tpu.memory_space<hbm>>)
        tpu.yield
      }) : () -> ()
    } else {
    }
    %eq3A_417 = arith.constant 3 : i32
    %eq3A_418 = arith.cmpi eq, %add3A_45, %eq3A_417 : i32
    %convert_element_type3A_419 = arith.extui %eq3A_418 : i1 to i32
    %cond3A_420 = arith.constant 0 : i32
    %cond3A_421 = arith.cmpi ne, %convert_element_type3A_419, %cond3A_420 : i32
    scf.if %cond3A_421 {
      %mul3A_870 = arith.constant 4 : i32
      %mul3A_871 = arith.muli %select_n3A, %mul3A_870 : i32
      %mul3A_872 = arith.constant 512 : i32
      %mul3A_873 = arith.muli %mul3A_871, %mul3A_872 : i32
      "tpu.region"() ({
        %run_scoped3A = tpu.sem_alloc : memref<!tpu.dma_semaphore, #tpu.memory_space<semaphore_mem>>
        %dma_start3A = arith.constant 0 : i32
        %dma_start3A_876 = tpu.memref_slice %arg14[%dma_start3A] : memref<2112xf32, #tpu.memory_space<vmem>> -> memref<2048xf32, #tpu.memory_space<vmem>>
        %dma_start3A_877 = tpu.memref_slice %arg5[%mul3A_873] : memref<16384xf32, #tpu.memory_space<hbm>> -> memref<2048xf32, #tpu.memory_space<hbm>>
        %dma_start3A_878 = tpu.memref_slice %arg5[%mul3A_873] : memref<16384xf32, #tpu.memory_space<hbm>> -> memref<2048xf32, #tpu.memory_space<hbm>>
        %dma_start3A_879 = arith.constant 0 : i32
        %dma_start3A_880 = tpu.memref_slice %arg14[%dma_start3A_879] : memref<2112xf32, #tpu.memory_space<vmem>> -> memref<2048xf32, #tpu.memory_space<vmem>>
        tpu.enqueue_dma source(%dma_start3A_880 : memref<2048xf32, #tpu.memory_space<vmem>>) target(%dma_start3A_878 : memref<2048xf32, #tpu.memory_space<hbm>>) target_semaphore(%run_scoped3A : memref<!tpu.dma_semaphore, #tpu.memory_space<semaphore_mem>>)
        %dma_wait3A = arith.constant 0 : i32
        %dma_wait3A_881 = tpu.memref_slice %arg14[%dma_wait3A] : memref<2112xf32, #tpu.memory_space<vmem>> -> memref<2048xf32, #tpu.memory_space<vmem>>
        %dma_wait3A_882 = tpu.memref_slice %arg5[%mul3A_873] : memref<16384xf32, #tpu.memory_space<hbm>> -> memref<2048xf32, #tpu.memory_space<hbm>>
        %dma_wait3A_883 = tpu.memref_slice %arg5[%mul3A_873] : memref<16384xf32, #tpu.memory_space<hbm>> -> memref<2048xf32, #tpu.memory_space<hbm>>
        %dma_wait3A_884 = arith.constant 0 : i32
        %dma_wait3A_885 = tpu.memref_slice %arg14[%dma_wait3A_884] : memref<2112xf32, #tpu.memory_space<vmem>> -> memref<2048xf32, #tpu.memory_space<vmem>>
        tpu.wait_dma2 semaphore(%run_scoped3A : memref<!tpu.dma_semaphore, #tpu.memory_space<semaphore_mem>>) src(%dma_wait3A_885 : memref<2048xf32, #tpu.memory_space<vmem>>) dst(%dma_wait3A_883 : memref<2048xf32, #tpu.memory_space<hbm>>)
        tpu.yield
      }) : () -> ()
      %mul3A_874 = arith.constant 512 : i32
      %mul3A_875 = arith.muli %select_n3A, %mul3A_874 : i32
      "tpu.region"() ({
        %run_scoped3A = tpu.sem_alloc : memref<!tpu.dma_semaphore, #tpu.memory_space<semaphore_mem>>
        %dma_start3A = arith.constant 0 : i32
        %dma_start3A_876 = tpu.memref_slice %arg15[%dma_start3A] : memref<528xf32, #tpu.memory_space<vmem>> -> memref<512xf32, #tpu.memory_space<vmem>>
        %dma_start3A_877 = tpu.memref_slice %arg10[%mul3A_875] : memref<4096xf32, #tpu.memory_space<hbm>> -> memref<512xf32, #tpu.memory_space<hbm>>
        %dma_start3A_878 = tpu.memref_slice %arg10[%mul3A_875] : memref<4096xf32, #tpu.memory_space<hbm>> -> memref<512xf32, #tpu.memory_space<hbm>>
        %dma_start3A_879 = arith.constant 0 : i32
        %dma_start3A_880 = tpu.memref_slice %arg15[%dma_start3A_879] : memref<528xf32, #tpu.memory_space<vmem>> -> memref<512xf32, #tpu.memory_space<vmem>>
        tpu.enqueue_dma source(%dma_start3A_880 : memref<512xf32, #tpu.memory_space<vmem>>) target(%dma_start3A_878 : memref<512xf32, #tpu.memory_space<hbm>>) target_semaphore(%run_scoped3A : memref<!tpu.dma_semaphore, #tpu.memory_space<semaphore_mem>>)
        %dma_wait3A = arith.constant 0 : i32
        %dma_wait3A_881 = tpu.memref_slice %arg15[%dma_wait3A] : memref<528xf32, #tpu.memory_space<vmem>> -> memref<512xf32, #tpu.memory_space<vmem>>
        %dma_wait3A_882 = tpu.memref_slice %arg10[%mul3A_875] : memref<4096xf32, #tpu.memory_space<hbm>> -> memref<512xf32, #tpu.memory_space<hbm>>
        %dma_wait3A_883 = tpu.memref_slice %arg10[%mul3A_875] : memref<4096xf32, #tpu.memory_space<hbm>> -> memref<512xf32, #tpu.memory_space<hbm>>
        %dma_wait3A_884 = arith.constant 0 : i32
        %dma_wait3A_885 = tpu.memref_slice %arg15[%dma_wait3A_884] : memref<528xf32, #tpu.memory_space<vmem>> -> memref<512xf32, #tpu.memory_space<vmem>>
        tpu.wait_dma2 semaphore(%run_scoped3A : memref<!tpu.dma_semaphore, #tpu.memory_space<semaphore_mem>>) src(%dma_wait3A_885 : memref<512xf32, #tpu.memory_space<vmem>>) dst(%dma_wait3A_883 : memref<512xf32, #tpu.memory_space<hbm>>)
        tpu.yield
      }) : () -> ()
    } else {
    }
    %eq3A_422 = arith.constant 4 : i32
    %eq3A_423 = arith.cmpi eq, %add3A_45, %eq3A_422 : i32
    %convert_element_type3A_424 = arith.extui %eq3A_423 : i1 to i32
    %cond3A_425 = arith.constant 0 : i32
    %cond3A_426 = arith.cmpi ne, %convert_element_type3A_424, %cond3A_425 : i32
    scf.if %cond3A_426 {
      %mul3A_870 = arith.constant 4 : i32
      %mul3A_871 = arith.muli %select_n3A, %mul3A_870 : i32
      %mul3A_872 = arith.constant 512 : i32
      %mul3A_873 = arith.muli %mul3A_871, %mul3A_872 : i32
      "tpu.region"() ({
        %run_scoped3A = tpu.sem_alloc : memref<!tpu.dma_semaphore, #tpu.memory_space<semaphore_mem>>
        %dma_start3A = arith.constant 0 : i32
        %dma_start3A_876 = tpu.memref_slice %arg14[%dma_start3A] : memref<2112xf32, #tpu.memory_space<vmem>> -> memref<2048xf32, #tpu.memory_space<vmem>>
        %dma_start3A_877 = tpu.memref_slice %arg6[%mul3A_873] : memref<16384xf32, #tpu.memory_space<hbm>> -> memref<2048xf32, #tpu.memory_space<hbm>>
        %dma_start3A_878 = tpu.memref_slice %arg6[%mul3A_873] : memref<16384xf32, #tpu.memory_space<hbm>> -> memref<2048xf32, #tpu.memory_space<hbm>>
        %dma_start3A_879 = arith.constant 0 : i32
        %dma_start3A_880 = tpu.memref_slice %arg14[%dma_start3A_879] : memref<2112xf32, #tpu.memory_space<vmem>> -> memref<2048xf32, #tpu.memory_space<vmem>>
        tpu.enqueue_dma source(%dma_start3A_880 : memref<2048xf32, #tpu.memory_space<vmem>>) target(%dma_start3A_878 : memref<2048xf32, #tpu.memory_space<hbm>>) target_semaphore(%run_scoped3A : memref<!tpu.dma_semaphore, #tpu.memory_space<semaphore_mem>>)
        %dma_wait3A = arith.constant 0 : i32
        %dma_wait3A_881 = tpu.memref_slice %arg14[%dma_wait3A] : memref<2112xf32, #tpu.memory_space<vmem>> -> memref<2048xf32, #tpu.memory_space<vmem>>
        %dma_wait3A_882 = tpu.memref_slice %arg6[%mul3A_873] : memref<16384xf32, #tpu.memory_space<hbm>> -> memref<2048xf32, #tpu.memory_space<hbm>>
        %dma_wait3A_883 = tpu.memref_slice %arg6[%mul3A_873] : memref<16384xf32, #tpu.memory_space<hbm>> -> memref<2048xf32, #tpu.memory_space<hbm>>
        %dma_wait3A_884 = arith.constant 0 : i32
        %dma_wait3A_885 = tpu.memref_slice %arg14[%dma_wait3A_884] : memref<2112xf32, #tpu.memory_space<vmem>> -> memref<2048xf32, #tpu.memory_space<vmem>>
        tpu.wait_dma2 semaphore(%run_scoped3A : memref<!tpu.dma_semaphore, #tpu.memory_space<semaphore_mem>>) src(%dma_wait3A_885 : memref<2048xf32, #tpu.memory_space<vmem>>) dst(%dma_wait3A_883 : memref<2048xf32, #tpu.memory_space<hbm>>)
        tpu.yield
      }) : () -> ()
      %mul3A_874 = arith.constant 512 : i32
      %mul3A_875 = arith.muli %select_n3A, %mul3A_874 : i32
      "tpu.region"() ({
        %run_scoped3A = tpu.sem_alloc : memref<!tpu.dma_semaphore, #tpu.memory_space<semaphore_mem>>
        %dma_start3A = arith.constant 0 : i32
        %dma_start3A_876 = tpu.memref_slice %arg15[%dma_start3A] : memref<528xf32, #tpu.memory_space<vmem>> -> memref<512xf32, #tpu.memory_space<vmem>>
        %dma_start3A_877 = tpu.memref_slice %arg11[%mul3A_875] : memref<4096xf32, #tpu.memory_space<hbm>> -> memref<512xf32, #tpu.memory_space<hbm>>
        %dma_start3A_878 = tpu.memref_slice %arg11[%mul3A_875] : memref<4096xf32, #tpu.memory_space<hbm>> -> memref<512xf32, #tpu.memory_space<hbm>>
        %dma_start3A_879 = arith.constant 0 : i32
        %dma_start3A_880 = tpu.memref_slice %arg15[%dma_start3A_879] : memref<528xf32, #tpu.memory_space<vmem>> -> memref<512xf32, #tpu.memory_space<vmem>>
        tpu.enqueue_dma source(%dma_start3A_880 : memref<512xf32, #tpu.memory_space<vmem>>) target(%dma_start3A_878 : memref<512xf32, #tpu.memory_space<hbm>>) target_semaphore(%run_scoped3A : memref<!tpu.dma_semaphore, #tpu.memory_space<semaphore_mem>>)
        %dma_wait3A = arith.constant 0 : i32
        %dma_wait3A_881 = tpu.memref_slice %arg15[%dma_wait3A] : memref<528xf32, #tpu.memory_space<vmem>> -> memref<512xf32, #tpu.memory_space<vmem>>
        %dma_wait3A_882 = tpu.memref_slice %arg11[%mul3A_875] : memref<4096xf32, #tpu.memory_space<hbm>> -> memref<512xf32, #tpu.memory_space<hbm>>
        %dma_wait3A_883 = tpu.memref_slice %arg11[%mul3A_875] : memref<4096xf32, #tpu.memory_space<hbm>> -> memref<512xf32, #tpu.memory_space<hbm>>
        %dma_wait3A_884 = arith.constant 0 : i32
        %dma_wait3A_885 = tpu.memref_slice %arg15[%dma_wait3A_884] : memref<528xf32, #tpu.memory_space<vmem>> -> memref<512xf32, #tpu.memory_space<vmem>>
        tpu.wait_dma2 semaphore(%run_scoped3A : memref<!tpu.dma_semaphore, #tpu.memory_space<semaphore_mem>>) src(%dma_wait3A_885 : memref<512xf32, #tpu.memory_space<vmem>>) dst(%dma_wait3A_883 : memref<512xf32, #tpu.memory_space<hbm>>)
        tpu.yield
      }) : () -> ()
    } else {
    }
    %eq3A_427 = arith.constant 5 : i32
    %eq3A_428 = arith.cmpi eq, %add3A_45, %eq3A_427 : i32
    %convert_element_type3A_429 = arith.extui %eq3A_428 : i1 to i32
    %cond3A_430 = arith.constant 0 : i32
    %cond3A_431 = arith.cmpi ne, %convert_element_type3A_429, %cond3A_430 : i32
    scf.if %cond3A_431 {
      %mul3A_870 = arith.constant 4 : i32
      %mul3A_871 = arith.muli %select_n3A, %mul3A_870 : i32
      %mul3A_872 = arith.constant 512 : i32
      %mul3A_873 = arith.muli %mul3A_871, %mul3A_872 : i32
      "tpu.region"() ({
        %run_scoped3A = tpu.sem_alloc : memref<!tpu.dma_semaphore, #tpu.memory_space<semaphore_mem>>
        %dma_start3A = arith.constant 0 : i32
        %dma_start3A_876 = tpu.memref_slice %arg14[%dma_start3A] : memref<2112xf32, #tpu.memory_space<vmem>> -> memref<2048xf32, #tpu.memory_space<vmem>>
        %dma_start3A_877 = tpu.memref_slice %arg7[%mul3A_873] : memref<16384xf32, #tpu.memory_space<hbm>> -> memref<2048xf32, #tpu.memory_space<hbm>>
        %dma_start3A_878 = tpu.memref_slice %arg7[%mul3A_873] : memref<16384xf32, #tpu.memory_space<hbm>> -> memref<2048xf32, #tpu.memory_space<hbm>>
        %dma_start3A_879 = arith.constant 0 : i32
        %dma_start3A_880 = tpu.memref_slice %arg14[%dma_start3A_879] : memref<2112xf32, #tpu.memory_space<vmem>> -> memref<2048xf32, #tpu.memory_space<vmem>>
        tpu.enqueue_dma source(%dma_start3A_880 : memref<2048xf32, #tpu.memory_space<vmem>>) target(%dma_start3A_878 : memref<2048xf32, #tpu.memory_space<hbm>>) target_semaphore(%run_scoped3A : memref<!tpu.dma_semaphore, #tpu.memory_space<semaphore_mem>>)
        %dma_wait3A = arith.constant 0 : i32
        %dma_wait3A_881 = tpu.memref_slice %arg14[%dma_wait3A] : memref<2112xf32, #tpu.memory_space<vmem>> -> memref<2048xf32, #tpu.memory_space<vmem>>
        %dma_wait3A_882 = tpu.memref_slice %arg7[%mul3A_873] : memref<16384xf32, #tpu.memory_space<hbm>> -> memref<2048xf32, #tpu.memory_space<hbm>>
        %dma_wait3A_883 = tpu.memref_slice %arg7[%mul3A_873] : memref<16384xf32, #tpu.memory_space<hbm>> -> memref<2048xf32, #tpu.memory_space<hbm>>
        %dma_wait3A_884 = arith.constant 0 : i32
        %dma_wait3A_885 = tpu.memref_slice %arg14[%dma_wait3A_884] : memref<2112xf32, #tpu.memory_space<vmem>> -> memref<2048xf32, #tpu.memory_space<vmem>>
        tpu.wait_dma2 semaphore(%run_scoped3A : memref<!tpu.dma_semaphore, #tpu.memory_space<semaphore_mem>>) src(%dma_wait3A_885 : memref<2048xf32, #tpu.memory_space<vmem>>) dst(%dma_wait3A_883 : memref<2048xf32, #tpu.memory_space<hbm>>)
        tpu.yield
      }) : () -> ()
      %mul3A_874 = arith.constant 512 : i32
      %mul3A_875 = arith.muli %select_n3A, %mul3A_874 : i32
      "tpu.region"() ({
        %run_scoped3A = tpu.sem_alloc : memref<!tpu.dma_semaphore, #tpu.memory_space<semaphore_mem>>
        %dma_start3A = arith.constant 0 : i32
        %dma_start3A_876 = tpu.memref_slice %arg15[%dma_start3A] : memref<528xf32, #tpu.memory_space<vmem>> -> memref<512xf32, #tpu.memory_space<vmem>>
        %dma_start3A_877 = tpu.memref_slice %arg12[%mul3A_875] : memref<4096xf32, #tpu.memory_space<hbm>> -> memref<512xf32, #tpu.memory_space<hbm>>
        %dma_start3A_878 = tpu.memref_slice %arg12[%mul3A_875] : memref<4096xf32, #tpu.memory_space<hbm>> -> memref<512xf32, #tpu.memory_space<hbm>>
        %dma_start3A_879 = arith.constant 0 : i32
        %dma_start3A_880 = tpu.memref_slice %arg15[%dma_start3A_879] : memref<528xf32, #tpu.memory_space<vmem>> -> memref<512xf32, #tpu.memory_space<vmem>>
        tpu.enqueue_dma source(%dma_start3A_880 : memref<512xf32, #tpu.memory_space<vmem>>) target(%dma_start3A_878 : memref<512xf32, #tpu.memory_space<hbm>>) target_semaphore(%run_scoped3A : memref<!tpu.dma_semaphore, #tpu.memory_space<semaphore_mem>>)
        %dma_wait3A = arith.constant 0 : i32
        %dma_wait3A_881 = tpu.memref_slice %arg15[%dma_wait3A] : memref<528xf32, #tpu.memory_space<vmem>> -> memref<512xf32, #tpu.memory_space<vmem>>
        %dma_wait3A_882 = tpu.memref_slice %arg12[%mul3A_875] : memref<4096xf32, #tpu.memory_space<hbm>> -> memref<512xf32, #tpu.memory_space<hbm>>
        %dma_wait3A_883 = tpu.memref_slice %arg12[%mul3A_875] : memref<4096xf32, #tpu.memory_space<hbm>> -> memref<512xf32, #tpu.memory_space<hbm>>
        %dma_wait3A_884 = arith.constant 0 : i32
        %dma_wait3A_885 = tpu.memref_slice %arg15[%dma_wait3A_884] : memref<528xf32, #tpu.memory_space<vmem>> -> memref<512xf32, #tpu.memory_space<vmem>>
        tpu.wait_dma2 semaphore(%run_scoped3A : memref<!tpu.dma_semaphore, #tpu.memory_space<semaphore_mem>>) src(%dma_wait3A_885 : memref<512xf32, #tpu.memory_space<vmem>>) dst(%dma_wait3A_883 : memref<512xf32, #tpu.memory_space<hbm>>)
        tpu.yield
      }) : () -> ()
    } else {
    }
    %add3A_432 = arith.constant 32 : i32
    %add3A_433 = arith.addi %add3A, %add3A_432 : i32
    %lt3A_434 = arith.constant 40 : i32
    %lt3A_435 = arith.cmpi slt, %add3A_433, %lt3A_434 : i32
    %add3A_436 = arith.constant 32 : i32
    %add3A_437 = arith.addi %add3A, %add3A_436 : i32
    %select_n3A_438 = arith.select %lt3A_435, %add3A_437, %add3A : i32
    %jit3A_439 = arith.constant 5 : i32
    %div3A_440 = arith.divsi %select_n3A_438, %jit3A_439 : i32
    %sign3A_441 = arith.constant 0 : i32
    %sign3A_442 = arith.cmpi sgt, %select_n3A_438, %sign3A_441 : i32
    %sign3A_443 = arith.extui %sign3A_442 : i1 to i32
    %sign3A_444 = arith.constant 0 : i32
    %sign3A_445 = arith.cmpi slt, %select_n3A_438, %sign3A_444 : i32
    %sign3A_446 = arith.extui %sign3A_445 : i1 to i32
    %sign3A_447 = arith.subi %sign3A_443, %sign3A_446 : i32
    %sign3A_448 = arith.constant 0 : i32
    %sign3A_449 = arith.cmpi sgt, %jit3A_439, %sign3A_448 : i32
    %sign3A_450 = arith.extui %sign3A_449 : i1 to i32
    %sign3A_451 = arith.constant 0 : i32
    %sign3A_452 = arith.cmpi slt, %jit3A_439, %sign3A_451 : i32
    %sign3A_453 = arith.extui %sign3A_452 : i1 to i32
    %sign3A_454 = arith.subi %sign3A_450, %sign3A_453 : i32
    %ne3A_455 = arith.cmpi ne, %sign3A_447, %sign3A_454 : i32
    %rem3A_456 = arith.remsi %select_n3A_438, %jit3A_439 : i32
    %ne3A_457 = arith.constant 0 : i32
    %ne3A_458 = arith.cmpi ne, %rem3A_456, %ne3A_457 : i32
    %and3A_459 = arith.andi %ne3A_455, %ne3A_458 : i1
    %sub3A_460 = arith.constant 1 : i32
    %sub3A_461 = arith.subi %div3A_440, %sub3A_460 : i32
    %select_n3A_462 = arith.select %and3A_459, %sub3A_461, %div3A_440 : i32
    %jit3A_463 = arith.constant 5 : i32
    %eq3A_464 = arith.constant 0 : i32
    %eq3A_465 = arith.cmpi eq, %jit3A_463, %eq3A_464 : i32
    %jit3A_466 = arith.constant 1 : i32
    %select_n3A_467 = arith.select %eq3A_465, %jit3A_466, %jit3A_463 : i32
    %rem3A_468 = arith.remsi %select_n3A_438, %select_n3A_467 : i32
    %ne3A_469 = arith.constant 0 : i32
    %ne3A_470 = arith.cmpi ne, %rem3A_468, %ne3A_469 : i32
    %lt3A_471 = arith.constant 0 : i32
    %lt3A_472 = arith.cmpi slt, %rem3A_468, %lt3A_471 : i32
    %lt3A_473 = arith.constant 0 : i32
    %lt3A_474 = arith.cmpi slt, %select_n3A_467, %lt3A_473 : i32
    %ne3A_475 = arith.xori %lt3A_472, %lt3A_474 : i1
    %and3A_476 = arith.andi %ne3A_475, %ne3A_470 : i1
    %add3A_477 = arith.addi %rem3A_468, %select_n3A_467 : i32
    %select_n3A_478 = arith.select %and3A_476, %add3A_477, %rem3A_468 : i32
    %add3A_479 = arith.constant 1 : i32
    %add3A_480 = arith.addi %select_n3A_478, %add3A_479 : i32
    %convert_element_type3A_481 = arith.sitofp %add3A_480 : i32 to f32
    %broadcast_in_dim3A_482 = vector.broadcast %convert_element_type3A_481 : f32 to vector<16xf32>
    %swap3A_483 = arith.constant 0 : index
    %swap3A_484 = tpu.vector_load %arg14[%swap3A_483] {strides = array<i32>} : memref<2112xf32, #tpu.memory_space<vmem>>, vector<16xf32>,
    tpu.vector_store %arg14[%swap3A_483], %broadcast_in_dim3A_13 {strides = array<i32>} : memref<2112xf32, #tpu.memory_space<vmem>>, vector<16xf32>,
    %swap3A_485 = arith.constant 16 : index
    %swap3A_486 = tpu.vector_load %arg14[%swap3A_485] {strides = array<i32>} : memref<2112xf32, #tpu.memory_space<vmem>>, vector<16xf32>,
    tpu.vector_store %arg14[%swap3A_485], %broadcast_in_dim3A_13 {strides = array<i32>} : memref<2112xf32, #tpu.memory_space<vmem>>, vector<16xf32>,
    %swap3A_487 = arith.constant 32 : index
    %swap3A_488 = tpu.vector_load %arg14[%swap3A_487] {strides = array<i32>} : memref<2112xf32, #tpu.memory_space<vmem>>, vector<16xf32>,
    tpu.vector_store %arg14[%swap3A_487], %broadcast_in_dim3A_13 {strides = array<i32>} : memref<2112xf32, #tpu.memory_space<vmem>>, vector<16xf32>,
    %swap3A_489 = arith.constant 48 : index
    %swap3A_490 = tpu.vector_load %arg14[%swap3A_489] {strides = array<i32>} : memref<2112xf32, #tpu.memory_space<vmem>>, vector<16xf32>,
    tpu.vector_store %arg14[%swap3A_489], %broadcast_in_dim3A_13 {strides = array<i32>} : memref<2112xf32, #tpu.memory_space<vmem>>, vector<16xf32>,
    %swap3A_491 = arith.constant 64 : index
    %swap3A_492 = tpu.vector_load %arg14[%swap3A_491] {strides = array<i32>} : memref<2112xf32, #tpu.memory_space<vmem>>, vector<16xf32>,
    tpu.vector_store %arg14[%swap3A_491], %broadcast_in_dim3A_13 {strides = array<i32>} : memref<2112xf32, #tpu.memory_space<vmem>>, vector<16xf32>,
    %swap3A_493 = arith.constant 80 : index
    %swap3A_494 = tpu.vector_load %arg14[%swap3A_493] {strides = array<i32>} : memref<2112xf32, #tpu.memory_space<vmem>>, vector<16xf32>,
    tpu.vector_store %arg14[%swap3A_493], %broadcast_in_dim3A_13 {strides = array<i32>} : memref<2112xf32, #tpu.memory_space<vmem>>, vector<16xf32>,
    %swap3A_495 = arith.constant 96 : index
    %swap3A_496 = tpu.vector_load %arg14[%swap3A_495] {strides = array<i32>} : memref<2112xf32, #tpu.memory_space<vmem>>, vector<16xf32>,
    tpu.vector_store %arg14[%swap3A_495], %broadcast_in_dim3A_13 {strides = array<i32>} : memref<2112xf32, #tpu.memory_space<vmem>>, vector<16xf32>,
    %swap3A_497 = arith.constant 112 : index
    %swap3A_498 = tpu.vector_load %arg14[%swap3A_497] {strides = array<i32>} : memref<2112xf32, #tpu.memory_space<vmem>>, vector<16xf32>,
    tpu.vector_store %arg14[%swap3A_497], %broadcast_in_dim3A_13 {strides = array<i32>} : memref<2112xf32, #tpu.memory_space<vmem>>, vector<16xf32>,
    %swap3A_499 = arith.constant 128 : index
    %swap3A_500 = tpu.vector_load %arg14[%swap3A_499] {strides = array<i32>} : memref<2112xf32, #tpu.memory_space<vmem>>, vector<16xf32>,
    tpu.vector_store %arg14[%swap3A_499], %broadcast_in_dim3A_13 {strides = array<i32>} : memref<2112xf32, #tpu.memory_space<vmem>>, vector<16xf32>,
    %swap3A_501 = arith.constant 144 : index
    %swap3A_502 = tpu.vector_load %arg14[%swap3A_501] {strides = array<i32>} : memref<2112xf32, #tpu.memory_space<vmem>>, vector<16xf32>,
    tpu.vector_store %arg14[%swap3A_501], %broadcast_in_dim3A_13 {strides = array<i32>} : memref<2112xf32, #tpu.memory_space<vmem>>, vector<16xf32>,
    %swap3A_503 = arith.constant 160 : index
    %swap3A_504 = tpu.vector_load %arg14[%swap3A_503] {strides = array<i32>} : memref<2112xf32, #tpu.memory_space<vmem>>, vector<16xf32>,
    tpu.vector_store %arg14[%swap3A_503], %broadcast_in_dim3A_13 {strides = array<i32>} : memref<2112xf32, #tpu.memory_space<vmem>>, vector<16xf32>,
    %swap3A_505 = arith.constant 176 : index
    %swap3A_506 = tpu.vector_load %arg14[%swap3A_505] {strides = array<i32>} : memref<2112xf32, #tpu.memory_space<vmem>>, vector<16xf32>,
    tpu.vector_store %arg14[%swap3A_505], %broadcast_in_dim3A_13 {strides = array<i32>} : memref<2112xf32, #tpu.memory_space<vmem>>, vector<16xf32>,
    %swap3A_507 = arith.constant 192 : index
    %swap3A_508 = tpu.vector_load %arg14[%swap3A_507] {strides = array<i32>} : memref<2112xf32, #tpu.memory_space<vmem>>, vector<16xf32>,
    tpu.vector_store %arg14[%swap3A_507], %broadcast_in_dim3A_13 {strides = array<i32>} : memref<2112xf32, #tpu.memory_space<vmem>>, vector<16xf32>,
    %swap3A_509 = arith.constant 208 : index
    %swap3A_510 = tpu.vector_load %arg14[%swap3A_509] {strides = array<i32>} : memref<2112xf32, #tpu.memory_space<vmem>>, vector<16xf32>,
    tpu.vector_store %arg14[%swap3A_509], %broadcast_in_dim3A_13 {strides = array<i32>} : memref<2112xf32, #tpu.memory_space<vmem>>, vector<16xf32>,
    %swap3A_511 = arith.constant 224 : index
    %swap3A_512 = tpu.vector_load %arg14[%swap3A_511] {strides = array<i32>} : memref<2112xf32, #tpu.memory_space<vmem>>, vector<16xf32>,
    tpu.vector_store %arg14[%swap3A_511], %broadcast_in_dim3A_13 {strides = array<i32>} : memref<2112xf32, #tpu.memory_space<vmem>>, vector<16xf32>,
    %swap3A_513 = arith.constant 240 : index
    %swap3A_514 = tpu.vector_load %arg14[%swap3A_513] {strides = array<i32>} : memref<2112xf32, #tpu.memory_space<vmem>>, vector<16xf32>,
    tpu.vector_store %arg14[%swap3A_513], %broadcast_in_dim3A_13 {strides = array<i32>} : memref<2112xf32, #tpu.memory_space<vmem>>, vector<16xf32>,
    %swap3A_515 = arith.constant 256 : index
    %swap3A_516 = tpu.vector_load %arg14[%swap3A_515] {strides = array<i32>} : memref<2112xf32, #tpu.memory_space<vmem>>, vector<16xf32>,
    tpu.vector_store %arg14[%swap3A_515], %broadcast_in_dim3A_13 {strides = array<i32>} : memref<2112xf32, #tpu.memory_space<vmem>>, vector<16xf32>,
    %swap3A_517 = arith.constant 272 : index
    %swap3A_518 = tpu.vector_load %arg14[%swap3A_517] {strides = array<i32>} : memref<2112xf32, #tpu.memory_space<vmem>>, vector<16xf32>,
    tpu.vector_store %arg14[%swap3A_517], %broadcast_in_dim3A_13 {strides = array<i32>} : memref<2112xf32, #tpu.memory_space<vmem>>, vector<16xf32>,
    %swap3A_519 = arith.constant 288 : index
    %swap3A_520 = tpu.vector_load %arg14[%swap3A_519] {strides = array<i32>} : memref<2112xf32, #tpu.memory_space<vmem>>, vector<16xf32>,
    tpu.vector_store %arg14[%swap3A_519], %broadcast_in_dim3A_13 {strides = array<i32>} : memref<2112xf32, #tpu.memory_space<vmem>>, vector<16xf32>,
    %swap3A_521 = arith.constant 304 : index
    %swap3A_522 = tpu.vector_load %arg14[%swap3A_521] {strides = array<i32>} : memref<2112xf32, #tpu.memory_space<vmem>>, vector<16xf32>,
    tpu.vector_store %arg14[%swap3A_521], %broadcast_in_dim3A_13 {strides = array<i32>} : memref<2112xf32, #tpu.memory_space<vmem>>, vector<16xf32>,
    %swap3A_523 = arith.constant 320 : index
    %swap3A_524 = tpu.vector_load %arg14[%swap3A_523] {strides = array<i32>} : memref<2112xf32, #tpu.memory_space<vmem>>, vector<16xf32>,
    tpu.vector_store %arg14[%swap3A_523], %broadcast_in_dim3A_13 {strides = array<i32>} : memref<2112xf32, #tpu.memory_space<vmem>>, vector<16xf32>,
    %swap3A_525 = arith.constant 336 : index
    %swap3A_526 = tpu.vector_load %arg14[%swap3A_525] {strides = array<i32>} : memref<2112xf32, #tpu.memory_space<vmem>>, vector<16xf32>,
    tpu.vector_store %arg14[%swap3A_525], %broadcast_in_dim3A_13 {strides = array<i32>} : memref<2112xf32, #tpu.memory_space<vmem>>, vector<16xf32>,
    %swap3A_527 = arith.constant 352 : index
    %swap3A_528 = tpu.vector_load %arg14[%swap3A_527] {strides = array<i32>} : memref<2112xf32, #tpu.memory_space<vmem>>, vector<16xf32>,
    tpu.vector_store %arg14[%swap3A_527], %broadcast_in_dim3A_13 {strides = array<i32>} : memref<2112xf32, #tpu.memory_space<vmem>>, vector<16xf32>,
    %swap3A_529 = arith.constant 368 : index
    %swap3A_530 = tpu.vector_load %arg14[%swap3A_529] {strides = array<i32>} : memref<2112xf32, #tpu.memory_space<vmem>>, vector<16xf32>,
    tpu.vector_store %arg14[%swap3A_529], %broadcast_in_dim3A_13 {strides = array<i32>} : memref<2112xf32, #tpu.memory_space<vmem>>, vector<16xf32>,
    %swap3A_531 = arith.constant 384 : index
    %swap3A_532 = tpu.vector_load %arg14[%swap3A_531] {strides = array<i32>} : memref<2112xf32, #tpu.memory_space<vmem>>, vector<16xf32>,
    tpu.vector_store %arg14[%swap3A_531], %broadcast_in_dim3A_13 {strides = array<i32>} : memref<2112xf32, #tpu.memory_space<vmem>>, vector<16xf32>,
    %swap3A_533 = arith.constant 400 : index
    %swap3A_534 = tpu.vector_load %arg14[%swap3A_533] {strides = array<i32>} : memref<2112xf32, #tpu.memory_space<vmem>>, vector<16xf32>,
    tpu.vector_store %arg14[%swap3A_533], %broadcast_in_dim3A_13 {strides = array<i32>} : memref<2112xf32, #tpu.memory_space<vmem>>, vector<16xf32>,
    %swap3A_535 = arith.constant 416 : index
    %swap3A_536 = tpu.vector_load %arg14[%swap3A_535] {strides = array<i32>} : memref<2112xf32, #tpu.memory_space<vmem>>, vector<16xf32>,
    tpu.vector_store %arg14[%swap3A_535], %broadcast_in_dim3A_13 {strides = array<i32>} : memref<2112xf32, #tpu.memory_space<vmem>>, vector<16xf32>,
    %swap3A_537 = arith.constant 432 : index
    %swap3A_538 = tpu.vector_load %arg14[%swap3A_537] {strides = array<i32>} : memref<2112xf32, #tpu.memory_space<vmem>>, vector<16xf32>,
    tpu.vector_store %arg14[%swap3A_537], %broadcast_in_dim3A_13 {strides = array<i32>} : memref<2112xf32, #tpu.memory_space<vmem>>, vector<16xf32>,
    %swap3A_539 = arith.constant 448 : index
    %swap3A_540 = tpu.vector_load %arg14[%swap3A_539] {strides = array<i32>} : memref<2112xf32, #tpu.memory_space<vmem>>, vector<16xf32>,
    tpu.vector_store %arg14[%swap3A_539], %broadcast_in_dim3A_13 {strides = array<i32>} : memref<2112xf32, #tpu.memory_space<vmem>>, vector<16xf32>,
    %swap3A_541 = arith.constant 464 : index
    %swap3A_542 = tpu.vector_load %arg14[%swap3A_541] {strides = array<i32>} : memref<2112xf32, #tpu.memory_space<vmem>>, vector<16xf32>,
    tpu.vector_store %arg14[%swap3A_541], %broadcast_in_dim3A_13 {strides = array<i32>} : memref<2112xf32, #tpu.memory_space<vmem>>, vector<16xf32>,
    %swap3A_543 = arith.constant 480 : index
    %swap3A_544 = tpu.vector_load %arg14[%swap3A_543] {strides = array<i32>} : memref<2112xf32, #tpu.memory_space<vmem>>, vector<16xf32>,
    tpu.vector_store %arg14[%swap3A_543], %broadcast_in_dim3A_13 {strides = array<i32>} : memref<2112xf32, #tpu.memory_space<vmem>>, vector<16xf32>,
    %swap3A_545 = arith.constant 496 : index
    %swap3A_546 = tpu.vector_load %arg14[%swap3A_545] {strides = array<i32>} : memref<2112xf32, #tpu.memory_space<vmem>>, vector<16xf32>,
    tpu.vector_store %arg14[%swap3A_545], %broadcast_in_dim3A_13 {strides = array<i32>} : memref<2112xf32, #tpu.memory_space<vmem>>, vector<16xf32>,
    %swap3A_547 = arith.constant 512 : index
    %swap3A_548 = tpu.vector_load %arg14[%swap3A_547] {strides = array<i32>} : memref<2112xf32, #tpu.memory_space<vmem>>, vector<16xf32>,
    tpu.vector_store %arg14[%swap3A_547], %broadcast_in_dim3A_13 {strides = array<i32>} : memref<2112xf32, #tpu.memory_space<vmem>>, vector<16xf32>,
    %swap3A_549 = arith.constant 528 : index
    %swap3A_550 = tpu.vector_load %arg14[%swap3A_549] {strides = array<i32>} : memref<2112xf32, #tpu.memory_space<vmem>>, vector<16xf32>,
    tpu.vector_store %arg14[%swap3A_549], %broadcast_in_dim3A_13 {strides = array<i32>} : memref<2112xf32, #tpu.memory_space<vmem>>, vector<16xf32>,
    %swap3A_551 = arith.constant 544 : index
    %swap3A_552 = tpu.vector_load %arg14[%swap3A_551] {strides = array<i32>} : memref<2112xf32, #tpu.memory_space<vmem>>, vector<16xf32>,
    tpu.vector_store %arg14[%swap3A_551], %broadcast_in_dim3A_13 {strides = array<i32>} : memref<2112xf32, #tpu.memory_space<vmem>>, vector<16xf32>,
    %swap3A_553 = arith.constant 560 : index
    %swap3A_554 = tpu.vector_load %arg14[%swap3A_553] {strides = array<i32>} : memref<2112xf32, #tpu.memory_space<vmem>>, vector<16xf32>,
    tpu.vector_store %arg14[%swap3A_553], %broadcast_in_dim3A_13 {strides = array<i32>} : memref<2112xf32, #tpu.memory_space<vmem>>, vector<16xf32>,
    %swap3A_555 = arith.constant 576 : index
    %swap3A_556 = tpu.vector_load %arg14[%swap3A_555] {strides = array<i32>} : memref<2112xf32, #tpu.memory_space<vmem>>, vector<16xf32>,
    tpu.vector_store %arg14[%swap3A_555], %broadcast_in_dim3A_13 {strides = array<i32>} : memref<2112xf32, #tpu.memory_space<vmem>>, vector<16xf32>,
    %swap3A_557 = arith.constant 592 : index
    %swap3A_558 = tpu.vector_load %arg14[%swap3A_557] {strides = array<i32>} : memref<2112xf32, #tpu.memory_space<vmem>>, vector<16xf32>,
    tpu.vector_store %arg14[%swap3A_557], %broadcast_in_dim3A_13 {strides = array<i32>} : memref<2112xf32, #tpu.memory_space<vmem>>, vector<16xf32>,
    %swap3A_559 = arith.constant 608 : index
    %swap3A_560 = tpu.vector_load %arg14[%swap3A_559] {strides = array<i32>} : memref<2112xf32, #tpu.memory_space<vmem>>, vector<16xf32>,
    tpu.vector_store %arg14[%swap3A_559], %broadcast_in_dim3A_13 {strides = array<i32>} : memref<2112xf32, #tpu.memory_space<vmem>>, vector<16xf32>,
    %swap3A_561 = arith.constant 624 : index
    %swap3A_562 = tpu.vector_load %arg14[%swap3A_561] {strides = array<i32>} : memref<2112xf32, #tpu.memory_space<vmem>>, vector<16xf32>,
    tpu.vector_store %arg14[%swap3A_561], %broadcast_in_dim3A_13 {strides = array<i32>} : memref<2112xf32, #tpu.memory_space<vmem>>, vector<16xf32>,
    %swap3A_563 = arith.constant 640 : index
    %swap3A_564 = tpu.vector_load %arg14[%swap3A_563] {strides = array<i32>} : memref<2112xf32, #tpu.memory_space<vmem>>, vector<16xf32>,
    tpu.vector_store %arg14[%swap3A_563], %broadcast_in_dim3A_13 {strides = array<i32>} : memref<2112xf32, #tpu.memory_space<vmem>>, vector<16xf32>,
    %swap3A_565 = arith.constant 656 : index
    %swap3A_566 = tpu.vector_load %arg14[%swap3A_565] {strides = array<i32>} : memref<2112xf32, #tpu.memory_space<vmem>>, vector<16xf32>,
    tpu.vector_store %arg14[%swap3A_565], %broadcast_in_dim3A_13 {strides = array<i32>} : memref<2112xf32, #tpu.memory_space<vmem>>, vector<16xf32>,
    %swap3A_567 = arith.constant 672 : index
    %swap3A_568 = tpu.vector_load %arg14[%swap3A_567] {strides = array<i32>} : memref<2112xf32, #tpu.memory_space<vmem>>, vector<16xf32>,
    tpu.vector_store %arg14[%swap3A_567], %broadcast_in_dim3A_13 {strides = array<i32>} : memref<2112xf32, #tpu.memory_space<vmem>>, vector<16xf32>,
    %swap3A_569 = arith.constant 688 : index
    %swap3A_570 = tpu.vector_load %arg14[%swap3A_569] {strides = array<i32>} : memref<2112xf32, #tpu.memory_space<vmem>>, vector<16xf32>,
    tpu.vector_store %arg14[%swap3A_569], %broadcast_in_dim3A_13 {strides = array<i32>} : memref<2112xf32, #tpu.memory_space<vmem>>, vector<16xf32>,
    %swap3A_571 = arith.constant 704 : index
    %swap3A_572 = tpu.vector_load %arg14[%swap3A_571] {strides = array<i32>} : memref<2112xf32, #tpu.memory_space<vmem>>, vector<16xf32>,
    tpu.vector_store %arg14[%swap3A_571], %broadcast_in_dim3A_13 {strides = array<i32>} : memref<2112xf32, #tpu.memory_space<vmem>>, vector<16xf32>,
    %swap3A_573 = arith.constant 720 : index
    %swap3A_574 = tpu.vector_load %arg14[%swap3A_573] {strides = array<i32>} : memref<2112xf32, #tpu.memory_space<vmem>>, vector<16xf32>,
    tpu.vector_store %arg14[%swap3A_573], %broadcast_in_dim3A_13 {strides = array<i32>} : memref<2112xf32, #tpu.memory_space<vmem>>, vector<16xf32>,
    %swap3A_575 = arith.constant 736 : index
    %swap3A_576 = tpu.vector_load %arg14[%swap3A_575] {strides = array<i32>} : memref<2112xf32, #tpu.memory_space<vmem>>, vector<16xf32>,
    tpu.vector_store %arg14[%swap3A_575], %broadcast_in_dim3A_13 {strides = array<i32>} : memref<2112xf32, #tpu.memory_space<vmem>>, vector<16xf32>,
    %swap3A_577 = arith.constant 752 : index
    %swap3A_578 = tpu.vector_load %arg14[%swap3A_577] {strides = array<i32>} : memref<2112xf32, #tpu.memory_space<vmem>>, vector<16xf32>,
    tpu.vector_store %arg14[%swap3A_577], %broadcast_in_dim3A_13 {strides = array<i32>} : memref<2112xf32, #tpu.memory_space<vmem>>, vector<16xf32>,
    %swap3A_579 = arith.constant 768 : index
    %swap3A_580 = tpu.vector_load %arg14[%swap3A_579] {strides = array<i32>} : memref<2112xf32, #tpu.memory_space<vmem>>, vector<16xf32>,
    tpu.vector_store %arg14[%swap3A_579], %broadcast_in_dim3A_13 {strides = array<i32>} : memref<2112xf32, #tpu.memory_space<vmem>>, vector<16xf32>,
    %swap3A_581 = arith.constant 784 : index
    %swap3A_582 = tpu.vector_load %arg14[%swap3A_581] {strides = array<i32>} : memref<2112xf32, #tpu.memory_space<vmem>>, vector<16xf32>,
    tpu.vector_store %arg14[%swap3A_581], %broadcast_in_dim3A_13 {strides = array<i32>} : memref<2112xf32, #tpu.memory_space<vmem>>, vector<16xf32>,
    %swap3A_583 = arith.constant 800 : index
    %swap3A_584 = tpu.vector_load %arg14[%swap3A_583] {strides = array<i32>} : memref<2112xf32, #tpu.memory_space<vmem>>, vector<16xf32>,
    tpu.vector_store %arg14[%swap3A_583], %broadcast_in_dim3A_13 {strides = array<i32>} : memref<2112xf32, #tpu.memory_space<vmem>>, vector<16xf32>,
    %swap3A_585 = arith.constant 816 : index
    %swap3A_586 = tpu.vector_load %arg14[%swap3A_585] {strides = array<i32>} : memref<2112xf32, #tpu.memory_space<vmem>>, vector<16xf32>,
    tpu.vector_store %arg14[%swap3A_585], %broadcast_in_dim3A_13 {strides = array<i32>} : memref<2112xf32, #tpu.memory_space<vmem>>, vector<16xf32>,
    %swap3A_587 = arith.constant 832 : index
    %swap3A_588 = tpu.vector_load %arg14[%swap3A_587] {strides = array<i32>} : memref<2112xf32, #tpu.memory_space<vmem>>, vector<16xf32>,
    tpu.vector_store %arg14[%swap3A_587], %broadcast_in_dim3A_13 {strides = array<i32>} : memref<2112xf32, #tpu.memory_space<vmem>>, vector<16xf32>,
    %swap3A_589 = arith.constant 848 : index
    %swap3A_590 = tpu.vector_load %arg14[%swap3A_589] {strides = array<i32>} : memref<2112xf32, #tpu.memory_space<vmem>>, vector<16xf32>,
    tpu.vector_store %arg14[%swap3A_589], %broadcast_in_dim3A_13 {strides = array<i32>} : memref<2112xf32, #tpu.memory_space<vmem>>, vector<16xf32>,
    %swap3A_591 = arith.constant 864 : index
    %swap3A_592 = tpu.vector_load %arg14[%swap3A_591] {strides = array<i32>} : memref<2112xf32, #tpu.memory_space<vmem>>, vector<16xf32>,
    tpu.vector_store %arg14[%swap3A_591], %broadcast_in_dim3A_13 {strides = array<i32>} : memref<2112xf32, #tpu.memory_space<vmem>>, vector<16xf32>,
    %swap3A_593 = arith.constant 880 : index
    %swap3A_594 = tpu.vector_load %arg14[%swap3A_593] {strides = array<i32>} : memref<2112xf32, #tpu.memory_space<vmem>>, vector<16xf32>,
    tpu.vector_store %arg14[%swap3A_593], %broadcast_in_dim3A_13 {strides = array<i32>} : memref<2112xf32, #tpu.memory_space<vmem>>, vector<16xf32>,
    %swap3A_595 = arith.constant 896 : index
    %swap3A_596 = tpu.vector_load %arg14[%swap3A_595] {strides = array<i32>} : memref<2112xf32, #tpu.memory_space<vmem>>, vector<16xf32>,
    tpu.vector_store %arg14[%swap3A_595], %broadcast_in_dim3A_13 {strides = array<i32>} : memref<2112xf32, #tpu.memory_space<vmem>>, vector<16xf32>,
    %swap3A_597 = arith.constant 912 : index
    %swap3A_598 = tpu.vector_load %arg14[%swap3A_597] {strides = array<i32>} : memref<2112xf32, #tpu.memory_space<vmem>>, vector<16xf32>,
    tpu.vector_store %arg14[%swap3A_597], %broadcast_in_dim3A_13 {strides = array<i32>} : memref<2112xf32, #tpu.memory_space<vmem>>, vector<16xf32>,
    %swap3A_599 = arith.constant 928 : index
    %swap3A_600 = tpu.vector_load %arg14[%swap3A_599] {strides = array<i32>} : memref<2112xf32, #tpu.memory_space<vmem>>, vector<16xf32>,
    tpu.vector_store %arg14[%swap3A_599], %broadcast_in_dim3A_13 {strides = array<i32>} : memref<2112xf32, #tpu.memory_space<vmem>>, vector<16xf32>,
    %swap3A_601 = arith.constant 944 : index
    %swap3A_602 = tpu.vector_load %arg14[%swap3A_601] {strides = array<i32>} : memref<2112xf32, #tpu.memory_space<vmem>>, vector<16xf32>,
    tpu.vector_store %arg14[%swap3A_601], %broadcast_in_dim3A_13 {strides = array<i32>} : memref<2112xf32, #tpu.memory_space<vmem>>, vector<16xf32>,
    %swap3A_603 = arith.constant 960 : index
    %swap3A_604 = tpu.vector_load %arg14[%swap3A_603] {strides = array<i32>} : memref<2112xf32, #tpu.memory_space<vmem>>, vector<16xf32>,
    tpu.vector_store %arg14[%swap3A_603], %broadcast_in_dim3A_13 {strides = array<i32>} : memref<2112xf32, #tpu.memory_space<vmem>>, vector<16xf32>,
    %swap3A_605 = arith.constant 976 : index
    %swap3A_606 = tpu.vector_load %arg14[%swap3A_605] {strides = array<i32>} : memref<2112xf32, #tpu.memory_space<vmem>>, vector<16xf32>,
    tpu.vector_store %arg14[%swap3A_605], %broadcast_in_dim3A_13 {strides = array<i32>} : memref<2112xf32, #tpu.memory_space<vmem>>, vector<16xf32>,
    %swap3A_607 = arith.constant 992 : index
    %swap3A_608 = tpu.vector_load %arg14[%swap3A_607] {strides = array<i32>} : memref<2112xf32, #tpu.memory_space<vmem>>, vector<16xf32>,
    tpu.vector_store %arg14[%swap3A_607], %broadcast_in_dim3A_13 {strides = array<i32>} : memref<2112xf32, #tpu.memory_space<vmem>>, vector<16xf32>,
    %swap3A_609 = arith.constant 1008 : index
    %swap3A_610 = tpu.vector_load %arg14[%swap3A_609] {strides = array<i32>} : memref<2112xf32, #tpu.memory_space<vmem>>, vector<16xf32>,
    tpu.vector_store %arg14[%swap3A_609], %broadcast_in_dim3A_13 {strides = array<i32>} : memref<2112xf32, #tpu.memory_space<vmem>>, vector<16xf32>,
    %swap3A_611 = arith.constant 1024 : index
    %swap3A_612 = tpu.vector_load %arg14[%swap3A_611] {strides = array<i32>} : memref<2112xf32, #tpu.memory_space<vmem>>, vector<16xf32>,
    tpu.vector_store %arg14[%swap3A_611], %broadcast_in_dim3A_13 {strides = array<i32>} : memref<2112xf32, #tpu.memory_space<vmem>>, vector<16xf32>,
    %swap3A_613 = arith.constant 1040 : index
    %swap3A_614 = tpu.vector_load %arg14[%swap3A_613] {strides = array<i32>} : memref<2112xf32, #tpu.memory_space<vmem>>, vector<16xf32>,
    tpu.vector_store %arg14[%swap3A_613], %broadcast_in_dim3A_13 {strides = array<i32>} : memref<2112xf32, #tpu.memory_space<vmem>>, vector<16xf32>,
    %swap3A_615 = arith.constant 1056 : index
    %swap3A_616 = tpu.vector_load %arg14[%swap3A_615] {strides = array<i32>} : memref<2112xf32, #tpu.memory_space<vmem>>, vector<16xf32>,
    tpu.vector_store %arg14[%swap3A_615], %broadcast_in_dim3A_13 {strides = array<i32>} : memref<2112xf32, #tpu.memory_space<vmem>>, vector<16xf32>,
    %swap3A_617 = arith.constant 1072 : index
    %swap3A_618 = tpu.vector_load %arg14[%swap3A_617] {strides = array<i32>} : memref<2112xf32, #tpu.memory_space<vmem>>, vector<16xf32>,
    tpu.vector_store %arg14[%swap3A_617], %broadcast_in_dim3A_13 {strides = array<i32>} : memref<2112xf32, #tpu.memory_space<vmem>>, vector<16xf32>,
    %swap3A_619 = arith.constant 1088 : index
    %swap3A_620 = tpu.vector_load %arg14[%swap3A_619] {strides = array<i32>} : memref<2112xf32, #tpu.memory_space<vmem>>, vector<16xf32>,
    tpu.vector_store %arg14[%swap3A_619], %broadcast_in_dim3A_13 {strides = array<i32>} : memref<2112xf32, #tpu.memory_space<vmem>>, vector<16xf32>,
    %swap3A_621 = arith.constant 1104 : index
    %swap3A_622 = tpu.vector_load %arg14[%swap3A_621] {strides = array<i32>} : memref<2112xf32, #tpu.memory_space<vmem>>, vector<16xf32>,
    tpu.vector_store %arg14[%swap3A_621], %broadcast_in_dim3A_13 {strides = array<i32>} : memref<2112xf32, #tpu.memory_space<vmem>>, vector<16xf32>,
    %swap3A_623 = arith.constant 1120 : index
    %swap3A_624 = tpu.vector_load %arg14[%swap3A_623] {strides = array<i32>} : memref<2112xf32, #tpu.memory_space<vmem>>, vector<16xf32>,
    tpu.vector_store %arg14[%swap3A_623], %broadcast_in_dim3A_13 {strides = array<i32>} : memref<2112xf32, #tpu.memory_space<vmem>>, vector<16xf32>,
    %swap3A_625 = arith.constant 1136 : index
    %swap3A_626 = tpu.vector_load %arg14[%swap3A_625] {strides = array<i32>} : memref<2112xf32, #tpu.memory_space<vmem>>, vector<16xf32>,
    tpu.vector_store %arg14[%swap3A_625], %broadcast_in_dim3A_13 {strides = array<i32>} : memref<2112xf32, #tpu.memory_space<vmem>>, vector<16xf32>,
    %swap3A_627 = arith.constant 1152 : index
    %swap3A_628 = tpu.vector_load %arg14[%swap3A_627] {strides = array<i32>} : memref<2112xf32, #tpu.memory_space<vmem>>, vector<16xf32>,
    tpu.vector_store %arg14[%swap3A_627], %broadcast_in_dim3A_13 {strides = array<i32>} : memref<2112xf32, #tpu.memory_space<vmem>>, vector<16xf32>,
    %swap3A_629 = arith.constant 1168 : index
    %swap3A_630 = tpu.vector_load %arg14[%swap3A_629] {strides = array<i32>} : memref<2112xf32, #tpu.memory_space<vmem>>, vector<16xf32>,
    tpu.vector_store %arg14[%swap3A_629], %broadcast_in_dim3A_13 {strides = array<i32>} : memref<2112xf32, #tpu.memory_space<vmem>>, vector<16xf32>,
    %swap3A_631 = arith.constant 1184 : index
    %swap3A_632 = tpu.vector_load %arg14[%swap3A_631] {strides = array<i32>} : memref<2112xf32, #tpu.memory_space<vmem>>, vector<16xf32>,
    tpu.vector_store %arg14[%swap3A_631], %broadcast_in_dim3A_13 {strides = array<i32>} : memref<2112xf32, #tpu.memory_space<vmem>>, vector<16xf32>,
    %swap3A_633 = arith.constant 1200 : index
    %swap3A_634 = tpu.vector_load %arg14[%swap3A_633] {strides = array<i32>} : memref<2112xf32, #tpu.memory_space<vmem>>, vector<16xf32>,
    tpu.vector_store %arg14[%swap3A_633], %broadcast_in_dim3A_13 {strides = array<i32>} : memref<2112xf32, #tpu.memory_space<vmem>>, vector<16xf32>,
    %swap3A_635 = arith.constant 1216 : index
    %swap3A_636 = tpu.vector_load %arg14[%swap3A_635] {strides = array<i32>} : memref<2112xf32, #tpu.memory_space<vmem>>, vector<16xf32>,
    tpu.vector_store %arg14[%swap3A_635], %broadcast_in_dim3A_13 {strides = array<i32>} : memref<2112xf32, #tpu.memory_space<vmem>>, vector<16xf32>,
    %swap3A_637 = arith.constant 1232 : index
    %swap3A_638 = tpu.vector_load %arg14[%swap3A_637] {strides = array<i32>} : memref<2112xf32, #tpu.memory_space<vmem>>, vector<16xf32>,
    tpu.vector_store %arg14[%swap3A_637], %broadcast_in_dim3A_13 {strides = array<i32>} : memref<2112xf32, #tpu.memory_space<vmem>>, vector<16xf32>,
    %swap3A_639 = arith.constant 1248 : index
    %swap3A_640 = tpu.vector_load %arg14[%swap3A_639] {strides = array<i32>} : memref<2112xf32, #tpu.memory_space<vmem>>, vector<16xf32>,
    tpu.vector_store %arg14[%swap3A_639], %broadcast_in_dim3A_13 {strides = array<i32>} : memref<2112xf32, #tpu.memory_space<vmem>>, vector<16xf32>,
    %swap3A_641 = arith.constant 1264 : index
    %swap3A_642 = tpu.vector_load %arg14[%swap3A_641] {strides = array<i32>} : memref<2112xf32, #tpu.memory_space<vmem>>, vector<16xf32>,
    tpu.vector_store %arg14[%swap3A_641], %broadcast_in_dim3A_13 {strides = array<i32>} : memref<2112xf32, #tpu.memory_space<vmem>>, vector<16xf32>,
    %swap3A_643 = arith.constant 1280 : index
    %swap3A_644 = tpu.vector_load %arg14[%swap3A_643] {strides = array<i32>} : memref<2112xf32, #tpu.memory_space<vmem>>, vector<16xf32>,
    tpu.vector_store %arg14[%swap3A_643], %broadcast_in_dim3A_13 {strides = array<i32>} : memref<2112xf32, #tpu.memory_space<vmem>>, vector<16xf32>,
    %swap3A_645 = arith.constant 1296 : index
    %swap3A_646 = tpu.vector_load %arg14[%swap3A_645] {strides = array<i32>} : memref<2112xf32, #tpu.memory_space<vmem>>, vector<16xf32>,
    tpu.vector_store %arg14[%swap3A_645], %broadcast_in_dim3A_13 {strides = array<i32>} : memref<2112xf32, #tpu.memory_space<vmem>>, vector<16xf32>,
    %swap3A_647 = arith.constant 1312 : index
    %swap3A_648 = tpu.vector_load %arg14[%swap3A_647] {strides = array<i32>} : memref<2112xf32, #tpu.memory_space<vmem>>, vector<16xf32>,
    tpu.vector_store %arg14[%swap3A_647], %broadcast_in_dim3A_13 {strides = array<i32>} : memref<2112xf32, #tpu.memory_space<vmem>>, vector<16xf32>,
    %swap3A_649 = arith.constant 1328 : index
    %swap3A_650 = tpu.vector_load %arg14[%swap3A_649] {strides = array<i32>} : memref<2112xf32, #tpu.memory_space<vmem>>, vector<16xf32>,
    tpu.vector_store %arg14[%swap3A_649], %broadcast_in_dim3A_13 {strides = array<i32>} : memref<2112xf32, #tpu.memory_space<vmem>>, vector<16xf32>,
    %swap3A_651 = arith.constant 1344 : index
    %swap3A_652 = tpu.vector_load %arg14[%swap3A_651] {strides = array<i32>} : memref<2112xf32, #tpu.memory_space<vmem>>, vector<16xf32>,
    tpu.vector_store %arg14[%swap3A_651], %broadcast_in_dim3A_13 {strides = array<i32>} : memref<2112xf32, #tpu.memory_space<vmem>>, vector<16xf32>,
    %swap3A_653 = arith.constant 1360 : index
    %swap3A_654 = tpu.vector_load %arg14[%swap3A_653] {strides = array<i32>} : memref<2112xf32, #tpu.memory_space<vmem>>, vector<16xf32>,
    tpu.vector_store %arg14[%swap3A_653], %broadcast_in_dim3A_13 {strides = array<i32>} : memref<2112xf32, #tpu.memory_space<vmem>>, vector<16xf32>,
    %swap3A_655 = arith.constant 1376 : index
    %swap3A_656 = tpu.vector_load %arg14[%swap3A_655] {strides = array<i32>} : memref<2112xf32, #tpu.memory_space<vmem>>, vector<16xf32>,
    tpu.vector_store %arg14[%swap3A_655], %broadcast_in_dim3A_13 {strides = array<i32>} : memref<2112xf32, #tpu.memory_space<vmem>>, vector<16xf32>,
    %swap3A_657 = arith.constant 1392 : index
    %swap3A_658 = tpu.vector_load %arg14[%swap3A_657] {strides = array<i32>} : memref<2112xf32, #tpu.memory_space<vmem>>, vector<16xf32>,
    tpu.vector_store %arg14[%swap3A_657], %broadcast_in_dim3A_13 {strides = array<i32>} : memref<2112xf32, #tpu.memory_space<vmem>>, vector<16xf32>,
    %swap3A_659 = arith.constant 1408 : index
    %swap3A_660 = tpu.vector_load %arg14[%swap3A_659] {strides = array<i32>} : memref<2112xf32, #tpu.memory_space<vmem>>, vector<16xf32>,
    tpu.vector_store %arg14[%swap3A_659], %broadcast_in_dim3A_13 {strides = array<i32>} : memref<2112xf32, #tpu.memory_space<vmem>>, vector<16xf32>,
    %swap3A_661 = arith.constant 1424 : index
    %swap3A_662 = tpu.vector_load %arg14[%swap3A_661] {strides = array<i32>} : memref<2112xf32, #tpu.memory_space<vmem>>, vector<16xf32>,
    tpu.vector_store %arg14[%swap3A_661], %broadcast_in_dim3A_13 {strides = array<i32>} : memref<2112xf32, #tpu.memory_space<vmem>>, vector<16xf32>,
    %swap3A_663 = arith.constant 1440 : index
    %swap3A_664 = tpu.vector_load %arg14[%swap3A_663] {strides = array<i32>} : memref<2112xf32, #tpu.memory_space<vmem>>, vector<16xf32>,
    tpu.vector_store %arg14[%swap3A_663], %broadcast_in_dim3A_13 {strides = array<i32>} : memref<2112xf32, #tpu.memory_space<vmem>>, vector<16xf32>,
    %swap3A_665 = arith.constant 1456 : index
    %swap3A_666 = tpu.vector_load %arg14[%swap3A_665] {strides = array<i32>} : memref<2112xf32, #tpu.memory_space<vmem>>, vector<16xf32>,
    tpu.vector_store %arg14[%swap3A_665], %broadcast_in_dim3A_13 {strides = array<i32>} : memref<2112xf32, #tpu.memory_space<vmem>>, vector<16xf32>,
    %swap3A_667 = arith.constant 1472 : index
    %swap3A_668 = tpu.vector_load %arg14[%swap3A_667] {strides = array<i32>} : memref<2112xf32, #tpu.memory_space<vmem>>, vector<16xf32>,
    tpu.vector_store %arg14[%swap3A_667], %broadcast_in_dim3A_13 {strides = array<i32>} : memref<2112xf32, #tpu.memory_space<vmem>>, vector<16xf32>,
    %swap3A_669 = arith.constant 1488 : index
    %swap3A_670 = tpu.vector_load %arg14[%swap3A_669] {strides = array<i32>} : memref<2112xf32, #tpu.memory_space<vmem>>, vector<16xf32>,
    tpu.vector_store %arg14[%swap3A_669], %broadcast_in_dim3A_13 {strides = array<i32>} : memref<2112xf32, #tpu.memory_space<vmem>>, vector<16xf32>,
    %swap3A_671 = arith.constant 1504 : index
    %swap3A_672 = tpu.vector_load %arg14[%swap3A_671] {strides = array<i32>} : memref<2112xf32, #tpu.memory_space<vmem>>, vector<16xf32>,
    tpu.vector_store %arg14[%swap3A_671], %broadcast_in_dim3A_13 {strides = array<i32>} : memref<2112xf32, #tpu.memory_space<vmem>>, vector<16xf32>,
    %swap3A_673 = arith.constant 1520 : index
    %swap3A_674 = tpu.vector_load %arg14[%swap3A_673] {strides = array<i32>} : memref<2112xf32, #tpu.memory_space<vmem>>, vector<16xf32>,
    tpu.vector_store %arg14[%swap3A_673], %broadcast_in_dim3A_13 {strides = array<i32>} : memref<2112xf32, #tpu.memory_space<vmem>>, vector<16xf32>,
    %swap3A_675 = arith.constant 1536 : index
    %swap3A_676 = tpu.vector_load %arg14[%swap3A_675] {strides = array<i32>} : memref<2112xf32, #tpu.memory_space<vmem>>, vector<16xf32>,
    tpu.vector_store %arg14[%swap3A_675], %broadcast_in_dim3A_13 {strides = array<i32>} : memref<2112xf32, #tpu.memory_space<vmem>>, vector<16xf32>,
    %swap3A_677 = arith.constant 1552 : index
    %swap3A_678 = tpu.vector_load %arg14[%swap3A_677] {strides = array<i32>} : memref<2112xf32, #tpu.memory_space<vmem>>, vector<16xf32>,
    tpu.vector_store %arg14[%swap3A_677], %broadcast_in_dim3A_13 {strides = array<i32>} : memref<2112xf32, #tpu.memory_space<vmem>>, vector<16xf32>,
    %swap3A_679 = arith.constant 1568 : index
    %swap3A_680 = tpu.vector_load %arg14[%swap3A_679] {strides = array<i32>} : memref<2112xf32, #tpu.memory_space<vmem>>, vector<16xf32>,
    tpu.vector_store %arg14[%swap3A_679], %broadcast_in_dim3A_13 {strides = array<i32>} : memref<2112xf32, #tpu.memory_space<vmem>>, vector<16xf32>,
    %swap3A_681 = arith.constant 1584 : index
    %swap3A_682 = tpu.vector_load %arg14[%swap3A_681] {strides = array<i32>} : memref<2112xf32, #tpu.memory_space<vmem>>, vector<16xf32>,
    tpu.vector_store %arg14[%swap3A_681], %broadcast_in_dim3A_13 {strides = array<i32>} : memref<2112xf32, #tpu.memory_space<vmem>>, vector<16xf32>,
    %swap3A_683 = arith.constant 1600 : index
    %swap3A_684 = tpu.vector_load %arg14[%swap3A_683] {strides = array<i32>} : memref<2112xf32, #tpu.memory_space<vmem>>, vector<16xf32>,
    tpu.vector_store %arg14[%swap3A_683], %broadcast_in_dim3A_13 {strides = array<i32>} : memref<2112xf32, #tpu.memory_space<vmem>>, vector<16xf32>,
    %swap3A_685 = arith.constant 1616 : index
    %swap3A_686 = tpu.vector_load %arg14[%swap3A_685] {strides = array<i32>} : memref<2112xf32, #tpu.memory_space<vmem>>, vector<16xf32>,
    tpu.vector_store %arg14[%swap3A_685], %broadcast_in_dim3A_13 {strides = array<i32>} : memref<2112xf32, #tpu.memory_space<vmem>>, vector<16xf32>,
    %swap3A_687 = arith.constant 1632 : index
    %swap3A_688 = tpu.vector_load %arg14[%swap3A_687] {strides = array<i32>} : memref<2112xf32, #tpu.memory_space<vmem>>, vector<16xf32>,
    tpu.vector_store %arg14[%swap3A_687], %broadcast_in_dim3A_13 {strides = array<i32>} : memref<2112xf32, #tpu.memory_space<vmem>>, vector<16xf32>,
    %swap3A_689 = arith.constant 1648 : index
    %swap3A_690 = tpu.vector_load %arg14[%swap3A_689] {strides = array<i32>} : memref<2112xf32, #tpu.memory_space<vmem>>, vector<16xf32>,
    tpu.vector_store %arg14[%swap3A_689], %broadcast_in_dim3A_13 {strides = array<i32>} : memref<2112xf32, #tpu.memory_space<vmem>>, vector<16xf32>,
    %swap3A_691 = arith.constant 1664 : index
    %swap3A_692 = tpu.vector_load %arg14[%swap3A_691] {strides = array<i32>} : memref<2112xf32, #tpu.memory_space<vmem>>, vector<16xf32>,
    tpu.vector_store %arg14[%swap3A_691], %broadcast_in_dim3A_13 {strides = array<i32>} : memref<2112xf32, #tpu.memory_space<vmem>>, vector<16xf32>,
    %swap3A_693 = arith.constant 1680 : index
    %swap3A_694 = tpu.vector_load %arg14[%swap3A_693] {strides = array<i32>} : memref<2112xf32, #tpu.memory_space<vmem>>, vector<16xf32>,
    tpu.vector_store %arg14[%swap3A_693], %broadcast_in_dim3A_13 {strides = array<i32>} : memref<2112xf32, #tpu.memory_space<vmem>>, vector<16xf32>,
    %swap3A_695 = arith.constant 1696 : index
    %swap3A_696 = tpu.vector_load %arg14[%swap3A_695] {strides = array<i32>} : memref<2112xf32, #tpu.memory_space<vmem>>, vector<16xf32>,
    tpu.vector_store %arg14[%swap3A_695], %broadcast_in_dim3A_13 {strides = array<i32>} : memref<2112xf32, #tpu.memory_space<vmem>>, vector<16xf32>,
    %swap3A_697 = arith.constant 1712 : index
    %swap3A_698 = tpu.vector_load %arg14[%swap3A_697] {strides = array<i32>} : memref<2112xf32, #tpu.memory_space<vmem>>, vector<16xf32>,
    tpu.vector_store %arg14[%swap3A_697], %broadcast_in_dim3A_13 {strides = array<i32>} : memref<2112xf32, #tpu.memory_space<vmem>>, vector<16xf32>,
    %swap3A_699 = arith.constant 1728 : index
    %swap3A_700 = tpu.vector_load %arg14[%swap3A_699] {strides = array<i32>} : memref<2112xf32, #tpu.memory_space<vmem>>, vector<16xf32>,
    tpu.vector_store %arg14[%swap3A_699], %broadcast_in_dim3A_13 {strides = array<i32>} : memref<2112xf32, #tpu.memory_space<vmem>>, vector<16xf32>,
    %swap3A_701 = arith.constant 1744 : index
    %swap3A_702 = tpu.vector_load %arg14[%swap3A_701] {strides = array<i32>} : memref<2112xf32, #tpu.memory_space<vmem>>, vector<16xf32>,
    tpu.vector_store %arg14[%swap3A_701], %broadcast_in_dim3A_13 {strides = array<i32>} : memref<2112xf32, #tpu.memory_space<vmem>>, vector<16xf32>,
    %swap3A_703 = arith.constant 1760 : index
    %swap3A_704 = tpu.vector_load %arg14[%swap3A_703] {strides = array<i32>} : memref<2112xf32, #tpu.memory_space<vmem>>, vector<16xf32>,
    tpu.vector_store %arg14[%swap3A_703], %broadcast_in_dim3A_13 {strides = array<i32>} : memref<2112xf32, #tpu.memory_space<vmem>>, vector<16xf32>,
    %swap3A_705 = arith.constant 1776 : index
    %swap3A_706 = tpu.vector_load %arg14[%swap3A_705] {strides = array<i32>} : memref<2112xf32, #tpu.memory_space<vmem>>, vector<16xf32>,
    tpu.vector_store %arg14[%swap3A_705], %broadcast_in_dim3A_13 {strides = array<i32>} : memref<2112xf32, #tpu.memory_space<vmem>>, vector<16xf32>,
    %swap3A_707 = arith.constant 1792 : index
    %swap3A_708 = tpu.vector_load %arg14[%swap3A_707] {strides = array<i32>} : memref<2112xf32, #tpu.memory_space<vmem>>, vector<16xf32>,
    tpu.vector_store %arg14[%swap3A_707], %broadcast_in_dim3A_13 {strides = array<i32>} : memref<2112xf32, #tpu.memory_space<vmem>>, vector<16xf32>,
    %swap3A_709 = arith.constant 1808 : index
    %swap3A_710 = tpu.vector_load %arg14[%swap3A_709] {strides = array<i32>} : memref<2112xf32, #tpu.memory_space<vmem>>, vector<16xf32>,
    tpu.vector_store %arg14[%swap3A_709], %broadcast_in_dim3A_13 {strides = array<i32>} : memref<2112xf32, #tpu.memory_space<vmem>>, vector<16xf32>,
    %swap3A_711 = arith.constant 1824 : index
    %swap3A_712 = tpu.vector_load %arg14[%swap3A_711] {strides = array<i32>} : memref<2112xf32, #tpu.memory_space<vmem>>, vector<16xf32>,
    tpu.vector_store %arg14[%swap3A_711], %broadcast_in_dim3A_13 {strides = array<i32>} : memref<2112xf32, #tpu.memory_space<vmem>>, vector<16xf32>,
    %swap3A_713 = arith.constant 1840 : index
    %swap3A_714 = tpu.vector_load %arg14[%swap3A_713] {strides = array<i32>} : memref<2112xf32, #tpu.memory_space<vmem>>, vector<16xf32>,
    tpu.vector_store %arg14[%swap3A_713], %broadcast_in_dim3A_13 {strides = array<i32>} : memref<2112xf32, #tpu.memory_space<vmem>>, vector<16xf32>,
    %swap3A_715 = arith.constant 1856 : index
    %swap3A_716 = tpu.vector_load %arg14[%swap3A_715] {strides = array<i32>} : memref<2112xf32, #tpu.memory_space<vmem>>, vector<16xf32>,
    tpu.vector_store %arg14[%swap3A_715], %broadcast_in_dim3A_13 {strides = array<i32>} : memref<2112xf32, #tpu.memory_space<vmem>>, vector<16xf32>,
    %swap3A_717 = arith.constant 1872 : index
    %swap3A_718 = tpu.vector_load %arg14[%swap3A_717] {strides = array<i32>} : memref<2112xf32, #tpu.memory_space<vmem>>, vector<16xf32>,
    tpu.vector_store %arg14[%swap3A_717], %broadcast_in_dim3A_13 {strides = array<i32>} : memref<2112xf32, #tpu.memory_space<vmem>>, vector<16xf32>,
    %swap3A_719 = arith.constant 1888 : index
    %swap3A_720 = tpu.vector_load %arg14[%swap3A_719] {strides = array<i32>} : memref<2112xf32, #tpu.memory_space<vmem>>, vector<16xf32>,
    tpu.vector_store %arg14[%swap3A_719], %broadcast_in_dim3A_13 {strides = array<i32>} : memref<2112xf32, #tpu.memory_space<vmem>>, vector<16xf32>,
    %swap3A_721 = arith.constant 1904 : index
    %swap3A_722 = tpu.vector_load %arg14[%swap3A_721] {strides = array<i32>} : memref<2112xf32, #tpu.memory_space<vmem>>, vector<16xf32>,
    tpu.vector_store %arg14[%swap3A_721], %broadcast_in_dim3A_13 {strides = array<i32>} : memref<2112xf32, #tpu.memory_space<vmem>>, vector<16xf32>,
    %swap3A_723 = arith.constant 1920 : index
    %swap3A_724 = tpu.vector_load %arg14[%swap3A_723] {strides = array<i32>} : memref<2112xf32, #tpu.memory_space<vmem>>, vector<16xf32>,
    tpu.vector_store %arg14[%swap3A_723], %broadcast_in_dim3A_13 {strides = array<i32>} : memref<2112xf32, #tpu.memory_space<vmem>>, vector<16xf32>,
    %swap3A_725 = arith.constant 1936 : index
    %swap3A_726 = tpu.vector_load %arg14[%swap3A_725] {strides = array<i32>} : memref<2112xf32, #tpu.memory_space<vmem>>, vector<16xf32>,
    tpu.vector_store %arg14[%swap3A_725], %broadcast_in_dim3A_13 {strides = array<i32>} : memref<2112xf32, #tpu.memory_space<vmem>>, vector<16xf32>,
    %swap3A_727 = arith.constant 1952 : index
    %swap3A_728 = tpu.vector_load %arg14[%swap3A_727] {strides = array<i32>} : memref<2112xf32, #tpu.memory_space<vmem>>, vector<16xf32>,
    tpu.vector_store %arg14[%swap3A_727], %broadcast_in_dim3A_13 {strides = array<i32>} : memref<2112xf32, #tpu.memory_space<vmem>>, vector<16xf32>,
    %swap3A_729 = arith.constant 1968 : index
    %swap3A_730 = tpu.vector_load %arg14[%swap3A_729] {strides = array<i32>} : memref<2112xf32, #tpu.memory_space<vmem>>, vector<16xf32>,
    tpu.vector_store %arg14[%swap3A_729], %broadcast_in_dim3A_13 {strides = array<i32>} : memref<2112xf32, #tpu.memory_space<vmem>>, vector<16xf32>,
    %swap3A_731 = arith.constant 1984 : index
    %swap3A_732 = tpu.vector_load %arg14[%swap3A_731] {strides = array<i32>} : memref<2112xf32, #tpu.memory_space<vmem>>, vector<16xf32>,
    tpu.vector_store %arg14[%swap3A_731], %broadcast_in_dim3A_13 {strides = array<i32>} : memref<2112xf32, #tpu.memory_space<vmem>>, vector<16xf32>,
    %swap3A_733 = arith.constant 2000 : index
    %swap3A_734 = tpu.vector_load %arg14[%swap3A_733] {strides = array<i32>} : memref<2112xf32, #tpu.memory_space<vmem>>, vector<16xf32>,
    tpu.vector_store %arg14[%swap3A_733], %broadcast_in_dim3A_13 {strides = array<i32>} : memref<2112xf32, #tpu.memory_space<vmem>>, vector<16xf32>,
    %swap3A_735 = arith.constant 2016 : index
    %swap3A_736 = tpu.vector_load %arg14[%swap3A_735] {strides = array<i32>} : memref<2112xf32, #tpu.memory_space<vmem>>, vector<16xf32>,
    tpu.vector_store %arg14[%swap3A_735], %broadcast_in_dim3A_13 {strides = array<i32>} : memref<2112xf32, #tpu.memory_space<vmem>>, vector<16xf32>,
    %swap3A_737 = arith.constant 2032 : index
    %swap3A_738 = tpu.vector_load %arg14[%swap3A_737] {strides = array<i32>} : memref<2112xf32, #tpu.memory_space<vmem>>, vector<16xf32>,
    tpu.vector_store %arg14[%swap3A_737], %broadcast_in_dim3A_13 {strides = array<i32>} : memref<2112xf32, #tpu.memory_space<vmem>>, vector<16xf32>,
    %swap3A_739 = arith.constant 2048 : index
    %swap3A_740 = tpu.vector_load %arg14[%swap3A_739] {strides = array<i32>} : memref<2112xf32, #tpu.memory_space<vmem>>, vector<16xf32>,
    tpu.vector_store %arg14[%swap3A_739], %broadcast_in_dim3A_13 {strides = array<i32>} : memref<2112xf32, #tpu.memory_space<vmem>>, vector<16xf32>,
    %swap3A_741 = arith.constant 2064 : index
    %swap3A_742 = tpu.vector_load %arg14[%swap3A_741] {strides = array<i32>} : memref<2112xf32, #tpu.memory_space<vmem>>, vector<16xf32>,
    tpu.vector_store %arg14[%swap3A_741], %broadcast_in_dim3A_13 {strides = array<i32>} : memref<2112xf32, #tpu.memory_space<vmem>>, vector<16xf32>,
    %swap3A_743 = arith.constant 2080 : index
    %swap3A_744 = tpu.vector_load %arg14[%swap3A_743] {strides = array<i32>} : memref<2112xf32, #tpu.memory_space<vmem>>, vector<16xf32>,
    tpu.vector_store %arg14[%swap3A_743], %broadcast_in_dim3A_13 {strides = array<i32>} : memref<2112xf32, #tpu.memory_space<vmem>>, vector<16xf32>,
    %swap3A_745 = arith.constant 2096 : index
    %swap3A_746 = tpu.vector_load %arg14[%swap3A_745] {strides = array<i32>} : memref<2112xf32, #tpu.memory_space<vmem>>, vector<16xf32>,
    tpu.vector_store %arg14[%swap3A_745], %broadcast_in_dim3A_13 {strides = array<i32>} : memref<2112xf32, #tpu.memory_space<vmem>>, vector<16xf32>,
    %swap3A_747 = arith.constant 0 : index
    %swap3A_748 = tpu.vector_load %arg15[%swap3A_747] {strides = array<i32>} : memref<528xf32, #tpu.memory_space<vmem>>, vector<16xf32>,
    tpu.vector_store %arg15[%swap3A_747], %broadcast_in_dim3A_13 {strides = array<i32>} : memref<528xf32, #tpu.memory_space<vmem>>, vector<16xf32>,
    %swap3A_749 = arith.constant 16 : index
    %swap3A_750 = tpu.vector_load %arg15[%swap3A_749] {strides = array<i32>} : memref<528xf32, #tpu.memory_space<vmem>>, vector<16xf32>,
    tpu.vector_store %arg15[%swap3A_749], %broadcast_in_dim3A_13 {strides = array<i32>} : memref<528xf32, #tpu.memory_space<vmem>>, vector<16xf32>,
    %swap3A_751 = arith.constant 32 : index
    %swap3A_752 = tpu.vector_load %arg15[%swap3A_751] {strides = array<i32>} : memref<528xf32, #tpu.memory_space<vmem>>, vector<16xf32>,
    tpu.vector_store %arg15[%swap3A_751], %broadcast_in_dim3A_13 {strides = array<i32>} : memref<528xf32, #tpu.memory_space<vmem>>, vector<16xf32>,
    %swap3A_753 = arith.constant 48 : index
    %swap3A_754 = tpu.vector_load %arg15[%swap3A_753] {strides = array<i32>} : memref<528xf32, #tpu.memory_space<vmem>>, vector<16xf32>,
    tpu.vector_store %arg15[%swap3A_753], %broadcast_in_dim3A_13 {strides = array<i32>} : memref<528xf32, #tpu.memory_space<vmem>>, vector<16xf32>,
    %swap3A_755 = arith.constant 64 : index
    %swap3A_756 = tpu.vector_load %arg15[%swap3A_755] {strides = array<i32>} : memref<528xf32, #tpu.memory_space<vmem>>, vector<16xf32>,
    tpu.vector_store %arg15[%swap3A_755], %broadcast_in_dim3A_13 {strides = array<i32>} : memref<528xf32, #tpu.memory_space<vmem>>, vector<16xf32>,
    %swap3A_757 = arith.constant 80 : index
    %swap3A_758 = tpu.vector_load %arg15[%swap3A_757] {strides = array<i32>} : memref<528xf32, #tpu.memory_space<vmem>>, vector<16xf32>,
    tpu.vector_store %arg15[%swap3A_757], %broadcast_in_dim3A_13 {strides = array<i32>} : memref<528xf32, #tpu.memory_space<vmem>>, vector<16xf32>,
    %swap3A_759 = arith.constant 96 : index
    %swap3A_760 = tpu.vector_load %arg15[%swap3A_759] {strides = array<i32>} : memref<528xf32, #tpu.memory_space<vmem>>, vector<16xf32>,
    tpu.vector_store %arg15[%swap3A_759], %broadcast_in_dim3A_13 {strides = array<i32>} : memref<528xf32, #tpu.memory_space<vmem>>, vector<16xf32>,
    %swap3A_761 = arith.constant 112 : index
    %swap3A_762 = tpu.vector_load %arg15[%swap3A_761] {strides = array<i32>} : memref<528xf32, #tpu.memory_space<vmem>>, vector<16xf32>,
    tpu.vector_store %arg15[%swap3A_761], %broadcast_in_dim3A_13 {strides = array<i32>} : memref<528xf32, #tpu.memory_space<vmem>>, vector<16xf32>,
    %swap3A_763 = arith.constant 128 : index
    %swap3A_764 = tpu.vector_load %arg15[%swap3A_763] {strides = array<i32>} : memref<528xf32, #tpu.memory_space<vmem>>, vector<16xf32>,
    tpu.vector_store %arg15[%swap3A_763], %broadcast_in_dim3A_13 {strides = array<i32>} : memref<528xf32, #tpu.memory_space<vmem>>, vector<16xf32>,
    %swap3A_765 = arith.constant 144 : index
    %swap3A_766 = tpu.vector_load %arg15[%swap3A_765] {strides = array<i32>} : memref<528xf32, #tpu.memory_space<vmem>>, vector<16xf32>,
    tpu.vector_store %arg15[%swap3A_765], %broadcast_in_dim3A_13 {strides = array<i32>} : memref<528xf32, #tpu.memory_space<vmem>>, vector<16xf32>,
    %swap3A_767 = arith.constant 160 : index
    %swap3A_768 = tpu.vector_load %arg15[%swap3A_767] {strides = array<i32>} : memref<528xf32, #tpu.memory_space<vmem>>, vector<16xf32>,
    tpu.vector_store %arg15[%swap3A_767], %broadcast_in_dim3A_13 {strides = array<i32>} : memref<528xf32, #tpu.memory_space<vmem>>, vector<16xf32>,
    %swap3A_769 = arith.constant 176 : index
    %swap3A_770 = tpu.vector_load %arg15[%swap3A_769] {strides = array<i32>} : memref<528xf32, #tpu.memory_space<vmem>>, vector<16xf32>,
    tpu.vector_store %arg15[%swap3A_769], %broadcast_in_dim3A_13 {strides = array<i32>} : memref<528xf32, #tpu.memory_space<vmem>>, vector<16xf32>,
    %swap3A_771 = arith.constant 192 : index
    %swap3A_772 = tpu.vector_load %arg15[%swap3A_771] {strides = array<i32>} : memref<528xf32, #tpu.memory_space<vmem>>, vector<16xf32>,
    tpu.vector_store %arg15[%swap3A_771], %broadcast_in_dim3A_13 {strides = array<i32>} : memref<528xf32, #tpu.memory_space<vmem>>, vector<16xf32>,
    %swap3A_773 = arith.constant 208 : index
    %swap3A_774 = tpu.vector_load %arg15[%swap3A_773] {strides = array<i32>} : memref<528xf32, #tpu.memory_space<vmem>>, vector<16xf32>,
    tpu.vector_store %arg15[%swap3A_773], %broadcast_in_dim3A_13 {strides = array<i32>} : memref<528xf32, #tpu.memory_space<vmem>>, vector<16xf32>,
    %swap3A_775 = arith.constant 224 : index
    %swap3A_776 = tpu.vector_load %arg15[%swap3A_775] {strides = array<i32>} : memref<528xf32, #tpu.memory_space<vmem>>, vector<16xf32>,
    tpu.vector_store %arg15[%swap3A_775], %broadcast_in_dim3A_13 {strides = array<i32>} : memref<528xf32, #tpu.memory_space<vmem>>, vector<16xf32>,
    %swap3A_777 = arith.constant 240 : index
    %swap3A_778 = tpu.vector_load %arg15[%swap3A_777] {strides = array<i32>} : memref<528xf32, #tpu.memory_space<vmem>>, vector<16xf32>,
    tpu.vector_store %arg15[%swap3A_777], %broadcast_in_dim3A_13 {strides = array<i32>} : memref<528xf32, #tpu.memory_space<vmem>>, vector<16xf32>,
    %swap3A_779 = arith.constant 256 : index
    %swap3A_780 = tpu.vector_load %arg15[%swap3A_779] {strides = array<i32>} : memref<528xf32, #tpu.memory_space<vmem>>, vector<16xf32>,
    tpu.vector_store %arg15[%swap3A_779], %broadcast_in_dim3A_13 {strides = array<i32>} : memref<528xf32, #tpu.memory_space<vmem>>, vector<16xf32>,
    %swap3A_781 = arith.constant 272 : index
    %swap3A_782 = tpu.vector_load %arg15[%swap3A_781] {strides = array<i32>} : memref<528xf32, #tpu.memory_space<vmem>>, vector<16xf32>,
    tpu.vector_store %arg15[%swap3A_781], %broadcast_in_dim3A_13 {strides = array<i32>} : memref<528xf32, #tpu.memory_space<vmem>>, vector<16xf32>,
    %swap3A_783 = arith.constant 288 : index
    %swap3A_784 = tpu.vector_load %arg15[%swap3A_783] {strides = array<i32>} : memref<528xf32, #tpu.memory_space<vmem>>, vector<16xf32>,
    tpu.vector_store %arg15[%swap3A_783], %broadcast_in_dim3A_13 {strides = array<i32>} : memref<528xf32, #tpu.memory_space<vmem>>, vector<16xf32>,
    %swap3A_785 = arith.constant 304 : index
    %swap3A_786 = tpu.vector_load %arg15[%swap3A_785] {strides = array<i32>} : memref<528xf32, #tpu.memory_space<vmem>>, vector<16xf32>,
    tpu.vector_store %arg15[%swap3A_785], %broadcast_in_dim3A_13 {strides = array<i32>} : memref<528xf32, #tpu.memory_space<vmem>>, vector<16xf32>,
    %swap3A_787 = arith.constant 320 : index
    %swap3A_788 = tpu.vector_load %arg15[%swap3A_787] {strides = array<i32>} : memref<528xf32, #tpu.memory_space<vmem>>, vector<16xf32>,
    tpu.vector_store %arg15[%swap3A_787], %broadcast_in_dim3A_13 {strides = array<i32>} : memref<528xf32, #tpu.memory_space<vmem>>, vector<16xf32>,
    %swap3A_789 = arith.constant 336 : index
    %swap3A_790 = tpu.vector_load %arg15[%swap3A_789] {strides = array<i32>} : memref<528xf32, #tpu.memory_space<vmem>>, vector<16xf32>,
    tpu.vector_store %arg15[%swap3A_789], %broadcast_in_dim3A_13 {strides = array<i32>} : memref<528xf32, #tpu.memory_space<vmem>>, vector<16xf32>,
    %swap3A_791 = arith.constant 352 : index
    %swap3A_792 = tpu.vector_load %arg15[%swap3A_791] {strides = array<i32>} : memref<528xf32, #tpu.memory_space<vmem>>, vector<16xf32>,
    tpu.vector_store %arg15[%swap3A_791], %broadcast_in_dim3A_13 {strides = array<i32>} : memref<528xf32, #tpu.memory_space<vmem>>, vector<16xf32>,
    %swap3A_793 = arith.constant 368 : index
    %swap3A_794 = tpu.vector_load %arg15[%swap3A_793] {strides = array<i32>} : memref<528xf32, #tpu.memory_space<vmem>>, vector<16xf32>,
    tpu.vector_store %arg15[%swap3A_793], %broadcast_in_dim3A_13 {strides = array<i32>} : memref<528xf32, #tpu.memory_space<vmem>>, vector<16xf32>,
    %swap3A_795 = arith.constant 384 : index
    %swap3A_796 = tpu.vector_load %arg15[%swap3A_795] {strides = array<i32>} : memref<528xf32, #tpu.memory_space<vmem>>, vector<16xf32>,
    tpu.vector_store %arg15[%swap3A_795], %broadcast_in_dim3A_13 {strides = array<i32>} : memref<528xf32, #tpu.memory_space<vmem>>, vector<16xf32>,
    %swap3A_797 = arith.constant 400 : index
    %swap3A_798 = tpu.vector_load %arg15[%swap3A_797] {strides = array<i32>} : memref<528xf32, #tpu.memory_space<vmem>>, vector<16xf32>,
    tpu.vector_store %arg15[%swap3A_797], %broadcast_in_dim3A_13 {strides = array<i32>} : memref<528xf32, #tpu.memory_space<vmem>>, vector<16xf32>,
    %swap3A_799 = arith.constant 416 : index
    %swap3A_800 = tpu.vector_load %arg15[%swap3A_799] {strides = array<i32>} : memref<528xf32, #tpu.memory_space<vmem>>, vector<16xf32>,
    tpu.vector_store %arg15[%swap3A_799], %broadcast_in_dim3A_13 {strides = array<i32>} : memref<528xf32, #tpu.memory_space<vmem>>, vector<16xf32>,
    %swap3A_801 = arith.constant 432 : index
    %swap3A_802 = tpu.vector_load %arg15[%swap3A_801] {strides = array<i32>} : memref<528xf32, #tpu.memory_space<vmem>>, vector<16xf32>,
    tpu.vector_store %arg15[%swap3A_801], %broadcast_in_dim3A_13 {strides = array<i32>} : memref<528xf32, #tpu.memory_space<vmem>>, vector<16xf32>,
    %swap3A_803 = arith.constant 448 : index
    %swap3A_804 = tpu.vector_load %arg15[%swap3A_803] {strides = array<i32>} : memref<528xf32, #tpu.memory_space<vmem>>, vector<16xf32>,
    tpu.vector_store %arg15[%swap3A_803], %broadcast_in_dim3A_13 {strides = array<i32>} : memref<528xf32, #tpu.memory_space<vmem>>, vector<16xf32>,
    %swap3A_805 = arith.constant 464 : index
    %swap3A_806 = tpu.vector_load %arg15[%swap3A_805] {strides = array<i32>} : memref<528xf32, #tpu.memory_space<vmem>>, vector<16xf32>,
    tpu.vector_store %arg15[%swap3A_805], %broadcast_in_dim3A_13 {strides = array<i32>} : memref<528xf32, #tpu.memory_space<vmem>>, vector<16xf32>,
    %swap3A_807 = arith.constant 480 : index
    %swap3A_808 = tpu.vector_load %arg15[%swap3A_807] {strides = array<i32>} : memref<528xf32, #tpu.memory_space<vmem>>, vector<16xf32>,
    tpu.vector_store %arg15[%swap3A_807], %broadcast_in_dim3A_13 {strides = array<i32>} : memref<528xf32, #tpu.memory_space<vmem>>, vector<16xf32>,
    %swap3A_809 = arith.constant 496 : index
    %swap3A_810 = tpu.vector_load %arg15[%swap3A_809] {strides = array<i32>} : memref<528xf32, #tpu.memory_space<vmem>>, vector<16xf32>,
    tpu.vector_store %arg15[%swap3A_809], %broadcast_in_dim3A_13 {strides = array<i32>} : memref<528xf32, #tpu.memory_space<vmem>>, vector<16xf32>,
    %swap3A_811 = arith.constant 512 : index
    %swap3A_812 = tpu.vector_load %arg15[%swap3A_811] {strides = array<i32>} : memref<528xf32, #tpu.memory_space<vmem>>, vector<16xf32>,
    tpu.vector_store %arg15[%swap3A_811], %broadcast_in_dim3A_13 {strides = array<i32>} : memref<528xf32, #tpu.memory_space<vmem>>, vector<16xf32>,
    %lt3A_813 = arith.constant 0 : i32
    %lt3A_814 = arith.constant 512 : i32
    %lt3A_815 = arith.cmpi slt, %lt3A_813, %lt3A_814 : i32
    %convert_element_type3A_816 = arith.extui %lt3A_815 : i1 to i32
    %cond3A_817 = arith.constant 0 : i32
    %cond3A_818 = arith.constant 0 : i32
    %cond3A_819 = arith.cmpi ne, %convert_element_type3A_816, %cond3A_818 : i32
    %cond3A_820 = scf.if %cond3A_819 -> (i32) {
      "tpu.region"() ({
        %run_scoped3A = tpu.sem_alloc : memref<!tpu.dma_semaphore, #tpu.memory_space<semaphore_mem>>
        %dma_start3A = arith.constant 0 : i32
        %dma_start3A_875 = arith.constant 0 : i32
        %dma_start3A_876 = tpu.memref_slice %arg2[%select_n3A_462, %dma_start3A, %dma_start3A_875] : memref<8x20000x6xf32, #tpu.memory_space<hbm>> -> memref<1x4000x6xf32, #tpu.memory_space<hbm>>
        %dma_start3A_877 = tpu.memref_squeeze %dma_start3A_876 : memref<1x4000x6xf32, #tpu.memory_space<hbm>> -> memref<4000x6xf32, #tpu.memory_space<hbm>>
        %dma_start3A_878 = arith.constant 0 : i32
        %dma_start3A_879 = arith.constant 0 : i32
        %dma_start3A_880 = tpu.memref_slice %arg2[%select_n3A_462, %dma_start3A_878, %dma_start3A_879] : memref<8x20000x6xf32, #tpu.memory_space<hbm>> -> memref<1x4000x6xf32, #tpu.memory_space<hbm>>
        %dma_start3A_881 = tpu.memref_squeeze %dma_start3A_880 : memref<1x4000x6xf32, #tpu.memory_space<hbm>> -> memref<4000x6xf32, #tpu.memory_space<hbm>>
        tpu.enqueue_dma source(%dma_start3A_881 : memref<4000x6xf32, #tpu.memory_space<hbm>>) target(%arg13 : memref<4000x6xf32, #tpu.memory_space<vmem>>) target_semaphore(%run_scoped3A : memref<!tpu.dma_semaphore, #tpu.memory_space<semaphore_mem>>)
        %dma_wait3A = arith.constant 0 : i32
        %dma_wait3A_882 = arith.constant 0 : i32
        %dma_wait3A_883 = tpu.memref_slice %arg2[%select_n3A_462, %dma_wait3A, %dma_wait3A_882] : memref<8x20000x6xf32, #tpu.memory_space<hbm>> -> memref<1x4000x6xf32, #tpu.memory_space<hbm>>
        %dma_wait3A_884 = tpu.memref_squeeze %dma_wait3A_883 : memref<1x4000x6xf32, #tpu.memory_space<hbm>> -> memref<4000x6xf32, #tpu.memory_space<hbm>>
        %dma_wait3A_885 = arith.constant 0 : i32
        %dma_wait3A_886 = arith.constant 0 : i32
        %dma_wait3A_887 = tpu.memref_slice %arg2[%select_n3A_462, %dma_wait3A_885, %dma_wait3A_886] : memref<8x20000x6xf32, #tpu.memory_space<hbm>> -> memref<1x4000x6xf32, #tpu.memory_space<hbm>>
        %dma_wait3A_888 = tpu.memref_squeeze %dma_wait3A_887 : memref<1x4000x6xf32, #tpu.memory_space<hbm>> -> memref<4000x6xf32, #tpu.memory_space<hbm>>
        tpu.wait_dma2 semaphore(%run_scoped3A : memref<!tpu.dma_semaphore, #tpu.memory_space<semaphore_mem>>) src(%dma_wait3A_888 : memref<4000x6xf32, #tpu.memory_space<hbm>>) dst(%arg13 : memref<4000x6xf32, #tpu.memory_space<vmem>>)
        tpu.yield
      }) : () -> ()
      %scan3A = arith.constant 0 : i32
      %scan3A_870 = arith.constant 250 : i32
      %scan3A_871 = arith.addi %scan3A, %scan3A_870 : i32
      %scan3A_872 = arith.constant 1 : i32
      %scan3A_873 = scf.for %scan3A_875 = %scan3A to %scan3A_871 step %scan3A_872 iter_args(%scan3A_876 = %cond3A_817) -> (i32)  : i32 {
        %mul3A_877 = arith.constant 16 : i32
        %mul3A_878 = arith.muli %scan3A_875, %mul3A_877 : i32
        %add3A_879 = vector.broadcast %mul3A_878 : i32 to vector<16xi32>
        %add3A_880 = arith.addi %add3A_879, %iota3A : vector<16xi32>
        %gather3A = tpu.vector_load_idx %arg13[%add3A_880, %broadcast_in_dim3A_1] : memref<4000x6xf32, #tpu.memory_space<vmem>>[vector<16xi32>, vector<16xi32>], vector<16xf32>,
        %eq3A_881 = arith.cmpf oeq, %gather3A, %broadcast_in_dim3A_482 : vector<16xf32>
        %jit3A_882 = arith.constant 1 : i32
        %jit3A_883 = arith.constant 0 : i32
        %broadcast_in_dim3A_884 = vector.broadcast %jit3A_882 : i32 to vector<16xi32>
        %broadcast_in_dim3A_885 = vector.broadcast %jit3A_883 : i32 to vector<16xi32>
        %select_n3A_886 = arith.select %eq3A_881, %broadcast_in_dim3A_884, %broadcast_in_dim3A_885 : vector<16xi1>, vector<16xi32>
        %broadcast_in_dim3A_887 = arith.constant true
        %broadcast_in_dim3A_888 = vector.broadcast %broadcast_in_dim3A_887 : i1 to vector<16xi1>
        %masked_cumsum3A = tpu.scan <sum>, %select_n3A_886 masked %broadcast_in_dim3A_888 : vector<16xi32>, vector<16xi1> -> vector<16xi32>
        %add3A_889 = vector.broadcast %scan3A_876 : i32 to vector<16xi32>
        %add3A_890 = arith.addi %add3A_889, %masked_cumsum3A : vector<16xi32>
        %sub3A_891 = arith.constant 1 : i32
        %sub3A_892 = vector.broadcast %sub3A_891 : i32 to vector<16xi32>
        %sub3A_893 = arith.subi %add3A_890, %sub3A_892 : vector<16xi32>
        %lt3A_894 = arith.constant 512 : i32
        %lt3A_895 = vector.broadcast %lt3A_894 : i32 to vector<16xi32>
        %lt3A_896 = arith.cmpi slt, %sub3A_893, %lt3A_895 : vector<16xi32>
        %and3A_897 = arith.andi %eq3A_881, %lt3A_896 : vector<16xi1>
        %gather3A_898 = tpu.vector_load_idx %arg13[%add3A_880, %broadcast_in_dim3A_3] : memref<4000x6xf32, #tpu.memory_space<vmem>>[vector<16xi32>, vector<16xi32>], vector<16xf32>,
        tpu.vector_store_idx %arg15[%sub3A_893], %gather3A_898 masked %and3A_897 : memref<528xf32, #tpu.memory_space<vmem>>[vector<16xi32>], vector<16xf32>, vector<16xi1>
        %gather3A_899 = tpu.vector_load_idx %arg13[%add3A_880, %broadcast_in_dim3A_5] : memref<4000x6xf32, #tpu.memory_space<vmem>>[vector<16xi32>, vector<16xi32>], vector<16xf32>,
        %mul3A_900 = arith.constant 4 : i32
        %mul3A_901 = vector.broadcast %mul3A_900 : i32 to vector<16xi32>
        %mul3A_902 = arith.muli %mul3A_901, %sub3A_893 : vector<16xi32>
        %add3A_903 = arith.constant 0 : i32
        %add3A_904 = vector.broadcast %add3A_903 : i32 to vector<16xi32>
        %add3A_905 = arith.addi %mul3A_902, %add3A_904 : vector<16xi32>
        tpu.vector_store_idx %arg14[%add3A_905], %gather3A_899 masked %and3A_897 : memref<2112xf32, #tpu.memory_space<vmem>>[vector<16xi32>], vector<16xf32>, vector<16xi1>
        %gather3A_906 = tpu.vector_load_idx %arg13[%add3A_880, %broadcast_in_dim3A_7] : memref<4000x6xf32, #tpu.memory_space<vmem>>[vector<16xi32>, vector<16xi32>], vector<16xf32>,
        %mul3A_907 = arith.constant 4 : i32
        %mul3A_908 = vector.broadcast %mul3A_907 : i32 to vector<16xi32>
        %mul3A_909 = arith.muli %mul3A_908, %sub3A_893 : vector<16xi32>
        %add3A_910 = arith.constant 1 : i32
        %add3A_911 = vector.broadcast %add3A_910 : i32 to vector<16xi32>
        %add3A_912 = arith.addi %mul3A_909, %add3A_911 : vector<16xi32>
        tpu.vector_store_idx %arg14[%add3A_912], %gather3A_906 masked %and3A_897 : memref<2112xf32, #tpu.memory_space<vmem>>[vector<16xi32>], vector<16xf32>, vector<16xi1>
        %gather3A_913 = tpu.vector_load_idx %arg13[%add3A_880, %broadcast_in_dim3A_9] : memref<4000x6xf32, #tpu.memory_space<vmem>>[vector<16xi32>, vector<16xi32>], vector<16xf32>,
        %mul3A_914 = arith.constant 4 : i32
        %mul3A_915 = vector.broadcast %mul3A_914 : i32 to vector<16xi32>
        %mul3A_916 = arith.muli %mul3A_915, %sub3A_893 : vector<16xi32>
        %add3A_917 = arith.constant 2 : i32
        %add3A_918 = vector.broadcast %add3A_917 : i32 to vector<16xi32>
        %add3A_919 = arith.addi %mul3A_916, %add3A_918 : vector<16xi32>
        tpu.vector_store_idx %arg14[%add3A_919], %gather3A_913 masked %and3A_897 : memref<2112xf32, #tpu.memory_space<vmem>>[vector<16xi32>], vector<16xf32>, vector<16xi1>
        %gather3A_920 = tpu.vector_load_idx %arg13[%add3A_880, %broadcast_in_dim3A_11] : memref<4000x6xf32, #tpu.memory_space<vmem>>[vector<16xi32>, vector<16xi32>], vector<16xf32>,
        %mul3A_921 = arith.constant 4 : i32
        %mul3A_922 = vector.broadcast %mul3A_921 : i32 to vector<16xi32>
        %mul3A_923 = arith.muli %mul3A_922, %sub3A_893 : vector<16xi32>
        %add3A_924 = arith.constant 3 : i32
        %add3A_925 = vector.broadcast %add3A_924 : i32 to vector<16xi32>
        %add3A_926 = arith.addi %mul3A_923, %add3A_925 : vector<16xi32>
        tpu.vector_store_idx %arg14[%add3A_926], %gather3A_920 masked %and3A_897 : memref<2112xf32, #tpu.memory_space<vmem>>[vector<16xi32>], vector<16xf32>, vector<16xi1>
        %reduce_sum3A = arith.constant true
        %reduce_sum3A_927 = vector.broadcast %reduce_sum3A : i1 to vector<16xi1>
        %reduce_sum3A_928 = tpu.scan <sum>, %select_n3A_886 masked %reduce_sum3A_927 : vector<16xi32>, vector<16xi1> -> vector<16xi32>
        %reduce_sum3A_929 = vector.extract %reduce_sum3A_928[15] : i32 from vector<16xi32>
        %add3A_930 = arith.addi %scan3A_876, %reduce_sum3A_929 : i32
        scf.yield %add3A_930 : i32
      }
      %scan3A_874 = arith.constant 250 : i32
      scf.yield %scan3A_873 : i32
    } else {
      scf.yield %cond3A_817 : i32
    }
    %lt3A_821 = arith.constant 512 : i32
    %lt3A_822 = arith.cmpi slt, %cond3A_820, %lt3A_821 : i32
    %convert_element_type3A_823 = arith.extui %lt3A_822 : i1 to i32
    %cond3A_824 = arith.constant 0 : i32
    %cond3A_825 = arith.cmpi ne, %convert_element_type3A_823, %cond3A_824 : i32
    %cond3A_826 = scf.if %cond3A_825 -> (i32) {
      "tpu.region"() ({
        %run_scoped3A = tpu.sem_alloc : memref<!tpu.dma_semaphore, #tpu.memory_space<semaphore_mem>>
        %dma_start3A = arith.constant 4000 : i32
        %dma_start3A_875 = arith.constant 0 : i32
        %dma_start3A_876 = tpu.memref_slice %arg2[%select_n3A_462, %dma_start3A, %dma_start3A_875] : memref<8x20000x6xf32, #tpu.memory_space<hbm>> -> memref<1x4000x6xf32, #tpu.memory_space<hbm>>
        %dma_start3A_877 = tpu.memref_squeeze %dma_start3A_876 : memref<1x4000x6xf32, #tpu.memory_space<hbm>> -> memref<4000x6xf32, #tpu.memory_space<hbm>>
        %dma_start3A_878 = arith.constant 4000 : i32
        %dma_start3A_879 = arith.constant 0 : i32
        %dma_start3A_880 = tpu.memref_slice %arg2[%select_n3A_462, %dma_start3A_878, %dma_start3A_879] : memref<8x20000x6xf32, #tpu.memory_space<hbm>> -> memref<1x4000x6xf32, #tpu.memory_space<hbm>>
        %dma_start3A_881 = tpu.memref_squeeze %dma_start3A_880 : memref<1x4000x6xf32, #tpu.memory_space<hbm>> -> memref<4000x6xf32, #tpu.memory_space<hbm>>
        tpu.enqueue_dma source(%dma_start3A_881 : memref<4000x6xf32, #tpu.memory_space<hbm>>) target(%arg13 : memref<4000x6xf32, #tpu.memory_space<vmem>>) target_semaphore(%run_scoped3A : memref<!tpu.dma_semaphore, #tpu.memory_space<semaphore_mem>>)
        %dma_wait3A = arith.constant 4000 : i32
        %dma_wait3A_882 = arith.constant 0 : i32
        %dma_wait3A_883 = tpu.memref_slice %arg2[%select_n3A_462, %dma_wait3A, %dma_wait3A_882] : memref<8x20000x6xf32, #tpu.memory_space<hbm>> -> memref<1x4000x6xf32, #tpu.memory_space<hbm>>
        %dma_wait3A_884 = tpu.memref_squeeze %dma_wait3A_883 : memref<1x4000x6xf32, #tpu.memory_space<hbm>> -> memref<4000x6xf32, #tpu.memory_space<hbm>>
        %dma_wait3A_885 = arith.constant 4000 : i32
        %dma_wait3A_886 = arith.constant 0 : i32
        %dma_wait3A_887 = tpu.memref_slice %arg2[%select_n3A_462, %dma_wait3A_885, %dma_wait3A_886] : memref<8x20000x6xf32, #tpu.memory_space<hbm>> -> memref<1x4000x6xf32, #tpu.memory_space<hbm>>
        %dma_wait3A_888 = tpu.memref_squeeze %dma_wait3A_887 : memref<1x4000x6xf32, #tpu.memory_space<hbm>> -> memref<4000x6xf32, #tpu.memory_space<hbm>>
        tpu.wait_dma2 semaphore(%run_scoped3A : memref<!tpu.dma_semaphore, #tpu.memory_space<semaphore_mem>>) src(%dma_wait3A_888 : memref<4000x6xf32, #tpu.memory_space<hbm>>) dst(%arg13 : memref<4000x6xf32, #tpu.memory_space<vmem>>)
        tpu.yield
      }) : () -> ()
      %scan3A = arith.constant 0 : i32
      %scan3A_870 = arith.constant 250 : i32
      %scan3A_871 = arith.addi %scan3A, %scan3A_870 : i32
      %scan3A_872 = arith.constant 1 : i32
      %scan3A_873 = scf.for %scan3A_875 = %scan3A to %scan3A_871 step %scan3A_872 iter_args(%scan3A_876 = %cond3A_820) -> (i32)  : i32 {
        %mul3A_877 = arith.constant 16 : i32
        %mul3A_878 = arith.muli %scan3A_875, %mul3A_877 : i32
        %add3A_879 = vector.broadcast %mul3A_878 : i32 to vector<16xi32>
        %add3A_880 = arith.addi %add3A_879, %iota3A : vector<16xi32>
        %gather3A = tpu.vector_load_idx %arg13[%add3A_880, %broadcast_in_dim3A_1] : memref<4000x6xf32, #tpu.memory_space<vmem>>[vector<16xi32>, vector<16xi32>], vector<16xf32>,
        %eq3A_881 = arith.cmpf oeq, %gather3A, %broadcast_in_dim3A_482 : vector<16xf32>
        %jit3A_882 = arith.constant 1 : i32
        %jit3A_883 = arith.constant 0 : i32
        %broadcast_in_dim3A_884 = vector.broadcast %jit3A_882 : i32 to vector<16xi32>
        %broadcast_in_dim3A_885 = vector.broadcast %jit3A_883 : i32 to vector<16xi32>
        %select_n3A_886 = arith.select %eq3A_881, %broadcast_in_dim3A_884, %broadcast_in_dim3A_885 : vector<16xi1>, vector<16xi32>
        %broadcast_in_dim3A_887 = arith.constant true
        %broadcast_in_dim3A_888 = vector.broadcast %broadcast_in_dim3A_887 : i1 to vector<16xi1>
        %masked_cumsum3A = tpu.scan <sum>, %select_n3A_886 masked %broadcast_in_dim3A_888 : vector<16xi32>, vector<16xi1> -> vector<16xi32>
        %add3A_889 = vector.broadcast %scan3A_876 : i32 to vector<16xi32>
        %add3A_890 = arith.addi %add3A_889, %masked_cumsum3A : vector<16xi32>
        %sub3A_891 = arith.constant 1 : i32
        %sub3A_892 = vector.broadcast %sub3A_891 : i32 to vector<16xi32>
        %sub3A_893 = arith.subi %add3A_890, %sub3A_892 : vector<16xi32>
        %lt3A_894 = arith.constant 512 : i32
        %lt3A_895 = vector.broadcast %lt3A_894 : i32 to vector<16xi32>
        %lt3A_896 = arith.cmpi slt, %sub3A_893, %lt3A_895 : vector<16xi32>
        %and3A_897 = arith.andi %eq3A_881, %lt3A_896 : vector<16xi1>
        %gather3A_898 = tpu.vector_load_idx %arg13[%add3A_880, %broadcast_in_dim3A_3] : memref<4000x6xf32, #tpu.memory_space<vmem>>[vector<16xi32>, vector<16xi32>], vector<16xf32>,
        tpu.vector_store_idx %arg15[%sub3A_893], %gather3A_898 masked %and3A_897 : memref<528xf32, #tpu.memory_space<vmem>>[vector<16xi32>], vector<16xf32>, vector<16xi1>
        %gather3A_899 = tpu.vector_load_idx %arg13[%add3A_880, %broadcast_in_dim3A_5] : memref<4000x6xf32, #tpu.memory_space<vmem>>[vector<16xi32>, vector<16xi32>], vector<16xf32>,
        %mul3A_900 = arith.constant 4 : i32
        %mul3A_901 = vector.broadcast %mul3A_900 : i32 to vector<16xi32>
        %mul3A_902 = arith.muli %mul3A_901, %sub3A_893 : vector<16xi32>
        %add3A_903 = arith.constant 0 : i32
        %add3A_904 = vector.broadcast %add3A_903 : i32 to vector<16xi32>
        %add3A_905 = arith.addi %mul3A_902, %add3A_904 : vector<16xi32>
        tpu.vector_store_idx %arg14[%add3A_905], %gather3A_899 masked %and3A_897 : memref<2112xf32, #tpu.memory_space<vmem>>[vector<16xi32>], vector<16xf32>, vector<16xi1>
        %gather3A_906 = tpu.vector_load_idx %arg13[%add3A_880, %broadcast_in_dim3A_7] : memref<4000x6xf32, #tpu.memory_space<vmem>>[vector<16xi32>, vector<16xi32>], vector<16xf32>,
        %mul3A_907 = arith.constant 4 : i32
        %mul3A_908 = vector.broadcast %mul3A_907 : i32 to vector<16xi32>
        %mul3A_909 = arith.muli %mul3A_908, %sub3A_893 : vector<16xi32>
        %add3A_910 = arith.constant 1 : i32
        %add3A_911 = vector.broadcast %add3A_910 : i32 to vector<16xi32>
        %add3A_912 = arith.addi %mul3A_909, %add3A_911 : vector<16xi32>
        tpu.vector_store_idx %arg14[%add3A_912], %gather3A_906 masked %and3A_897 : memref<2112xf32, #tpu.memory_space<vmem>>[vector<16xi32>], vector<16xf32>, vector<16xi1>
        %gather3A_913 = tpu.vector_load_idx %arg13[%add3A_880, %broadcast_in_dim3A_9] : memref<4000x6xf32, #tpu.memory_space<vmem>>[vector<16xi32>, vector<16xi32>], vector<16xf32>,
        %mul3A_914 = arith.constant 4 : i32
        %mul3A_915 = vector.broadcast %mul3A_914 : i32 to vector<16xi32>
        %mul3A_916 = arith.muli %mul3A_915, %sub3A_893 : vector<16xi32>
        %add3A_917 = arith.constant 2 : i32
        %add3A_918 = vector.broadcast %add3A_917 : i32 to vector<16xi32>
        %add3A_919 = arith.addi %mul3A_916, %add3A_918 : vector<16xi32>
        tpu.vector_store_idx %arg14[%add3A_919], %gather3A_913 masked %and3A_897 : memref<2112xf32, #tpu.memory_space<vmem>>[vector<16xi32>], vector<16xf32>, vector<16xi1>
        %gather3A_920 = tpu.vector_load_idx %arg13[%add3A_880, %broadcast_in_dim3A_11] : memref<4000x6xf32, #tpu.memory_space<vmem>>[vector<16xi32>, vector<16xi32>], vector<16xf32>,
        %mul3A_921 = arith.constant 4 : i32
        %mul3A_922 = vector.broadcast %mul3A_921 : i32 to vector<16xi32>
        %mul3A_923 = arith.muli %mul3A_922, %sub3A_893 : vector<16xi32>
        %add3A_924 = arith.constant 3 : i32
        %add3A_925 = vector.broadcast %add3A_924 : i32 to vector<16xi32>
        %add3A_926 = arith.addi %mul3A_923, %add3A_925 : vector<16xi32>
        tpu.vector_store_idx %arg14[%add3A_926], %gather3A_920 masked %and3A_897 : memref<2112xf32, #tpu.memory_space<vmem>>[vector<16xi32>], vector<16xf32>, vector<16xi1>
        %reduce_sum3A = arith.constant true
        %reduce_sum3A_927 = vector.broadcast %reduce_sum3A : i1 to vector<16xi1>
        %reduce_sum3A_928 = tpu.scan <sum>, %select_n3A_886 masked %reduce_sum3A_927 : vector<16xi32>, vector<16xi1> -> vector<16xi32>
        %reduce_sum3A_929 = vector.extract %reduce_sum3A_928[15] : i32 from vector<16xi32>
        %add3A_930 = arith.addi %scan3A_876, %reduce_sum3A_929 : i32
        scf.yield %add3A_930 : i32
      }
      %scan3A_874 = arith.constant 250 : i32
      scf.yield %scan3A_873 : i32
    } else {
      scf.yield %cond3A_820 : i32
    }
    %lt3A_827 = arith.constant 512 : i32
    %lt3A_828 = arith.cmpi slt, %cond3A_826, %lt3A_827 : i32
    %convert_element_type3A_829 = arith.extui %lt3A_828 : i1 to i32
    %cond3A_830 = arith.constant 0 : i32
    %cond3A_831 = arith.cmpi ne, %convert_element_type3A_829, %cond3A_830 : i32
    %cond3A_832 = scf.if %cond3A_831 -> (i32) {
      "tpu.region"() ({
        %run_scoped3A = tpu.sem_alloc : memref<!tpu.dma_semaphore, #tpu.memory_space<semaphore_mem>>
        %dma_start3A = arith.constant 8000 : i32
        %dma_start3A_875 = arith.constant 0 : i32
        %dma_start3A_876 = tpu.memref_slice %arg2[%select_n3A_462, %dma_start3A, %dma_start3A_875] : memref<8x20000x6xf32, #tpu.memory_space<hbm>> -> memref<1x4000x6xf32, #tpu.memory_space<hbm>>
        %dma_start3A_877 = tpu.memref_squeeze %dma_start3A_876 : memref<1x4000x6xf32, #tpu.memory_space<hbm>> -> memref<4000x6xf32, #tpu.memory_space<hbm>>
        %dma_start3A_878 = arith.constant 8000 : i32
        %dma_start3A_879 = arith.constant 0 : i32
        %dma_start3A_880 = tpu.memref_slice %arg2[%select_n3A_462, %dma_start3A_878, %dma_start3A_879] : memref<8x20000x6xf32, #tpu.memory_space<hbm>> -> memref<1x4000x6xf32, #tpu.memory_space<hbm>>
        %dma_start3A_881 = tpu.memref_squeeze %dma_start3A_880 : memref<1x4000x6xf32, #tpu.memory_space<hbm>> -> memref<4000x6xf32, #tpu.memory_space<hbm>>
        tpu.enqueue_dma source(%dma_start3A_881 : memref<4000x6xf32, #tpu.memory_space<hbm>>) target(%arg13 : memref<4000x6xf32, #tpu.memory_space<vmem>>) target_semaphore(%run_scoped3A : memref<!tpu.dma_semaphore, #tpu.memory_space<semaphore_mem>>)
        %dma_wait3A = arith.constant 8000 : i32
        %dma_wait3A_882 = arith.constant 0 : i32
        %dma_wait3A_883 = tpu.memref_slice %arg2[%select_n3A_462, %dma_wait3A, %dma_wait3A_882] : memref<8x20000x6xf32, #tpu.memory_space<hbm>> -> memref<1x4000x6xf32, #tpu.memory_space<hbm>>
        %dma_wait3A_884 = tpu.memref_squeeze %dma_wait3A_883 : memref<1x4000x6xf32, #tpu.memory_space<hbm>> -> memref<4000x6xf32, #tpu.memory_space<hbm>>
        %dma_wait3A_885 = arith.constant 8000 : i32
        %dma_wait3A_886 = arith.constant 0 : i32
        %dma_wait3A_887 = tpu.memref_slice %arg2[%select_n3A_462, %dma_wait3A_885, %dma_wait3A_886] : memref<8x20000x6xf32, #tpu.memory_space<hbm>> -> memref<1x4000x6xf32, #tpu.memory_space<hbm>>
        %dma_wait3A_888 = tpu.memref_squeeze %dma_wait3A_887 : memref<1x4000x6xf32, #tpu.memory_space<hbm>> -> memref<4000x6xf32, #tpu.memory_space<hbm>>
        tpu.wait_dma2 semaphore(%run_scoped3A : memref<!tpu.dma_semaphore, #tpu.memory_space<semaphore_mem>>) src(%dma_wait3A_888 : memref<4000x6xf32, #tpu.memory_space<hbm>>) dst(%arg13 : memref<4000x6xf32, #tpu.memory_space<vmem>>)
        tpu.yield
      }) : () -> ()
      %scan3A = arith.constant 0 : i32
      %scan3A_870 = arith.constant 250 : i32
      %scan3A_871 = arith.addi %scan3A, %scan3A_870 : i32
      %scan3A_872 = arith.constant 1 : i32
      %scan3A_873 = scf.for %scan3A_875 = %scan3A to %scan3A_871 step %scan3A_872 iter_args(%scan3A_876 = %cond3A_826) -> (i32)  : i32 {
        %mul3A_877 = arith.constant 16 : i32
        %mul3A_878 = arith.muli %scan3A_875, %mul3A_877 : i32
        %add3A_879 = vector.broadcast %mul3A_878 : i32 to vector<16xi32>
        %add3A_880 = arith.addi %add3A_879, %iota3A : vector<16xi32>
        %gather3A = tpu.vector_load_idx %arg13[%add3A_880, %broadcast_in_dim3A_1] : memref<4000x6xf32, #tpu.memory_space<vmem>>[vector<16xi32>, vector<16xi32>], vector<16xf32>,
        %eq3A_881 = arith.cmpf oeq, %gather3A, %broadcast_in_dim3A_482 : vector<16xf32>
        %jit3A_882 = arith.constant 1 : i32
        %jit3A_883 = arith.constant 0 : i32
        %broadcast_in_dim3A_884 = vector.broadcast %jit3A_882 : i32 to vector<16xi32>
        %broadcast_in_dim3A_885 = vector.broadcast %jit3A_883 : i32 to vector<16xi32>
        %select_n3A_886 = arith.select %eq3A_881, %broadcast_in_dim3A_884, %broadcast_in_dim3A_885 : vector<16xi1>, vector<16xi32>
        %broadcast_in_dim3A_887 = arith.constant true
        %broadcast_in_dim3A_888 = vector.broadcast %broadcast_in_dim3A_887 : i1 to vector<16xi1>
        %masked_cumsum3A = tpu.scan <sum>, %select_n3A_886 masked %broadcast_in_dim3A_888 : vector<16xi32>, vector<16xi1> -> vector<16xi32>
        %add3A_889 = vector.broadcast %scan3A_876 : i32 to vector<16xi32>
        %add3A_890 = arith.addi %add3A_889, %masked_cumsum3A : vector<16xi32>
        %sub3A_891 = arith.constant 1 : i32
        %sub3A_892 = vector.broadcast %sub3A_891 : i32 to vector<16xi32>
        %sub3A_893 = arith.subi %add3A_890, %sub3A_892 : vector<16xi32>
        %lt3A_894 = arith.constant 512 : i32
        %lt3A_895 = vector.broadcast %lt3A_894 : i32 to vector<16xi32>
        %lt3A_896 = arith.cmpi slt, %sub3A_893, %lt3A_895 : vector<16xi32>
        %and3A_897 = arith.andi %eq3A_881, %lt3A_896 : vector<16xi1>
        %gather3A_898 = tpu.vector_load_idx %arg13[%add3A_880, %broadcast_in_dim3A_3] : memref<4000x6xf32, #tpu.memory_space<vmem>>[vector<16xi32>, vector<16xi32>], vector<16xf32>,
        tpu.vector_store_idx %arg15[%sub3A_893], %gather3A_898 masked %and3A_897 : memref<528xf32, #tpu.memory_space<vmem>>[vector<16xi32>], vector<16xf32>, vector<16xi1>
        %gather3A_899 = tpu.vector_load_idx %arg13[%add3A_880, %broadcast_in_dim3A_5] : memref<4000x6xf32, #tpu.memory_space<vmem>>[vector<16xi32>, vector<16xi32>], vector<16xf32>,
        %mul3A_900 = arith.constant 4 : i32
        %mul3A_901 = vector.broadcast %mul3A_900 : i32 to vector<16xi32>
        %mul3A_902 = arith.muli %mul3A_901, %sub3A_893 : vector<16xi32>
        %add3A_903 = arith.constant 0 : i32
        %add3A_904 = vector.broadcast %add3A_903 : i32 to vector<16xi32>
        %add3A_905 = arith.addi %mul3A_902, %add3A_904 : vector<16xi32>
        tpu.vector_store_idx %arg14[%add3A_905], %gather3A_899 masked %and3A_897 : memref<2112xf32, #tpu.memory_space<vmem>>[vector<16xi32>], vector<16xf32>, vector<16xi1>
        %gather3A_906 = tpu.vector_load_idx %arg13[%add3A_880, %broadcast_in_dim3A_7] : memref<4000x6xf32, #tpu.memory_space<vmem>>[vector<16xi32>, vector<16xi32>], vector<16xf32>,
        %mul3A_907 = arith.constant 4 : i32
        %mul3A_908 = vector.broadcast %mul3A_907 : i32 to vector<16xi32>
        %mul3A_909 = arith.muli %mul3A_908, %sub3A_893 : vector<16xi32>
        %add3A_910 = arith.constant 1 : i32
        %add3A_911 = vector.broadcast %add3A_910 : i32 to vector<16xi32>
        %add3A_912 = arith.addi %mul3A_909, %add3A_911 : vector<16xi32>
        tpu.vector_store_idx %arg14[%add3A_912], %gather3A_906 masked %and3A_897 : memref<2112xf32, #tpu.memory_space<vmem>>[vector<16xi32>], vector<16xf32>, vector<16xi1>
        %gather3A_913 = tpu.vector_load_idx %arg13[%add3A_880, %broadcast_in_dim3A_9] : memref<4000x6xf32, #tpu.memory_space<vmem>>[vector<16xi32>, vector<16xi32>], vector<16xf32>,
        %mul3A_914 = arith.constant 4 : i32
        %mul3A_915 = vector.broadcast %mul3A_914 : i32 to vector<16xi32>
        %mul3A_916 = arith.muli %mul3A_915, %sub3A_893 : vector<16xi32>
        %add3A_917 = arith.constant 2 : i32
        %add3A_918 = vector.broadcast %add3A_917 : i32 to vector<16xi32>
        %add3A_919 = arith.addi %mul3A_916, %add3A_918 : vector<16xi32>
        tpu.vector_store_idx %arg14[%add3A_919], %gather3A_913 masked %and3A_897 : memref<2112xf32, #tpu.memory_space<vmem>>[vector<16xi32>], vector<16xf32>, vector<16xi1>
        %gather3A_920 = tpu.vector_load_idx %arg13[%add3A_880, %broadcast_in_dim3A_11] : memref<4000x6xf32, #tpu.memory_space<vmem>>[vector<16xi32>, vector<16xi32>], vector<16xf32>,
        %mul3A_921 = arith.constant 4 : i32
        %mul3A_922 = vector.broadcast %mul3A_921 : i32 to vector<16xi32>
        %mul3A_923 = arith.muli %mul3A_922, %sub3A_893 : vector<16xi32>
        %add3A_924 = arith.constant 3 : i32
        %add3A_925 = vector.broadcast %add3A_924 : i32 to vector<16xi32>
        %add3A_926 = arith.addi %mul3A_923, %add3A_925 : vector<16xi32>
        tpu.vector_store_idx %arg14[%add3A_926], %gather3A_920 masked %and3A_897 : memref<2112xf32, #tpu.memory_space<vmem>>[vector<16xi32>], vector<16xf32>, vector<16xi1>
        %reduce_sum3A = arith.constant true
        %reduce_sum3A_927 = vector.broadcast %reduce_sum3A : i1 to vector<16xi1>
        %reduce_sum3A_928 = tpu.scan <sum>, %select_n3A_886 masked %reduce_sum3A_927 : vector<16xi32>, vector<16xi1> -> vector<16xi32>
        %reduce_sum3A_929 = vector.extract %reduce_sum3A_928[15] : i32 from vector<16xi32>
        %add3A_930 = arith.addi %scan3A_876, %reduce_sum3A_929 : i32
        scf.yield %add3A_930 : i32
      }
      %scan3A_874 = arith.constant 250 : i32
      scf.yield %scan3A_873 : i32
    } else {
      scf.yield %cond3A_826 : i32
    }
    %lt3A_833 = arith.constant 512 : i32
    %lt3A_834 = arith.cmpi slt, %cond3A_832, %lt3A_833 : i32
    %convert_element_type3A_835 = arith.extui %lt3A_834 : i1 to i32
    %cond3A_836 = arith.constant 0 : i32
    %cond3A_837 = arith.cmpi ne, %convert_element_type3A_835, %cond3A_836 : i32
    %cond3A_838 = scf.if %cond3A_837 -> (i32) {
      "tpu.region"() ({
        %run_scoped3A = tpu.sem_alloc : memref<!tpu.dma_semaphore, #tpu.memory_space<semaphore_mem>>
        %dma_start3A = arith.constant 12000 : i32
        %dma_start3A_875 = arith.constant 0 : i32
        %dma_start3A_876 = tpu.memref_slice %arg2[%select_n3A_462, %dma_start3A, %dma_start3A_875] : memref<8x20000x6xf32, #tpu.memory_space<hbm>> -> memref<1x4000x6xf32, #tpu.memory_space<hbm>>
        %dma_start3A_877 = tpu.memref_squeeze %dma_start3A_876 : memref<1x4000x6xf32, #tpu.memory_space<hbm>> -> memref<4000x6xf32, #tpu.memory_space<hbm>>
        %dma_start3A_878 = arith.constant 12000 : i32
        %dma_start3A_879 = arith.constant 0 : i32
        %dma_start3A_880 = tpu.memref_slice %arg2[%select_n3A_462, %dma_start3A_878, %dma_start3A_879] : memref<8x20000x6xf32, #tpu.memory_space<hbm>> -> memref<1x4000x6xf32, #tpu.memory_space<hbm>>
        %dma_start3A_881 = tpu.memref_squeeze %dma_start3A_880 : memref<1x4000x6xf32, #tpu.memory_space<hbm>> -> memref<4000x6xf32, #tpu.memory_space<hbm>>
        tpu.enqueue_dma source(%dma_start3A_881 : memref<4000x6xf32, #tpu.memory_space<hbm>>) target(%arg13 : memref<4000x6xf32, #tpu.memory_space<vmem>>) target_semaphore(%run_scoped3A : memref<!tpu.dma_semaphore, #tpu.memory_space<semaphore_mem>>)
        %dma_wait3A = arith.constant 12000 : i32
        %dma_wait3A_882 = arith.constant 0 : i32
        %dma_wait3A_883 = tpu.memref_slice %arg2[%select_n3A_462, %dma_wait3A, %dma_wait3A_882] : memref<8x20000x6xf32, #tpu.memory_space<hbm>> -> memref<1x4000x6xf32, #tpu.memory_space<hbm>>
        %dma_wait3A_884 = tpu.memref_squeeze %dma_wait3A_883 : memref<1x4000x6xf32, #tpu.memory_space<hbm>> -> memref<4000x6xf32, #tpu.memory_space<hbm>>
        %dma_wait3A_885 = arith.constant 12000 : i32
        %dma_wait3A_886 = arith.constant 0 : i32
        %dma_wait3A_887 = tpu.memref_slice %arg2[%select_n3A_462, %dma_wait3A_885, %dma_wait3A_886] : memref<8x20000x6xf32, #tpu.memory_space<hbm>> -> memref<1x4000x6xf32, #tpu.memory_space<hbm>>
        %dma_wait3A_888 = tpu.memref_squeeze %dma_wait3A_887 : memref<1x4000x6xf32, #tpu.memory_space<hbm>> -> memref<4000x6xf32, #tpu.memory_space<hbm>>
        tpu.wait_dma2 semaphore(%run_scoped3A : memref<!tpu.dma_semaphore, #tpu.memory_space<semaphore_mem>>) src(%dma_wait3A_888 : memref<4000x6xf32, #tpu.memory_space<hbm>>) dst(%arg13 : memref<4000x6xf32, #tpu.memory_space<vmem>>)
        tpu.yield
      }) : () -> ()
      %scan3A = arith.constant 0 : i32
      %scan3A_870 = arith.constant 250 : i32
      %scan3A_871 = arith.addi %scan3A, %scan3A_870 : i32
      %scan3A_872 = arith.constant 1 : i32
      %scan3A_873 = scf.for %scan3A_875 = %scan3A to %scan3A_871 step %scan3A_872 iter_args(%scan3A_876 = %cond3A_832) -> (i32)  : i32 {
        %mul3A_877 = arith.constant 16 : i32
        %mul3A_878 = arith.muli %scan3A_875, %mul3A_877 : i32
        %add3A_879 = vector.broadcast %mul3A_878 : i32 to vector<16xi32>
        %add3A_880 = arith.addi %add3A_879, %iota3A : vector<16xi32>
        %gather3A = tpu.vector_load_idx %arg13[%add3A_880, %broadcast_in_dim3A_1] : memref<4000x6xf32, #tpu.memory_space<vmem>>[vector<16xi32>, vector<16xi32>], vector<16xf32>,
        %eq3A_881 = arith.cmpf oeq, %gather3A, %broadcast_in_dim3A_482 : vector<16xf32>
        %jit3A_882 = arith.constant 1 : i32
        %jit3A_883 = arith.constant 0 : i32
        %broadcast_in_dim3A_884 = vector.broadcast %jit3A_882 : i32 to vector<16xi32>
        %broadcast_in_dim3A_885 = vector.broadcast %jit3A_883 : i32 to vector<16xi32>
        %select_n3A_886 = arith.select %eq3A_881, %broadcast_in_dim3A_884, %broadcast_in_dim3A_885 : vector<16xi1>, vector<16xi32>
        %broadcast_in_dim3A_887 = arith.constant true
        %broadcast_in_dim3A_888 = vector.broadcast %broadcast_in_dim3A_887 : i1 to vector<16xi1>
        %masked_cumsum3A = tpu.scan <sum>, %select_n3A_886 masked %broadcast_in_dim3A_888 : vector<16xi32>, vector<16xi1> -> vector<16xi32>
        %add3A_889 = vector.broadcast %scan3A_876 : i32 to vector<16xi32>
        %add3A_890 = arith.addi %add3A_889, %masked_cumsum3A : vector<16xi32>
        %sub3A_891 = arith.constant 1 : i32
        %sub3A_892 = vector.broadcast %sub3A_891 : i32 to vector<16xi32>
        %sub3A_893 = arith.subi %add3A_890, %sub3A_892 : vector<16xi32>
        %lt3A_894 = arith.constant 512 : i32
        %lt3A_895 = vector.broadcast %lt3A_894 : i32 to vector<16xi32>
        %lt3A_896 = arith.cmpi slt, %sub3A_893, %lt3A_895 : vector<16xi32>
        %and3A_897 = arith.andi %eq3A_881, %lt3A_896 : vector<16xi1>
        %gather3A_898 = tpu.vector_load_idx %arg13[%add3A_880, %broadcast_in_dim3A_3] : memref<4000x6xf32, #tpu.memory_space<vmem>>[vector<16xi32>, vector<16xi32>], vector<16xf32>,
        tpu.vector_store_idx %arg15[%sub3A_893], %gather3A_898 masked %and3A_897 : memref<528xf32, #tpu.memory_space<vmem>>[vector<16xi32>], vector<16xf32>, vector<16xi1>
        %gather3A_899 = tpu.vector_load_idx %arg13[%add3A_880, %broadcast_in_dim3A_5] : memref<4000x6xf32, #tpu.memory_space<vmem>>[vector<16xi32>, vector<16xi32>], vector<16xf32>,
        %mul3A_900 = arith.constant 4 : i32
        %mul3A_901 = vector.broadcast %mul3A_900 : i32 to vector<16xi32>
        %mul3A_902 = arith.muli %mul3A_901, %sub3A_893 : vector<16xi32>
        %add3A_903 = arith.constant 0 : i32
        %add3A_904 = vector.broadcast %add3A_903 : i32 to vector<16xi32>
        %add3A_905 = arith.addi %mul3A_902, %add3A_904 : vector<16xi32>
        tpu.vector_store_idx %arg14[%add3A_905], %gather3A_899 masked %and3A_897 : memref<2112xf32, #tpu.memory_space<vmem>>[vector<16xi32>], vector<16xf32>, vector<16xi1>
        %gather3A_906 = tpu.vector_load_idx %arg13[%add3A_880, %broadcast_in_dim3A_7] : memref<4000x6xf32, #tpu.memory_space<vmem>>[vector<16xi32>, vector<16xi32>], vector<16xf32>,
        %mul3A_907 = arith.constant 4 : i32
        %mul3A_908 = vector.broadcast %mul3A_907 : i32 to vector<16xi32>
        %mul3A_909 = arith.muli %mul3A_908, %sub3A_893 : vector<16xi32>
        %add3A_910 = arith.constant 1 : i32
        %add3A_911 = vector.broadcast %add3A_910 : i32 to vector<16xi32>
        %add3A_912 = arith.addi %mul3A_909, %add3A_911 : vector<16xi32>
        tpu.vector_store_idx %arg14[%add3A_912], %gather3A_906 masked %and3A_897 : memref<2112xf32, #tpu.memory_space<vmem>>[vector<16xi32>], vector<16xf32>, vector<16xi1>
        %gather3A_913 = tpu.vector_load_idx %arg13[%add3A_880, %broadcast_in_dim3A_9] : memref<4000x6xf32, #tpu.memory_space<vmem>>[vector<16xi32>, vector<16xi32>], vector<16xf32>,
        %mul3A_914 = arith.constant 4 : i32
        %mul3A_915 = vector.broadcast %mul3A_914 : i32 to vector<16xi32>
        %mul3A_916 = arith.muli %mul3A_915, %sub3A_893 : vector<16xi32>
        %add3A_917 = arith.constant 2 : i32
        %add3A_918 = vector.broadcast %add3A_917 : i32 to vector<16xi32>
        %add3A_919 = arith.addi %mul3A_916, %add3A_918 : vector<16xi32>
        tpu.vector_store_idx %arg14[%add3A_919], %gather3A_913 masked %and3A_897 : memref<2112xf32, #tpu.memory_space<vmem>>[vector<16xi32>], vector<16xf32>, vector<16xi1>
        %gather3A_920 = tpu.vector_load_idx %arg13[%add3A_880, %broadcast_in_dim3A_11] : memref<4000x6xf32, #tpu.memory_space<vmem>>[vector<16xi32>, vector<16xi32>], vector<16xf32>,
        %mul3A_921 = arith.constant 4 : i32
        %mul3A_922 = vector.broadcast %mul3A_921 : i32 to vector<16xi32>
        %mul3A_923 = arith.muli %mul3A_922, %sub3A_893 : vector<16xi32>
        %add3A_924 = arith.constant 3 : i32
        %add3A_925 = vector.broadcast %add3A_924 : i32 to vector<16xi32>
        %add3A_926 = arith.addi %mul3A_923, %add3A_925 : vector<16xi32>
        tpu.vector_store_idx %arg14[%add3A_926], %gather3A_920 masked %and3A_897 : memref<2112xf32, #tpu.memory_space<vmem>>[vector<16xi32>], vector<16xf32>, vector<16xi1>
        %reduce_sum3A = arith.constant true
        %reduce_sum3A_927 = vector.broadcast %reduce_sum3A : i1 to vector<16xi1>
        %reduce_sum3A_928 = tpu.scan <sum>, %select_n3A_886 masked %reduce_sum3A_927 : vector<16xi32>, vector<16xi1> -> vector<16xi32>
        %reduce_sum3A_929 = vector.extract %reduce_sum3A_928[15] : i32 from vector<16xi32>
        %add3A_930 = arith.addi %scan3A_876, %reduce_sum3A_929 : i32
        scf.yield %add3A_930 : i32
      }
      %scan3A_874 = arith.constant 250 : i32
      scf.yield %scan3A_873 : i32
    } else {
      scf.yield %cond3A_832 : i32
    }
    %lt3A_839 = arith.constant 512 : i32
    %lt3A_840 = arith.cmpi slt, %cond3A_838, %lt3A_839 : i32
    %convert_element_type3A_841 = arith.extui %lt3A_840 : i1 to i32
    %cond3A_842 = arith.constant 0 : i32
    %cond3A_843 = arith.cmpi ne, %convert_element_type3A_841, %cond3A_842 : i32
    %cond3A_844 = scf.if %cond3A_843 -> (i32) {
      "tpu.region"() ({
        %run_scoped3A = tpu.sem_alloc : memref<!tpu.dma_semaphore, #tpu.memory_space<semaphore_mem>>
        %dma_start3A = arith.constant 16000 : i32
        %dma_start3A_875 = arith.constant 0 : i32
        %dma_start3A_876 = tpu.memref_slice %arg2[%select_n3A_462, %dma_start3A, %dma_start3A_875] : memref<8x20000x6xf32, #tpu.memory_space<hbm>> -> memref<1x4000x6xf32, #tpu.memory_space<hbm>>
        %dma_start3A_877 = tpu.memref_squeeze %dma_start3A_876 : memref<1x4000x6xf32, #tpu.memory_space<hbm>> -> memref<4000x6xf32, #tpu.memory_space<hbm>>
        %dma_start3A_878 = arith.constant 16000 : i32
        %dma_start3A_879 = arith.constant 0 : i32
        %dma_start3A_880 = tpu.memref_slice %arg2[%select_n3A_462, %dma_start3A_878, %dma_start3A_879] : memref<8x20000x6xf32, #tpu.memory_space<hbm>> -> memref<1x4000x6xf32, #tpu.memory_space<hbm>>
        %dma_start3A_881 = tpu.memref_squeeze %dma_start3A_880 : memref<1x4000x6xf32, #tpu.memory_space<hbm>> -> memref<4000x6xf32, #tpu.memory_space<hbm>>
        tpu.enqueue_dma source(%dma_start3A_881 : memref<4000x6xf32, #tpu.memory_space<hbm>>) target(%arg13 : memref<4000x6xf32, #tpu.memory_space<vmem>>) target_semaphore(%run_scoped3A : memref<!tpu.dma_semaphore, #tpu.memory_space<semaphore_mem>>)
        %dma_wait3A = arith.constant 16000 : i32
        %dma_wait3A_882 = arith.constant 0 : i32
        %dma_wait3A_883 = tpu.memref_slice %arg2[%select_n3A_462, %dma_wait3A, %dma_wait3A_882] : memref<8x20000x6xf32, #tpu.memory_space<hbm>> -> memref<1x4000x6xf32, #tpu.memory_space<hbm>>
        %dma_wait3A_884 = tpu.memref_squeeze %dma_wait3A_883 : memref<1x4000x6xf32, #tpu.memory_space<hbm>> -> memref<4000x6xf32, #tpu.memory_space<hbm>>
        %dma_wait3A_885 = arith.constant 16000 : i32
        %dma_wait3A_886 = arith.constant 0 : i32
        %dma_wait3A_887 = tpu.memref_slice %arg2[%select_n3A_462, %dma_wait3A_885, %dma_wait3A_886] : memref<8x20000x6xf32, #tpu.memory_space<hbm>> -> memref<1x4000x6xf32, #tpu.memory_space<hbm>>
        %dma_wait3A_888 = tpu.memref_squeeze %dma_wait3A_887 : memref<1x4000x6xf32, #tpu.memory_space<hbm>> -> memref<4000x6xf32, #tpu.memory_space<hbm>>
        tpu.wait_dma2 semaphore(%run_scoped3A : memref<!tpu.dma_semaphore, #tpu.memory_space<semaphore_mem>>) src(%dma_wait3A_888 : memref<4000x6xf32, #tpu.memory_space<hbm>>) dst(%arg13 : memref<4000x6xf32, #tpu.memory_space<vmem>>)
        tpu.yield
      }) : () -> ()
      %scan3A = arith.constant 0 : i32
      %scan3A_870 = arith.constant 250 : i32
      %scan3A_871 = arith.addi %scan3A, %scan3A_870 : i32
      %scan3A_872 = arith.constant 1 : i32
      %scan3A_873 = scf.for %scan3A_875 = %scan3A to %scan3A_871 step %scan3A_872 iter_args(%scan3A_876 = %cond3A_838) -> (i32)  : i32 {
        %mul3A_877 = arith.constant 16 : i32
        %mul3A_878 = arith.muli %scan3A_875, %mul3A_877 : i32
        %add3A_879 = vector.broadcast %mul3A_878 : i32 to vector<16xi32>
        %add3A_880 = arith.addi %add3A_879, %iota3A : vector<16xi32>
        %gather3A = tpu.vector_load_idx %arg13[%add3A_880, %broadcast_in_dim3A_1] : memref<4000x6xf32, #tpu.memory_space<vmem>>[vector<16xi32>, vector<16xi32>], vector<16xf32>,
        %eq3A_881 = arith.cmpf oeq, %gather3A, %broadcast_in_dim3A_482 : vector<16xf32>
        %jit3A_882 = arith.constant 1 : i32
        %jit3A_883 = arith.constant 0 : i32
        %broadcast_in_dim3A_884 = vector.broadcast %jit3A_882 : i32 to vector<16xi32>
        %broadcast_in_dim3A_885 = vector.broadcast %jit3A_883 : i32 to vector<16xi32>
        %select_n3A_886 = arith.select %eq3A_881, %broadcast_in_dim3A_884, %broadcast_in_dim3A_885 : vector<16xi1>, vector<16xi32>
        %broadcast_in_dim3A_887 = arith.constant true
        %broadcast_in_dim3A_888 = vector.broadcast %broadcast_in_dim3A_887 : i1 to vector<16xi1>
        %masked_cumsum3A = tpu.scan <sum>, %select_n3A_886 masked %broadcast_in_dim3A_888 : vector<16xi32>, vector<16xi1> -> vector<16xi32>
        %add3A_889 = vector.broadcast %scan3A_876 : i32 to vector<16xi32>
        %add3A_890 = arith.addi %add3A_889, %masked_cumsum3A : vector<16xi32>
        %sub3A_891 = arith.constant 1 : i32
        %sub3A_892 = vector.broadcast %sub3A_891 : i32 to vector<16xi32>
        %sub3A_893 = arith.subi %add3A_890, %sub3A_892 : vector<16xi32>
        %lt3A_894 = arith.constant 512 : i32
        %lt3A_895 = vector.broadcast %lt3A_894 : i32 to vector<16xi32>
        %lt3A_896 = arith.cmpi slt, %sub3A_893, %lt3A_895 : vector<16xi32>
        %and3A_897 = arith.andi %eq3A_881, %lt3A_896 : vector<16xi1>
        %gather3A_898 = tpu.vector_load_idx %arg13[%add3A_880, %broadcast_in_dim3A_3] : memref<4000x6xf32, #tpu.memory_space<vmem>>[vector<16xi32>, vector<16xi32>], vector<16xf32>,
        tpu.vector_store_idx %arg15[%sub3A_893], %gather3A_898 masked %and3A_897 : memref<528xf32, #tpu.memory_space<vmem>>[vector<16xi32>], vector<16xf32>, vector<16xi1>
        %gather3A_899 = tpu.vector_load_idx %arg13[%add3A_880, %broadcast_in_dim3A_5] : memref<4000x6xf32, #tpu.memory_space<vmem>>[vector<16xi32>, vector<16xi32>], vector<16xf32>,
        %mul3A_900 = arith.constant 4 : i32
        %mul3A_901 = vector.broadcast %mul3A_900 : i32 to vector<16xi32>
        %mul3A_902 = arith.muli %mul3A_901, %sub3A_893 : vector<16xi32>
        %add3A_903 = arith.constant 0 : i32
        %add3A_904 = vector.broadcast %add3A_903 : i32 to vector<16xi32>
        %add3A_905 = arith.addi %mul3A_902, %add3A_904 : vector<16xi32>
        tpu.vector_store_idx %arg14[%add3A_905], %gather3A_899 masked %and3A_897 : memref<2112xf32, #tpu.memory_space<vmem>>[vector<16xi32>], vector<16xf32>, vector<16xi1>
        %gather3A_906 = tpu.vector_load_idx %arg13[%add3A_880, %broadcast_in_dim3A_7] : memref<4000x6xf32, #tpu.memory_space<vmem>>[vector<16xi32>, vector<16xi32>], vector<16xf32>,
        %mul3A_907 = arith.constant 4 : i32
        %mul3A_908 = vector.broadcast %mul3A_907 : i32 to vector<16xi32>
        %mul3A_909 = arith.muli %mul3A_908, %sub3A_893 : vector<16xi32>
        %add3A_910 = arith.constant 1 : i32
        %add3A_911 = vector.broadcast %add3A_910 : i32 to vector<16xi32>
        %add3A_912 = arith.addi %mul3A_909, %add3A_911 : vector<16xi32>
        tpu.vector_store_idx %arg14[%add3A_912], %gather3A_906 masked %and3A_897 : memref<2112xf32, #tpu.memory_space<vmem>>[vector<16xi32>], vector<16xf32>, vector<16xi1>
        %gather3A_913 = tpu.vector_load_idx %arg13[%add3A_880, %broadcast_in_dim3A_9] : memref<4000x6xf32, #tpu.memory_space<vmem>>[vector<16xi32>, vector<16xi32>], vector<16xf32>,
        %mul3A_914 = arith.constant 4 : i32
        %mul3A_915 = vector.broadcast %mul3A_914 : i32 to vector<16xi32>
        %mul3A_916 = arith.muli %mul3A_915, %sub3A_893 : vector<16xi32>
        %add3A_917 = arith.constant 2 : i32
        %add3A_918 = vector.broadcast %add3A_917 : i32 to vector<16xi32>
        %add3A_919 = arith.addi %mul3A_916, %add3A_918 : vector<16xi32>
        tpu.vector_store_idx %arg14[%add3A_919], %gather3A_913 masked %and3A_897 : memref<2112xf32, #tpu.memory_space<vmem>>[vector<16xi32>], vector<16xf32>, vector<16xi1>
        %gather3A_920 = tpu.vector_load_idx %arg13[%add3A_880, %broadcast_in_dim3A_11] : memref<4000x6xf32, #tpu.memory_space<vmem>>[vector<16xi32>, vector<16xi32>], vector<16xf32>,
        %mul3A_921 = arith.constant 4 : i32
        %mul3A_922 = vector.broadcast %mul3A_921 : i32 to vector<16xi32>
        %mul3A_923 = arith.muli %mul3A_922, %sub3A_893 : vector<16xi32>
        %add3A_924 = arith.constant 3 : i32
        %add3A_925 = vector.broadcast %add3A_924 : i32 to vector<16xi32>
        %add3A_926 = arith.addi %mul3A_923, %add3A_925 : vector<16xi32>
        tpu.vector_store_idx %arg14[%add3A_926], %gather3A_920 masked %and3A_897 : memref<2112xf32, #tpu.memory_space<vmem>>[vector<16xi32>], vector<16xf32>, vector<16xi1>
        %reduce_sum3A = arith.constant true
        %reduce_sum3A_927 = vector.broadcast %reduce_sum3A : i1 to vector<16xi1>
        %reduce_sum3A_928 = tpu.scan <sum>, %select_n3A_886 masked %reduce_sum3A_927 : vector<16xi32>, vector<16xi1> -> vector<16xi32>
        %reduce_sum3A_929 = vector.extract %reduce_sum3A_928[15] : i32 from vector<16xi32>
        %add3A_930 = arith.addi %scan3A_876, %reduce_sum3A_929 : i32
        scf.yield %add3A_930 : i32
      }
      %scan3A_874 = arith.constant 250 : i32
      scf.yield %scan3A_873 : i32
    } else {
      scf.yield %cond3A_838 : i32
    }
    %eq3A_845 = arith.constant 1 : i32
    %eq3A_846 = arith.cmpi eq, %add3A_480, %eq3A_845 : i32
    %convert_element_type3A_847 = arith.extui %eq3A_846 : i1 to i32
    %cond3A_848 = arith.constant 0 : i32
    %cond3A_849 = arith.cmpi ne, %convert_element_type3A_847, %cond3A_848 : i32
    scf.if %cond3A_849 {
      %mul3A_870 = arith.constant 4 : i32
      %mul3A_871 = arith.muli %select_n3A_462, %mul3A_870 : i32
      %mul3A_872 = arith.constant 512 : i32
      %mul3A_873 = arith.muli %mul3A_871, %mul3A_872 : i32
      "tpu.region"() ({
        %run_scoped3A = tpu.sem_alloc : memref<!tpu.dma_semaphore, #tpu.memory_space<semaphore_mem>>
        %dma_start3A = arith.constant 0 : i32
        %dma_start3A_876 = tpu.memref_slice %arg14[%dma_start3A] : memref<2112xf32, #tpu.memory_space<vmem>> -> memref<2048xf32, #tpu.memory_space<vmem>>
        %dma_start3A_877 = tpu.memref_slice %arg3[%mul3A_873] : memref<16384xf32, #tpu.memory_space<hbm>> -> memref<2048xf32, #tpu.memory_space<hbm>>
        %dma_start3A_878 = tpu.memref_slice %arg3[%mul3A_873] : memref<16384xf32, #tpu.memory_space<hbm>> -> memref<2048xf32, #tpu.memory_space<hbm>>
        %dma_start3A_879 = arith.constant 0 : i32
        %dma_start3A_880 = tpu.memref_slice %arg14[%dma_start3A_879] : memref<2112xf32, #tpu.memory_space<vmem>> -> memref<2048xf32, #tpu.memory_space<vmem>>
        tpu.enqueue_dma source(%dma_start3A_880 : memref<2048xf32, #tpu.memory_space<vmem>>) target(%dma_start3A_878 : memref<2048xf32, #tpu.memory_space<hbm>>) target_semaphore(%run_scoped3A : memref<!tpu.dma_semaphore, #tpu.memory_space<semaphore_mem>>)
        %dma_wait3A = arith.constant 0 : i32
        %dma_wait3A_881 = tpu.memref_slice %arg14[%dma_wait3A] : memref<2112xf32, #tpu.memory_space<vmem>> -> memref<2048xf32, #tpu.memory_space<vmem>>
        %dma_wait3A_882 = tpu.memref_slice %arg3[%mul3A_873] : memref<16384xf32, #tpu.memory_space<hbm>> -> memref<2048xf32, #tpu.memory_space<hbm>>
        %dma_wait3A_883 = tpu.memref_slice %arg3[%mul3A_873] : memref<16384xf32, #tpu.memory_space<hbm>> -> memref<2048xf32, #tpu.memory_space<hbm>>
        %dma_wait3A_884 = arith.constant 0 : i32
        %dma_wait3A_885 = tpu.memref_slice %arg14[%dma_wait3A_884] : memref<2112xf32, #tpu.memory_space<vmem>> -> memref<2048xf32, #tpu.memory_space<vmem>>
        tpu.wait_dma2 semaphore(%run_scoped3A : memref<!tpu.dma_semaphore, #tpu.memory_space<semaphore_mem>>) src(%dma_wait3A_885 : memref<2048xf32, #tpu.memory_space<vmem>>) dst(%dma_wait3A_883 : memref<2048xf32, #tpu.memory_space<hbm>>)
        tpu.yield
      }) : () -> ()
      %mul3A_874 = arith.constant 512 : i32
      %mul3A_875 = arith.muli %select_n3A_462, %mul3A_874 : i32
      "tpu.region"() ({
        %run_scoped3A = tpu.sem_alloc : memref<!tpu.dma_semaphore, #tpu.memory_space<semaphore_mem>>
        %dma_start3A = arith.constant 0 : i32
        %dma_start3A_876 = tpu.memref_slice %arg15[%dma_start3A] : memref<528xf32, #tpu.memory_space<vmem>> -> memref<512xf32, #tpu.memory_space<vmem>>
        %dma_start3A_877 = tpu.memref_slice %arg8[%mul3A_875] : memref<4096xf32, #tpu.memory_space<hbm>> -> memref<512xf32, #tpu.memory_space<hbm>>
        %dma_start3A_878 = tpu.memref_slice %arg8[%mul3A_875] : memref<4096xf32, #tpu.memory_space<hbm>> -> memref<512xf32, #tpu.memory_space<hbm>>
        %dma_start3A_879 = arith.constant 0 : i32
        %dma_start3A_880 = tpu.memref_slice %arg15[%dma_start3A_879] : memref<528xf32, #tpu.memory_space<vmem>> -> memref<512xf32, #tpu.memory_space<vmem>>
        tpu.enqueue_dma source(%dma_start3A_880 : memref<512xf32, #tpu.memory_space<vmem>>) target(%dma_start3A_878 : memref<512xf32, #tpu.memory_space<hbm>>) target_semaphore(%run_scoped3A : memref<!tpu.dma_semaphore, #tpu.memory_space<semaphore_mem>>)
        %dma_wait3A = arith.constant 0 : i32
        %dma_wait3A_881 = tpu.memref_slice %arg15[%dma_wait3A] : memref<528xf32, #tpu.memory_space<vmem>> -> memref<512xf32, #tpu.memory_space<vmem>>
        %dma_wait3A_882 = tpu.memref_slice %arg8[%mul3A_875] : memref<4096xf32, #tpu.memory_space<hbm>> -> memref<512xf32, #tpu.memory_space<hbm>>
        %dma_wait3A_883 = tpu.memref_slice %arg8[%mul3A_875] : memref<4096xf32, #tpu.memory_space<hbm>> -> memref<512xf32, #tpu.memory_space<hbm>>
        %dma_wait3A_884 = arith.constant 0 : i32
        %dma_wait3A_885 = tpu.memref_slice %arg15[%dma_wait3A_884] : memref<528xf32, #tpu.memory_space<vmem>> -> memref<512xf32, #tpu.memory_space<vmem>>
        tpu.wait_dma2 semaphore(%run_scoped3A : memref<!tpu.dma_semaphore, #tpu.memory_space<semaphore_mem>>) src(%dma_wait3A_885 : memref<512xf32, #tpu.memory_space<vmem>>) dst(%dma_wait3A_883 : memref<512xf32, #tpu.memory_space<hbm>>)
        tpu.yield
      }) : () -> ()
    } else {
    }
    %eq3A_850 = arith.constant 2 : i32
    %eq3A_851 = arith.cmpi eq, %add3A_480, %eq3A_850 : i32
    %convert_element_type3A_852 = arith.extui %eq3A_851 : i1 to i32
    %cond3A_853 = arith.constant 0 : i32
    %cond3A_854 = arith.cmpi ne, %convert_element_type3A_852, %cond3A_853 : i32
    scf.if %cond3A_854 {
      %mul3A_870 = arith.constant 4 : i32
      %mul3A_871 = arith.muli %select_n3A_462, %mul3A_870 : i32
      %mul3A_872 = arith.constant 512 : i32
      %mul3A_873 = arith.muli %mul3A_871, %mul3A_872 : i32
      "tpu.region"() ({
        %run_scoped3A = tpu.sem_alloc : memref<!tpu.dma_semaphore, #tpu.memory_space<semaphore_mem>>
        %dma_start3A = arith.constant 0 : i32
        %dma_start3A_876 = tpu.memref_slice %arg14[%dma_start3A] : memref<2112xf32, #tpu.memory_space<vmem>> -> memref<2048xf32, #tpu.memory_space<vmem>>
        %dma_start3A_877 = tpu.memref_slice %arg4[%mul3A_873] : memref<16384xf32, #tpu.memory_space<hbm>> -> memref<2048xf32, #tpu.memory_space<hbm>>
        %dma_start3A_878 = tpu.memref_slice %arg4[%mul3A_873] : memref<16384xf32, #tpu.memory_space<hbm>> -> memref<2048xf32, #tpu.memory_space<hbm>>
        %dma_start3A_879 = arith.constant 0 : i32
        %dma_start3A_880 = tpu.memref_slice %arg14[%dma_start3A_879] : memref<2112xf32, #tpu.memory_space<vmem>> -> memref<2048xf32, #tpu.memory_space<vmem>>
        tpu.enqueue_dma source(%dma_start3A_880 : memref<2048xf32, #tpu.memory_space<vmem>>) target(%dma_start3A_878 : memref<2048xf32, #tpu.memory_space<hbm>>) target_semaphore(%run_scoped3A : memref<!tpu.dma_semaphore, #tpu.memory_space<semaphore_mem>>)
        %dma_wait3A = arith.constant 0 : i32
        %dma_wait3A_881 = tpu.memref_slice %arg14[%dma_wait3A] : memref<2112xf32, #tpu.memory_space<vmem>> -> memref<2048xf32, #tpu.memory_space<vmem>>
        %dma_wait3A_882 = tpu.memref_slice %arg4[%mul3A_873] : memref<16384xf32, #tpu.memory_space<hbm>> -> memref<2048xf32, #tpu.memory_space<hbm>>
        %dma_wait3A_883 = tpu.memref_slice %arg4[%mul3A_873] : memref<16384xf32, #tpu.memory_space<hbm>> -> memref<2048xf32, #tpu.memory_space<hbm>>
        %dma_wait3A_884 = arith.constant 0 : i32
        %dma_wait3A_885 = tpu.memref_slice %arg14[%dma_wait3A_884] : memref<2112xf32, #tpu.memory_space<vmem>> -> memref<2048xf32, #tpu.memory_space<vmem>>
        tpu.wait_dma2 semaphore(%run_scoped3A : memref<!tpu.dma_semaphore, #tpu.memory_space<semaphore_mem>>) src(%dma_wait3A_885 : memref<2048xf32, #tpu.memory_space<vmem>>) dst(%dma_wait3A_883 : memref<2048xf32, #tpu.memory_space<hbm>>)
        tpu.yield
      }) : () -> ()
      %mul3A_874 = arith.constant 512 : i32
      %mul3A_875 = arith.muli %select_n3A_462, %mul3A_874 : i32
      "tpu.region"() ({
        %run_scoped3A = tpu.sem_alloc : memref<!tpu.dma_semaphore, #tpu.memory_space<semaphore_mem>>
        %dma_start3A = arith.constant 0 : i32
        %dma_start3A_876 = tpu.memref_slice %arg15[%dma_start3A] : memref<528xf32, #tpu.memory_space<vmem>> -> memref<512xf32, #tpu.memory_space<vmem>>
        %dma_start3A_877 = tpu.memref_slice %arg9[%mul3A_875] : memref<4096xf32, #tpu.memory_space<hbm>> -> memref<512xf32, #tpu.memory_space<hbm>>
        %dma_start3A_878 = tpu.memref_slice %arg9[%mul3A_875] : memref<4096xf32, #tpu.memory_space<hbm>> -> memref<512xf32, #tpu.memory_space<hbm>>
        %dma_start3A_879 = arith.constant 0 : i32
        %dma_start3A_880 = tpu.memref_slice %arg15[%dma_start3A_879] : memref<528xf32, #tpu.memory_space<vmem>> -> memref<512xf32, #tpu.memory_space<vmem>>
        tpu.enqueue_dma source(%dma_start3A_880 : memref<512xf32, #tpu.memory_space<vmem>>) target(%dma_start3A_878 : memref<512xf32, #tpu.memory_space<hbm>>) target_semaphore(%run_scoped3A : memref<!tpu.dma_semaphore, #tpu.memory_space<semaphore_mem>>)
        %dma_wait3A = arith.constant 0 : i32
        %dma_wait3A_881 = tpu.memref_slice %arg15[%dma_wait3A] : memref<528xf32, #tpu.memory_space<vmem>> -> memref<512xf32, #tpu.memory_space<vmem>>
        %dma_wait3A_882 = tpu.memref_slice %arg9[%mul3A_875] : memref<4096xf32, #tpu.memory_space<hbm>> -> memref<512xf32, #tpu.memory_space<hbm>>
        %dma_wait3A_883 = tpu.memref_slice %arg9[%mul3A_875] : memref<4096xf32, #tpu.memory_space<hbm>> -> memref<512xf32, #tpu.memory_space<hbm>>
        %dma_wait3A_884 = arith.constant 0 : i32
        %dma_wait3A_885 = tpu.memref_slice %arg15[%dma_wait3A_884] : memref<528xf32, #tpu.memory_space<vmem>> -> memref<512xf32, #tpu.memory_space<vmem>>
        tpu.wait_dma2 semaphore(%run_scoped3A : memref<!tpu.dma_semaphore, #tpu.memory_space<semaphore_mem>>) src(%dma_wait3A_885 : memref<512xf32, #tpu.memory_space<vmem>>) dst(%dma_wait3A_883 : memref<512xf32, #tpu.memory_space<hbm>>)
        tpu.yield
      }) : () -> ()
    } else {
    }
    %eq3A_855 = arith.constant 3 : i32
    %eq3A_856 = arith.cmpi eq, %add3A_480, %eq3A_855 : i32
    %convert_element_type3A_857 = arith.extui %eq3A_856 : i1 to i32
    %cond3A_858 = arith.constant 0 : i32
    %cond3A_859 = arith.cmpi ne, %convert_element_type3A_857, %cond3A_858 : i32
    scf.if %cond3A_859 {
      %mul3A_870 = arith.constant 4 : i32
      %mul3A_871 = arith.muli %select_n3A_462, %mul3A_870 : i32
      %mul3A_872 = arith.constant 512 : i32
      %mul3A_873 = arith.muli %mul3A_871, %mul3A_872 : i32
      "tpu.region"() ({
        %run_scoped3A = tpu.sem_alloc : memref<!tpu.dma_semaphore, #tpu.memory_space<semaphore_mem>>
        %dma_start3A = arith.constant 0 : i32
        %dma_start3A_876 = tpu.memref_slice %arg14[%dma_start3A] : memref<2112xf32, #tpu.memory_space<vmem>> -> memref<2048xf32, #tpu.memory_space<vmem>>
        %dma_start3A_877 = tpu.memref_slice %arg5[%mul3A_873] : memref<16384xf32, #tpu.memory_space<hbm>> -> memref<2048xf32, #tpu.memory_space<hbm>>
        %dma_start3A_878 = tpu.memref_slice %arg5[%mul3A_873] : memref<16384xf32, #tpu.memory_space<hbm>> -> memref<2048xf32, #tpu.memory_space<hbm>>
        %dma_start3A_879 = arith.constant 0 : i32
        %dma_start3A_880 = tpu.memref_slice %arg14[%dma_start3A_879] : memref<2112xf32, #tpu.memory_space<vmem>> -> memref<2048xf32, #tpu.memory_space<vmem>>
        tpu.enqueue_dma source(%dma_start3A_880 : memref<2048xf32, #tpu.memory_space<vmem>>) target(%dma_start3A_878 : memref<2048xf32, #tpu.memory_space<hbm>>) target_semaphore(%run_scoped3A : memref<!tpu.dma_semaphore, #tpu.memory_space<semaphore_mem>>)
        %dma_wait3A = arith.constant 0 : i32
        %dma_wait3A_881 = tpu.memref_slice %arg14[%dma_wait3A] : memref<2112xf32, #tpu.memory_space<vmem>> -> memref<2048xf32, #tpu.memory_space<vmem>>
        %dma_wait3A_882 = tpu.memref_slice %arg5[%mul3A_873] : memref<16384xf32, #tpu.memory_space<hbm>> -> memref<2048xf32, #tpu.memory_space<hbm>>
        %dma_wait3A_883 = tpu.memref_slice %arg5[%mul3A_873] : memref<16384xf32, #tpu.memory_space<hbm>> -> memref<2048xf32, #tpu.memory_space<hbm>>
        %dma_wait3A_884 = arith.constant 0 : i32
        %dma_wait3A_885 = tpu.memref_slice %arg14[%dma_wait3A_884] : memref<2112xf32, #tpu.memory_space<vmem>> -> memref<2048xf32, #tpu.memory_space<vmem>>
        tpu.wait_dma2 semaphore(%run_scoped3A : memref<!tpu.dma_semaphore, #tpu.memory_space<semaphore_mem>>) src(%dma_wait3A_885 : memref<2048xf32, #tpu.memory_space<vmem>>) dst(%dma_wait3A_883 : memref<2048xf32, #tpu.memory_space<hbm>>)
        tpu.yield
      }) : () -> ()
      %mul3A_874 = arith.constant 512 : i32
      %mul3A_875 = arith.muli %select_n3A_462, %mul3A_874 : i32
      "tpu.region"() ({
        %run_scoped3A = tpu.sem_alloc : memref<!tpu.dma_semaphore, #tpu.memory_space<semaphore_mem>>
        %dma_start3A = arith.constant 0 : i32
        %dma_start3A_876 = tpu.memref_slice %arg15[%dma_start3A] : memref<528xf32, #tpu.memory_space<vmem>> -> memref<512xf32, #tpu.memory_space<vmem>>
        %dma_start3A_877 = tpu.memref_slice %arg10[%mul3A_875] : memref<4096xf32, #tpu.memory_space<hbm>> -> memref<512xf32, #tpu.memory_space<hbm>>
        %dma_start3A_878 = tpu.memref_slice %arg10[%mul3A_875] : memref<4096xf32, #tpu.memory_space<hbm>> -> memref<512xf32, #tpu.memory_space<hbm>>
        %dma_start3A_879 = arith.constant 0 : i32
        %dma_start3A_880 = tpu.memref_slice %arg15[%dma_start3A_879] : memref<528xf32, #tpu.memory_space<vmem>> -> memref<512xf32, #tpu.memory_space<vmem>>
        tpu.enqueue_dma source(%dma_start3A_880 : memref<512xf32, #tpu.memory_space<vmem>>) target(%dma_start3A_878 : memref<512xf32, #tpu.memory_space<hbm>>) target_semaphore(%run_scoped3A : memref<!tpu.dma_semaphore, #tpu.memory_space<semaphore_mem>>)
        %dma_wait3A = arith.constant 0 : i32
        %dma_wait3A_881 = tpu.memref_slice %arg15[%dma_wait3A] : memref<528xf32, #tpu.memory_space<vmem>> -> memref<512xf32, #tpu.memory_space<vmem>>
        %dma_wait3A_882 = tpu.memref_slice %arg10[%mul3A_875] : memref<4096xf32, #tpu.memory_space<hbm>> -> memref<512xf32, #tpu.memory_space<hbm>>
        %dma_wait3A_883 = tpu.memref_slice %arg10[%mul3A_875] : memref<4096xf32, #tpu.memory_space<hbm>> -> memref<512xf32, #tpu.memory_space<hbm>>
        %dma_wait3A_884 = arith.constant 0 : i32
        %dma_wait3A_885 = tpu.memref_slice %arg15[%dma_wait3A_884] : memref<528xf32, #tpu.memory_space<vmem>> -> memref<512xf32, #tpu.memory_space<vmem>>
        tpu.wait_dma2 semaphore(%run_scoped3A : memref<!tpu.dma_semaphore, #tpu.memory_space<semaphore_mem>>) src(%dma_wait3A_885 : memref<512xf32, #tpu.memory_space<vmem>>) dst(%dma_wait3A_883 : memref<512xf32, #tpu.memory_space<hbm>>)
        tpu.yield
      }) : () -> ()
    } else {
    }
    %eq3A_860 = arith.constant 4 : i32
    %eq3A_861 = arith.cmpi eq, %add3A_480, %eq3A_860 : i32
    %convert_element_type3A_862 = arith.extui %eq3A_861 : i1 to i32
    %cond3A_863 = arith.constant 0 : i32
    %cond3A_864 = arith.cmpi ne, %convert_element_type3A_862, %cond3A_863 : i32
    scf.if %cond3A_864 {
      %mul3A_870 = arith.constant 4 : i32
      %mul3A_871 = arith.muli %select_n3A_462, %mul3A_870 : i32
      %mul3A_872 = arith.constant 512 : i32
      %mul3A_873 = arith.muli %mul3A_871, %mul3A_872 : i32
      "tpu.region"() ({
        %run_scoped3A = tpu.sem_alloc : memref<!tpu.dma_semaphore, #tpu.memory_space<semaphore_mem>>
        %dma_start3A = arith.constant 0 : i32
        %dma_start3A_876 = tpu.memref_slice %arg14[%dma_start3A] : memref<2112xf32, #tpu.memory_space<vmem>> -> memref<2048xf32, #tpu.memory_space<vmem>>
        %dma_start3A_877 = tpu.memref_slice %arg6[%mul3A_873] : memref<16384xf32, #tpu.memory_space<hbm>> -> memref<2048xf32, #tpu.memory_space<hbm>>
        %dma_start3A_878 = tpu.memref_slice %arg6[%mul3A_873] : memref<16384xf32, #tpu.memory_space<hbm>> -> memref<2048xf32, #tpu.memory_space<hbm>>
        %dma_start3A_879 = arith.constant 0 : i32
        %dma_start3A_880 = tpu.memref_slice %arg14[%dma_start3A_879] : memref<2112xf32, #tpu.memory_space<vmem>> -> memref<2048xf32, #tpu.memory_space<vmem>>
        tpu.enqueue_dma source(%dma_start3A_880 : memref<2048xf32, #tpu.memory_space<vmem>>) target(%dma_start3A_878 : memref<2048xf32, #tpu.memory_space<hbm>>) target_semaphore(%run_scoped3A : memref<!tpu.dma_semaphore, #tpu.memory_space<semaphore_mem>>)
        %dma_wait3A = arith.constant 0 : i32
        %dma_wait3A_881 = tpu.memref_slice %arg14[%dma_wait3A] : memref<2112xf32, #tpu.memory_space<vmem>> -> memref<2048xf32, #tpu.memory_space<vmem>>
        %dma_wait3A_882 = tpu.memref_slice %arg6[%mul3A_873] : memref<16384xf32, #tpu.memory_space<hbm>> -> memref<2048xf32, #tpu.memory_space<hbm>>
        %dma_wait3A_883 = tpu.memref_slice %arg6[%mul3A_873] : memref<16384xf32, #tpu.memory_space<hbm>> -> memref<2048xf32, #tpu.memory_space<hbm>>
        %dma_wait3A_884 = arith.constant 0 : i32
        %dma_wait3A_885 = tpu.memref_slice %arg14[%dma_wait3A_884] : memref<2112xf32, #tpu.memory_space<vmem>> -> memref<2048xf32, #tpu.memory_space<vmem>>
        tpu.wait_dma2 semaphore(%run_scoped3A : memref<!tpu.dma_semaphore, #tpu.memory_space<semaphore_mem>>) src(%dma_wait3A_885 : memref<2048xf32, #tpu.memory_space<vmem>>) dst(%dma_wait3A_883 : memref<2048xf32, #tpu.memory_space<hbm>>)
        tpu.yield
      }) : () -> ()
      %mul3A_874 = arith.constant 512 : i32
      %mul3A_875 = arith.muli %select_n3A_462, %mul3A_874 : i32
      "tpu.region"() ({
        %run_scoped3A = tpu.sem_alloc : memref<!tpu.dma_semaphore, #tpu.memory_space<semaphore_mem>>
        %dma_start3A = arith.constant 0 : i32
        %dma_start3A_876 = tpu.memref_slice %arg15[%dma_start3A] : memref<528xf32, #tpu.memory_space<vmem>> -> memref<512xf32, #tpu.memory_space<vmem>>
        %dma_start3A_877 = tpu.memref_slice %arg11[%mul3A_875] : memref<4096xf32, #tpu.memory_space<hbm>> -> memref<512xf32, #tpu.memory_space<hbm>>
        %dma_start3A_878 = tpu.memref_slice %arg11[%mul3A_875] : memref<4096xf32, #tpu.memory_space<hbm>> -> memref<512xf32, #tpu.memory_space<hbm>>
        %dma_start3A_879 = arith.constant 0 : i32
        %dma_start3A_880 = tpu.memref_slice %arg15[%dma_start3A_879] : memref<528xf32, #tpu.memory_space<vmem>> -> memref<512xf32, #tpu.memory_space<vmem>>
        tpu.enqueue_dma source(%dma_start3A_880 : memref<512xf32, #tpu.memory_space<vmem>>) target(%dma_start3A_878 : memref<512xf32, #tpu.memory_space<hbm>>) target_semaphore(%run_scoped3A : memref<!tpu.dma_semaphore, #tpu.memory_space<semaphore_mem>>)
        %dma_wait3A = arith.constant 0 : i32
        %dma_wait3A_881 = tpu.memref_slice %arg15[%dma_wait3A] : memref<528xf32, #tpu.memory_space<vmem>> -> memref<512xf32, #tpu.memory_space<vmem>>
        %dma_wait3A_882 = tpu.memref_slice %arg11[%mul3A_875] : memref<4096xf32, #tpu.memory_space<hbm>> -> memref<512xf32, #tpu.memory_space<hbm>>
        %dma_wait3A_883 = tpu.memref_slice %arg11[%mul3A_875] : memref<4096xf32, #tpu.memory_space<hbm>> -> memref<512xf32, #tpu.memory_space<hbm>>
        %dma_wait3A_884 = arith.constant 0 : i32
        %dma_wait3A_885 = tpu.memref_slice %arg15[%dma_wait3A_884] : memref<528xf32, #tpu.memory_space<vmem>> -> memref<512xf32, #tpu.memory_space<vmem>>
        tpu.wait_dma2 semaphore(%run_scoped3A : memref<!tpu.dma_semaphore, #tpu.memory_space<semaphore_mem>>) src(%dma_wait3A_885 : memref<512xf32, #tpu.memory_space<vmem>>) dst(%dma_wait3A_883 : memref<512xf32, #tpu.memory_space<hbm>>)
        tpu.yield
      }) : () -> ()
    } else {
    }
    %eq3A_865 = arith.constant 5 : i32
    %eq3A_866 = arith.cmpi eq, %add3A_480, %eq3A_865 : i32
    %convert_element_type3A_867 = arith.extui %eq3A_866 : i1 to i32
    %cond3A_868 = arith.constant 0 : i32
    %cond3A_869 = arith.cmpi ne, %convert_element_type3A_867, %cond3A_868 : i32
    scf.if %cond3A_869 {
      %mul3A_870 = arith.constant 4 : i32
      %mul3A_871 = arith.muli %select_n3A_462, %mul3A_870 : i32
      %mul3A_872 = arith.constant 512 : i32
      %mul3A_873 = arith.muli %mul3A_871, %mul3A_872 : i32
      "tpu.region"() ({
        %run_scoped3A = tpu.sem_alloc : memref<!tpu.dma_semaphore, #tpu.memory_space<semaphore_mem>>
        %dma_start3A = arith.constant 0 : i32
        %dma_start3A_876 = tpu.memref_slice %arg14[%dma_start3A] : memref<2112xf32, #tpu.memory_space<vmem>> -> memref<2048xf32, #tpu.memory_space<vmem>>
        %dma_start3A_877 = tpu.memref_slice %arg7[%mul3A_873] : memref<16384xf32, #tpu.memory_space<hbm>> -> memref<2048xf32, #tpu.memory_space<hbm>>
        %dma_start3A_878 = tpu.memref_slice %arg7[%mul3A_873] : memref<16384xf32, #tpu.memory_space<hbm>> -> memref<2048xf32, #tpu.memory_space<hbm>>
        %dma_start3A_879 = arith.constant 0 : i32
        %dma_start3A_880 = tpu.memref_slice %arg14[%dma_start3A_879] : memref<2112xf32, #tpu.memory_space<vmem>> -> memref<2048xf32, #tpu.memory_space<vmem>>
        tpu.enqueue_dma source(%dma_start3A_880 : memref<2048xf32, #tpu.memory_space<vmem>>) target(%dma_start3A_878 : memref<2048xf32, #tpu.memory_space<hbm>>) target_semaphore(%run_scoped3A : memref<!tpu.dma_semaphore, #tpu.memory_space<semaphore_mem>>)
        %dma_wait3A = arith.constant 0 : i32
        %dma_wait3A_881 = tpu.memref_slice %arg14[%dma_wait3A] : memref<2112xf32, #tpu.memory_space<vmem>> -> memref<2048xf32, #tpu.memory_space<vmem>>
        %dma_wait3A_882 = tpu.memref_slice %arg7[%mul3A_873] : memref<16384xf32, #tpu.memory_space<hbm>> -> memref<2048xf32, #tpu.memory_space<hbm>>
        %dma_wait3A_883 = tpu.memref_slice %arg7[%mul3A_873] : memref<16384xf32, #tpu.memory_space<hbm>> -> memref<2048xf32, #tpu.memory_space<hbm>>
        %dma_wait3A_884 = arith.constant 0 : i32
        %dma_wait3A_885 = tpu.memref_slice %arg14[%dma_wait3A_884] : memref<2112xf32, #tpu.memory_space<vmem>> -> memref<2048xf32, #tpu.memory_space<vmem>>
        tpu.wait_dma2 semaphore(%run_scoped3A : memref<!tpu.dma_semaphore, #tpu.memory_space<semaphore_mem>>) src(%dma_wait3A_885 : memref<2048xf32, #tpu.memory_space<vmem>>) dst(%dma_wait3A_883 : memref<2048xf32, #tpu.memory_space<hbm>>)
        tpu.yield
      }) : () -> ()
      %mul3A_874 = arith.constant 512 : i32
      %mul3A_875 = arith.muli %select_n3A_462, %mul3A_874 : i32
      "tpu.region"() ({
        %run_scoped3A = tpu.sem_alloc : memref<!tpu.dma_semaphore, #tpu.memory_space<semaphore_mem>>
        %dma_start3A = arith.constant 0 : i32
        %dma_start3A_876 = tpu.memref_slice %arg15[%dma_start3A] : memref<528xf32, #tpu.memory_space<vmem>> -> memref<512xf32, #tpu.memory_space<vmem>>
        %dma_start3A_877 = tpu.memref_slice %arg12[%mul3A_875] : memref<4096xf32, #tpu.memory_space<hbm>> -> memref<512xf32, #tpu.memory_space<hbm>>
        %dma_start3A_878 = tpu.memref_slice %arg12[%mul3A_875] : memref<4096xf32, #tpu.memory_space<hbm>> -> memref<512xf32, #tpu.memory_space<hbm>>
        %dma_start3A_879 = arith.constant 0 : i32
        %dma_start3A_880 = tpu.memref_slice %arg15[%dma_start3A_879] : memref<528xf32, #tpu.memory_space<vmem>> -> memref<512xf32, #tpu.memory_space<vmem>>
        tpu.enqueue_dma source(%dma_start3A_880 : memref<512xf32, #tpu.memory_space<vmem>>) target(%dma_start3A_878 : memref<512xf32, #tpu.memory_space<hbm>>) target_semaphore(%run_scoped3A : memref<!tpu.dma_semaphore, #tpu.memory_space<semaphore_mem>>)
        %dma_wait3A = arith.constant 0 : i32
        %dma_wait3A_881 = tpu.memref_slice %arg15[%dma_wait3A] : memref<528xf32, #tpu.memory_space<vmem>> -> memref<512xf32, #tpu.memory_space<vmem>>
        %dma_wait3A_882 = tpu.memref_slice %arg12[%mul3A_875] : memref<4096xf32, #tpu.memory_space<hbm>> -> memref<512xf32, #tpu.memory_space<hbm>>
        %dma_wait3A_883 = tpu.memref_slice %arg12[%mul3A_875] : memref<4096xf32, #tpu.memory_space<hbm>> -> memref<512xf32, #tpu.memory_space<hbm>>
        %dma_wait3A_884 = arith.constant 0 : i32
        %dma_wait3A_885 = tpu.memref_slice %arg15[%dma_wait3A_884] : memref<528xf32, #tpu.memory_space<vmem>> -> memref<512xf32, #tpu.memory_space<vmem>>
        tpu.wait_dma2 semaphore(%run_scoped3A : memref<!tpu.dma_semaphore, #tpu.memory_space<semaphore_mem>>) src(%dma_wait3A_885 : memref<512xf32, #tpu.memory_space<vmem>>) dst(%dma_wait3A_883 : memref<512xf32, #tpu.memory_space<hbm>>)
        tpu.yield
      }) : () -> ()
    } else {
    }
    return
  }
}

</mosaic_0001>

<sc_bundles>
// kernel: kernel.3.cloned.1.call-start
scs
__scs_entry_jumppad:
0x0: {  	(pc) =	sbr.rel $0x88, $3  }
0x1: {  	(tag) =	ssettag $0x0;
	lr =	simm.s32 $0x1  }
0x2: {  	[smem:$0x3FA0] =	sst lr;
	_ =	strace $0xD0000000  }
0x3: {  	_ = 	snop  }
0x4: {  	_ = 	snop  }
0x5: {  	_ = 	snop  }
0x6: {  	_ = 	snop  }
0x7: {  	_ = 	snop  }
__scs_overlays_trampoline_lowered:
0x8: {  	[smem:$0x3FAF] =	sst s0  }
0x9: {  	[smem:$0x3FB0] =	sst s1  }
0xa: {  	[smem:$0x3FB1] =	sst s2  }
0xb: {  	[smem:$0x3FB2] =	sst s3  }
0xc: {  	[smem:$0x3FB3] =	sst s4  }
0xd: {  	[smem:$0x3FB4] =	sst s5  }
0xe: {  	[smem:$0x3FB5] =	sst s6  }
0xf: {  	[smem:$0x3FB6] =	sst s7  }
0x10: {  	[smem:$0x3FB7] =	sst s8  }
0x11: {  	[smem:$0x3FB8] =	sst s9;
	s0 =	simm.s32 @!p0 $0x0  }
0x12: {  	s1 =	sld [smem:$0x3F9E];
	s0 =	simm.s32 @p0 $0x1  }
0x13: {  	[smem:$0x3FB9] =	sst s0;
	s0 =	simm.s32 @!p1 $0x0  }
0x14: {  	s2 =	sld [smem:$0x3F9D];
	s0 =	simm.s32 @p1 $0x1  }
0x15: {  	[smem:$0x3FBA] =	sst s0;
	s0 =	simm.s32 @!p2 $0x0  }
0x16: {  	s3 =	sld [smem:$0x3FDB];
	s0 =	simm.s32 @p2 $0x1  }
0x17: {  	s4 =	simm.s32 $0x1BF5;
	[smem:$0x3FBC] =	sst s0  }
0x18: {  	s0 =	sld [smem:$0x3F9F];
	_ =	swait.ge [sflag:s4], $0x0  }
0x19: {  	s7 =	sld [smem:$0x3FA0]  }
0x1a: {  	s8 =	sadd.s32 $0xFFFFE003, lr  }
0x1b: {  	s9 =	sadd.s32 $0xFFFFFEF7, lr;
	s5 =	simm.s32 $0xFFFFFFFF;
	p2 =	slt.u32 s8, $0xFFFFF086  }
0x1c: {  	p1 =	slt.u32 s9, $0xF7A;
	s5 =	simm.s32 @!p2 $0x0  }
0x1d: {  	s5 =	simm.s32 @p1 $0x1;
	p0 =	seq.s32 s7, s2  }
0x1e: {  	s7 =	smul.u32 @!p0 $0xF7A, s2;
	p2 =	seq.s32 @!p0 s5, $0x0  }
0x1f: {  	s9 =	smul.u32 $0xF7A, s1;
	s8 =	simm.s32 @!p0 $0x1BF5;
	p2 =	por !p2, p0  }
0x20: {  	[sflag:s8] =	ssyncset.s32 @!p0 $0xFFFFF086;
	s6 =	sadd.s32 @!p0 s3, s7;
	s7 =	simm.s32 @!p0 $0x108  }
0x21: {  	s3 =	sadd.s32 s3, s9;
	s6 =	sadd.s32 @!p0 $0x88, s6;
	s7 =	simm.s32 @p2 $0x1082  }
0x22: {  	[simem:s7], [sflag:s8] =	dma.local @!p0 [hbm:s6], $0xF7A  }
0x23: {  	s9 =	sor.u32 $0xD0000000, s2;
	s6 =	simm.s32 $0x108;
	_ =	swait.ge @!p0 [sflag:s8], $0x0  }
0x24: {  	s3 =	sadd.s32 $0x88, s3;
	s6 =	simm.s32 @!p1 $0x1082;
	[sflag:s4] =	ssyncset.s32 $0xFFFFF086  }
0x25: {  	[simem:s6], [sflag:s4] =	dma.local [hbm:s3], $0xF7A  }
0x26: {  	[smem:$0x3FA0] =	sst s1;
	(tag) =	ssettag s2;
	_ =	strace s9  }
0x27: {  	s1 =	sld [smem:$0x3FB0]  }
0x28: {  	s2 =	sld [smem:$0x3FB1]  }
0x29: {  	s4 =	sld [smem:$0x3FB3]  }
0x2a: {  	p0 =	seq.s32 s5, $0x0;
	s5 =	sld [smem:$0x3FB4]  }
0x2b: {  	s6 =	sld [smem:$0x3FB5]  }
0x2c: {  	s7 =	sld [smem:$0x3FB6]  }
0x2d: {  	s3 =	simm.s32 $0x108;
	s8 =	sld [smem:$0x3FB7]  }
0x2e: {  	s3 =	simm.s32 @!p0 $0x1082;
	s9 =	sld [smem:$0x3FB8]  }
0x2f: {  	lr =	sadd.s32 s0, s3;
	s0 =	sld [smem:$0x3FAF]  }
0x30: {  	s3 =	sld [smem:$0x3FB2]  }
0x31: {  	[smem:$0x3FBB] =	sst s10  }
0x32: {  	s10 =	sld [smem:$0x3FB9];
	_ =	sdelay $0x3  }
0x33: {  	p0 =	seq.s32 s10, $0x1;
	s10 =	sld [smem:$0x3FBB];
	_ =	sdelay $0x3  }
0x34: {  	[smem:$0x3FBB] =	sst s10  }
0x35: {  	s10 =	sld [smem:$0x3FBA];
	_ =	sdelay $0x3  }
0x36: {  	p1 =	seq.s32 s10, $0x1;
	s10 =	sld [smem:$0x3FBB];
	_ =	sdelay $0x3  }
0x37: {  	[smem:$0x3FBB] =	sst s10  }
0x38: {  	s10 =	sld [smem:$0x3FBC]  }
0x39: {  	_ = 	snop;
	(pc) =	sbr.ind lr, $3  }
0x3a: {  	_ = 	snop  }
0x3b: {  	_ = 	snop  }
0x3c: {  	p2 =	seq.s32 s10, $0x1;
	s10 =	sld [smem:$0x3FBB]  }
0x3d: {  	_ =	shalt  }
0x3e: {  	_ =	shalt  }
0x3f: {  	_ =	shalt  }
0x40: {  	_ =	shalt  }
0x41: {  	_ =	shalt  }
0x42: {  	_ =	shalt  }
0x43: {  	_ =	shalt  }
0x44: {  	_ =	shalt  }
0x45: {  	_ =	shalt  }
0x46: {  	_ =	shalt  }
0x47: {  	_ =	shalt  }
0x48: {  	_ =	shalt  }
0x49: {  	_ =	shalt  }
0x4a: {  	_ =	shalt  }
0x4b: {  	_ =	shalt  }
0x4c: {  	_ =	shalt  }
0x4d: {  	_ =	shalt  }
0x4e: {  	_ =	shalt  }
0x4f: {  	_ =	shalt  }
0x50: {  	_ =	shalt  }
0x51: {  	_ =	shalt  }
0x52: {  	_ =	shalt  }
0x53: {  	_ =	shalt  }
0x54: {  	_ =	shalt  }
0x55: {  	_ =	shalt  }
0x56: {  	_ =	shalt  }
0x57: {  	_ =	shalt  }
0x58: {  	_ =	shalt  }
0x59: {  	_ =	shalt  }
0x5a: {  	_ =	shalt  }
0x5b: {  	_ =	shalt  }
0x5c: {  	_ =	shalt  }
0x5d: {  	_ =	shalt  }
0x5e: {  	_ =	shalt  }
0x5f: {  	_ =	shalt  }
0x60: {  	_ =	shalt  }
0x61: {  	_ =	shalt  }
0x62: {  	_ =	shalt  }
0x63: {  	_ =	shalt  }
0x64: {  	_ =	shalt  }
0x65: {  	_ =	shalt  }
0x66: {  	_ =	shalt  }
0x67: {  	_ =	shalt  }
0x68: {  	_ =	shalt  }
0x69: {  	_ =	shalt  }
0x6a: {  	_ =	shalt  }
0x6b: {  	_ =	shalt  }
0x6c: {  	_ =	shalt  }
0x6d: {  	_ =	shalt  }
0x6e: {  	_ =	shalt  }
0x6f: {  	_ =	shalt  }
0x70: {  	_ =	shalt  }
0x71: {  	_ =	shalt  }
0x72: {  	_ =	shalt  }
0x73: {  	_ =	shalt  }
0x74: {  	_ =	shalt  }
0x75: {  	_ =	shalt  }
0x76: {  	_ =	shalt  }
0x77: {  	_ =	shalt  }
0x78: {  	_ =	shalt  }
0x79: {  	_ =	shalt  }
0x7a: {  	_ =	shalt  }
0x7b: {  	_ =	shalt  }
0x7c: {  	_ =	shalt  }
0x7d: {  	_ =	shalt  }
0x7e: {  	_ =	shalt  }
0x7f: {  	_ =	shalt  }
0x80: {  	_ =	shalt  }
0x81: {  	_ =	shalt  }
0x82: {  	_ =	shalt  }
0x83: {  	_ =	shalt  }
0x84: {  	_ =	shalt  }
0x85: {  	_ =	shalt  }
0x86: {  	_ =	shalt  }
0x87: {  	_ =	shalt  }
.Lfunc_end0:
.L_simem_size_0:
called_computation_lowered:
.L_overlay_start_0:
0x88: {  	s2 =	sld [smem:$0x3FD9]  }
0x89: {  	s3 =	sld [smem:$0x3FFE];
	_ =	sdelay $0x1  }
0x8a: {  	s1 =	srdreg.scid  }
0x8b: {  	s0 =	sand.u32 $0x1, s1  }
0x8c: {  	s13 =	sshll.u32 s0, $0xA;
	s2 =	sadd.s32 s3, s2  }
0x8d: {  	s2 =	sadd.s32 s2, s13  }
0x8e: {  	[smem:$0x3FC7] =	sst s2  }
0x8f: {  	_ = 	snop  }
0x90: {  	s4 =	sld [smem:$0x3FD0];
	_ =	sdelay $0x2  }
0x91: {  	s5 =	simm.s32 $0xA;
	s6 =	simm.s32 $0x10  }
0x92: {  	[smem:s6], [sflag:s5] =	dma.local [hbm:s4], $0x1  }
0x93: {  	_ =	swait.eq [sflag:s5], $0x1  }
0x94: {  	s14 =	sld [smem:$0x10]  }
0x95: {  	s15 =	sld [smem:$0x11]  }
0x96: {  	s7 =	sld [smem:$0x12];
	[sflag:s5] =	ssyncset.done $0x0  }
0x97: {  	s8 =	sld [smem:$0x13];
	[sflag:s5] =	ssyncadd.s32 $0xFFFFFFFF  }
0x98: {  	s4 =	sadd.s32 $0x1, s4;
	s9 =	sld [smem:$0x14]  }
0x99: {  	[smem:s6], [sflag:s5] =	dma.local [hbm:s4], $0x1  }
0x9a: {  	_ =	swait.eq [sflag:s5], $0x1  }
0x9b: {  	[sflag:s5] =	ssyncset.done $0x0  }
0x9c: {  	s16 =	sld [smem:$0x10];
	[sflag:s5] =	ssyncadd.s32 $0xFFFFFFFF  }
0x9d: {  	s17 =	sld [smem:$0x11];
	(tm) =	ssettm $0x1  }
0x9e: {  	s18 =	sld [smem:$0x3FFB];
	_ =	sdelay $0x3  }
0x9f: {  	_ =	strace s18  }
0xa0: {  	s6 =	sld [smem:$0x3FFC];
	_ =	sdelay $0x3  }
0xa1: {  	_ =	strace s6  }
0xa2: {  	s6 =	sld [smem:$0x3FFD];
	_ =	sdelay $0x3  }
0xa3: {  	_ =	strace s6  }
0xa4: {  	_ =	strace $0x8FFFFFFF  }
0xa5: {  	s19 =	sld [smem:$0x3FDB];
	_ =	sdelay $0x1  }
0xa6: {  	s10 =	simm.s32 $_scs_section_size  }
0xa7: {  	s11 =	simm.s32 $_size__tile_overlayer_lowered;
	s12 =	simm.s32 $_tile_overlayer_lowered  }
0xa8: {  	s22 =	simm.s32 $0x1BFF;
	s21 =	sshll.u32 s12, $0x1;
	s6 =	sadd.s32 s10, s19  }
0xa9: {  	s20 =	sshll.u32 s11, $0x1;
	s13 =	simm.s32 $0x0;
	s11 =	sadd.s32 s21, s6  }
0xaa: {  	[timem:s13], [sflag:s22] =	dma.local [hbm:s11], s20  }
0xab: {  	_ =	swait.ge [sflag:s22], s20  }
0xac: {  	s10 =	ssub.s32 $0x0, s20;
	[sflag:s22] =	ssyncset.done $0x0  }
0xad: {  	[sflag:s22] =	ssyncadd.s32 s10;
	_ =	sdelay $0x1  }
0xae: {  	s23 =	simm.s32 $0x1B8B  }
0xaf: {  	_ =	swait.ge [sflag:s23], $0x1  }
0xb0: {  	[sflag:s23] =	ssyncset.done $0x0  }
0xb1: {  	s25 =	simm.s32 $0x1B8E;
	s24 =	sld [smem:$0x3FFE];
	[sflag:s23] =	ssyncadd.s32 $0xFFFFFFFF  }
0xb2: {  	s26 =	simm.s32 $execute0_lowered;
	[smem:$0x3FD2] =	sst s25  }
0xb3: {  	s11 =	sshll.u32 s26, $0x1;
	_ =	strace $0x80000046;
	[dreg:$0x1] =	wrdreg $0xFFFFFFFF  }
0xb4: {  	s28 =	simm.s32 $_size_execute0_lowered;
	s6 =	sadd.s32 s6, s11;
	[dreg:$0x0] =	wrdreg $0x0  }
0xb5: {  	s11 =	sshll.u32 s28, $0x1;
	[dreg:$0x2] =	wrdreg s6  }
0xb6: {  	[dreg:$0x3] =	wrdreg s11  }
0xb7: {  	[dreg:$0x4] =	wrdreg $0xC0  }
0xb8: {  	_ =	task [dreg:s13], $0x5FFFF  }
0xb9: {  	[dreg:$0x1] =	wrdreg $0xFFFFFFFF  }
0xba: {  	[dreg:$0x0] =	wrdreg $0x60  }
0xbb: {  	[dreg:$0x2] =	wrdreg s24  }
0xbc: {  	[dreg:$0x3] =	wrdreg s9  }
0xbd: {  	[dreg:$0x4] =	wrdreg s8  }
0xbe: {  	[dreg:$0x5] =	wrdreg s7  }
0xbf: {  	[dreg:$0x6] =	wrdreg s17  }
0xc0: {  	[dreg:$0x7] =	wrdreg s16  }
0xc1: {  	[dreg:$0x8] =	wrdreg s15  }
0xc2: {  	[dreg:$0x9] =	wrdreg s14  }
0xc3: {  	[dreg:$0xa] =	wrdreg $0x9  }
0xc4: {  	_ =	task.clear_ibuf [dreg:s13], $0xBFFFF;
	_ =	strace $0x90000046  }
0xc5: {  	s29 =	simm.s32 $0x9;
	_ =	strace $0x80000048  }
0xc6: {  	_ =	swait.ge [sflag:s29], $0x1  }
0xc7: {  	[sflag:s29] =	ssyncadd.s32 $0xFFFFFFFF  }
0xc8: {  	_ =	strace $0x90000048  }
0xc9: {  	_ =	sfence  }
0xca: {  	s30 =	sld [smem:$0x0];
	_ =	sdelay $0x2  }
0xcb: {  	s31 =	sshll.u32 s1, $0xD;
	s1 =	sshrl.u32 s1, $0x2  }
0xcc: {  	s3 =	sand.u32 $0x4000, s31;
	s1 =	sadd.s32 s1, s30  }
0xcd: {  	s0 =	sor.u32 s3, s0;
	s1 =	sshll.u32 s1, $0x11  }
0xce: {  	s0 =	sor.u32 s1, s0  }
0xcf: {  	s0 =	sadd.s32 $0x8F2B, s0  }
0xd0: {  	[sflag:s0] =	ssyncadd.remote.s32 $0x1  }
0xd1: {  	_ =	sfence.sel $0xFFFF  }
0xd2: {  	[dreg:$0x0] =	wrdreg $0xFFFFFFFF;
	(pc) =	sbr.abs _section_cstart, $3  }
0xd3: {  	[dreg:$0x1] =	wrdreg $0xFFFFFFFF  }
0xd4: {  	_ =	task.clear_ibuf [dreg:s13], $0x2FFFF;
	_ =	strace $0x9FFFFFFF  }
0xd5: {  	(tm) =	ssettm $0x7FFFFFFF  }
tec
execute0_lowered:
.L_overlay_start_1:
0x0: {  	(tag) =	ssettag $0x1  }
0x1: {  	s1 =	rddreg [dreg:$0x0]  }
0x2: {  	s0 =	rddreg [dreg:$0x1]  }
0x3: {  	s2 =	rddreg [dreg:$0x2]  }
0x4: {  	s3 =	rddreg [dreg:$0x3]  }
0x5: {  	s4 =	rddreg [dreg:$0x4];
	s6 =	srdreg.scid  }
0x6: {  	s7 =	stileid.u32;
	s5 =	rddreg [dreg:$0x5]  }
0x7: {  	s28 =	rddreg [dreg:$0x6];
	s6 =	sand.u32 $0x1, s6;
	s8 =	sshll.u32 s7, $0x1  }
0x8: {  	s9 =	simm.s32 $0x0;
	s31 =	simm.s32 $0x1;
	s17 =	sor.u32 s6, s8  }
0x9: {  	[smem:$0x7FF] =	sst s9;
	s21 =	sadd.s32 $0x1000, s1;
	s18 =	smul.u32 $0x34, s17  }
0xa: {  	s10 =	sadd.s32 $0x28400, s1;
	s11 =	sadd.s32 $0x28C00, s1;
	p0 =	slt.u32 s7, $0x4  }
0xb: {  	s8 =	rddreg [dreg:$0x7];
	s6 =	ssub.s32 $0x2, s6;
	s19 =	sshrl.u32 s18, $0x8  }
0xc: {  	_ =	strace $0x80000047;
	s24 =	sshrl.u32 s6, $0x1;
	s12 =	smul.u32 $0x5, s19  }
0xd: {  	s13 =	sor.u32 $0x20, s17;
	s25 =	ssub.s32 s6, s24;
	s18 =	sand.u32 $0x700, s18  }
0xe: {  	s14 =	smul.u32 $0x27100, s19;
	s12 =	ssub.s32 s17, s12;
	s17 =	smov.u32 @p0 s13  }
0xf: {  	s24 =	smax.u32 s25, $0x1;
	s19 =	sshll.u32 s19, $0x6;
	s16 =	smul.u32 $0x34, s17  }
0x10: {  	s14 =	sshrl.u32 s14, $0x3;
	s15 =	sadd.s32 $0x1, s12;
	s12 =	sadd.s32 $0x28200, s1  }
0x11: {  	s14 =	sadd.s32 s21, s14;
	s1 =	simm.s32 $0x7D00;
	s26 =	sshrl.u32 s16, $0x8  }
0x12: {  	s13 =	sand.u32 $0xFF, s15;
	s29 =	sadd.s32 $0x1F40, s14;
	s20 =	smul.u32 $0x5, s26  }
0x13: {  	s30 =	sadd.s32 $0x2EE0, s14;
	s6 =	scvt.s32.f32 s13;
	s23 =	sand.u32 $0xFF, s26  }
0x14: {  	[dreg:$0x9] =	wrdreg s29;
	s22 =	smul.u32 $0x27100, s23;
	s17 =	ssub.s32 s17, s20  }
0x15: {  	s15 =	sadd.s32 $0xFA0, s14;
	[dreg:$0xa] =	wrdreg s30;
	s17 =	sadd.s32 $0x1, s17  }
0x16: {  	v0 =	vmov s6;
	s6 =	simm.s32 $0x8540;
	s22 =	sshrl.u32 s22, $0x3;
	s20 =	sand.u32 $0xFF, s17  }
.Ltmp0:
0x17: {  	s21 =	sadd.s32 s21, s22;
	s17 =	sadd.s32 $0x3E80, s14;
	(pc) =	sbr.rel .LBB2_1-.Ltmp0, $4  }
0x18: {  	s22 =	sshll.u32 s23, $0x8;
	[dreg:$0xb] =	wrdreg s17;
	s25 =	sadd.s32 $0x1F40, s21  }
0x19: {  	s16 =	scvt.s32.f32 s20;
	s29 =	sadd.s32 $0x2EE0, s21;
	[dreg:$0xc] =	wrdreg s25  }
0x1a: {  	v3 =	vlaneseq.u32;
	v2 =	vimm.f32 $0.0e+00;
	s23 =	sshll.u32 s23, $0x6;
	s30 =	sadd.s32 $0x3E80, s21;
	[dreg:$0xd] =	wrdreg s29  }
0x1b: {  	v4 =	vimm.s32 $0x0;
	v3 =	vmul.u32 $0x8, v3;
	s26 =	sadd.s32 $0xFA0, s21;
	[dreg:$0xe] =	wrdreg s30;
	s25 =	simm.s32 $0x0;
	v1 =	vmov s16  }
.LBB2_30:
0x1c: {  	_ =	sdelay $0x4  }
0x1d: {  	[tilespmem:v9+s1+$0x0] =	vst.idx.msk vm0, v8  }
0x1e: {  	v8 =	vld.idx.msk [tilespmem:v5+s9+$0x0], $0xffff;
	_ =	sdelay $0x4  }
0x1f: {  	vm15 =	veq.f32 v8, v1  }
0x20: {  	v8 =	vsel vm15, $0x1, v4  }
0x21: {  	(xrf0) =	vadd.scan.msk.s32 $0xffff, v8;
	_ =	sdelay $0x4  }
0x22: {  	v6 =	vbroadcast v6, $0x0  }
0x23: {  	v8, _, _ =	vpop (xrf0)  }
0x24: {  	v6 =	vadd.s32 v8, v6  }
0x25: {  	vm1 =	vlt.s32 v6, $0x200  }
0x26: {  	vm0 =	vmand vm15, vm1  }
0x27: {  	v7 =	vld.idx.msk [tilespmem:v7+s9+$0x0], $0xffff  }
0x28: {  	v60 =	vor.u32 $0x2, v5;
	_ =	sdelay $0x3  }
0x29: {  	[tilespmem:v6+s6+$0x0] =	vst.idx.msk vm0, v7  }
0x2a: {  	v6 =	vshll.u32 v6, $0x2;
	v7 =	vld.idx.msk [tilespmem:v60+s9+$0x0], $0xffff  }
0x2b: {  	v61 =	vor.u32 $0x3, v5;
	_ =	sdelay $0x3  }
0x2c: {  	[tilespmem:v6+s1+$0x0] =	vst.idx.msk vm0, v7  }
0x2d: {  	v62 =	vor.u32 $0x1, v6;
	v7 =	vld.idx.msk [tilespmem:v61+s9+$0x0], $0xffff  }
0x2e: {  	v10 =	vor.u32 $0x4, v5  }
0x2f: {  	(v2sf) =	vpush v8, $0xF;
	_ =	sdelay $0x2  }
0x30: {  	[tilespmem:v62+s1+$0x0] =	vst.idx.msk vm0, v7  }
0x31: {  	v63 =	vor.u32 $0x2, v6;
	v7 =	vld.idx.msk [tilespmem:v10+s9+$0x0], $0xffff  }
0x32: {  	v5 =	vor.u32 $0x5, v5;
	_ =	sdelay $0x3  }
0x33: {  	[tilespmem:v63+s1+$0x0] =	vst.idx.msk vm0, v7  }
0x34: {  	v6 =	vor.u32 $0x3, v6;
	v5 =	vld.idx.msk [tilespmem:v5+s9+$0x0], $0xffff;
	_ =	sdelay $0x4  }
0x35: {  	s7 =	spop (v2sf);
	[tilespmem:v6+s1+$0x0] =	vst.idx.msk vm0, v5  }
.LBB2_31:
0x36: {  	p0 =	sgt.s32 s20, $0x2  }
0x37: {  	p1 =	seq.s32 @p0 s20, $0x3  }
0x38: {  	p2 =	por p1, !p0  }
0x39: {  	p2 =	seq.s32 @!p2 s20, $0x4  }
0x3a: {  	s7 =	smov.u32 s11;
	s16 =	smov.u32 s3;
	p2 =	por @p0 !p2, p1  }
0x3b: {  	s17 =	smov.u32 s0;
	p3 =	seq.s32 @!p0 s20, $0x1;
	p2 =	por !p2, !p0  }
0x3c: {  	p3 =	por !p3, p0;
	p1 =	por !p1, !p0;
	s7 =	smov.u32 @p2 s10  }
0x3d: {  	s29 =	smov.u32 s4;
	s17 =	smov.u32 @p3 s2;
	s16 =	smov.u32 @p1 s7  }
0x3e: {  	s25 =	sadd.s32 $0x1, s25;
	s7 =	smov.u32 s12;
	s17 =	smov.u32 @p0 s16  }
0x3f: {  	s7 =	smov.u32 @p2 s8;
	s16 =	sadd.s32 s17, s22;
	s17 =	smov.u32 s28  }
0x40: {  	[hbm4b:s16+s9] =	stream.linear.scatter [tilespmem:s1], [sflag:$0x1], $0x800, $0x38;
	[tilespmem:$0x8750] =	vst v63  }
0x41: {  	s29 =	smov.u32 @p3 s5;
	s17 =	smov.u32 @p1 s7;
	_ =	swait.ge [sflag:s31], $0x800  }
0x42: {  	s29 =	smov.u32 @p0 s17;
	p0 =	sne.s32 s25, s24;
	[sflag:s31] =	ssyncset.done $0x0  }
.Ltmp1:
0x43: {  	s30 =	sadd.s32 s29, s23;
	[sflag:s31] =	ssyncadd.s32 $0xFFFFF800;
	(pc) =	sbr.rel @!p0 .LBB2_32-.Ltmp1, $4  }
0x44: {  	[hbm4b:s30+s9] =	stream.linear.scatter [tilespmem:s6], [sflag:$0x1], $0x200, $0x38;
	[tilespmem:$0x8750] =	vst v63  }
0x45: {  	_ =	swait.ge [sflag:s31], $0x200  }
0x46: {  	[sflag:s31] =	ssyncset.done $0x0  }
0x47: {  	[sflag:s31] =	ssyncadd.s32 $0xFFFFFE00  }
.LBB2_1:
0x48: {  	[tilespmem:$0x7D00] =	vst v2  }
0x49: {  	[tilespmem:$0x7D10] =	vst v2  }
0x4a: {  	[tilespmem:$0x7D20] =	vst v2  }
0x4b: {  	[tilespmem:$0x7D30] =	vst v2  }
0x4c: {  	[tilespmem:$0x7D40] =	vst v2  }
0x4d: {  	[tilespmem:$0x7D50] =	vst v2  }
0x4e: {  	[tilespmem:$0x7D60] =	vst v2  }
0x4f: {  	[tilespmem:$0x7D70] =	vst v2  }
0x50: {  	[tilespmem:$0x7D80] =	vst v2  }
0x51: {  	[tilespmem:$0x7D90] =	vst v2  }
0x52: {  	[tilespmem:$0x7DA0] =	vst v2  }
0x53: {  	[tilespmem:$0x7DB0] =	vst v2  }
0x54: {  	[tilespmem:$0x7DC0] =	vst v2  }
0x55: {  	[tilespmem:$0x7DD0] =	vst v2  }
0x56: {  	[tilespmem:$0x7DE0] =	vst v2  }
0x57: {  	[tilespmem:$0x7DF0] =	vst v2  }
0x58: {  	[tilespmem:$0x7E00] =	vst v2  }
0x59: {  	[tilespmem:$0x7E10] =	vst v2  }
0x5a: {  	[tilespmem:$0x7E20] =	vst v2  }
0x5b: {  	[tilespmem:$0x7E30] =	vst v2  }
0x5c: {  	[tilespmem:$0x7E40] =	vst v2  }
0x5d: {  	[tilespmem:$0x7E50] =	vst v2  }
0x5e: {  	[tilespmem:$0x7E60] =	vst v2  }
0x5f: {  	[tilespmem:$0x7E70] =	vst v2  }
0x60: {  	[tilespmem:$0x7E80] =	vst v2  }
0x61: {  	[tilespmem:$0x7E90] =	vst v2  }
0x62: {  	[tilespmem:$0x7EA0] =	vst v2  }
0x63: {  	[tilespmem:$0x7EB0] =	vst v2  }
0x64: {  	[tilespmem:$0x7EC0] =	vst v2  }
0x65: {  	[tilespmem:$0x7ED0] =	vst v2  }
0x66: {  	[tilespmem:$0x7EE0] =	vst v2  }
0x67: {  	[tilespmem:$0x7EF0] =	vst v2  }
0x68: {  	[tilespmem:$0x7F00] =	vst v2  }
0x69: {  	[tilespmem:$0x7F10] =	vst v2  }
0x6a: {  	[tilespmem:$0x7F20] =	vst v2  }
0x6b: {  	[tilespmem:$0x7F30] =	vst v2  }
0x6c: {  	[tilespmem:$0x7F40] =	vst v2  }
0x6d: {  	[tilespmem:$0x7F50] =	vst v2  }
0x6e: {  	[tilespmem:$0x7F60] =	vst v2  }
0x6f: {  	[tilespmem:$0x7F70] =	vst v2  }
0x70: {  	[tilespmem:$0x7F80] =	vst v2  }
0x71: {  	[tilespmem:$0x7F90] =	vst v2  }
0x72: {  	[tilespmem:$0x7FA0] =	vst v2  }
0x73: {  	[tilespmem:$0x7FB0] =	vst v2  }
0x74: {  	[tilespmem:$0x7FC0] =	vst v2  }
0x75: {  	[tilespmem:$0x7FD0] =	vst v2  }
0x76: {  	[tilespmem:$0x7FE0] =	vst v2  }
0x77: {  	[tilespmem:$0x7FF0] =	vst v2  }
0x78: {  	[tilespmem:$0x8000] =	vst v2  }
0x79: {  	[tilespmem:$0x8010] =	vst v2  }
0x7a: {  	[tilespmem:$0x8020] =	vst v2  }
0x7b: {  	[tilespmem:$0x8030] =	vst v2  }
0x7c: {  	[tilespmem:$0x8040] =	vst v2  }
0x7d: {  	[tilespmem:$0x8050] =	vst v2  }
0x7e: {  	[tilespmem:$0x8060] =	vst v2  }
0x7f: {  	[tilespmem:$0x8070] =	vst v2  }
0x80: {  	[tilespmem:$0x8080] =	vst v2  }
0x81: {  	[tilespmem:$0x8090] =	vst v2  }
0x82: {  	[tilespmem:$0x80A0] =	vst v2  }
0x83: {  	[tilespmem:$0x80B0] =	vst v2  }
0x84: {  	[tilespmem:$0x80C0] =	vst v2  }
0x85: {  	[tilespmem:$0x80D0] =	vst v2  }
0x86: {  	[tilespmem:$0x80E0] =	vst v2  }
0x87: {  	[tilespmem:$0x80F0] =	vst v2  }
0x88: {  	[tilespmem:$0x8100] =	vst v2  }
0x89: {  	[tilespmem:$0x8110] =	vst v2  }
0x8a: {  	[tilespmem:$0x8120] =	vst v2  }
0x8b: {  	[tilespmem:$0x8130] =	vst v2  }
0x8c: {  	[tilespmem:$0x8140] =	vst v2  }
0x8d: {  	[tilespmem:$0x8150] =	vst v2  }
0x8e: {  	[tilespmem:$0x8160] =	vst v2  }
0x8f: {  	[tilespmem:$0x8170] =	vst v2  }
0x90: {  	[tilespmem:$0x8180] =	vst v2  }
0x91: {  	[tilespmem:$0x8190] =	vst v2  }
0x92: {  	[tilespmem:$0x81A0] =	vst v2  }
0x93: {  	[tilespmem:$0x81B0] =	vst v2  }
0x94: {  	[tilespmem:$0x81C0] =	vst v2  }
0x95: {  	[tilespmem:$0x81D0] =	vst v2  }
0x96: {  	[tilespmem:$0x81E0] =	vst v2  }
0x97: {  	[tilespmem:$0x81F0] =	vst v2  }
0x98: {  	[tilespmem:$0x8200] =	vst v2  }
0x99: {  	[tilespmem:$0x8210] =	vst v2  }
0x9a: {  	[tilespmem:$0x8220] =	vst v2  }
0x9b: {  	[tilespmem:$0x8230] =	vst v2  }
0x9c: {  	[tilespmem:$0x8240] =	vst v2  }
0x9d: {  	[tilespmem:$0x8250] =	vst v2  }
0x9e: {  	[tilespmem:$0x8260] =	vst v2  }
0x9f: {  	[tilespmem:$0x8270] =	vst v2  }
0xa0: {  	[tilespmem:$0x8280] =	vst v2  }
0xa1: {  	[tilespmem:$0x8290] =	vst v2  }
0xa2: {  	[tilespmem:$0x82A0] =	vst v2  }
0xa3: {  	[tilespmem:$0x82B0] =	vst v2  }
0xa4: {  	[tilespmem:$0x82C0] =	vst v2  }
0xa5: {  	[tilespmem:$0x82D0] =	vst v2  }
0xa6: {  	[tilespmem:$0x82E0] =	vst v2  }
0xa7: {  	[tilespmem:$0x82F0] =	vst v2  }
0xa8: {  	[tilespmem:$0x8300] =	vst v2  }
0xa9: {  	[tilespmem:$0x8310] =	vst v2  }
0xaa: {  	[tilespmem:$0x8320] =	vst v2  }
0xab: {  	[tilespmem:$0x8330] =	vst v2  }
0xac: {  	[tilespmem:$0x8340] =	vst v2  }
0xad: {  	[tilespmem:$0x8350] =	vst v2  }
0xae: {  	[tilespmem:$0x8360] =	vst v2  }
0xaf: {  	[tilespmem:$0x8370] =	vst v2  }
0xb0: {  	[tilespmem:$0x8380] =	vst v2  }
0xb1: {  	[tilespmem:$0x8390] =	vst v2  }
0xb2: {  	[tilespmem:$0x83A0] =	vst v2  }
0xb3: {  	[tilespmem:$0x83B0] =	vst v2  }
0xb4: {  	[tilespmem:$0x83C0] =	vst v2  }
0xb5: {  	[tilespmem:$0x83D0] =	vst v2  }
0xb6: {  	[tilespmem:$0x83E0] =	vst v2  }
0xb7: {  	[tilespmem:$0x83F0] =	vst v2  }
0xb8: {  	[tilespmem:$0x8400] =	vst v2  }
0xb9: {  	[tilespmem:$0x8410] =	vst v2  }
0xba: {  	[tilespmem:$0x8420] =	vst v2  }
0xbb: {  	[tilespmem:$0x8430] =	vst v2  }
0xbc: {  	[tilespmem:$0x8440] =	vst v2  }
0xbd: {  	[tilespmem:$0x8450] =	vst v2  }
0xbe: {  	[tilespmem:$0x8460] =	vst v2  }
0xbf: {  	[tilespmem:$0x8470] =	vst v2  }
0xc0: {  	[tilespmem:$0x8480] =	vst v2  }
0xc1: {  	[tilespmem:$0x8490] =	vst v2  }
0xc2: {  	[tilespmem:$0x84A0] =	vst v2  }
0xc3: {  	[tilespmem:$0x84B0] =	vst v2  }
0xc4: {  	[tilespmem:$0x84C0] =	vst v2  }
0xc5: {  	[tilespmem:$0x84D0] =	vst v2  }
0xc6: {  	[tilespmem:$0x84E0] =	vst v2  }
0xc7: {  	[tilespmem:$0x84F0] =	vst v2  }
0xc8: {  	[tilespmem:$0x8500] =	vst v2  }
0xc9: {  	[tilespmem:$0x8510] =	vst v2  }
0xca: {  	[tilespmem:$0x8520] =	vst v2  }
0xcb: {  	[tilespmem:$0x8530] =	vst v2  }
0xcc: {  	[tilespmem:$0x8540] =	vst v2  }
0xcd: {  	[tilespmem:$0x8550] =	vst v2  }
0xce: {  	[tilespmem:$0x8560] =	vst v2  }
0xcf: {  	[tilespmem:$0x8570] =	vst v2  }
0xd0: {  	[tilespmem:$0x8580] =	vst v2  }
0xd1: {  	[tilespmem:$0x8590] =	vst v2  }
0xd2: {  	[tilespmem:$0x85A0] =	vst v2  }
0xd3: {  	[tilespmem:$0x85B0] =	vst v2  }
0xd4: {  	[tilespmem:$0x85C0] =	vst v2  }
0xd5: {  	[tilespmem:$0x85D0] =	vst v2  }
0xd6: {  	[tilespmem:$0x85E0] =	vst v2  }
0xd7: {  	[tilespmem:$0x85F0] =	vst v2  }
0xd8: {  	[tilespmem:$0x8600] =	vst v2  }
0xd9: {  	[tilespmem:$0x8610] =	vst v2  }
0xda: {  	[tilespmem:$0x8620] =	vst v2  }
0xdb: {  	[tilespmem:$0x8630] =	vst v2  }
0xdc: {  	[tilespmem:$0x8640] =	vst v2  }
0xdd: {  	[tilespmem:$0x8650] =	vst v2  }
0xde: {  	[tilespmem:$0x8660] =	vst v2  }
0xdf: {  	[tilespmem:$0x8670] =	vst v2  }
0xe0: {  	[tilespmem:$0x8680] =	vst v2  }
0xe1: {  	[tilespmem:$0x8690] =	vst v2  }
0xe2: {  	[tilespmem:$0x86A0] =	vst v2  }
0xe3: {  	[tilespmem:$0x86B0] =	vst v2  }
0xe4: {  	[tilespmem:$0x86C0] =	vst v2  }
0xe5: {  	[tilespmem:$0x86D0] =	vst v2  }
0xe6: {  	[tilespmem:$0x86E0] =	vst v2  }
0xe7: {  	[tilespmem:$0x86F0] =	vst v2  }
0xe8: {  	[tilespmem:$0x8700] =	vst v2  }
0xe9: {  	[tilespmem:$0x8710] =	vst v2  }
0xea: {  	[tilespmem:$0x8720] =	vst v2;
	v5 =	vmov s9  }
0xeb: {  	[tilespmem:$0x8730] =	vst v2;
	v5 =	vshll.u32 v5, $0x3  }
0xec: {  	[tilespmem:$0x8740] =	vst v2;
	v5 =	vor.u32 v3, v5  }
0xed: {  	[tilespmem:s9], [sflag:$0x1] =	stream.linear.gather [hbm4b:s14+s9], $0x7D00, $0x38;
	[tilespmem:$0x8750] =	vst v63  }
0xee: {  	_ =	swait.ge [sflag:s31], $0x7D00  }
0xef: {  	[sflag:s31] =	ssyncset.done $0x0  }
0xf0: {  	[sflag:s31] =	ssyncadd.s32 $0xFFFF8300  }
0xf1: {  	v6 =	vld.idx.msk [tilespmem:v5+s9+$0x0], $0xffff;
	_ =	sdelay $0x4  }
0xf2: {  	vm0 =	veq.f32 v6, v0  }
0xf3: {  	v6 =	vsel vm0, $0x1, v4  }
0xf4: {  	(xrf0) =	vadd.scan.msk.s32 $0xffff, v6;
	_ =	sdelay $0x2  }
0xf5: {  	v6 =	vmov s9  }
0xf6: {  	v6 =	vadd.s32 $0xFFFFFFFF, v6  }
0xf7: {  	v7 =	vor.u32 $0x1, v5;
	v6 =	vbroadcast v6, $0x0  }
0xf8: {  	v8, _, _ =	vpop (xrf0)  }
0xf9: {  	v6 =	vadd.s32 v8, v6  }
0xfa: {  	vm1 =	vlt.s32 v6, $0x200  }
0xfb: {  	vm0 =	vmand vm0, vm1  }
0xfc: {  	v7 =	vld.idx.msk [tilespmem:v7+s9+$0x0], $0xffff  }
0xfd: {  	v9 =	vor.u32 $0x2, v5;
	_ =	sdelay $0x3  }
0xfe: {  	[tilespmem:v6+s6+$0x0] =	vst.idx.msk vm0, v7  }
0xff: {  	v7 =	vld.idx.msk [tilespmem:v9+s9+$0x0], $0xffff;
	v9 =	vshll.u32 v6, $0x2  }
0x100: {  	v6 =	vor.u32 $0x3, v5  }
0x101: {  	(v2sf) =	vpush v8, $0xF;
	_ =	sdelay $0x2  }
0x102: {  	[tilespmem:v9+s1+$0x0] =	vst.idx.msk vm0, v7  }
0x103: {  	v7 =	vor.u32 $0x1, v9;
	v6 =	vld.idx.msk [tilespmem:v6+s9+$0x0], $0xffff  }
0x104: {  	v8 =	vor.u32 $0x4, v5;
	_ =	sdelay $0x3  }
0x105: {  	[tilespmem:v7+s1+$0x0] =	vst.idx.msk vm0, v6  }
0x106: {  	v7 =	vor.u32 $0x2, v9;
	v6 =	vld.idx.msk [tilespmem:v8+s9+$0x0], $0xffff  }
0x107: {  	v8 =	vor.u32 $0x5, v5;
	_ =	sdelay $0x2  }
0x108: {  	s17 =	simm.s32 $0x10  }
0x109: {  	s29 =	spop (v2sf);
	v5 =	vmov s17;
	[tilespmem:v7+s1+$0x0] =	vst.idx.msk vm0, v6  }
0x10a: {  	s30 =	sadd.s32 $0x0, s29;
	v9 =	vor.u32 $0x3, v9;
	v5 =	vshll.u32 v5, $0x3;
	v8 =	vld.idx.msk [tilespmem:v8+s9+$0x0], $0xffff  }
0x10b: {  	v10 =	vmov s30;
	v5 =	vor.u32 v3, v5  }
0x10c: {  	s17 =	simm.s32 $0x20;
	v6 =	vadd.s32 $0xFFFFFFFF, v10;
	v7 =	vor.u32 $0x1, v5  }
.LBB2_2:
0x10d: {  	_ =	sdelay $0x1  }
0x10e: {  	p0 =	sne.s32 s17, $0xF90;
	s29 =	smov.u32 s17;
	s17 =	sadd.s32 $0x10, s17;
	[tilespmem:v9+s1+$0x0] =	vst.idx.msk vm0, v8  }
0x10f: {  	v8 =	vld.idx.msk [tilespmem:v5+s9+$0x0], $0xffff;
	_ =	sdelay $0x5  }
0x110: {  	vm0 =	veq.f32 v8, v0  }
0x111: {  	v8 =	vsel vm0, $0x1, v4  }
0x112: {  	(xrf0) =	vadd.scan.msk.s32 $0xffff, v8;
	_ =	sdelay $0x4  }
0x113: {  	v6 =	vbroadcast v6, $0x0  }
0x114: {  	v8, _, _ =	vpop (xrf0)  }
0x115: {  	v6 =	vadd.s32 v8, v6;
	(v2sf) =	vpush v8, $0xF  }
0x116: {  	vm1 =	vlt.s32 v6, $0x200  }
0x117: {  	vm0 =	vmand vm0, vm1;
	v7 =	vld.idx.msk [tilespmem:v7+s9+$0x0], $0xffff;
	_ =	sdelay $0x1  }
0x118: {  	v8 =	vor.u32 $0x2, v5;
	_ =	sdelay $0x3  }
0x119: {  	[tilespmem:v6+s6+$0x0] =	vst.idx.msk vm0, v7  }
0x11a: {  	v7 =	vld.idx.msk [tilespmem:v8+s9+$0x0], $0xffff  }
0x11b: {  	v9 =	vshll.u32 v6, $0x2  }
0x11c: {  	v6 =	vor.u32 $0x3, v5;
	_ =	sdelay $0x3  }
0x11d: {  	[tilespmem:v9+s1+$0x0] =	vst.idx.msk vm0, v7;
	s16 =	spop (v2sf)  }
0x11e: {  	v7 =	vld.idx.msk [tilespmem:v6+s9+$0x0], $0xffff;
	s30 =	sadd.s32 s30, s16  }
0x11f: {  	v8 =	vor.u32 $0x1, v9;
	v6 =	vmov s30  }
0x120: {  	v10 =	vor.u32 $0x4, v5;
	v6 =	vadd.s32 $0xFFFFFFFF, v6;
	_ =	sdelay $0x3  }
0x121: {  	[tilespmem:v8+s1+$0x0] =	vst.idx.msk vm0, v7  }
0x122: {  	v7 =	vld.idx.msk [tilespmem:v10+s9+$0x0], $0xffff  }
0x123: {  	v8 =	vor.u32 $0x2, v9  }
0x124: {  	v5 =	vor.u32 $0x5, v5;
	_ =	sdelay $0x3  }
.Ltmp2:
0x125: {  	[tilespmem:v8+s1+$0x0] =	vst.idx.msk vm0, v7;
	(pc) =	sbr.rel @p0 .LBB2_2-.Ltmp2, $4  }
0x126: {  	v7 =	vmov s29;
	v8 =	vld.idx.msk [tilespmem:v5+s9+$0x0], $0xffff  }
0x127: {  	v9 =	vor.u32 $0x3, v9;
	v5 =	vshll.u32 v7, $0x3  }
0x128: {  	v5 =	vor.u32 v3, v5  }
0x129: {  	v7 =	vor.u32 $0x1, v5  }
0x12a: {  	_ =	sdelay $0x4  }
0x12b: {  	[tilespmem:v9+s1+$0x0] =	vst.idx.msk vm0, v8  }
0x12c: {  	v8 =	vld.idx.msk [tilespmem:v5+s9+$0x0], $0xffff;
	_ =	sdelay $0x4  }
0x12d: {  	vm15 =	veq.f32 v8, v0  }
0x12e: {  	v8 =	vsel vm15, $0x1, v4  }
0x12f: {  	(xrf0) =	vadd.scan.msk.s32 $0xffff, v8;
	_ =	sdelay $0x4  }
0x130: {  	v6 =	vbroadcast v6, $0x0  }
0x131: {  	v8, _, _ =	vpop (xrf0)  }
0x132: {  	v6 =	vadd.s32 v8, v6  }
0x133: {  	vm1 =	vlt.s32 v6, $0x200  }
0x134: {  	vm0 =	vmand vm15, vm1  }
0x135: {  	v7 =	vld.idx.msk [tilespmem:v7+s9+$0x0], $0xffff  }
0x136: {  	v59 =	vor.u32 $0x2, v5;
	_ =	sdelay $0x3  }
0x137: {  	[tilespmem:v6+s6+$0x0] =	vst.idx.msk vm0, v7  }
0x138: {  	v6 =	vshll.u32 v6, $0x2;
	v7 =	vld.idx.msk [tilespmem:v59+s9+$0x0], $0xffff  }
0x139: {  	v60 =	vor.u32 $0x3, v5;
	(v2sf) =	vpush v8, $0xF;
	_ =	sdelay $0x3  }
0x13a: {  	[tilespmem:v6+s1+$0x0] =	vst.idx.msk vm0, v7  }
0x13b: {  	v61 =	vor.u32 $0x1, v6;
	v7 =	vld.idx.msk [tilespmem:v60+s9+$0x0], $0xffff  }
0x13c: {  	v62 =	vor.u32 $0x4, v5;
	_ =	sdelay $0x3  }
0x13d: {  	[tilespmem:v61+s1+$0x0] =	vst.idx.msk vm0, v7  }
0x13e: {  	v63 =	vor.u32 $0x2, v6;
	v7 =	vld.idx.msk [tilespmem:v62+s9+$0x0], $0xffff  }
0x13f: {  	v5 =	vor.u32 $0x5, v5;
	_ =	sdelay $0x2  }
0x140: {  	s16 =	spop (v2sf)  }
0x141: {  	s17 =	sadd.s32 s30, s16;
	[tilespmem:v63+s1+$0x0] =	vst.idx.msk vm0, v7  }
0x142: {  	v6 =	vor.u32 $0x3, v6;
	p0 =	sgt.s32 s17, $0x1FF;
	v5 =	vld.idx.msk [tilespmem:v5+s9+$0x0], $0xffff  }
.Ltmp3:
0x143: {  	_ = 	snop;
	(pc) =	sbr.rel @p0 .LBB2_16-.Ltmp3, $2  }
0x144: {  	_ =	sdelay $0x2  }
0x145: {  	[tilespmem:v6+s1+$0x0] =	vst.idx.msk vm0, v5  }
0x146: {  	s16 =	simm.s32 $0x0  }
0x147: {  	v5 =	vmov s16  }
0x148: {  	v5 =	vshll.u32 v5, $0x3  }
0x149: {  	v5 =	vor.u32 v3, v5  }
0x14a: {  	[tilespmem:s16], [sflag:$0x1] =	stream.linear.gather [hbm4b:s15+s16], $0x7D00, $0x38;
	[tilespmem:$0x8750] =	vst v63  }
0x14b: {  	_ =	swait.ge [sflag:s31], $0x7D00  }
0x14c: {  	[sflag:s31] =	ssyncset.done $0x0  }
0x14d: {  	[sflag:s31] =	ssyncadd.s32 $0xFFFF8300  }
0x14e: {  	v6 =	vld.idx.msk [tilespmem:v5+s9+$0x0], $0xffff;
	_ =	sdelay $0x4  }
0x14f: {  	vm0 =	veq.f32 v6, v0  }
0x150: {  	v6 =	vsel vm0, $0x1, v4  }
0x151: {  	(xrf0) =	vadd.scan.msk.s32 $0xffff, v6;
	_ =	sdelay $0x2  }
0x152: {  	v6 =	vmov s17  }
0x153: {  	v6 =	vadd.s32 $0xFFFFFFFF, v6  }
0x154: {  	v7 =	vor.u32 $0x1, v5;
	v6 =	vbroadcast v6, $0x0  }
0x155: {  	v8, _, _ =	vpop (xrf0)  }
0x156: {  	v6 =	vadd.s32 v8, v6  }
0x157: {  	vm1 =	vlt.s32 v6, $0x200  }
0x158: {  	vm0 =	vmand vm0, vm1  }
0x159: {  	v7 =	vld.idx.msk [tilespmem:v7+s9+$0x0], $0xffff  }
0x15a: {  	v9 =	vor.u32 $0x2, v5;
	_ =	sdelay $0x3  }
0x15b: {  	[tilespmem:v6+s6+$0x0] =	vst.idx.msk vm0, v7  }
0x15c: {  	v7 =	vld.idx.msk [tilespmem:v9+s9+$0x0], $0xffff;
	v9 =	vshll.u32 v6, $0x2  }
0x15d: {  	v6 =	vor.u32 $0x3, v5  }
0x15e: {  	(v2sf) =	vpush v8, $0xF;
	_ =	sdelay $0x2  }
0x15f: {  	[tilespmem:v9+s1+$0x0] =	vst.idx.msk vm0, v7  }
0x160: {  	v7 =	vor.u32 $0x1, v9;
	v6 =	vld.idx.msk [tilespmem:v6+s9+$0x0], $0xffff  }
0x161: {  	v8 =	vor.u32 $0x4, v5;
	_ =	sdelay $0x3  }
0x162: {  	[tilespmem:v7+s1+$0x0] =	vst.idx.msk vm0, v6  }
0x163: {  	v7 =	vor.u32 $0x2, v9;
	v6 =	vld.idx.msk [tilespmem:v8+s9+$0x0], $0xffff  }
0x164: {  	v8 =	vor.u32 $0x5, v5;
	_ =	sdelay $0x2  }
0x165: {  	s7 =	simm.s32 $0x10  }
0x166: {  	s29 =	spop (v2sf);
	v5 =	vmov s7;
	[tilespmem:v7+s1+$0x0] =	vst.idx.msk vm0, v6  }
0x167: {  	s30 =	sadd.s32 s17, s29;
	v9 =	vor.u32 $0x3, v9;
	v5 =	vshll.u32 v5, $0x3;
	v8 =	vld.idx.msk [tilespmem:v8+s9+$0x0], $0xffff  }
0x168: {  	v10 =	vmov s30;
	v5 =	vor.u32 v3, v5  }
0x169: {  	s17 =	simm.s32 $0x20;
	v6 =	vadd.s32 $0xFFFFFFFF, v10;
	v7 =	vor.u32 $0x1, v5  }
.LBB2_5:
0x16a: {  	_ =	sdelay $0x1  }
0x16b: {  	p0 =	sne.s32 s17, $0xF90;
	s29 =	smov.u32 s17;
	s17 =	sadd.s32 $0x10, s17;
	[tilespmem:v9+s1+$0x0] =	vst.idx.msk vm0, v8  }
0x16c: {  	v8 =	vld.idx.msk [tilespmem:v5+s9+$0x0], $0xffff;
	_ =	sdelay $0x5  }
0x16d: {  	vm0 =	veq.f32 v8, v0  }
0x16e: {  	v8 =	vsel vm0, $0x1, v4  }
0x16f: {  	(xrf0) =	vadd.scan.msk.s32 $0xffff, v8;
	_ =	sdelay $0x4  }
0x170: {  	v6 =	vbroadcast v6, $0x0  }
0x171: {  	v8, _, _ =	vpop (xrf0)  }
0x172: {  	v6 =	vadd.s32 v8, v6;
	(v2sf) =	vpush v8, $0xF  }
0x173: {  	vm1 =	vlt.s32 v6, $0x200  }
0x174: {  	vm0 =	vmand vm0, vm1;
	v7 =	vld.idx.msk [tilespmem:v7+s9+$0x0], $0xffff;
	_ =	sdelay $0x1  }
0x175: {  	v8 =	vor.u32 $0x2, v5;
	_ =	sdelay $0x3  }
0x176: {  	[tilespmem:v6+s6+$0x0] =	vst.idx.msk vm0, v7  }
0x177: {  	v7 =	vld.idx.msk [tilespmem:v8+s9+$0x0], $0xffff  }
0x178: {  	v9 =	vshll.u32 v6, $0x2  }
0x179: {  	v6 =	vor.u32 $0x3, v5;
	_ =	sdelay $0x3  }
0x17a: {  	[tilespmem:v9+s1+$0x0] =	vst.idx.msk vm0, v7;
	s16 =	spop (v2sf)  }
0x17b: {  	v7 =	vld.idx.msk [tilespmem:v6+s9+$0x0], $0xffff;
	s30 =	sadd.s32 s30, s16  }
0x17c: {  	v8 =	vor.u32 $0x1, v9;
	v6 =	vmov s30  }
0x17d: {  	v10 =	vor.u32 $0x4, v5;
	v6 =	vadd.s32 $0xFFFFFFFF, v6;
	_ =	sdelay $0x3  }
0x17e: {  	[tilespmem:v8+s1+$0x0] =	vst.idx.msk vm0, v7  }
0x17f: {  	v7 =	vld.idx.msk [tilespmem:v10+s9+$0x0], $0xffff  }
0x180: {  	v8 =	vor.u32 $0x2, v9  }
0x181: {  	v5 =	vor.u32 $0x5, v5;
	_ =	sdelay $0x3  }
.Ltmp4:
0x182: {  	[tilespmem:v8+s1+$0x0] =	vst.idx.msk vm0, v7;
	(pc) =	sbr.rel @p0 .LBB2_5-.Ltmp4, $4  }
0x183: {  	v7 =	vmov s29;
	v8 =	vld.idx.msk [tilespmem:v5+s9+$0x0], $0xffff  }
0x184: {  	v9 =	vor.u32 $0x3, v9;
	v5 =	vshll.u32 v7, $0x3  }
0x185: {  	v5 =	vor.u32 v3, v5  }
0x186: {  	v7 =	vor.u32 $0x1, v5  }
0x187: {  	_ =	sdelay $0x4  }
0x188: {  	[tilespmem:v9+s1+$0x0] =	vst.idx.msk vm0, v8  }
0x189: {  	v8 =	vld.idx.msk [tilespmem:v5+s9+$0x0], $0xffff;
	_ =	sdelay $0x4  }
0x18a: {  	vm15 =	veq.f32 v8, v0  }
0x18b: {  	v8 =	vsel vm15, $0x1, v4  }
0x18c: {  	(xrf0) =	vadd.scan.msk.s32 $0xffff, v8;
	_ =	sdelay $0x4  }
0x18d: {  	v6 =	vbroadcast v6, $0x0  }
0x18e: {  	v8, _, _ =	vpop (xrf0)  }
0x18f: {  	v6 =	vadd.s32 v8, v6  }
0x190: {  	vm1 =	vlt.s32 v6, $0x200  }
0x191: {  	vm0 =	vmand vm15, vm1  }
0x192: {  	v7 =	vld.idx.msk [tilespmem:v7+s9+$0x0], $0xffff  }
0x193: {  	v59 =	vor.u32 $0x2, v5;
	_ =	sdelay $0x3  }
0x194: {  	[tilespmem:v6+s6+$0x0] =	vst.idx.msk vm0, v7  }
0x195: {  	v6 =	vshll.u32 v6, $0x2;
	v7 =	vld.idx.msk [tilespmem:v59+s9+$0x0], $0xffff  }
0x196: {  	v60 =	vor.u32 $0x3, v5;
	(v2sf) =	vpush v8, $0xF;
	_ =	sdelay $0x3  }
0x197: {  	[tilespmem:v6+s1+$0x0] =	vst.idx.msk vm0, v7  }
0x198: {  	v61 =	vor.u32 $0x1, v6;
	v7 =	vld.idx.msk [tilespmem:v60+s9+$0x0], $0xffff  }
0x199: {  	v62 =	vor.u32 $0x4, v5;
	_ =	sdelay $0x3  }
0x19a: {  	[tilespmem:v61+s1+$0x0] =	vst.idx.msk vm0, v7  }
0x19b: {  	v63 =	vor.u32 $0x2, v6;
	v7 =	vld.idx.msk [tilespmem:v62+s9+$0x0], $0xffff  }
0x19c: {  	v5 =	vor.u32 $0x5, v5;
	_ =	sdelay $0x2  }
0x19d: {  	s16 =	spop (v2sf)  }
0x19e: {  	s17 =	sadd.s32 s30, s16;
	[tilespmem:v63+s1+$0x0] =	vst.idx.msk vm0, v7  }
0x19f: {  	v6 =	vor.u32 $0x3, v6;
	p0 =	sgt.s32 s17, $0x1FF;
	v5 =	vld.idx.msk [tilespmem:v5+s9+$0x0], $0xffff  }
.Ltmp5:
0x1a0: {  	_ = 	snop;
	(pc) =	sbr.rel @p0 .LBB2_16-.Ltmp5, $2  }
0x1a1: {  	_ =	sdelay $0x2  }
0x1a2: {  	[tilespmem:v6+s1+$0x0] =	vst.idx.msk vm0, v5  }
0x1a3: {  	s16 =	simm.s32 $0x0  }
0x1a4: {  	v5 =	vmov s16  }
0x1a5: {  	v5 =	vshll.u32 v5, $0x3  }
0x1a6: {  	s7 =	rddreg [dreg:$0x9];
	v5 =	vor.u32 v3, v5  }
0x1a7: {  	[tilespmem:s16], [sflag:$0x1] =	stream.linear.gather [hbm4b:s7+s16], $0x7D00, $0x38;
	[tilespmem:$0x8750] =	vst v63  }
0x1a8: {  	_ =	swait.ge [sflag:s31], $0x7D00  }
0x1a9: {  	[sflag:s31] =	ssyncset.done $0x0  }
0x1aa: {  	[sflag:s31] =	ssyncadd.s32 $0xFFFF8300  }
0x1ab: {  	v6 =	vld.idx.msk [tilespmem:v5+s9+$0x0], $0xffff;
	_ =	sdelay $0x4  }
0x1ac: {  	vm0 =	veq.f32 v6, v0  }
0x1ad: {  	v6 =	vsel vm0, $0x1, v4  }
0x1ae: {  	(xrf0) =	vadd.scan.msk.s32 $0xffff, v6;
	_ =	sdelay $0x2  }
0x1af: {  	v6 =	vmov s17  }
0x1b0: {  	v6 =	vadd.s32 $0xFFFFFFFF, v6  }
0x1b1: {  	v7 =	vor.u32 $0x1, v5;
	v6 =	vbroadcast v6, $0x0  }
0x1b2: {  	v8, _, _ =	vpop (xrf0)  }
0x1b3: {  	v6 =	vadd.s32 v8, v6  }
0x1b4: {  	vm1 =	vlt.s32 v6, $0x200  }
0x1b5: {  	vm0 =	vmand vm0, vm1  }
0x1b6: {  	v7 =	vld.idx.msk [tilespmem:v7+s9+$0x0], $0xffff  }
0x1b7: {  	v9 =	vor.u32 $0x2, v5;
	_ =	sdelay $0x3  }
0x1b8: {  	[tilespmem:v6+s6+$0x0] =	vst.idx.msk vm0, v7  }
0x1b9: {  	v7 =	vld.idx.msk [tilespmem:v9+s9+$0x0], $0xffff;
	v9 =	vshll.u32 v6, $0x2  }
0x1ba: {  	v6 =	vor.u32 $0x3, v5  }
0x1bb: {  	(v2sf) =	vpush v8, $0xF;
	_ =	sdelay $0x2  }
0x1bc: {  	[tilespmem:v9+s1+$0x0] =	vst.idx.msk vm0, v7  }
0x1bd: {  	v7 =	vor.u32 $0x1, v9;
	v6 =	vld.idx.msk [tilespmem:v6+s9+$0x0], $0xffff  }
0x1be: {  	v8 =	vor.u32 $0x4, v5;
	_ =	sdelay $0x3  }
0x1bf: {  	[tilespmem:v7+s1+$0x0] =	vst.idx.msk vm0, v6  }
0x1c0: {  	v7 =	vor.u32 $0x2, v9;
	v6 =	vld.idx.msk [tilespmem:v8+s9+$0x0], $0xffff  }
0x1c1: {  	v8 =	vor.u32 $0x5, v5;
	_ =	sdelay $0x2  }
0x1c2: {  	s7 =	simm.s32 $0x10  }
0x1c3: {  	s29 =	spop (v2sf);
	v5 =	vmov s7;
	[tilespmem:v7+s1+$0x0] =	vst.idx.msk vm0, v6  }
0x1c4: {  	s30 =	sadd.s32 s17, s29;
	v9 =	vor.u32 $0x3, v9;
	v5 =	vshll.u32 v5, $0x3;
	v8 =	vld.idx.msk [tilespmem:v8+s9+$0x0], $0xffff  }
0x1c5: {  	v10 =	vmov s30;
	v5 =	vor.u32 v3, v5  }
0x1c6: {  	s17 =	simm.s32 $0x20;
	v6 =	vadd.s32 $0xFFFFFFFF, v10;
	v7 =	vor.u32 $0x1, v5  }
.LBB2_8:
0x1c7: {  	_ =	sdelay $0x1  }
0x1c8: {  	p0 =	sne.s32 s17, $0xF90;
	s29 =	smov.u32 s17;
	s17 =	sadd.s32 $0x10, s17;
	[tilespmem:v9+s1+$0x0] =	vst.idx.msk vm0, v8  }
0x1c9: {  	v8 =	vld.idx.msk [tilespmem:v5+s9+$0x0], $0xffff;
	_ =	sdelay $0x5  }
0x1ca: {  	vm0 =	veq.f32 v8, v0  }
0x1cb: {  	v8 =	vsel vm0, $0x1, v4  }
0x1cc: {  	(xrf0) =	vadd.scan.msk.s32 $0xffff, v8;
	_ =	sdelay $0x4  }
0x1cd: {  	v6 =	vbroadcast v6, $0x0  }
0x1ce: {  	v8, _, _ =	vpop (xrf0)  }
0x1cf: {  	v6 =	vadd.s32 v8, v6;
	(v2sf) =	vpush v8, $0xF  }
0x1d0: {  	vm1 =	vlt.s32 v6, $0x200  }
0x1d1: {  	vm0 =	vmand vm0, vm1;
	v7 =	vld.idx.msk [tilespmem:v7+s9+$0x0], $0xffff;
	_ =	sdelay $0x1  }
0x1d2: {  	v8 =	vor.u32 $0x2, v5;
	_ =	sdelay $0x3  }
0x1d3: {  	[tilespmem:v6+s6+$0x0] =	vst.idx.msk vm0, v7  }
0x1d4: {  	v7 =	vld.idx.msk [tilespmem:v8+s9+$0x0], $0xffff  }
0x1d5: {  	v9 =	vshll.u32 v6, $0x2  }
0x1d6: {  	v6 =	vor.u32 $0x3, v5;
	_ =	sdelay $0x3  }
0x1d7: {  	[tilespmem:v9+s1+$0x0] =	vst.idx.msk vm0, v7;
	s16 =	spop (v2sf)  }
0x1d8: {  	v7 =	vld.idx.msk [tilespmem:v6+s9+$0x0], $0xffff;
	s30 =	sadd.s32 s30, s16  }
0x1d9: {  	v8 =	vor.u32 $0x1, v9;
	v6 =	vmov s30  }
0x1da: {  	v10 =	vor.u32 $0x4, v5;
	v6 =	vadd.s32 $0xFFFFFFFF, v6;
	_ =	sdelay $0x3  }
0x1db: {  	[tilespmem:v8+s1+$0x0] =	vst.idx.msk vm0, v7  }
0x1dc: {  	v7 =	vld.idx.msk [tilespmem:v10+s9+$0x0], $0xffff  }
0x1dd: {  	v8 =	vor.u32 $0x2, v9  }
0x1de: {  	v5 =	vor.u32 $0x5, v5;
	_ =	sdelay $0x3  }
.Ltmp6:
0x1df: {  	[tilespmem:v8+s1+$0x0] =	vst.idx.msk vm0, v7;
	(pc) =	sbr.rel @p0 .LBB2_8-.Ltmp6, $4  }
0x1e0: {  	v7 =	vmov s29;
	v8 =	vld.idx.msk [tilespmem:v5+s9+$0x0], $0xffff  }
0x1e1: {  	v9 =	vor.u32 $0x3, v9;
	v5 =	vshll.u32 v7, $0x3  }
0x1e2: {  	v5 =	vor.u32 v3, v5  }
0x1e3: {  	v7 =	vor.u32 $0x1, v5  }
0x1e4: {  	_ =	sdelay $0x4  }
0x1e5: {  	[tilespmem:v9+s1+$0x0] =	vst.idx.msk vm0, v8  }
0x1e6: {  	v8 =	vld.idx.msk [tilespmem:v5+s9+$0x0], $0xffff;
	_ =	sdelay $0x4  }
0x1e7: {  	vm15 =	veq.f32 v8, v0  }
0x1e8: {  	v8 =	vsel vm15, $0x1, v4  }
0x1e9: {  	(xrf0) =	vadd.scan.msk.s32 $0xffff, v8;
	_ =	sdelay $0x4  }
0x1ea: {  	v6 =	vbroadcast v6, $0x0  }
0x1eb: {  	v8, _, _ =	vpop (xrf0)  }
0x1ec: {  	v6 =	vadd.s32 v8, v6  }
0x1ed: {  	vm1 =	vlt.s32 v6, $0x200  }
0x1ee: {  	vm0 =	vmand vm15, vm1  }
0x1ef: {  	v7 =	vld.idx.msk [tilespmem:v7+s9+$0x0], $0xffff  }
0x1f0: {  	v59 =	vor.u32 $0x2, v5;
	_ =	sdelay $0x3  }
0x1f1: {  	[tilespmem:v6+s6+$0x0] =	vst.idx.msk vm0, v7  }
0x1f2: {  	v6 =	vshll.u32 v6, $0x2;
	v7 =	vld.idx.msk [tilespmem:v59+s9+$0x0], $0xffff  }
0x1f3: {  	v60 =	vor.u32 $0x3, v5;
	(v2sf) =	vpush v8, $0xF;
	_ =	sdelay $0x3  }
0x1f4: {  	[tilespmem:v6+s1+$0x0] =	vst.idx.msk vm0, v7  }
0x1f5: {  	v61 =	vor.u32 $0x1, v6;
	v7 =	vld.idx.msk [tilespmem:v60+s9+$0x0], $0xffff  }
0x1f6: {  	v62 =	vor.u32 $0x4, v5;
	_ =	sdelay $0x3  }
0x1f7: {  	[tilespmem:v61+s1+$0x0] =	vst.idx.msk vm0, v7  }
0x1f8: {  	v63 =	vor.u32 $0x2, v6;
	v7 =	vld.idx.msk [tilespmem:v62+s9+$0x0], $0xffff  }
0x1f9: {  	v5 =	vor.u32 $0x5, v5;
	_ =	sdelay $0x2  }
0x1fa: {  	s16 =	spop (v2sf)  }
0x1fb: {  	s17 =	sadd.s32 s30, s16;
	[tilespmem:v63+s1+$0x0] =	vst.idx.msk vm0, v7  }
0x1fc: {  	v6 =	vor.u32 $0x3, v6;
	p0 =	sgt.s32 s17, $0x1FF;
	v5 =	vld.idx.msk [tilespmem:v5+s9+$0x0], $0xffff  }
.Ltmp7:
0x1fd: {  	_ = 	snop;
	(pc) =	sbr.rel @p0 .LBB2_16-.Ltmp7, $2  }
0x1fe: {  	_ =	sdelay $0x2  }
0x1ff: {  	[tilespmem:v6+s1+$0x0] =	vst.idx.msk vm0, v5  }
0x200: {  	s16 =	simm.s32 $0x0  }
0x201: {  	v5 =	vmov s16  }
0x202: {  	v5 =	vshll.u32 v5, $0x3  }
0x203: {  	s7 =	rddreg [dreg:$0xa];
	v5 =	vor.u32 v3, v5  }
0x204: {  	[tilespmem:s16], [sflag:$0x1] =	stream.linear.gather [hbm4b:s7+s16], $0x7D00, $0x38;
	[tilespmem:$0x8750] =	vst v63  }
0x205: {  	_ =	swait.ge [sflag:s31], $0x7D00  }
0x206: {  	[sflag:s31] =	ssyncset.done $0x0  }
0x207: {  	[sflag:s31] =	ssyncadd.s32 $0xFFFF8300  }
0x208: {  	v6 =	vld.idx.msk [tilespmem:v5+s9+$0x0], $0xffff;
	_ =	sdelay $0x4  }
0x209: {  	vm0 =	veq.f32 v6, v0  }
0x20a: {  	v6 =	vsel vm0, $0x1, v4  }
0x20b: {  	(xrf0) =	vadd.scan.msk.s32 $0xffff, v6;
	_ =	sdelay $0x2  }
0x20c: {  	v6 =	vmov s17  }
0x20d: {  	v6 =	vadd.s32 $0xFFFFFFFF, v6  }
0x20e: {  	v7 =	vor.u32 $0x1, v5;
	v6 =	vbroadcast v6, $0x0  }
0x20f: {  	v8, _, _ =	vpop (xrf0)  }
0x210: {  	v6 =	vadd.s32 v8, v6  }
0x211: {  	vm1 =	vlt.s32 v6, $0x200  }
0x212: {  	vm0 =	vmand vm0, vm1  }
0x213: {  	v7 =	vld.idx.msk [tilespmem:v7+s9+$0x0], $0xffff  }
0x214: {  	v9 =	vor.u32 $0x2, v5;
	_ =	sdelay $0x3  }
0x215: {  	[tilespmem:v6+s6+$0x0] =	vst.idx.msk vm0, v7  }
0x216: {  	v7 =	vld.idx.msk [tilespmem:v9+s9+$0x0], $0xffff;
	v9 =	vshll.u32 v6, $0x2  }
0x217: {  	v6 =	vor.u32 $0x3, v5  }
0x218: {  	(v2sf) =	vpush v8, $0xF;
	_ =	sdelay $0x2  }
0x219: {  	[tilespmem:v9+s1+$0x0] =	vst.idx.msk vm0, v7  }
0x21a: {  	v7 =	vor.u32 $0x1, v9;
	v6 =	vld.idx.msk [tilespmem:v6+s9+$0x0], $0xffff  }
0x21b: {  	v8 =	vor.u32 $0x4, v5;
	_ =	sdelay $0x3  }
0x21c: {  	[tilespmem:v7+s1+$0x0] =	vst.idx.msk vm0, v6  }
0x21d: {  	v7 =	vor.u32 $0x2, v9;
	v6 =	vld.idx.msk [tilespmem:v8+s9+$0x0], $0xffff  }
0x21e: {  	v8 =	vor.u32 $0x5, v5;
	_ =	sdelay $0x2  }
0x21f: {  	s7 =	simm.s32 $0x10  }
0x220: {  	s29 =	spop (v2sf);
	v5 =	vmov s7;
	[tilespmem:v7+s1+$0x0] =	vst.idx.msk vm0, v6  }
0x221: {  	s30 =	sadd.s32 s17, s29;
	v9 =	vor.u32 $0x3, v9;
	v5 =	vshll.u32 v5, $0x3;
	v8 =	vld.idx.msk [tilespmem:v8+s9+$0x0], $0xffff  }
0x222: {  	v10 =	vmov s30;
	v5 =	vor.u32 v3, v5  }
0x223: {  	s17 =	simm.s32 $0x20;
	v6 =	vadd.s32 $0xFFFFFFFF, v10;
	v7 =	vor.u32 $0x1, v5  }
.LBB2_11:
0x224: {  	_ =	sdelay $0x1  }
0x225: {  	p0 =	sne.s32 s17, $0xF90;
	s29 =	smov.u32 s17;
	s17 =	sadd.s32 $0x10, s17;
	[tilespmem:v9+s1+$0x0] =	vst.idx.msk vm0, v8  }
0x226: {  	v8 =	vld.idx.msk [tilespmem:v5+s9+$0x0], $0xffff;
	_ =	sdelay $0x5  }
0x227: {  	vm0 =	veq.f32 v8, v0  }
0x228: {  	v8 =	vsel vm0, $0x1, v4  }
0x229: {  	(xrf0) =	vadd.scan.msk.s32 $0xffff, v8;
	_ =	sdelay $0x4  }
0x22a: {  	v6 =	vbroadcast v6, $0x0  }
0x22b: {  	v8, _, _ =	vpop (xrf0)  }
0x22c: {  	v6 =	vadd.s32 v8, v6;
	(v2sf) =	vpush v8, $0xF  }
0x22d: {  	vm1 =	vlt.s32 v6, $0x200  }
0x22e: {  	vm0 =	vmand vm0, vm1;
	v7 =	vld.idx.msk [tilespmem:v7+s9+$0x0], $0xffff;
	_ =	sdelay $0x1  }
0x22f: {  	v8 =	vor.u32 $0x2, v5;
	_ =	sdelay $0x3  }
0x230: {  	[tilespmem:v6+s6+$0x0] =	vst.idx.msk vm0, v7  }
0x231: {  	v7 =	vld.idx.msk [tilespmem:v8+s9+$0x0], $0xffff  }
0x232: {  	v9 =	vshll.u32 v6, $0x2  }
0x233: {  	v6 =	vor.u32 $0x3, v5;
	_ =	sdelay $0x3  }
0x234: {  	[tilespmem:v9+s1+$0x0] =	vst.idx.msk vm0, v7;
	s16 =	spop (v2sf)  }
0x235: {  	v7 =	vld.idx.msk [tilespmem:v6+s9+$0x0], $0xffff;
	s30 =	sadd.s32 s30, s16  }
0x236: {  	v8 =	vor.u32 $0x1, v9;
	v6 =	vmov s30  }
0x237: {  	v10 =	vor.u32 $0x4, v5;
	v6 =	vadd.s32 $0xFFFFFFFF, v6;
	_ =	sdelay $0x3  }
0x238: {  	[tilespmem:v8+s1+$0x0] =	vst.idx.msk vm0, v7  }
0x239: {  	v7 =	vld.idx.msk [tilespmem:v10+s9+$0x0], $0xffff  }
0x23a: {  	v8 =	vor.u32 $0x2, v9  }
0x23b: {  	v5 =	vor.u32 $0x5, v5;
	_ =	sdelay $0x3  }
.Ltmp8:
0x23c: {  	[tilespmem:v8+s1+$0x0] =	vst.idx.msk vm0, v7;
	(pc) =	sbr.rel @p0 .LBB2_11-.Ltmp8, $4  }
0x23d: {  	v7 =	vmov s29;
	v8 =	vld.idx.msk [tilespmem:v5+s9+$0x0], $0xffff  }
0x23e: {  	v9 =	vor.u32 $0x3, v9;
	v5 =	vshll.u32 v7, $0x3  }
0x23f: {  	v5 =	vor.u32 v3, v5  }
0x240: {  	v7 =	vor.u32 $0x1, v5  }
0x241: {  	_ =	sdelay $0x4  }
0x242: {  	[tilespmem:v9+s1+$0x0] =	vst.idx.msk vm0, v8  }
0x243: {  	v8 =	vld.idx.msk [tilespmem:v5+s9+$0x0], $0xffff;
	_ =	sdelay $0x4  }
0x244: {  	vm15 =	veq.f32 v8, v0  }
0x245: {  	v8 =	vsel vm15, $0x1, v4  }
0x246: {  	(xrf0) =	vadd.scan.msk.s32 $0xffff, v8;
	_ =	sdelay $0x4  }
0x247: {  	v6 =	vbroadcast v6, $0x0  }
0x248: {  	v8, _, _ =	vpop (xrf0)  }
0x249: {  	v6 =	vadd.s32 v8, v6  }
0x24a: {  	vm1 =	vlt.s32 v6, $0x200  }
0x24b: {  	vm0 =	vmand vm15, vm1  }
0x24c: {  	v7 =	vld.idx.msk [tilespmem:v7+s9+$0x0], $0xffff  }
0x24d: {  	v59 =	vor.u32 $0x2, v5;
	_ =	sdelay $0x3  }
0x24e: {  	[tilespmem:v6+s6+$0x0] =	vst.idx.msk vm0, v7  }
0x24f: {  	v6 =	vshll.u32 v6, $0x2;
	v7 =	vld.idx.msk [tilespmem:v59+s9+$0x0], $0xffff  }
0x250: {  	v60 =	vor.u32 $0x3, v5;
	(v2sf) =	vpush v8, $0xF;
	_ =	sdelay $0x3  }
0x251: {  	[tilespmem:v6+s1+$0x0] =	vst.idx.msk vm0, v7  }
0x252: {  	v61 =	vor.u32 $0x1, v6;
	v7 =	vld.idx.msk [tilespmem:v60+s9+$0x0], $0xffff  }
0x253: {  	v62 =	vor.u32 $0x4, v5;
	_ =	sdelay $0x3  }
0x254: {  	[tilespmem:v61+s1+$0x0] =	vst.idx.msk vm0, v7  }
0x255: {  	v63 =	vor.u32 $0x2, v6;
	v7 =	vld.idx.msk [tilespmem:v62+s9+$0x0], $0xffff  }
0x256: {  	v5 =	vor.u32 $0x5, v5;
	_ =	sdelay $0x2  }
0x257: {  	s16 =	spop (v2sf)  }
0x258: {  	s17 =	sadd.s32 s30, s16;
	[tilespmem:v63+s1+$0x0] =	vst.idx.msk vm0, v7  }
0x259: {  	v6 =	vor.u32 $0x3, v6;
	p0 =	sgt.s32 s17, $0x1FF;
	v5 =	vld.idx.msk [tilespmem:v5+s9+$0x0], $0xffff  }
.Ltmp9:
0x25a: {  	_ = 	snop;
	(pc) =	sbr.rel @p0 .LBB2_16-.Ltmp9, $2  }
0x25b: {  	_ =	sdelay $0x2  }
0x25c: {  	[tilespmem:v6+s1+$0x0] =	vst.idx.msk vm0, v5  }
0x25d: {  	s16 =	simm.s32 $0x0  }
0x25e: {  	v5 =	vmov s16  }
0x25f: {  	v5 =	vshll.u32 v5, $0x3  }
0x260: {  	s7 =	rddreg [dreg:$0xb];
	v5 =	vor.u32 v3, v5  }
0x261: {  	[tilespmem:s16], [sflag:$0x1] =	stream.linear.gather [hbm4b:s7+s16], $0x7D00, $0x38;
	[tilespmem:$0x8750] =	vst v63  }
0x262: {  	_ =	swait.ge [sflag:s31], $0x7D00  }
0x263: {  	[sflag:s31] =	ssyncset.done $0x0  }
0x264: {  	[sflag:s31] =	ssyncadd.s32 $0xFFFF8300  }
0x265: {  	v6 =	vld.idx.msk [tilespmem:v5+s9+$0x0], $0xffff;
	_ =	sdelay $0x4  }
0x266: {  	vm0 =	veq.f32 v6, v0  }
0x267: {  	v6 =	vsel vm0, $0x1, v4  }
0x268: {  	(xrf0) =	vadd.scan.msk.s32 $0xffff, v6;
	_ =	sdelay $0x2  }
0x269: {  	v6 =	vmov s17  }
0x26a: {  	v6 =	vadd.s32 $0xFFFFFFFF, v6  }
0x26b: {  	v7 =	vor.u32 $0x1, v5;
	v6 =	vbroadcast v6, $0x0  }
0x26c: {  	v8, _, _ =	vpop (xrf0)  }
0x26d: {  	v6 =	vadd.s32 v8, v6  }
0x26e: {  	vm1 =	vlt.s32 v6, $0x200  }
0x26f: {  	vm0 =	vmand vm0, vm1  }
0x270: {  	v7 =	vld.idx.msk [tilespmem:v7+s9+$0x0], $0xffff  }
0x271: {  	v9 =	vor.u32 $0x2, v5;
	_ =	sdelay $0x3  }
0x272: {  	[tilespmem:v6+s6+$0x0] =	vst.idx.msk vm0, v7  }
0x273: {  	v7 =	vld.idx.msk [tilespmem:v9+s9+$0x0], $0xffff;
	v9 =	vshll.u32 v6, $0x2  }
0x274: {  	v6 =	vor.u32 $0x3, v5  }
0x275: {  	(v2sf) =	vpush v8, $0xF;
	_ =	sdelay $0x2  }
0x276: {  	[tilespmem:v9+s1+$0x0] =	vst.idx.msk vm0, v7  }
0x277: {  	v7 =	vor.u32 $0x1, v9;
	v6 =	vld.idx.msk [tilespmem:v6+s9+$0x0], $0xffff  }
0x278: {  	v8 =	vor.u32 $0x4, v5;
	_ =	sdelay $0x3  }
0x279: {  	[tilespmem:v7+s1+$0x0] =	vst.idx.msk vm0, v6  }
0x27a: {  	v7 =	vor.u32 $0x2, v9;
	v6 =	vld.idx.msk [tilespmem:v8+s9+$0x0], $0xffff  }
0x27b: {  	v8 =	vor.u32 $0x5, v5;
	_ =	sdelay $0x2  }
0x27c: {  	s7 =	simm.s32 $0x10  }
0x27d: {  	s29 =	spop (v2sf);
	v5 =	vmov s7;
	[tilespmem:v7+s1+$0x0] =	vst.idx.msk vm0, v6  }
0x27e: {  	s30 =	sadd.s32 s17, s29;
	v9 =	vor.u32 $0x3, v9;
	v5 =	vshll.u32 v5, $0x3;
	v8 =	vld.idx.msk [tilespmem:v8+s9+$0x0], $0xffff  }
0x27f: {  	v10 =	vmov s30;
	v5 =	vor.u32 v3, v5  }
0x280: {  	s17 =	simm.s32 $0x20;
	v6 =	vadd.s32 $0xFFFFFFFF, v10;
	v7 =	vor.u32 $0x1, v5  }
.LBB2_14:
0x281: {  	_ =	sdelay $0x1  }
0x282: {  	p0 =	sne.s32 s17, $0xF90;
	s29 =	smov.u32 s17;
	s17 =	sadd.s32 $0x10, s17;
	[tilespmem:v9+s1+$0x0] =	vst.idx.msk vm0, v8  }
0x283: {  	v8 =	vld.idx.msk [tilespmem:v5+s9+$0x0], $0xffff;
	_ =	sdelay $0x5  }
0x284: {  	vm0 =	veq.f32 v8, v0  }
0x285: {  	v8 =	vsel vm0, $0x1, v4  }
0x286: {  	(xrf0) =	vadd.scan.msk.s32 $0xffff, v8;
	_ =	sdelay $0x4  }
0x287: {  	v6 =	vbroadcast v6, $0x0  }
0x288: {  	v8, _, _ =	vpop (xrf0)  }
0x289: {  	v6 =	vadd.s32 v8, v6;
	(v2sf) =	vpush v8, $0xF  }
0x28a: {  	vm1 =	vlt.s32 v6, $0x200  }
0x28b: {  	vm0 =	vmand vm0, vm1;
	v7 =	vld.idx.msk [tilespmem:v7+s9+$0x0], $0xffff;
	_ =	sdelay $0x1  }
0x28c: {  	v8 =	vor.u32 $0x2, v5;
	_ =	sdelay $0x3  }
0x28d: {  	[tilespmem:v6+s6+$0x0] =	vst.idx.msk vm0, v7  }
0x28e: {  	v7 =	vld.idx.msk [tilespmem:v8+s9+$0x0], $0xffff  }
0x28f: {  	v9 =	vshll.u32 v6, $0x2  }
0x290: {  	v6 =	vor.u32 $0x3, v5;
	_ =	sdelay $0x3  }
0x291: {  	[tilespmem:v9+s1+$0x0] =	vst.idx.msk vm0, v7;
	s16 =	spop (v2sf)  }
0x292: {  	v7 =	vld.idx.msk [tilespmem:v6+s9+$0x0], $0xffff;
	s30 =	sadd.s32 s30, s16  }
0x293: {  	v8 =	vor.u32 $0x1, v9;
	v6 =	vmov s30  }
0x294: {  	v10 =	vor.u32 $0x4, v5;
	v6 =	vadd.s32 $0xFFFFFFFF, v6;
	_ =	sdelay $0x3  }
0x295: {  	[tilespmem:v8+s1+$0x0] =	vst.idx.msk vm0, v7  }
0x296: {  	v7 =	vld.idx.msk [tilespmem:v10+s9+$0x0], $0xffff  }
0x297: {  	v8 =	vor.u32 $0x2, v9  }
0x298: {  	v5 =	vor.u32 $0x5, v5;
	_ =	sdelay $0x3  }
.Ltmp10:
0x299: {  	[tilespmem:v8+s1+$0x0] =	vst.idx.msk vm0, v7;
	(pc) =	sbr.rel @p0 .LBB2_14-.Ltmp10, $4  }
0x29a: {  	v7 =	vmov s29;
	v8 =	vld.idx.msk [tilespmem:v5+s9+$0x0], $0xffff  }
0x29b: {  	v9 =	vor.u32 $0x3, v9;
	v5 =	vshll.u32 v7, $0x3  }
0x29c: {  	v5 =	vor.u32 v3, v5  }
0x29d: {  	v7 =	vor.u32 $0x1, v5  }
0x29e: {  	_ =	sdelay $0x4  }
0x29f: {  	[tilespmem:v9+s1+$0x0] =	vst.idx.msk vm0, v8  }
0x2a0: {  	v8 =	vld.idx.msk [tilespmem:v5+s9+$0x0], $0xffff;
	_ =	sdelay $0x4  }
0x2a1: {  	vm15 =	veq.f32 v8, v0  }
0x2a2: {  	v8 =	vsel vm15, $0x1, v4  }
0x2a3: {  	(xrf0) =	vadd.scan.msk.s32 $0xffff, v8;
	_ =	sdelay $0x4  }
0x2a4: {  	v6 =	vbroadcast v6, $0x0  }
0x2a5: {  	v8, _, _ =	vpop (xrf0)  }
0x2a6: {  	v6 =	vadd.s32 v8, v6  }
0x2a7: {  	vm1 =	vlt.s32 v6, $0x200  }
0x2a8: {  	vm0 =	vmand vm15, vm1  }
0x2a9: {  	v7 =	vld.idx.msk [tilespmem:v7+s9+$0x0], $0xffff  }
0x2aa: {  	v60 =	vor.u32 $0x2, v5;
	_ =	sdelay $0x3  }
0x2ab: {  	[tilespmem:v6+s6+$0x0] =	vst.idx.msk vm0, v7  }
0x2ac: {  	v6 =	vshll.u32 v6, $0x2;
	v7 =	vld.idx.msk [tilespmem:v60+s9+$0x0], $0xffff  }
0x2ad: {  	v61 =	vor.u32 $0x3, v5;
	_ =	sdelay $0x3  }
0x2ae: {  	[tilespmem:v6+s1+$0x0] =	vst.idx.msk vm0, v7  }
0x2af: {  	v62 =	vor.u32 $0x1, v6;
	v7 =	vld.idx.msk [tilespmem:v61+s9+$0x0], $0xffff  }
0x2b0: {  	v10 =	vor.u32 $0x4, v5  }
0x2b1: {  	(v2sf) =	vpush v8, $0xF;
	_ =	sdelay $0x2  }
0x2b2: {  	[tilespmem:v62+s1+$0x0] =	vst.idx.msk vm0, v7  }
0x2b3: {  	v63 =	vor.u32 $0x2, v6;
	v7 =	vld.idx.msk [tilespmem:v10+s9+$0x0], $0xffff  }
0x2b4: {  	v5 =	vor.u32 $0x5, v5;
	_ =	sdelay $0x3  }
0x2b5: {  	[tilespmem:v63+s1+$0x0] =	vst.idx.msk vm0, v7  }
0x2b6: {  	v6 =	vor.u32 $0x3, v6;
	v5 =	vld.idx.msk [tilespmem:v5+s9+$0x0], $0xffff;
	_ =	sdelay $0x4  }
0x2b7: {  	s16 =	spop (v2sf);
	[tilespmem:v6+s1+$0x0] =	vst.idx.msk vm0, v5  }
.LBB2_16:
0x2b8: {  	p0 =	sgt.s32 s13, $0x2  }
0x2b9: {  	p1 =	seq.s32 @p0 s13, $0x3  }
0x2ba: {  	p2 =	por p1, !p0  }
0x2bb: {  	s16 =	smov.u32 s11;
	s17 =	smov.u32 s12;
	p2 =	seq.s32 @!p2 s13, $0x4  }
0x2bc: {  	s30 =	smov.u32 s3;
	s7 =	smov.u32 s28;
	p2 =	por @p0 !p2, p1  }
0x2bd: {  	s29 =	smov.u32 s0;
	p1 =	por !p1, !p0;
	p2 =	por !p2, !p0  }
0x2be: {  	s16 =	smov.u32 @p2 s10;
	s17 =	smov.u32 @p2 s8;
	p2 =	seq.s32 @!p0 s13, $0x1  }
0x2bf: {  	s30 =	smov.u32 @p1 s16;
	s7 =	smov.u32 @p1 s17;
	p1 =	por !p2, p0  }
0x2c0: {  	s29 =	smov.u32 @p1 s2  }
0x2c1: {  	s29 =	smov.u32 @p0 s30  }
0x2c2: {  	s17 =	smov.u32 s4;
	s30 =	simm.s32 $0x0;
	s29 =	sadd.s32 s29, s18  }
0x2c3: {  	[hbm4b:s29+s30] =	stream.linear.scatter [tilespmem:s1], [sflag:$0x1], $0x800, $0x38;
	[tilespmem:$0x8750] =	vst v63  }
0x2c4: {  	s17 =	smov.u32 @p1 s5;
	_ =	swait.ge [sflag:s31], $0x800  }
0x2c5: {  	s17 =	smov.u32 @p0 s7;
	[sflag:s31] =	ssyncset.done $0x0  }
0x2c6: {  	s16 =	sadd.s32 s17, s19;
	[sflag:s31] =	ssyncadd.s32 $0xFFFFF800  }
0x2c7: {  	[hbm4b:s16+s30] =	stream.linear.scatter [tilespmem:s6], [sflag:$0x1], $0x200, $0x38;
	[tilespmem:$0x8750] =	vst v63  }
0x2c8: {  	_ =	swait.ge [sflag:s31], $0x200  }
0x2c9: {  	[sflag:s31] =	ssyncset.done $0x0  }
0x2ca: {  	[sflag:s31] =	ssyncadd.s32 $0xFFFFFE00  }
0x2cb: {  	[tilespmem:$0x7D00] =	vst v2  }
0x2cc: {  	[tilespmem:$0x7D10] =	vst v2  }
0x2cd: {  	[tilespmem:$0x7D20] =	vst v2  }
0x2ce: {  	[tilespmem:$0x7D30] =	vst v2  }
0x2cf: {  	[tilespmem:$0x7D40] =	vst v2  }
0x2d0: {  	[tilespmem:$0x7D50] =	vst v2  }
0x2d1: {  	[tilespmem:$0x7D60] =	vst v2  }
0x2d2: {  	[tilespmem:$0x7D70] =	vst v2  }
0x2d3: {  	[tilespmem:$0x7D80] =	vst v2  }
0x2d4: {  	[tilespmem:$0x7D90] =	vst v2  }
0x2d5: {  	[tilespmem:$0x7DA0] =	vst v2  }
0x2d6: {  	[tilespmem:$0x7DB0] =	vst v2  }
0x2d7: {  	[tilespmem:$0x7DC0] =	vst v2  }
0x2d8: {  	[tilespmem:$0x7DD0] =	vst v2  }
0x2d9: {  	[tilespmem:$0x7DE0] =	vst v2  }
0x2da: {  	[tilespmem:$0x7DF0] =	vst v2  }
0x2db: {  	[tilespmem:$0x7E00] =	vst v2  }
0x2dc: {  	[tilespmem:$0x7E10] =	vst v2  }
0x2dd: {  	[tilespmem:$0x7E20] =	vst v2  }
0x2de: {  	[tilespmem:$0x7E30] =	vst v2  }
0x2df: {  	[tilespmem:$0x7E40] =	vst v2  }
0x2e0: {  	[tilespmem:$0x7E50] =	vst v2  }
0x2e1: {  	[tilespmem:$0x7E60] =	vst v2  }
0x2e2: {  	[tilespmem:$0x7E70] =	vst v2  }
0x2e3: {  	[tilespmem:$0x7E80] =	vst v2  }
0x2e4: {  	[tilespmem:$0x7E90] =	vst v2  }
0x2e5: {  	[tilespmem:$0x7EA0] =	vst v2  }
0x2e6: {  	[tilespmem:$0x7EB0] =	vst v2  }
0x2e7: {  	[tilespmem:$0x7EC0] =	vst v2  }
0x2e8: {  	[tilespmem:$0x7ED0] =	vst v2  }
0x2e9: {  	[tilespmem:$0x7EE0] =	vst v2  }
0x2ea: {  	[tilespmem:$0x7EF0] =	vst v2  }
0x2eb: {  	[tilespmem:$0x7F00] =	vst v2  }
0x2ec: {  	[tilespmem:$0x7F10] =	vst v2  }
0x2ed: {  	[tilespmem:$0x7F20] =	vst v2  }
0x2ee: {  	[tilespmem:$0x7F30] =	vst v2  }
0x2ef: {  	[tilespmem:$0x7F40] =	vst v2  }
0x2f0: {  	[tilespmem:$0x7F50] =	vst v2  }
0x2f1: {  	[tilespmem:$0x7F60] =	vst v2  }
0x2f2: {  	[tilespmem:$0x7F70] =	vst v2  }
0x2f3: {  	[tilespmem:$0x7F80] =	vst v2  }
0x2f4: {  	[tilespmem:$0x7F90] =	vst v2  }
0x2f5: {  	[tilespmem:$0x7FA0] =	vst v2  }
0x2f6: {  	[tilespmem:$0x7FB0] =	vst v2  }
0x2f7: {  	[tilespmem:$0x7FC0] =	vst v2  }
0x2f8: {  	[tilespmem:$0x7FD0] =	vst v2  }
0x2f9: {  	[tilespmem:$0x7FE0] =	vst v2  }
0x2fa: {  	[tilespmem:$0x7FF0] =	vst v2  }
0x2fb: {  	[tilespmem:$0x8000] =	vst v2  }
0x2fc: {  	[tilespmem:$0x8010] =	vst v2  }
0x2fd: {  	[tilespmem:$0x8020] =	vst v2  }
0x2fe: {  	[tilespmem:$0x8030] =	vst v2  }
0x2ff: {  	[tilespmem:$0x8040] =	vst v2  }
0x300: {  	[tilespmem:$0x8050] =	vst v2  }
0x301: {  	[tilespmem:$0x8060] =	vst v2  }
0x302: {  	[tilespmem:$0x8070] =	vst v2  }
0x303: {  	[tilespmem:$0x8080] =	vst v2  }
0x304: {  	[tilespmem:$0x8090] =	vst v2  }
0x305: {  	[tilespmem:$0x80A0] =	vst v2  }
0x306: {  	[tilespmem:$0x80B0] =	vst v2  }
0x307: {  	[tilespmem:$0x80C0] =	vst v2  }
0x308: {  	[tilespmem:$0x80D0] =	vst v2  }
0x309: {  	[tilespmem:$0x80E0] =	vst v2  }
0x30a: {  	[tilespmem:$0x80F0] =	vst v2  }
0x30b: {  	[tilespmem:$0x8100] =	vst v2  }
0x30c: {  	[tilespmem:$0x8110] =	vst v2  }
0x30d: {  	[tilespmem:$0x8120] =	vst v2  }
0x30e: {  	[tilespmem:$0x8130] =	vst v2  }
0x30f: {  	[tilespmem:$0x8140] =	vst v2  }
0x310: {  	[tilespmem:$0x8150] =	vst v2  }
0x311: {  	[tilespmem:$0x8160] =	vst v2  }
0x312: {  	[tilespmem:$0x8170] =	vst v2  }
0x313: {  	[tilespmem:$0x8180] =	vst v2  }
0x314: {  	[tilespmem:$0x8190] =	vst v2  }
0x315: {  	[tilespmem:$0x81A0] =	vst v2  }
0x316: {  	[tilespmem:$0x81B0] =	vst v2  }
0x317: {  	[tilespmem:$0x81C0] =	vst v2  }
0x318: {  	[tilespmem:$0x81D0] =	vst v2  }
0x319: {  	[tilespmem:$0x81E0] =	vst v2  }
0x31a: {  	[tilespmem:$0x81F0] =	vst v2  }
0x31b: {  	[tilespmem:$0x8200] =	vst v2  }
0x31c: {  	[tilespmem:$0x8210] =	vst v2  }
0x31d: {  	[tilespmem:$0x8220] =	vst v2  }
0x31e: {  	[tilespmem:$0x8230] =	vst v2  }
0x31f: {  	[tilespmem:$0x8240] =	vst v2  }
0x320: {  	[tilespmem:$0x8250] =	vst v2  }
0x321: {  	[tilespmem:$0x8260] =	vst v2  }
0x322: {  	[tilespmem:$0x8270] =	vst v2  }
0x323: {  	[tilespmem:$0x8280] =	vst v2  }
0x324: {  	[tilespmem:$0x8290] =	vst v2  }
0x325: {  	[tilespmem:$0x82A0] =	vst v2  }
0x326: {  	[tilespmem:$0x82B0] =	vst v2  }
0x327: {  	[tilespmem:$0x82C0] =	vst v2  }
0x328: {  	[tilespmem:$0x82D0] =	vst v2  }
0x329: {  	[tilespmem:$0x82E0] =	vst v2  }
0x32a: {  	[tilespmem:$0x82F0] =	vst v2  }
0x32b: {  	[tilespmem:$0x8300] =	vst v2  }
0x32c: {  	[tilespmem:$0x8310] =	vst v2  }
0x32d: {  	[tilespmem:$0x8320] =	vst v2  }
0x32e: {  	[tilespmem:$0x8330] =	vst v2  }
0x32f: {  	[tilespmem:$0x8340] =	vst v2  }
0x330: {  	[tilespmem:$0x8350] =	vst v2  }
0x331: {  	[tilespmem:$0x8360] =	vst v2  }
0x332: {  	[tilespmem:$0x8370] =	vst v2  }
0x333: {  	[tilespmem:$0x8380] =	vst v2  }
0x334: {  	[tilespmem:$0x8390] =	vst v2  }
0x335: {  	[tilespmem:$0x83A0] =	vst v2  }
0x336: {  	[tilespmem:$0x83B0] =	vst v2  }
0x337: {  	[tilespmem:$0x83C0] =	vst v2  }
0x338: {  	[tilespmem:$0x83D0] =	vst v2  }
0x339: {  	[tilespmem:$0x83E0] =	vst v2  }
0x33a: {  	[tilespmem:$0x83F0] =	vst v2  }
0x33b: {  	[tilespmem:$0x8400] =	vst v2  }
0x33c: {  	[tilespmem:$0x8410] =	vst v2  }
0x33d: {  	[tilespmem:$0x8420] =	vst v2  }
0x33e: {  	[tilespmem:$0x8430] =	vst v2  }
0x33f: {  	[tilespmem:$0x8440] =	vst v2  }
0x340: {  	[tilespmem:$0x8450] =	vst v2  }
0x341: {  	[tilespmem:$0x8460] =	vst v2  }
0x342: {  	[tilespmem:$0x8470] =	vst v2  }
0x343: {  	[tilespmem:$0x8480] =	vst v2  }
0x344: {  	[tilespmem:$0x8490] =	vst v2  }
0x345: {  	[tilespmem:$0x84A0] =	vst v2  }
0x346: {  	[tilespmem:$0x84B0] =	vst v2  }
0x347: {  	[tilespmem:$0x84C0] =	vst v2  }
0x348: {  	[tilespmem:$0x84D0] =	vst v2  }
0x349: {  	[tilespmem:$0x84E0] =	vst v2  }
0x34a: {  	[tilespmem:$0x84F0] =	vst v2  }
0x34b: {  	[tilespmem:$0x8500] =	vst v2  }
0x34c: {  	[tilespmem:$0x8510] =	vst v2  }
0x34d: {  	[tilespmem:$0x8520] =	vst v2  }
0x34e: {  	[tilespmem:$0x8530] =	vst v2  }
0x34f: {  	[tilespmem:$0x8540] =	vst v2  }
0x350: {  	[tilespmem:$0x8550] =	vst v2  }
0x351: {  	[tilespmem:$0x8560] =	vst v2  }
0x352: {  	[tilespmem:$0x8570] =	vst v2  }
0x353: {  	[tilespmem:$0x8580] =	vst v2  }
0x354: {  	[tilespmem:$0x8590] =	vst v2  }
0x355: {  	[tilespmem:$0x85A0] =	vst v2  }
0x356: {  	[tilespmem:$0x85B0] =	vst v2  }
0x357: {  	[tilespmem:$0x85C0] =	vst v2  }
0x358: {  	[tilespmem:$0x85D0] =	vst v2  }
0x359: {  	[tilespmem:$0x85E0] =	vst v2  }
0x35a: {  	[tilespmem:$0x85F0] =	vst v2  }
0x35b: {  	[tilespmem:$0x8600] =	vst v2  }
0x35c: {  	[tilespmem:$0x8610] =	vst v2  }
0x35d: {  	[tilespmem:$0x8620] =	vst v2  }
0x35e: {  	[tilespmem:$0x8630] =	vst v2  }
0x35f: {  	[tilespmem:$0x8640] =	vst v2  }
0x360: {  	[tilespmem:$0x8650] =	vst v2  }
0x361: {  	[tilespmem:$0x8660] =	vst v2  }
0x362: {  	[tilespmem:$0x8670] =	vst v2  }
0x363: {  	[tilespmem:$0x8680] =	vst v2  }
0x364: {  	[tilespmem:$0x8690] =	vst v2  }
0x365: {  	[tilespmem:$0x86A0] =	vst v2  }
0x366: {  	[tilespmem:$0x86B0] =	vst v2  }
0x367: {  	[tilespmem:$0x86C0] =	vst v2  }
0x368: {  	[tilespmem:$0x86D0] =	vst v2  }
0x369: {  	[tilespmem:$0x86E0] =	vst v2  }
0x36a: {  	[tilespmem:$0x86F0] =	vst v2  }
0x36b: {  	[tilespmem:$0x8700] =	vst v2  }
0x36c: {  	[tilespmem:$0x8710] =	vst v2  }
0x36d: {  	v5 =	vmov s30;
	[tilespmem:$0x8720] =	vst v2  }
0x36e: {  	v5 =	vshll.u32 v5, $0x3;
	[tilespmem:$0x8730] =	vst v2  }
0x36f: {  	v5 =	vor.u32 v3, v5;
	[tilespmem:$0x8740] =	vst v2  }
0x370: {  	[tilespmem:s30], [sflag:$0x1] =	stream.linear.gather [hbm4b:s21+s30], $0x7D00, $0x38;
	[tilespmem:$0x8750] =	vst v63  }
0x371: {  	_ =	swait.ge [sflag:s31], $0x7D00  }
0x372: {  	[sflag:s31] =	ssyncset.done $0x0  }
0x373: {  	[sflag:s31] =	ssyncadd.s32 $0xFFFF8300  }
0x374: {  	v6 =	vld.idx.msk [tilespmem:v5+s9+$0x0], $0xffff;
	_ =	sdelay $0x4  }
0x375: {  	vm0 =	veq.f32 v6, v1  }
0x376: {  	v6 =	vsel vm0, $0x1, v4  }
0x377: {  	(xrf0) =	vadd.scan.msk.s32 $0xffff, v6;
	_ =	sdelay $0x2  }
0x378: {  	v6 =	vmov s30  }
0x379: {  	v6 =	vadd.s32 $0xFFFFFFFF, v6  }
0x37a: {  	v7 =	vor.u32 $0x1, v5;
	v6 =	vbroadcast v6, $0x0  }
0x37b: {  	v8, _, _ =	vpop (xrf0)  }
0x37c: {  	v6 =	vadd.s32 v8, v6  }
0x37d: {  	vm1 =	vlt.s32 v6, $0x200  }
0x37e: {  	vm0 =	vmand vm0, vm1  }
0x37f: {  	v7 =	vld.idx.msk [tilespmem:v7+s9+$0x0], $0xffff  }
0x380: {  	v9 =	vor.u32 $0x2, v5;
	_ =	sdelay $0x3  }
0x381: {  	[tilespmem:v6+s6+$0x0] =	vst.idx.msk vm0, v7  }
0x382: {  	v7 =	vld.idx.msk [tilespmem:v9+s9+$0x0], $0xffff;
	v9 =	vshll.u32 v6, $0x2  }
0x383: {  	v6 =	vor.u32 $0x3, v5  }
0x384: {  	(v2sf) =	vpush v8, $0xF;
	_ =	sdelay $0x2  }
0x385: {  	[tilespmem:v9+s1+$0x0] =	vst.idx.msk vm0, v7  }
0x386: {  	v7 =	vor.u32 $0x1, v9;
	v6 =	vld.idx.msk [tilespmem:v6+s9+$0x0], $0xffff  }
0x387: {  	v8 =	vor.u32 $0x4, v5;
	_ =	sdelay $0x3  }
0x388: {  	[tilespmem:v7+s1+$0x0] =	vst.idx.msk vm0, v6  }
0x389: {  	v7 =	vor.u32 $0x2, v9;
	v6 =	vld.idx.msk [tilespmem:v8+s9+$0x0], $0xffff  }
0x38a: {  	v8 =	vor.u32 $0x5, v5;
	_ =	sdelay $0x2  }
0x38b: {  	s17 =	simm.s32 $0x10  }
0x38c: {  	s29 =	spop (v2sf);
	v5 =	vmov s17;
	[tilespmem:v7+s1+$0x0] =	vst.idx.msk vm0, v6  }
0x38d: {  	s30 =	sadd.s32 $0x0, s29;
	v9 =	vor.u32 $0x3, v9;
	v5 =	vshll.u32 v5, $0x3;
	v8 =	vld.idx.msk [tilespmem:v8+s9+$0x0], $0xffff  }
0x38e: {  	v10 =	vmov s30;
	v5 =	vor.u32 v3, v5  }
0x38f: {  	s17 =	simm.s32 $0x20;
	v6 =	vadd.s32 $0xFFFFFFFF, v10;
	v7 =	vor.u32 $0x1, v5  }
.LBB2_17:
0x390: {  	_ =	sdelay $0x1  }
0x391: {  	p0 =	sne.s32 s17, $0xF90;
	s29 =	smov.u32 s17;
	s17 =	sadd.s32 $0x10, s17;
	[tilespmem:v9+s1+$0x0] =	vst.idx.msk vm0, v8  }
0x392: {  	v8 =	vld.idx.msk [tilespmem:v5+s9+$0x0], $0xffff;
	_ =	sdelay $0x5  }
0x393: {  	vm0 =	veq.f32 v8, v1  }
0x394: {  	v8 =	vsel vm0, $0x1, v4  }
0x395: {  	(xrf0) =	vadd.scan.msk.s32 $0xffff, v8;
	_ =	sdelay $0x4  }
0x396: {  	v6 =	vbroadcast v6, $0x0  }
0x397: {  	v8, _, _ =	vpop (xrf0)  }
0x398: {  	v6 =	vadd.s32 v8, v6;
	(v2sf) =	vpush v8, $0xF  }
0x399: {  	vm1 =	vlt.s32 v6, $0x200  }
0x39a: {  	vm0 =	vmand vm0, vm1;
	v7 =	vld.idx.msk [tilespmem:v7+s9+$0x0], $0xffff;
	_ =	sdelay $0x1  }
0x39b: {  	v8 =	vor.u32 $0x2, v5;
	_ =	sdelay $0x3  }
0x39c: {  	[tilespmem:v6+s6+$0x0] =	vst.idx.msk vm0, v7  }
0x39d: {  	v7 =	vld.idx.msk [tilespmem:v8+s9+$0x0], $0xffff  }
0x39e: {  	v9 =	vshll.u32 v6, $0x2  }
0x39f: {  	v6 =	vor.u32 $0x3, v5;
	_ =	sdelay $0x3  }
0x3a0: {  	[tilespmem:v9+s1+$0x0] =	vst.idx.msk vm0, v7;
	s7 =	spop (v2sf)  }
0x3a1: {  	v7 =	vld.idx.msk [tilespmem:v6+s9+$0x0], $0xffff;
	s30 =	sadd.s32 s30, s7  }
0x3a2: {  	v8 =	vor.u32 $0x1, v9;
	v6 =	vmov s30  }
0x3a3: {  	v10 =	vor.u32 $0x4, v5;
	v6 =	vadd.s32 $0xFFFFFFFF, v6;
	_ =	sdelay $0x3  }
0x3a4: {  	[tilespmem:v8+s1+$0x0] =	vst.idx.msk vm0, v7  }
0x3a5: {  	v7 =	vld.idx.msk [tilespmem:v10+s9+$0x0], $0xffff  }
0x3a6: {  	v8 =	vor.u32 $0x2, v9  }
0x3a7: {  	v5 =	vor.u32 $0x5, v5;
	_ =	sdelay $0x3  }
.Ltmp11:
0x3a8: {  	[tilespmem:v8+s1+$0x0] =	vst.idx.msk vm0, v7;
	(pc) =	sbr.rel @p0 .LBB2_17-.Ltmp11, $4  }
0x3a9: {  	v7 =	vmov s29;
	v8 =	vld.idx.msk [tilespmem:v5+s9+$0x0], $0xffff  }
0x3aa: {  	v9 =	vor.u32 $0x3, v9;
	v5 =	vshll.u32 v7, $0x3  }
0x3ab: {  	v5 =	vor.u32 v3, v5  }
0x3ac: {  	v7 =	vor.u32 $0x1, v5  }
0x3ad: {  	_ =	sdelay $0x4  }
0x3ae: {  	[tilespmem:v9+s1+$0x0] =	vst.idx.msk vm0, v8  }
0x3af: {  	v8 =	vld.idx.msk [tilespmem:v5+s9+$0x0], $0xffff;
	_ =	sdelay $0x4  }
0x3b0: {  	vm15 =	veq.f32 v8, v1  }
0x3b1: {  	v8 =	vsel vm15, $0x1, v4  }
0x3b2: {  	(xrf0) =	vadd.scan.msk.s32 $0xffff, v8;
	_ =	sdelay $0x4  }
0x3b3: {  	v6 =	vbroadcast v6, $0x0  }
0x3b4: {  	v8, _, _ =	vpop (xrf0)  }
0x3b5: {  	v6 =	vadd.s32 v8, v6  }
0x3b6: {  	vm1 =	vlt.s32 v6, $0x200  }
0x3b7: {  	vm0 =	vmand vm15, vm1  }
0x3b8: {  	v7 =	vld.idx.msk [tilespmem:v7+s9+$0x0], $0xffff  }
0x3b9: {  	v59 =	vor.u32 $0x2, v5;
	_ =	sdelay $0x3  }
0x3ba: {  	[tilespmem:v6+s6+$0x0] =	vst.idx.msk vm0, v7  }
0x3bb: {  	v6 =	vshll.u32 v6, $0x2;
	v7 =	vld.idx.msk [tilespmem:v59+s9+$0x0], $0xffff  }
0x3bc: {  	v60 =	vor.u32 $0x3, v5;
	(v2sf) =	vpush v8, $0xF;
	_ =	sdelay $0x3  }
0x3bd: {  	[tilespmem:v6+s1+$0x0] =	vst.idx.msk vm0, v7  }
0x3be: {  	v61 =	vor.u32 $0x1, v6;
	v7 =	vld.idx.msk [tilespmem:v60+s9+$0x0], $0xffff  }
0x3bf: {  	v62 =	vor.u32 $0x4, v5;
	_ =	sdelay $0x3  }
0x3c0: {  	[tilespmem:v61+s1+$0x0] =	vst.idx.msk vm0, v7  }
0x3c1: {  	v63 =	vor.u32 $0x2, v6;
	v7 =	vld.idx.msk [tilespmem:v62+s9+$0x0], $0xffff  }
0x3c2: {  	v5 =	vor.u32 $0x5, v5;
	_ =	sdelay $0x2  }
0x3c3: {  	s7 =	spop (v2sf)  }
0x3c4: {  	s17 =	sadd.s32 s30, s7;
	[tilespmem:v63+s1+$0x0] =	vst.idx.msk vm0, v7  }
0x3c5: {  	v6 =	vor.u32 $0x3, v6;
	p0 =	sgt.s32 s17, $0x1FF;
	v5 =	vld.idx.msk [tilespmem:v5+s9+$0x0], $0xffff  }
.Ltmp12:
0x3c6: {  	_ = 	snop;
	(pc) =	sbr.rel @p0 .LBB2_31-.Ltmp12, $2  }
0x3c7: {  	_ =	sdelay $0x2  }
0x3c8: {  	[tilespmem:v6+s1+$0x0] =	vst.idx.msk vm0, v5  }
0x3c9: {  	s7 =	simm.s32 $0x0  }
0x3ca: {  	v5 =	vmov s7  }
0x3cb: {  	v5 =	vshll.u32 v5, $0x3  }
0x3cc: {  	v5 =	vor.u32 v3, v5  }
0x3cd: {  	[tilespmem:s7], [sflag:$0x1] =	stream.linear.gather [hbm4b:s26+s7], $0x7D00, $0x38;
	[tilespmem:$0x8750] =	vst v63  }
0x3ce: {  	_ =	swait.ge [sflag:s31], $0x7D00  }
0x3cf: {  	[sflag:s31] =	ssyncset.done $0x0  }
0x3d0: {  	[sflag:s31] =	ssyncadd.s32 $0xFFFF8300  }
0x3d1: {  	v6 =	vld.idx.msk [tilespmem:v5+s9+$0x0], $0xffff;
	_ =	sdelay $0x4  }
0x3d2: {  	vm0 =	veq.f32 v6, v1  }
0x3d3: {  	v6 =	vsel vm0, $0x1, v4  }
0x3d4: {  	(xrf0) =	vadd.scan.msk.s32 $0xffff, v6;
	_ =	sdelay $0x2  }
0x3d5: {  	v6 =	vmov s17  }
0x3d6: {  	v6 =	vadd.s32 $0xFFFFFFFF, v6  }
0x3d7: {  	v7 =	vor.u32 $0x1, v5;
	v6 =	vbroadcast v6, $0x0  }
0x3d8: {  	v8, _, _ =	vpop (xrf0)  }
0x3d9: {  	v6 =	vadd.s32 v8, v6  }
0x3da: {  	vm1 =	vlt.s32 v6, $0x200  }
0x3db: {  	vm0 =	vmand vm0, vm1  }
0x3dc: {  	v7 =	vld.idx.msk [tilespmem:v7+s9+$0x0], $0xffff  }
0x3dd: {  	v9 =	vor.u32 $0x2, v5;
	_ =	sdelay $0x3  }
0x3de: {  	[tilespmem:v6+s6+$0x0] =	vst.idx.msk vm0, v7  }
0x3df: {  	v7 =	vld.idx.msk [tilespmem:v9+s9+$0x0], $0xffff;
	v9 =	vshll.u32 v6, $0x2  }
0x3e0: {  	v6 =	vor.u32 $0x3, v5  }
0x3e1: {  	(v2sf) =	vpush v8, $0xF;
	_ =	sdelay $0x2  }
0x3e2: {  	[tilespmem:v9+s1+$0x0] =	vst.idx.msk vm0, v7  }
0x3e3: {  	v7 =	vor.u32 $0x1, v9;
	v6 =	vld.idx.msk [tilespmem:v6+s9+$0x0], $0xffff  }
0x3e4: {  	v8 =	vor.u32 $0x4, v5;
	_ =	sdelay $0x3  }
0x3e5: {  	[tilespmem:v7+s1+$0x0] =	vst.idx.msk vm0, v6  }
0x3e6: {  	v7 =	vor.u32 $0x2, v9;
	v6 =	vld.idx.msk [tilespmem:v8+s9+$0x0], $0xffff  }
0x3e7: {  	v8 =	vor.u32 $0x5, v5;
	_ =	sdelay $0x2  }
0x3e8: {  	s29 =	simm.s32 $0x10  }
0x3e9: {  	s16 =	spop (v2sf);
	v5 =	vmov s29;
	[tilespmem:v7+s1+$0x0] =	vst.idx.msk vm0, v6  }
0x3ea: {  	s30 =	sadd.s32 s17, s16;
	v9 =	vor.u32 $0x3, v9;
	v5 =	vshll.u32 v5, $0x3;
	v8 =	vld.idx.msk [tilespmem:v8+s9+$0x0], $0xffff  }
0x3eb: {  	v10 =	vmov s30;
	v5 =	vor.u32 v3, v5  }
0x3ec: {  	s17 =	simm.s32 $0x20;
	v6 =	vadd.s32 $0xFFFFFFFF, v10;
	v7 =	vor.u32 $0x1, v5  }
.LBB2_20:
0x3ed: {  	_ =	sdelay $0x1  }
0x3ee: {  	p0 =	sne.s32 s17, $0xF90;
	s29 =	smov.u32 s17;
	s17 =	sadd.s32 $0x10, s17;
	[tilespmem:v9+s1+$0x0] =	vst.idx.msk vm0, v8  }
0x3ef: {  	v8 =	vld.idx.msk [tilespmem:v5+s9+$0x0], $0xffff;
	_ =	sdelay $0x5  }
0x3f0: {  	vm0 =	veq.f32 v8, v1  }
0x3f1: {  	v8 =	vsel vm0, $0x1, v4  }
0x3f2: {  	(xrf0) =	vadd.scan.msk.s32 $0xffff, v8;
	_ =	sdelay $0x4  }
0x3f3: {  	v6 =	vbroadcast v6, $0x0  }
0x3f4: {  	v8, _, _ =	vpop (xrf0)  }
0x3f5: {  	v6 =	vadd.s32 v8, v6;
	(v2sf) =	vpush v8, $0xF  }
0x3f6: {  	vm1 =	vlt.s32 v6, $0x200  }
0x3f7: {  	vm0 =	vmand vm0, vm1;
	v7 =	vld.idx.msk [tilespmem:v7+s9+$0x0], $0xffff;
	_ =	sdelay $0x1  }
0x3f8: {  	v8 =	vor.u32 $0x2, v5;
	_ =	sdelay $0x3  }
0x3f9: {  	[tilespmem:v6+s6+$0x0] =	vst.idx.msk vm0, v7  }
0x3fa: {  	v7 =	vld.idx.msk [tilespmem:v8+s9+$0x0], $0xffff  }
0x3fb: {  	v9 =	vshll.u32 v6, $0x2  }
0x3fc: {  	v6 =	vor.u32 $0x3, v5;
	_ =	sdelay $0x3  }
0x3fd: {  	[tilespmem:v9+s1+$0x0] =	vst.idx.msk vm0, v7;
	s7 =	spop (v2sf)  }
0x3fe: {  	v7 =	vld.idx.msk [tilespmem:v6+s9+$0x0], $0xffff;
	s30 =	sadd.s32 s30, s7  }
0x3ff: {  	v8 =	vor.u32 $0x1, v9;
	v6 =	vmov s30  }
0x400: {  	v10 =	vor.u32 $0x4, v5;
	v6 =	vadd.s32 $0xFFFFFFFF, v6;
	_ =	sdelay $0x3  }
0x401: {  	[tilespmem:v8+s1+$0x0] =	vst.idx.msk vm0, v7  }
0x402: {  	v7 =	vld.idx.msk [tilespmem:v10+s9+$0x0], $0xffff  }
0x403: {  	v8 =	vor.u32 $0x2, v9  }
0x404: {  	v5 =	vor.u32 $0x5, v5;
	_ =	sdelay $0x3  }
.Ltmp13:
0x405: {  	[tilespmem:v8+s1+$0x0] =	vst.idx.msk vm0, v7;
	(pc) =	sbr.rel @p0 .LBB2_20-.Ltmp13, $4  }
0x406: {  	v7 =	vmov s29;
	v8 =	vld.idx.msk [tilespmem:v5+s9+$0x0], $0xffff  }
0x407: {  	v9 =	vor.u32 $0x3, v9;
	v5 =	vshll.u32 v7, $0x3  }
0x408: {  	v5 =	vor.u32 v3, v5  }
0x409: {  	v7 =	vor.u32 $0x1, v5  }
0x40a: {  	_ =	sdelay $0x4  }
0x40b: {  	[tilespmem:v9+s1+$0x0] =	vst.idx.msk vm0, v8  }
0x40c: {  	v8 =	vld.idx.msk [tilespmem:v5+s9+$0x0], $0xffff;
	_ =	sdelay $0x4  }
0x40d: {  	vm15 =	veq.f32 v8, v1  }
0x40e: {  	v8 =	vsel vm15, $0x1, v4  }
0x40f: {  	(xrf0) =	vadd.scan.msk.s32 $0xffff, v8;
	_ =	sdelay $0x4  }
0x410: {  	v6 =	vbroadcast v6, $0x0  }
0x411: {  	v8, _, _ =	vpop (xrf0)  }
0x412: {  	v6 =	vadd.s32 v8, v6  }
0x413: {  	vm1 =	vlt.s32 v6, $0x200  }
0x414: {  	vm0 =	vmand vm15, vm1  }
0x415: {  	v7 =	vld.idx.msk [tilespmem:v7+s9+$0x0], $0xffff  }
0x416: {  	v59 =	vor.u32 $0x2, v5;
	_ =	sdelay $0x3  }
0x417: {  	[tilespmem:v6+s6+$0x0] =	vst.idx.msk vm0, v7  }
0x418: {  	v6 =	vshll.u32 v6, $0x2;
	v7 =	vld.idx.msk [tilespmem:v59+s9+$0x0], $0xffff  }
0x419: {  	v60 =	vor.u32 $0x3, v5;
	(v2sf) =	vpush v8, $0xF;
	_ =	sdelay $0x3  }
0x41a: {  	[tilespmem:v6+s1+$0x0] =	vst.idx.msk vm0, v7  }
0x41b: {  	v61 =	vor.u32 $0x1, v6;
	v7 =	vld.idx.msk [tilespmem:v60+s9+$0x0], $0xffff  }
0x41c: {  	v62 =	vor.u32 $0x4, v5;
	_ =	sdelay $0x3  }
0x41d: {  	[tilespmem:v61+s1+$0x0] =	vst.idx.msk vm0, v7  }
0x41e: {  	v63 =	vor.u32 $0x2, v6;
	v7 =	vld.idx.msk [tilespmem:v62+s9+$0x0], $0xffff  }
0x41f: {  	v5 =	vor.u32 $0x5, v5;
	_ =	sdelay $0x2  }
0x420: {  	s7 =	spop (v2sf)  }
0x421: {  	s17 =	sadd.s32 s30, s7;
	[tilespmem:v63+s1+$0x0] =	vst.idx.msk vm0, v7  }
0x422: {  	v6 =	vor.u32 $0x3, v6;
	p0 =	sgt.s32 s17, $0x1FF;
	v5 =	vld.idx.msk [tilespmem:v5+s9+$0x0], $0xffff  }
.Ltmp14:
0x423: {  	_ = 	snop;
	(pc) =	sbr.rel @p0 .LBB2_31-.Ltmp14, $2  }
0x424: {  	_ =	sdelay $0x2  }
0x425: {  	[tilespmem:v6+s1+$0x0] =	vst.idx.msk vm0, v5  }
0x426: {  	s7 =	simm.s32 $0x0  }
0x427: {  	v5 =	vmov s7  }
0x428: {  	v5 =	vshll.u32 v5, $0x3  }
0x429: {  	s16 =	rddreg [dreg:$0xc];
	v5 =	vor.u32 v3, v5  }
0x42a: {  	[tilespmem:s7], [sflag:$0x1] =	stream.linear.gather [hbm4b:s16+s7], $0x7D00, $0x38;
	[tilespmem:$0x8750] =	vst v63  }
0x42b: {  	_ =	swait.ge [sflag:s31], $0x7D00  }
0x42c: {  	[sflag:s31] =	ssyncset.done $0x0  }
0x42d: {  	[sflag:s31] =	ssyncadd.s32 $0xFFFF8300  }
0x42e: {  	v6 =	vld.idx.msk [tilespmem:v5+s9+$0x0], $0xffff;
	_ =	sdelay $0x4  }
0x42f: {  	vm0 =	veq.f32 v6, v1  }
0x430: {  	v6 =	vsel vm0, $0x1, v4  }
0x431: {  	(xrf0) =	vadd.scan.msk.s32 $0xffff, v6;
	_ =	sdelay $0x2  }
0x432: {  	v6 =	vmov s17  }
0x433: {  	v6 =	vadd.s32 $0xFFFFFFFF, v6  }
0x434: {  	v7 =	vor.u32 $0x1, v5;
	v6 =	vbroadcast v6, $0x0  }
0x435: {  	v8, _, _ =	vpop (xrf0)  }
0x436: {  	v6 =	vadd.s32 v8, v6  }
0x437: {  	vm1 =	vlt.s32 v6, $0x200  }
0x438: {  	vm0 =	vmand vm0, vm1  }
0x439: {  	v7 =	vld.idx.msk [tilespmem:v7+s9+$0x0], $0xffff  }
0x43a: {  	v9 =	vor.u32 $0x2, v5;
	_ =	sdelay $0x3  }
0x43b: {  	[tilespmem:v6+s6+$0x0] =	vst.idx.msk vm0, v7  }
0x43c: {  	v7 =	vld.idx.msk [tilespmem:v9+s9+$0x0], $0xffff;
	v9 =	vshll.u32 v6, $0x2  }
0x43d: {  	v6 =	vor.u32 $0x3, v5  }
0x43e: {  	(v2sf) =	vpush v8, $0xF;
	_ =	sdelay $0x2  }
0x43f: {  	[tilespmem:v9+s1+$0x0] =	vst.idx.msk vm0, v7  }
0x440: {  	v7 =	vor.u32 $0x1, v9;
	v6 =	vld.idx.msk [tilespmem:v6+s9+$0x0], $0xffff  }
0x441: {  	v8 =	vor.u32 $0x4, v5;
	_ =	sdelay $0x3  }
0x442: {  	[tilespmem:v7+s1+$0x0] =	vst.idx.msk vm0, v6  }
0x443: {  	v7 =	vor.u32 $0x2, v9;
	v6 =	vld.idx.msk [tilespmem:v8+s9+$0x0], $0xffff  }
0x444: {  	v8 =	vor.u32 $0x5, v5;
	_ =	sdelay $0x2  }
0x445: {  	s16 =	simm.s32 $0x10  }
0x446: {  	s29 =	spop (v2sf);
	v5 =	vmov s16;
	[tilespmem:v7+s1+$0x0] =	vst.idx.msk vm0, v6  }
0x447: {  	s30 =	sadd.s32 s17, s29;
	v9 =	vor.u32 $0x3, v9;
	v5 =	vshll.u32 v5, $0x3;
	v8 =	vld.idx.msk [tilespmem:v8+s9+$0x0], $0xffff  }
0x448: {  	v10 =	vmov s30;
	v5 =	vor.u32 v3, v5  }
0x449: {  	s17 =	simm.s32 $0x20;
	v6 =	vadd.s32 $0xFFFFFFFF, v10;
	v7 =	vor.u32 $0x1, v5  }
.LBB2_23:
0x44a: {  	_ =	sdelay $0x1  }
0x44b: {  	p0 =	sne.s32 s17, $0xF90;
	s29 =	smov.u32 s17;
	s17 =	sadd.s32 $0x10, s17;
	[tilespmem:v9+s1+$0x0] =	vst.idx.msk vm0, v8  }
0x44c: {  	v8 =	vld.idx.msk [tilespmem:v5+s9+$0x0], $0xffff;
	_ =	sdelay $0x5  }
0x44d: {  	vm0 =	veq.f32 v8, v1  }
0x44e: {  	v8 =	vsel vm0, $0x1, v4  }
0x44f: {  	(xrf0) =	vadd.scan.msk.s32 $0xffff, v8;
	_ =	sdelay $0x4  }
0x450: {  	v6 =	vbroadcast v6, $0x0  }
0x451: {  	v8, _, _ =	vpop (xrf0)  }
0x452: {  	v6 =	vadd.s32 v8, v6;
	(v2sf) =	vpush v8, $0xF  }
0x453: {  	vm1 =	vlt.s32 v6, $0x200  }
0x454: {  	vm0 =	vmand vm0, vm1;
	v7 =	vld.idx.msk [tilespmem:v7+s9+$0x0], $0xffff;
	_ =	sdelay $0x1  }
0x455: {  	v8 =	vor.u32 $0x2, v5;
	_ =	sdelay $0x3  }
0x456: {  	[tilespmem:v6+s6+$0x0] =	vst.idx.msk vm0, v7  }
0x457: {  	v7 =	vld.idx.msk [tilespmem:v8+s9+$0x0], $0xffff  }
0x458: {  	v9 =	vshll.u32 v6, $0x2  }
0x459: {  	v6 =	vor.u32 $0x3, v5;
	_ =	sdelay $0x3  }
0x45a: {  	[tilespmem:v9+s1+$0x0] =	vst.idx.msk vm0, v7;
	s7 =	spop (v2sf)  }
0x45b: {  	v7 =	vld.idx.msk [tilespmem:v6+s9+$0x0], $0xffff;
	s30 =	sadd.s32 s30, s7  }
0x45c: {  	v8 =	vor.u32 $0x1, v9;
	v6 =	vmov s30  }
0x45d: {  	v10 =	vor.u32 $0x4, v5;
	v6 =	vadd.s32 $0xFFFFFFFF, v6;
	_ =	sdelay $0x3  }
0x45e: {  	[tilespmem:v8+s1+$0x0] =	vst.idx.msk vm0, v7  }
0x45f: {  	v7 =	vld.idx.msk [tilespmem:v10+s9+$0x0], $0xffff  }
0x460: {  	v8 =	vor.u32 $0x2, v9  }
0x461: {  	v5 =	vor.u32 $0x5, v5;
	_ =	sdelay $0x3  }
.Ltmp15:
0x462: {  	[tilespmem:v8+s1+$0x0] =	vst.idx.msk vm0, v7;
	(pc) =	sbr.rel @p0 .LBB2_23-.Ltmp15, $4  }
0x463: {  	v7 =	vmov s29;
	v8 =	vld.idx.msk [tilespmem:v5+s9+$0x0], $0xffff  }
0x464: {  	v9 =	vor.u32 $0x3, v9;
	v5 =	vshll.u32 v7, $0x3  }
0x465: {  	v5 =	vor.u32 v3, v5  }
0x466: {  	v7 =	vor.u32 $0x1, v5  }
0x467: {  	_ =	sdelay $0x4  }
0x468: {  	[tilespmem:v9+s1+$0x0] =	vst.idx.msk vm0, v8  }
0x469: {  	v8 =	vld.idx.msk [tilespmem:v5+s9+$0x0], $0xffff;
	_ =	sdelay $0x4  }
0x46a: {  	vm15 =	veq.f32 v8, v1  }
0x46b: {  	v8 =	vsel vm15, $0x1, v4  }
0x46c: {  	(xrf0) =	vadd.scan.msk.s32 $0xffff, v8;
	_ =	sdelay $0x4  }
0x46d: {  	v6 =	vbroadcast v6, $0x0  }
0x46e: {  	v8, _, _ =	vpop (xrf0)  }
0x46f: {  	v6 =	vadd.s32 v8, v6  }
0x470: {  	vm1 =	vlt.s32 v6, $0x200  }
0x471: {  	vm0 =	vmand vm15, vm1  }
0x472: {  	v7 =	vld.idx.msk [tilespmem:v7+s9+$0x0], $0xffff  }
0x473: {  	v59 =	vor.u32 $0x2, v5;
	_ =	sdelay $0x3  }
0x474: {  	[tilespmem:v6+s6+$0x0] =	vst.idx.msk vm0, v7  }
0x475: {  	v6 =	vshll.u32 v6, $0x2;
	v7 =	vld.idx.msk [tilespmem:v59+s9+$0x0], $0xffff  }
0x476: {  	v60 =	vor.u32 $0x3, v5;
	(v2sf) =	vpush v8, $0xF;
	_ =	sdelay $0x3  }
0x477: {  	[tilespmem:v6+s1+$0x0] =	vst.idx.msk vm0, v7  }
0x478: {  	v61 =	vor.u32 $0x1, v6;
	v7 =	vld.idx.msk [tilespmem:v60+s9+$0x0], $0xffff  }
0x479: {  	v62 =	vor.u32 $0x4, v5;
	_ =	sdelay $0x3  }
0x47a: {  	[tilespmem:v61+s1+$0x0] =	vst.idx.msk vm0, v7  }
0x47b: {  	v63 =	vor.u32 $0x2, v6;
	v7 =	vld.idx.msk [tilespmem:v62+s9+$0x0], $0xffff  }
0x47c: {  	v5 =	vor.u32 $0x5, v5;
	_ =	sdelay $0x2  }
0x47d: {  	s7 =	spop (v2sf)  }
0x47e: {  	s17 =	sadd.s32 s30, s7;
	[tilespmem:v63+s1+$0x0] =	vst.idx.msk vm0, v7  }
0x47f: {  	v6 =	vor.u32 $0x3, v6;
	p0 =	sgt.s32 s17, $0x1FF;
	v5 =	vld.idx.msk [tilespmem:v5+s9+$0x0], $0xffff  }
.Ltmp16:
0x480: {  	_ = 	snop;
	(pc) =	sbr.rel @p0 .LBB2_31-.Ltmp16, $2  }
0x481: {  	_ =	sdelay $0x2  }
0x482: {  	[tilespmem:v6+s1+$0x0] =	vst.idx.msk vm0, v5  }
0x483: {  	s7 =	simm.s32 $0x0  }
0x484: {  	v5 =	vmov s7  }
0x485: {  	v5 =	vshll.u32 v5, $0x3  }
0x486: {  	s16 =	rddreg [dreg:$0xd];
	v5 =	vor.u32 v3, v5  }
0x487: {  	[tilespmem:s7], [sflag:$0x1] =	stream.linear.gather [hbm4b:s16+s7], $0x7D00, $0x38;
	[tilespmem:$0x8750] =	vst v63  }
0x488: {  	_ =	swait.ge [sflag:s31], $0x7D00  }
0x489: {  	[sflag:s31] =	ssyncset.done $0x0  }
0x48a: {  	[sflag:s31] =	ssyncadd.s32 $0xFFFF8300  }
0x48b: {  	v6 =	vld.idx.msk [tilespmem:v5+s9+$0x0], $0xffff;
	_ =	sdelay $0x4  }
0x48c: {  	vm0 =	veq.f32 v6, v1  }
0x48d: {  	v6 =	vsel vm0, $0x1, v4  }
0x48e: {  	(xrf0) =	vadd.scan.msk.s32 $0xffff, v6;
	_ =	sdelay $0x2  }
0x48f: {  	v6 =	vmov s17  }
0x490: {  	v6 =	vadd.s32 $0xFFFFFFFF, v6  }
0x491: {  	v7 =	vor.u32 $0x1, v5;
	v6 =	vbroadcast v6, $0x0  }
0x492: {  	v8, _, _ =	vpop (xrf0)  }
0x493: {  	v6 =	vadd.s32 v8, v6  }
0x494: {  	vm1 =	vlt.s32 v6, $0x200  }
0x495: {  	vm0 =	vmand vm0, vm1  }
0x496: {  	v7 =	vld.idx.msk [tilespmem:v7+s9+$0x0], $0xffff  }
0x497: {  	v9 =	vor.u32 $0x2, v5;
	_ =	sdelay $0x3  }
0x498: {  	[tilespmem:v6+s6+$0x0] =	vst.idx.msk vm0, v7  }
0x499: {  	v7 =	vld.idx.msk [tilespmem:v9+s9+$0x0], $0xffff;
	v9 =	vshll.u32 v6, $0x2  }
0x49a: {  	v6 =	vor.u32 $0x3, v5  }
0x49b: {  	(v2sf) =	vpush v8, $0xF;
	_ =	sdelay $0x2  }
0x49c: {  	[tilespmem:v9+s1+$0x0] =	vst.idx.msk vm0, v7  }
0x49d: {  	v7 =	vor.u32 $0x1, v9;
	v6 =	vld.idx.msk [tilespmem:v6+s9+$0x0], $0xffff  }
0x49e: {  	v8 =	vor.u32 $0x4, v5;
	_ =	sdelay $0x3  }
0x49f: {  	[tilespmem:v7+s1+$0x0] =	vst.idx.msk vm0, v6  }
0x4a0: {  	v7 =	vor.u32 $0x2, v9;
	v6 =	vld.idx.msk [tilespmem:v8+s9+$0x0], $0xffff  }
0x4a1: {  	v8 =	vor.u32 $0x5, v5;
	_ =	sdelay $0x2  }
0x4a2: {  	s16 =	simm.s32 $0x10  }
0x4a3: {  	s29 =	spop (v2sf);
	v5 =	vmov s16;
	[tilespmem:v7+s1+$0x0] =	vst.idx.msk vm0, v6  }
0x4a4: {  	s30 =	sadd.s32 s17, s29;
	v9 =	vor.u32 $0x3, v9;
	v5 =	vshll.u32 v5, $0x3;
	v8 =	vld.idx.msk [tilespmem:v8+s9+$0x0], $0xffff  }
0x4a5: {  	v10 =	vmov s30;
	v5 =	vor.u32 v3, v5  }
0x4a6: {  	s17 =	simm.s32 $0x20;
	v6 =	vadd.s32 $0xFFFFFFFF, v10;
	v7 =	vor.u32 $0x1, v5  }
.LBB2_26:
0x4a7: {  	_ =	sdelay $0x1  }
0x4a8: {  	p0 =	sne.s32 s17, $0xF90;
	s29 =	smov.u32 s17;
	s17 =	sadd.s32 $0x10, s17;
	[tilespmem:v9+s1+$0x0] =	vst.idx.msk vm0, v8  }
0x4a9: {  	v8 =	vld.idx.msk [tilespmem:v5+s9+$0x0], $0xffff;
	_ =	sdelay $0x5  }
0x4aa: {  	vm0 =	veq.f32 v8, v1  }
0x4ab: {  	v8 =	vsel vm0, $0x1, v4  }
0x4ac: {  	(xrf0) =	vadd.scan.msk.s32 $0xffff, v8;
	_ =	sdelay $0x4  }
0x4ad: {  	v6 =	vbroadcast v6, $0x0  }
0x4ae: {  	v8, _, _ =	vpop (xrf0)  }
0x4af: {  	v6 =	vadd.s32 v8, v6;
	(v2sf) =	vpush v8, $0xF  }
0x4b0: {  	vm1 =	vlt.s32 v6, $0x200  }
0x4b1: {  	vm0 =	vmand vm0, vm1;
	v7 =	vld.idx.msk [tilespmem:v7+s9+$0x0], $0xffff;
	_ =	sdelay $0x1  }
0x4b2: {  	v8 =	vor.u32 $0x2, v5;
	_ =	sdelay $0x3  }
0x4b3: {  	[tilespmem:v6+s6+$0x0] =	vst.idx.msk vm0, v7  }
0x4b4: {  	v7 =	vld.idx.msk [tilespmem:v8+s9+$0x0], $0xffff  }
0x4b5: {  	v9 =	vshll.u32 v6, $0x2  }
0x4b6: {  	v6 =	vor.u32 $0x3, v5;
	_ =	sdelay $0x3  }
0x4b7: {  	[tilespmem:v9+s1+$0x0] =	vst.idx.msk vm0, v7;
	s7 =	spop (v2sf)  }
0x4b8: {  	v7 =	vld.idx.msk [tilespmem:v6+s9+$0x0], $0xffff;
	s30 =	sadd.s32 s30, s7  }
0x4b9: {  	v8 =	vor.u32 $0x1, v9;
	v6 =	vmov s30  }
0x4ba: {  	v10 =	vor.u32 $0x4, v5;
	v6 =	vadd.s32 $0xFFFFFFFF, v6;
	_ =	sdelay $0x3  }
0x4bb: {  	[tilespmem:v8+s1+$0x0] =	vst.idx.msk vm0, v7  }
0x4bc: {  	v7 =	vld.idx.msk [tilespmem:v10+s9+$0x0], $0xffff  }
0x4bd: {  	v8 =	vor.u32 $0x2, v9  }
0x4be: {  	v5 =	vor.u32 $0x5, v5;
	_ =	sdelay $0x3  }
.Ltmp17:
0x4bf: {  	[tilespmem:v8+s1+$0x0] =	vst.idx.msk vm0, v7;
	(pc) =	sbr.rel @p0 .LBB2_26-.Ltmp17, $4  }
0x4c0: {  	v7 =	vmov s29;
	v8 =	vld.idx.msk [tilespmem:v5+s9+$0x0], $0xffff  }
0x4c1: {  	v9 =	vor.u32 $0x3, v9;
	v5 =	vshll.u32 v7, $0x3  }
0x4c2: {  	v5 =	vor.u32 v3, v5  }
0x4c3: {  	v7 =	vor.u32 $0x1, v5  }
0x4c4: {  	_ =	sdelay $0x4  }
0x4c5: {  	[tilespmem:v9+s1+$0x0] =	vst.idx.msk vm0, v8  }
0x4c6: {  	v8 =	vld.idx.msk [tilespmem:v5+s9+$0x0], $0xffff;
	_ =	sdelay $0x4  }
0x4c7: {  	vm15 =	veq.f32 v8, v1  }
0x4c8: {  	v8 =	vsel vm15, $0x1, v4  }
0x4c9: {  	(xrf0) =	vadd.scan.msk.s32 $0xffff, v8;
	_ =	sdelay $0x4  }
0x4ca: {  	v6 =	vbroadcast v6, $0x0  }
0x4cb: {  	v8, _, _ =	vpop (xrf0)  }
0x4cc: {  	v6 =	vadd.s32 v8, v6  }
0x4cd: {  	vm1 =	vlt.s32 v6, $0x200  }
0x4ce: {  	vm0 =	vmand vm15, vm1  }
0x4cf: {  	v7 =	vld.idx.msk [tilespmem:v7+s9+$0x0], $0xffff  }
0x4d0: {  	v59 =	vor.u32 $0x2, v5;
	_ =	sdelay $0x3  }
0x4d1: {  	[tilespmem:v6+s6+$0x0] =	vst.idx.msk vm0, v7  }
0x4d2: {  	v6 =	vshll.u32 v6, $0x2;
	v7 =	vld.idx.msk [tilespmem:v59+s9+$0x0], $0xffff  }
0x4d3: {  	v60 =	vor.u32 $0x3, v5;
	(v2sf) =	vpush v8, $0xF;
	_ =	sdelay $0x3  }
0x4d4: {  	[tilespmem:v6+s1+$0x0] =	vst.idx.msk vm0, v7  }
0x4d5: {  	v61 =	vor.u32 $0x1, v6;
	v7 =	vld.idx.msk [tilespmem:v60+s9+$0x0], $0xffff  }
0x4d6: {  	v62 =	vor.u32 $0x4, v5;
	_ =	sdelay $0x3  }
0x4d7: {  	[tilespmem:v61+s1+$0x0] =	vst.idx.msk vm0, v7  }
0x4d8: {  	v63 =	vor.u32 $0x2, v6;
	v7 =	vld.idx.msk [tilespmem:v62+s9+$0x0], $0xffff  }
0x4d9: {  	v5 =	vor.u32 $0x5, v5;
	_ =	sdelay $0x2  }
0x4da: {  	s7 =	spop (v2sf)  }
0x4db: {  	s17 =	sadd.s32 s30, s7;
	[tilespmem:v63+s1+$0x0] =	vst.idx.msk vm0, v7  }
0x4dc: {  	v6 =	vor.u32 $0x3, v6;
	p0 =	sgt.s32 s17, $0x1FF;
	v5 =	vld.idx.msk [tilespmem:v5+s9+$0x0], $0xffff  }
.Ltmp18:
0x4dd: {  	_ = 	snop;
	(pc) =	sbr.rel @p0 .LBB2_31-.Ltmp18, $2  }
0x4de: {  	_ =	sdelay $0x2  }
0x4df: {  	[tilespmem:v6+s1+$0x0] =	vst.idx.msk vm0, v5  }
0x4e0: {  	s7 =	simm.s32 $0x0  }
0x4e1: {  	v5 =	vmov s7  }
0x4e2: {  	v5 =	vshll.u32 v5, $0x3  }
0x4e3: {  	s16 =	rddreg [dreg:$0xe];
	v5 =	vor.u32 v3, v5  }
0x4e4: {  	[tilespmem:s7], [sflag:$0x1] =	stream.linear.gather [hbm4b:s16+s7], $0x7D00, $0x38;
	[tilespmem:$0x8750] =	vst v63  }
0x4e5: {  	_ =	swait.ge [sflag:s31], $0x7D00  }
0x4e6: {  	[sflag:s31] =	ssyncset.done $0x0  }
0x4e7: {  	[sflag:s31] =	ssyncadd.s32 $0xFFFF8300  }
0x4e8: {  	v6 =	vld.idx.msk [tilespmem:v5+s9+$0x0], $0xffff;
	_ =	sdelay $0x4  }
0x4e9: {  	vm0 =	veq.f32 v6, v1  }
0x4ea: {  	v6 =	vsel vm0, $0x1, v4  }
0x4eb: {  	(xrf0) =	vadd.scan.msk.s32 $0xffff, v6;
	_ =	sdelay $0x2  }
0x4ec: {  	v6 =	vmov s17  }
0x4ed: {  	v6 =	vadd.s32 $0xFFFFFFFF, v6  }
0x4ee: {  	v7 =	vor.u32 $0x1, v5;
	v6 =	vbroadcast v6, $0x0  }
0x4ef: {  	v8, _, _ =	vpop (xrf0)  }
0x4f0: {  	v6 =	vadd.s32 v8, v6  }
0x4f1: {  	vm1 =	vlt.s32 v6, $0x200  }
0x4f2: {  	vm0 =	vmand vm0, vm1  }
0x4f3: {  	v7 =	vld.idx.msk [tilespmem:v7+s9+$0x0], $0xffff  }
0x4f4: {  	v9 =	vor.u32 $0x2, v5;
	_ =	sdelay $0x3  }
0x4f5: {  	[tilespmem:v6+s6+$0x0] =	vst.idx.msk vm0, v7  }
0x4f6: {  	v7 =	vld.idx.msk [tilespmem:v9+s9+$0x0], $0xffff;
	v9 =	vshll.u32 v6, $0x2  }
0x4f7: {  	v6 =	vor.u32 $0x3, v5;
	_ =	sdelay $0x2  }
0x4f8: {  	(v2sf) =	vpush v8, $0xF  }
0x4f9: {  	[tilespmem:v9+s1+$0x0] =	vst.idx.msk vm0, v7  }
0x4fa: {  	v7 =	vor.u32 $0x1, v9;
	v6 =	vld.idx.msk [tilespmem:v6+s9+$0x0], $0xffff  }
0x4fb: {  	v8 =	vor.u32 $0x4, v5;
	_ =	sdelay $0x3  }
0x4fc: {  	[tilespmem:v7+s1+$0x0] =	vst.idx.msk vm0, v6  }
0x4fd: {  	v7 =	vor.u32 $0x2, v9;
	v6 =	vld.idx.msk [tilespmem:v8+s9+$0x0], $0xffff  }
0x4fe: {  	v8 =	vor.u32 $0x5, v5;
	_ =	sdelay $0x2  }
0x4ff: {  	s16 =	simm.s32 $0x10  }
0x500: {  	v5 =	vmov s16;
	[tilespmem:v7+s1+$0x0] =	vst.idx.msk vm0, v6  }
0x501: {  	v9 =	vor.u32 $0x3, v9;
	v5 =	vshll.u32 v5, $0x3;
	v8 =	vld.idx.msk [tilespmem:v8+s9+$0x0], $0xffff  }
0x502: {  	s29 =	spop (v2sf);
	v5 =	vor.u32 v3, v5  }
0x503: {  	s30 =	sadd.s32 s17, s29  }
0x504: {  	v10 =	vmov s30  }
0x505: {  	s17 =	simm.s32 $0x20;
	v6 =	vadd.s32 $0xFFFFFFFF, v10;
	v7 =	vor.u32 $0x1, v5  }
.LBB2_29:
0x506: {  	p0 =	sne.s32 s17, $0xF90;
	[tilespmem:v9+s1+$0x0] =	vst.idx.msk vm0, v8;
	s29 =	smov.u32 s17;
	s17 =	sadd.s32 $0x10, s17  }
0x507: {  	v8 =	vld.idx.msk [tilespmem:v5+s9+$0x0], $0xffff;
	_ =	sdelay $0x5  }
0x508: {  	vm0 =	veq.f32 v8, v1  }
0x509: {  	v8 =	vsel vm0, $0x1, v4  }
0x50a: {  	(xrf0) =	vadd.scan.msk.s32 $0xffff, v8;
	_ =	sdelay $0x4  }
0x50b: {  	v6 =	vbroadcast v6, $0x0  }
0x50c: {  	v8, _, _ =	vpop (xrf0)  }
0x50d: {  	v6 =	vadd.s32 v8, v6;
	(v2sf) =	vpush v8, $0xF  }
0x50e: {  	vm1 =	vlt.s32 v6, $0x200  }
0x50f: {  	vm0 =	vmand vm0, vm1;
	v7 =	vld.idx.msk [tilespmem:v7+s9+$0x0], $0xffff;
	_ =	sdelay $0x1  }
0x510: {  	v8 =	vor.u32 $0x2, v5;
	_ =	sdelay $0x3  }
0x511: {  	[tilespmem:v6+s6+$0x0] =	vst.idx.msk vm0, v7  }
0x512: {  	v7 =	vld.idx.msk [tilespmem:v8+s9+$0x0], $0xffff  }
0x513: {  	v9 =	vshll.u32 v6, $0x2  }
0x514: {  	v6 =	vor.u32 $0x3, v5;
	_ =	sdelay $0x3  }
0x515: {  	[tilespmem:v9+s1+$0x0] =	vst.idx.msk vm0, v7;
	s7 =	spop (v2sf)  }
0x516: {  	v7 =	vld.idx.msk [tilespmem:v6+s9+$0x0], $0xffff;
	s30 =	sadd.s32 s30, s7  }
0x517: {  	v8 =	vor.u32 $0x1, v9;
	v6 =	vmov s30  }
0x518: {  	v10 =	vor.u32 $0x4, v5;
	v6 =	vadd.s32 $0xFFFFFFFF, v6;
	_ =	sdelay $0x3  }
0x519: {  	[tilespmem:v8+s1+$0x0] =	vst.idx.msk vm0, v7  }
0x51a: {  	v7 =	vld.idx.msk [tilespmem:v10+s9+$0x0], $0xffff  }
0x51b: {  	v8 =	vor.u32 $0x2, v9  }
0x51c: {  	v5 =	vor.u32 $0x5, v5;
	_ =	sdelay $0x3  }
.Ltmp19:
0x51d: {  	[tilespmem:v8+s1+$0x0] =	vst.idx.msk vm0, v7;
	(pc) =	sbr.rel @p0 .LBB2_29-.Ltmp19, $4  }
0x51e: {  	v7 =	vmov s29;
	v8 =	vld.idx.msk [tilespmem:v5+s9+$0x0], $0xffff  }
0x51f: {  	v9 =	vor.u32 $0x3, v9;
	v5 =	vshll.u32 v7, $0x3  }
0x520: {  	v5 =	vor.u32 v3, v5  }
0x521: {  	v7 =	vor.u32 $0x1, v5  }
.Ltmp20:
0x522: {  	_ = 	snop;
	(pc) =	sbr.rel .LBB2_30-.Ltmp20, $1  }
0x523: {  	_ =	sdelay $0x3  }
.LBB2_32:
0x524: {  	_ =	sfence.sel $0x180000  }
0x525: {  	[bflag:$0x0] =	sbarrier.arrive $0xFFFF  }
0x526: {  	_ =	strace $0x90000047  }
0x527: {  	s0 =	stileid.u32;
	[bflag:$0x2] =	sbarrier.arrive $0xFFFF  }
0x528: {  	p0 =	sne.s32 s0, $0x0;
	s0 =	rddreg [dreg:$0x8]  }
0x529: {  	s0 =	sadd.s32 @!p0 $0x100000, s0  }
0x52a: {  	[sflag:s0] =	ssyncadd.tile.s32 @!p0 $0x1;
	_ =	shalt  }
.Lfunc_end2:
_tile_overlayer_lowered:
.L_overlay_start_2:
0x52b: {  	(tag) =	ssettag $0x2  }
0x52c: {  	s0 =	rddreg [dreg:$0x0];
	s2 =	stileid.u32  }
0x52d: {  	s1 =	rddreg [dreg:$0x1];
	p0 =	sne.s32 s2, $0x0  }
0x52e: {  	s3 =	rddreg [dreg:$0x2];
	[bflag:$0x3] =	sbarrier.arrive $0xFFFF;
	s2 =	simm.s32 @!p0 $0x1C01  }
0x52f: {  	[timem:s3], [sflag:s2] =	dma.local @!p0 [hbm:s0], s1  }
0x530: {  	s0 =	simm.s32 @!p0 $0x1  }
0x531: {  	_ =	swait.ge @!p0 [sflag:s0], s1  }
0x532: {  	s1 =	ssub.s32 @!p0 $0x0, s1;
	[sflag:s0] =	ssyncset.done @!p0 $0x0  }
0x533: {  	[sflag:s0] =	ssyncadd.s32 @!p0 s1  }
0x534: {  	[bflag:$0x3] =	sbarrier.arrive $0xFFFF  }
0x535: {  	_ =	shalt  }

</sc_bundles>
